<compile_context>
chip_gen: v7x
topology: tpu7x:2x2x1
jax: 0.10.2.dev20260603
libtpu: 0.0.44.dev20260713+nightly
codegen_flags: <defaults>
</compile_context>

<pallas_src>
import functools

import jax
import jax.numpy as jnp
from jax import lax
from jax.experimental import pallas as pl
from jax.experimental.pallas import tpu as pltpu
from jax.experimental.pallas import tpu_sc as plsc

NC = 2
NS = 16
NW = NC * NS

V = 1000000
D = 64
LANE = 128
S = 4096
T = 200
NJ = S // LANE
NBLK = T * NJ
BLK_PER_W = NBLK // NW


def _mesh():
    return plsc.VectorSubcoreMesh(core_axis_name="c", subcore_axis_name="s")


def _wid():
    return lax.axis_index("s") * NC + lax.axis_index("c")


def _iota16():
    return lax.iota(jnp.int32, 16)


@functools.partial(jax.jit)
def _gather_out(tab, xi):
    mesh = _mesh()

    def body(tab_hbm, xi_hbm, out_hbm, xiv, pidx, g0, g1, g2, g3, o0, o1,
             gsem0, gsem1, gsem2, gsem3, osem0, osem1):
        gbuf = [g0, g1, g2, g3]
        gsem = [gsem0, gsem1, gsem2, gsem3]
        obuf = [o0, o1]
        osem = [osem0, osem1]
        w = _wid()
        b0 = w * BLK_PER_W
        i16 = _iota16()
        rows = [i16 + 16 * gg for gg in range(8)]

        pltpu.sync_copy(xi_hbm.at[pl.ds(b0, BLK_PER_W)], xiv)

        def prep_and_fire(k, ring):
            for g in range(8):
                vv = xiv[k, pl.ds(16 * g, 16)]
                pidx[ring, pl.ds(16 * g, 16)] = lax.shift_right_logical(vv, 1)
            pltpu.async_copy(tab_hbm.at[pidx.at[ring]], gbuf[ring], gsem[ring])

        def owrite(k, p2, start):
            b = b0 + k
            t = b // NJ
            j = lax.rem(b, NJ)
            for r in range(8):
                d = pltpu.make_async_copy(
                    obuf[p2].at[pl.ds(8 * r, 8)], out_hbm.at[t, r, j], osem[p2]
                )
                if start:
                    d.start()
                else:
                    d.wait()

        def transpose_out(k, p4, p2):
            src = gbuf[p4]
            dst = obuf[p2]
            colb = []
            for g in range(8):
                vv = xiv[k, pl.ds(16 * g, 16)]
                colb.append(lax.shift_left(jnp.bitwise_and(vv, 1), 6))

            @plsc.parallel_loop(0, D, unroll=4)
            def fbody(f):
                for g in range(8):
                    vals = plsc.load_gather(src, [rows[g], colb[g] + f])
                    dst[f, pl.ds(16 * g, 16)] = vals

        prep_and_fire(0, 0)
        prep_and_fire(1, 1)
        prep_and_fire(2, 2)

        def outer(k4, carry):
            for u in range(4):
                k = k4 * 4 + u
                p4 = u
                p2 = u % 2

                @pl.when(k + 3 < BLK_PER_W)
                def _():
                    prep_and_fire(k + 3, (u + 3) % 4)

                pltpu.make_async_copy(
                    tab_hbm.at[pl.ds(0, LANE)], gbuf[p4], gsem[p4]
                ).wait()

                @pl.when(k >= 2)
                def _():
                    owrite(k - 2, p2, start=False)

                transpose_out(k, p4, p2)
                owrite(k, p2, start=True)
            return carry

        lax.fori_loop(0, BLK_PER_W // 4, outer, 0)
        owrite(BLK_PER_W - 2, 0, start=False)
        owrite(BLK_PER_W - 1, 1, start=False)

    k = pl.kernel(
        body,
        out_type=jax.ShapeDtypeStruct((T, 8, NJ, 8, LANE), jnp.float32),
        mesh=mesh,
        compiler_params=pltpu.CompilerParams(use_tc_tiling_on_sc=False, needs_layout_passes=False),
        scratch_types=(
            [pltpu.VMEM((BLK_PER_W, LANE), jnp.int32)]
            + [pltpu.VMEM((4, LANE), jnp.int32)]
            + [pltpu.VMEM((LANE, LANE), jnp.float32) for _ in range(4)]
            + [pltpu.VMEM((D, LANE), jnp.float32) for _ in range(2)]
            + [pltpu.SemaphoreType.DMA for _ in range(6)]
        ),
    )
    return k(tab, xi)


def kernel(x, emb_table):
    xi = x.astype(jnp.int32).T.reshape(T, NJ, LANE).reshape(NBLK, LANE)
    tab = emb_table.reshape(V // 2, LANE)
    out5 = _gather_out(tab, xi)
    return jnp.transpose(out5, (2, 4, 0, 1, 3)).reshape(S, T, D)

# --- scband reference (transcript-rebuilt; emitter-appended) ---
"""Pipeline reference for scband-token-embedding-687194768345 (READ-ONLY COPY).

The authoritative reference and input builder live on the scoring server;
editing this copy changes nothing except your own understanding.
"""

import jax, jax.numpy as jnp
import numpy as np

VOCAB = 1000000
D_MODEL = 64

def setup_inputs(seed: int = 0) -> dict:
    key = jax.random.key(seed)
    k_idx, k_emb = jax.random.split(key)
    x = jax.random.randint(k_idx, (4096, 200), 0, VOCAB, dtype=jnp.int64 if jax.config.jax_enable_x64 else jnp.int32)
    # Keras Embedding default init: uniform in [-0.05, 0.05]
    emb_table = jax.random.uniform(k_emb, (VOCAB, D_MODEL), dtype=jnp.float32, minval=-0.05, maxval=0.05)
    return {"x": x, "emb_table": emb_table}

def reference(x, emb_table):
    # TokenEmbedding.call: plain embedding lookup
    return jnp.take(emb_table, x, axis=0)

if __name__ == "__main__":
    import jax
    _d = setup_inputs()
    print(jax.jit(kernel)(*tuple(_d.values())))

</pallas_src>

<mosaic_0001>
#map = affine_map<(d0, d1) -> (0, 0)>
#map1 = affine_map<(d0, d1) -> (0, 0, 0, 0, 0)>
module attributes {stable_mosaic.version = 14 : i64} {
  func.func @body(%arg0: i32, %arg1: i32, %arg2: memref<500000x128xf32, #tpu.memory_space<hbm>>, %arg3: memref<6400x128xi32, #tpu.memory_space<hbm>>, %arg4: memref<200x8x32x8x128xf32, #tpu.memory_space<hbm>>, %arg5: memref<200x128xi32, #tpu.memory_space<vmem>>, %arg6: memref<4x128xi32, #tpu.memory_space<vmem>>, %arg7: memref<128x128xf32, #tpu.memory_space<vmem>>, %arg8: memref<128x128xf32, #tpu.memory_space<vmem>>, %arg9: memref<128x128xf32, #tpu.memory_space<vmem>>, %arg10: memref<128x128xf32, #tpu.memory_space<vmem>>, %arg11: memref<64x128xf32, #tpu.memory_space<vmem>>, %arg12: memref<64x128xf32, #tpu.memory_space<vmem>>, %arg13: memref<!tpu.dma_semaphore, #tpu.memory_space<semaphore_mem>>, %arg14: memref<!tpu.dma_semaphore, #tpu.memory_space<semaphore_mem>>, %arg15: memref<!tpu.dma_semaphore, #tpu.memory_space<semaphore_mem>>, %arg16: memref<!tpu.dma_semaphore, #tpu.memory_space<semaphore_mem>>, %arg17: memref<!tpu.dma_semaphore, #tpu.memory_space<semaphore_mem>>, %arg18: memref<!tpu.dma_semaphore, #tpu.memory_space<semaphore_mem>>) attributes {dimension_semantics = [#tpu.dimension_semantics<core_parallel>, #tpu.dimension_semantics<subcore_parallel>], iteration_bounds = array<i64: 2, 16>, scalar_prefetch = 0 : i64, scratch_operands = 14 : i64, tpu.core_type = #tpu.core_type<sc_vector_subcore>, window_params = [{transform_indices = #map}, {transform_indices = #map}, {transform_indices = #map1}]} {
    %mul3A = arith.constant 2 : i32
    %mul3A_0 = arith.muli %arg1, %mul3A : i32
    %add3A = arith.addi %mul3A_0, %arg0 : i32
    %mul3A_1 = arith.constant 200 : i32
    %mul3A_2 = arith.muli %add3A, %mul3A_1 : i32
    %iota3A = tpu.iota {dimensions = array<i32: 0>} : vector<16xi32>
    %add3A_3 = arith.constant 0 : i32
    %add3A_4 = vector.broadcast %add3A_3 : i32 to vector<16xi32>
    %add3A_5 = arith.addi %iota3A, %add3A_4 : vector<16xi32>
    %add3A_6 = arith.constant 16 : i32
    %add3A_7 = vector.broadcast %add3A_6 : i32 to vector<16xi32>
    %add3A_8 = arith.addi %iota3A, %add3A_7 : vector<16xi32>
    %add3A_9 = arith.constant 32 : i32
    %add3A_10 = vector.broadcast %add3A_9 : i32 to vector<16xi32>
    %add3A_11 = arith.addi %iota3A, %add3A_10 : vector<16xi32>
    %add3A_12 = arith.constant 48 : i32
    %add3A_13 = vector.broadcast %add3A_12 : i32 to vector<16xi32>
    %add3A_14 = arith.addi %iota3A, %add3A_13 : vector<16xi32>
    %add3A_15 = arith.constant 64 : i32
    %add3A_16 = vector.broadcast %add3A_15 : i32 to vector<16xi32>
    %add3A_17 = arith.addi %iota3A, %add3A_16 : vector<16xi32>
    %add3A_18 = arith.constant 80 : i32
    %add3A_19 = vector.broadcast %add3A_18 : i32 to vector<16xi32>
    %add3A_20 = arith.addi %iota3A, %add3A_19 : vector<16xi32>
    %add3A_21 = arith.constant 96 : i32
    %add3A_22 = vector.broadcast %add3A_21 : i32 to vector<16xi32>
    %add3A_23 = arith.addi %iota3A, %add3A_22 : vector<16xi32>
    %add3A_24 = arith.constant 112 : i32
    %add3A_25 = vector.broadcast %add3A_24 : i32 to vector<16xi32>
    %add3A_26 = arith.addi %iota3A, %add3A_25 : vector<16xi32>
    "tpu.region"() ({
      %run_scoped3A = tpu.sem_alloc : memref<!tpu.dma_semaphore, #tpu.memory_space<semaphore_mem>>
      %dma_start3A_600 = arith.constant 0 : i32
      %dma_start3A_601 = tpu.memref_slice %arg3[%mul3A_2, %dma_start3A_600] : memref<6400x128xi32, #tpu.memory_space<hbm>> -> memref<200x128xi32, #tpu.memory_space<hbm>>
      %dma_start3A_602 = arith.constant 0 : i32
      %dma_start3A_603 = tpu.memref_slice %arg3[%mul3A_2, %dma_start3A_602] : memref<6400x128xi32, #tpu.memory_space<hbm>> -> memref<200x128xi32, #tpu.memory_space<hbm>>
      tpu.enqueue_dma source(%dma_start3A_603 : memref<200x128xi32, #tpu.memory_space<hbm>>) target(%arg5 : memref<200x128xi32, #tpu.memory_space<vmem>>) target_semaphore(%run_scoped3A : memref<!tpu.dma_semaphore, #tpu.memory_space<semaphore_mem>>)
      %dma_wait3A_604 = arith.constant 0 : i32
      %dma_wait3A_605 = tpu.memref_slice %arg3[%mul3A_2, %dma_wait3A_604] : memref<6400x128xi32, #tpu.memory_space<hbm>> -> memref<200x128xi32, #tpu.memory_space<hbm>>
      %dma_wait3A_606 = arith.constant 0 : i32
      %dma_wait3A_607 = tpu.memref_slice %arg3[%mul3A_2, %dma_wait3A_606] : memref<6400x128xi32, #tpu.memory_space<hbm>> -> memref<200x128xi32, #tpu.memory_space<hbm>>
      tpu.wait_dma2 semaphore(%run_scoped3A : memref<!tpu.dma_semaphore, #tpu.memory_space<semaphore_mem>>) src(%dma_wait3A_607 : memref<200x128xi32, #tpu.memory_space<hbm>>) dst(%arg5 : memref<200x128xi32, #tpu.memory_space<vmem>>)
      tpu.yield
    }) : () -> ()
    %get3A = arith.constant 0 : i32
    %get3A_27 = arith.index_cast %get3A : i32 to index
    %get3A_28 = arith.constant 0 : index
    %get3A_29 = tpu.vector_load %arg5[%get3A_27, %get3A_28] {strides = array<i32>} : memref<200x128xi32, #tpu.memory_space<vmem>>, vector<16xi32>,
    %shift_right_logical3A = arith.constant 1 : i32
    %shift_right_logical3A_30 = vector.broadcast %shift_right_logical3A : i32 to vector<16xi32>
    %shift_right_logical3A_31 = arith.shrui %get3A_29, %shift_right_logical3A_30 : vector<16xi32>
    %swap3A = arith.constant 0 : i32
    %swap3A_32 = arith.index_cast %swap3A : i32 to index
    %swap3A_33 = arith.constant 0 : index
    %swap3A_34 = tpu.vector_load %arg6[%swap3A_32, %swap3A_33] {strides = array<i32>} : memref<4x128xi32, #tpu.memory_space<vmem>>, vector<16xi32>,
    tpu.vector_store %arg6[%swap3A_32, %swap3A_33], %shift_right_logical3A_31 {strides = array<i32>} : memref<4x128xi32, #tpu.memory_space<vmem>>, vector<16xi32>,
    %get3A_35 = arith.constant 0 : i32
    %get3A_36 = arith.index_cast %get3A_35 : i32 to index
    %get3A_37 = arith.constant 16 : index
    %get3A_38 = tpu.vector_load %arg5[%get3A_36, %get3A_37] {strides = array<i32>} : memref<200x128xi32, #tpu.memory_space<vmem>>, vector<16xi32>,
    %shift_right_logical3A_39 = arith.constant 1 : i32
    %shift_right_logical3A_40 = vector.broadcast %shift_right_logical3A_39 : i32 to vector<16xi32>
    %shift_right_logical3A_41 = arith.shrui %get3A_38, %shift_right_logical3A_40 : vector<16xi32>
    %swap3A_42 = arith.constant 0 : i32
    %swap3A_43 = arith.index_cast %swap3A_42 : i32 to index
    %swap3A_44 = arith.constant 16 : index
    %swap3A_45 = tpu.vector_load %arg6[%swap3A_43, %swap3A_44] {strides = array<i32>} : memref<4x128xi32, #tpu.memory_space<vmem>>, vector<16xi32>,
    tpu.vector_store %arg6[%swap3A_43, %swap3A_44], %shift_right_logical3A_41 {strides = array<i32>} : memref<4x128xi32, #tpu.memory_space<vmem>>, vector<16xi32>,
    %get3A_46 = arith.constant 0 : i32
    %get3A_47 = arith.index_cast %get3A_46 : i32 to index
    %get3A_48 = arith.constant 32 : index
    %get3A_49 = tpu.vector_load %arg5[%get3A_47, %get3A_48] {strides = array<i32>} : memref<200x128xi32, #tpu.memory_space<vmem>>, vector<16xi32>,
    %shift_right_logical3A_50 = arith.constant 1 : i32
    %shift_right_logical3A_51 = vector.broadcast %shift_right_logical3A_50 : i32 to vector<16xi32>
    %shift_right_logical3A_52 = arith.shrui %get3A_49, %shift_right_logical3A_51 : vector<16xi32>
    %swap3A_53 = arith.constant 0 : i32
    %swap3A_54 = arith.index_cast %swap3A_53 : i32 to index
    %swap3A_55 = arith.constant 32 : index
    %swap3A_56 = tpu.vector_load %arg6[%swap3A_54, %swap3A_55] {strides = array<i32>} : memref<4x128xi32, #tpu.memory_space<vmem>>, vector<16xi32>,
    tpu.vector_store %arg6[%swap3A_54, %swap3A_55], %shift_right_logical3A_52 {strides = array<i32>} : memref<4x128xi32, #tpu.memory_space<vmem>>, vector<16xi32>,
    %get3A_57 = arith.constant 0 : i32
    %get3A_58 = arith.index_cast %get3A_57 : i32 to index
    %get3A_59 = arith.constant 48 : index
    %get3A_60 = tpu.vector_load %arg5[%get3A_58, %get3A_59] {strides = array<i32>} : memref<200x128xi32, #tpu.memory_space<vmem>>, vector<16xi32>,
    %shift_right_logical3A_61 = arith.constant 1 : i32
    %shift_right_logical3A_62 = vector.broadcast %shift_right_logical3A_61 : i32 to vector<16xi32>
    %shift_right_logical3A_63 = arith.shrui %get3A_60, %shift_right_logical3A_62 : vector<16xi32>
    %swap3A_64 = arith.constant 0 : i32
    %swap3A_65 = arith.index_cast %swap3A_64 : i32 to index
    %swap3A_66 = arith.constant 48 : index
    %swap3A_67 = tpu.vector_load %arg6[%swap3A_65, %swap3A_66] {strides = array<i32>} : memref<4x128xi32, #tpu.memory_space<vmem>>, vector<16xi32>,
    tpu.vector_store %arg6[%swap3A_65, %swap3A_66], %shift_right_logical3A_63 {strides = array<i32>} : memref<4x128xi32, #tpu.memory_space<vmem>>, vector<16xi32>,
    %get3A_68 = arith.constant 0 : i32
    %get3A_69 = arith.index_cast %get3A_68 : i32 to index
    %get3A_70 = arith.constant 64 : index
    %get3A_71 = tpu.vector_load %arg5[%get3A_69, %get3A_70] {strides = array<i32>} : memref<200x128xi32, #tpu.memory_space<vmem>>, vector<16xi32>,
    %shift_right_logical3A_72 = arith.constant 1 : i32
    %shift_right_logical3A_73 = vector.broadcast %shift_right_logical3A_72 : i32 to vector<16xi32>
    %shift_right_logical3A_74 = arith.shrui %get3A_71, %shift_right_logical3A_73 : vector<16xi32>
    %swap3A_75 = arith.constant 0 : i32
    %swap3A_76 = arith.index_cast %swap3A_75 : i32 to index
    %swap3A_77 = arith.constant 64 : index
    %swap3A_78 = tpu.vector_load %arg6[%swap3A_76, %swap3A_77] {strides = array<i32>} : memref<4x128xi32, #tpu.memory_space<vmem>>, vector<16xi32>,
    tpu.vector_store %arg6[%swap3A_76, %swap3A_77], %shift_right_logical3A_74 {strides = array<i32>} : memref<4x128xi32, #tpu.memory_space<vmem>>, vector<16xi32>,
    %get3A_79 = arith.constant 0 : i32
    %get3A_80 = arith.index_cast %get3A_79 : i32 to index
    %get3A_81 = arith.constant 80 : index
    %get3A_82 = tpu.vector_load %arg5[%get3A_80, %get3A_81] {strides = array<i32>} : memref<200x128xi32, #tpu.memory_space<vmem>>, vector<16xi32>,
    %shift_right_logical3A_83 = arith.constant 1 : i32
    %shift_right_logical3A_84 = vector.broadcast %shift_right_logical3A_83 : i32 to vector<16xi32>
    %shift_right_logical3A_85 = arith.shrui %get3A_82, %shift_right_logical3A_84 : vector<16xi32>
    %swap3A_86 = arith.constant 0 : i32
    %swap3A_87 = arith.index_cast %swap3A_86 : i32 to index
    %swap3A_88 = arith.constant 80 : index
    %swap3A_89 = tpu.vector_load %arg6[%swap3A_87, %swap3A_88] {strides = array<i32>} : memref<4x128xi32, #tpu.memory_space<vmem>>, vector<16xi32>,
    tpu.vector_store %arg6[%swap3A_87, %swap3A_88], %shift_right_logical3A_85 {strides = array<i32>} : memref<4x128xi32, #tpu.memory_space<vmem>>, vector<16xi32>,
    %get3A_90 = arith.constant 0 : i32
    %get3A_91 = arith.index_cast %get3A_90 : i32 to index
    %get3A_92 = arith.constant 96 : index
    %get3A_93 = tpu.vector_load %arg5[%get3A_91, %get3A_92] {strides = array<i32>} : memref<200x128xi32, #tpu.memory_space<vmem>>, vector<16xi32>,
    %shift_right_logical3A_94 = arith.constant 1 : i32
    %shift_right_logical3A_95 = vector.broadcast %shift_right_logical3A_94 : i32 to vector<16xi32>
    %shift_right_logical3A_96 = arith.shrui %get3A_93, %shift_right_logical3A_95 : vector<16xi32>
    %swap3A_97 = arith.constant 0 : i32
    %swap3A_98 = arith.index_cast %swap3A_97 : i32 to index
    %swap3A_99 = arith.constant 96 : index
    %swap3A_100 = tpu.vector_load %arg6[%swap3A_98, %swap3A_99] {strides = array<i32>} : memref<4x128xi32, #tpu.memory_space<vmem>>, vector<16xi32>,
    tpu.vector_store %arg6[%swap3A_98, %swap3A_99], %shift_right_logical3A_96 {strides = array<i32>} : memref<4x128xi32, #tpu.memory_space<vmem>>, vector<16xi32>,
    %get3A_101 = arith.constant 0 : i32
    %get3A_102 = arith.index_cast %get3A_101 : i32 to index
    %get3A_103 = arith.constant 112 : index
    %get3A_104 = tpu.vector_load %arg5[%get3A_102, %get3A_103] {strides = array<i32>} : memref<200x128xi32, #tpu.memory_space<vmem>>, vector<16xi32>,
    %shift_right_logical3A_105 = arith.constant 1 : i32
    %shift_right_logical3A_106 = vector.broadcast %shift_right_logical3A_105 : i32 to vector<16xi32>
    %shift_right_logical3A_107 = arith.shrui %get3A_104, %shift_right_logical3A_106 : vector<16xi32>
    %swap3A_108 = arith.constant 0 : i32
    %swap3A_109 = arith.index_cast %swap3A_108 : i32 to index
    %swap3A_110 = arith.constant 112 : index
    %swap3A_111 = tpu.vector_load %arg6[%swap3A_109, %swap3A_110] {strides = array<i32>} : memref<4x128xi32, #tpu.memory_space<vmem>>, vector<16xi32>,
    tpu.vector_store %arg6[%swap3A_109, %swap3A_110], %shift_right_logical3A_107 {strides = array<i32>} : memref<4x128xi32, #tpu.memory_space<vmem>>, vector<16xi32>,
    %dma_start3A = arith.constant 0 : i32
    %dma_start3A_112 = arith.constant 0 : i32
    %dma_start3A_113 = tpu.memref_slice %arg6[%dma_start3A, %dma_start3A_112] : memref<4x128xi32, #tpu.memory_space<vmem>> -> memref<1x128xi32, #tpu.memory_space<vmem>>
    %dma_start3A_114 = tpu.memref_squeeze %dma_start3A_113 : memref<1x128xi32, #tpu.memory_space<vmem>> -> memref<128xi32, #tpu.memory_space<vmem>>
    %dma_start3A_115 = arith.constant 0 : i32
    %dma_start3A_116 = arith.constant 0 : i32
    %dma_start3A_117 = tpu.memref_slice %arg2[%dma_start3A_115, %dma_start3A_116] : memref<500000x128xf32, #tpu.memory_space<hbm>> -> memref<500000x128xf32, #tpu.memory_space<hbm>>
    tpu.enqueue_indirect_dma source(%dma_start3A_117 : memref<500000x128xf32, #tpu.memory_space<hbm>>) target(%arg7 : memref<128x128xf32, #tpu.memory_space<vmem>>) offsets(%dma_start3A_114 : memref<128xi32, #tpu.memory_space<vmem>>) semaphore(%arg13 : memref<!tpu.dma_semaphore, #tpu.memory_space<semaphore_mem>>)
    %get3A_118 = arith.constant 1 : i32
    %get3A_119 = arith.index_cast %get3A_118 : i32 to index
    %get3A_120 = arith.constant 0 : index
    %get3A_121 = tpu.vector_load %arg5[%get3A_119, %get3A_120] {strides = array<i32>} : memref<200x128xi32, #tpu.memory_space<vmem>>, vector<16xi32>,
    %shift_right_logical3A_122 = arith.constant 1 : i32
    %shift_right_logical3A_123 = vector.broadcast %shift_right_logical3A_122 : i32 to vector<16xi32>
    %shift_right_logical3A_124 = arith.shrui %get3A_121, %shift_right_logical3A_123 : vector<16xi32>
    %swap3A_125 = arith.constant 1 : i32
    %swap3A_126 = arith.index_cast %swap3A_125 : i32 to index
    %swap3A_127 = arith.constant 0 : index
    %swap3A_128 = tpu.vector_load %arg6[%swap3A_126, %swap3A_127] {strides = array<i32>} : memref<4x128xi32, #tpu.memory_space<vmem>>, vector<16xi32>,
    tpu.vector_store %arg6[%swap3A_126, %swap3A_127], %shift_right_logical3A_124 {strides = array<i32>} : memref<4x128xi32, #tpu.memory_space<vmem>>, vector<16xi32>,
    %get3A_129 = arith.constant 1 : i32
    %get3A_130 = arith.index_cast %get3A_129 : i32 to index
    %get3A_131 = arith.constant 16 : index
    %get3A_132 = tpu.vector_load %arg5[%get3A_130, %get3A_131] {strides = array<i32>} : memref<200x128xi32, #tpu.memory_space<vmem>>, vector<16xi32>,
    %shift_right_logical3A_133 = arith.constant 1 : i32
    %shift_right_logical3A_134 = vector.broadcast %shift_right_logical3A_133 : i32 to vector<16xi32>
    %shift_right_logical3A_135 = arith.shrui %get3A_132, %shift_right_logical3A_134 : vector<16xi32>
    %swap3A_136 = arith.constant 1 : i32
    %swap3A_137 = arith.index_cast %swap3A_136 : i32 to index
    %swap3A_138 = arith.constant 16 : index
    %swap3A_139 = tpu.vector_load %arg6[%swap3A_137, %swap3A_138] {strides = array<i32>} : memref<4x128xi32, #tpu.memory_space<vmem>>, vector<16xi32>,
    tpu.vector_store %arg6[%swap3A_137, %swap3A_138], %shift_right_logical3A_135 {strides = array<i32>} : memref<4x128xi32, #tpu.memory_space<vmem>>, vector<16xi32>,
    %get3A_140 = arith.constant 1 : i32
    %get3A_141 = arith.index_cast %get3A_140 : i32 to index
    %get3A_142 = arith.constant 32 : index
    %get3A_143 = tpu.vector_load %arg5[%get3A_141, %get3A_142] {strides = array<i32>} : memref<200x128xi32, #tpu.memory_space<vmem>>, vector<16xi32>,
    %shift_right_logical3A_144 = arith.constant 1 : i32
    %shift_right_logical3A_145 = vector.broadcast %shift_right_logical3A_144 : i32 to vector<16xi32>
    %shift_right_logical3A_146 = arith.shrui %get3A_143, %shift_right_logical3A_145 : vector<16xi32>
    %swap3A_147 = arith.constant 1 : i32
    %swap3A_148 = arith.index_cast %swap3A_147 : i32 to index
    %swap3A_149 = arith.constant 32 : index
    %swap3A_150 = tpu.vector_load %arg6[%swap3A_148, %swap3A_149] {strides = array<i32>} : memref<4x128xi32, #tpu.memory_space<vmem>>, vector<16xi32>,
    tpu.vector_store %arg6[%swap3A_148, %swap3A_149], %shift_right_logical3A_146 {strides = array<i32>} : memref<4x128xi32, #tpu.memory_space<vmem>>, vector<16xi32>,
    %get3A_151 = arith.constant 1 : i32
    %get3A_152 = arith.index_cast %get3A_151 : i32 to index
    %get3A_153 = arith.constant 48 : index
    %get3A_154 = tpu.vector_load %arg5[%get3A_152, %get3A_153] {strides = array<i32>} : memref<200x128xi32, #tpu.memory_space<vmem>>, vector<16xi32>,
    %shift_right_logical3A_155 = arith.constant 1 : i32
    %shift_right_logical3A_156 = vector.broadcast %shift_right_logical3A_155 : i32 to vector<16xi32>
    %shift_right_logical3A_157 = arith.shrui %get3A_154, %shift_right_logical3A_156 : vector<16xi32>
    %swap3A_158 = arith.constant 1 : i32
    %swap3A_159 = arith.index_cast %swap3A_158 : i32 to index
    %swap3A_160 = arith.constant 48 : index
    %swap3A_161 = tpu.vector_load %arg6[%swap3A_159, %swap3A_160] {strides = array<i32>} : memref<4x128xi32, #tpu.memory_space<vmem>>, vector<16xi32>,
    tpu.vector_store %arg6[%swap3A_159, %swap3A_160], %shift_right_logical3A_157 {strides = array<i32>} : memref<4x128xi32, #tpu.memory_space<vmem>>, vector<16xi32>,
    %get3A_162 = arith.constant 1 : i32
    %get3A_163 = arith.index_cast %get3A_162 : i32 to index
    %get3A_164 = arith.constant 64 : index
    %get3A_165 = tpu.vector_load %arg5[%get3A_163, %get3A_164] {strides = array<i32>} : memref<200x128xi32, #tpu.memory_space<vmem>>, vector<16xi32>,
    %shift_right_logical3A_166 = arith.constant 1 : i32
    %shift_right_logical3A_167 = vector.broadcast %shift_right_logical3A_166 : i32 to vector<16xi32>
    %shift_right_logical3A_168 = arith.shrui %get3A_165, %shift_right_logical3A_167 : vector<16xi32>
    %swap3A_169 = arith.constant 1 : i32
    %swap3A_170 = arith.index_cast %swap3A_169 : i32 to index
    %swap3A_171 = arith.constant 64 : index
    %swap3A_172 = tpu.vector_load %arg6[%swap3A_170, %swap3A_171] {strides = array<i32>} : memref<4x128xi32, #tpu.memory_space<vmem>>, vector<16xi32>,
    tpu.vector_store %arg6[%swap3A_170, %swap3A_171], %shift_right_logical3A_168 {strides = array<i32>} : memref<4x128xi32, #tpu.memory_space<vmem>>, vector<16xi32>,
    %get3A_173 = arith.constant 1 : i32
    %get3A_174 = arith.index_cast %get3A_173 : i32 to index
    %get3A_175 = arith.constant 80 : index
    %get3A_176 = tpu.vector_load %arg5[%get3A_174, %get3A_175] {strides = array<i32>} : memref<200x128xi32, #tpu.memory_space<vmem>>, vector<16xi32>,
    %shift_right_logical3A_177 = arith.constant 1 : i32
    %shift_right_logical3A_178 = vector.broadcast %shift_right_logical3A_177 : i32 to vector<16xi32>
    %shift_right_logical3A_179 = arith.shrui %get3A_176, %shift_right_logical3A_178 : vector<16xi32>
    %swap3A_180 = arith.constant 1 : i32
    %swap3A_181 = arith.index_cast %swap3A_180 : i32 to index
    %swap3A_182 = arith.constant 80 : index
    %swap3A_183 = tpu.vector_load %arg6[%swap3A_181, %swap3A_182] {strides = array<i32>} : memref<4x128xi32, #tpu.memory_space<vmem>>, vector<16xi32>,
    tpu.vector_store %arg6[%swap3A_181, %swap3A_182], %shift_right_logical3A_179 {strides = array<i32>} : memref<4x128xi32, #tpu.memory_space<vmem>>, vector<16xi32>,
    %get3A_184 = arith.constant 1 : i32
    %get3A_185 = arith.index_cast %get3A_184 : i32 to index
    %get3A_186 = arith.constant 96 : index
    %get3A_187 = tpu.vector_load %arg5[%get3A_185, %get3A_186] {strides = array<i32>} : memref<200x128xi32, #tpu.memory_space<vmem>>, vector<16xi32>,
    %shift_right_logical3A_188 = arith.constant 1 : i32
    %shift_right_logical3A_189 = vector.broadcast %shift_right_logical3A_188 : i32 to vector<16xi32>
    %shift_right_logical3A_190 = arith.shrui %get3A_187, %shift_right_logical3A_189 : vector<16xi32>
    %swap3A_191 = arith.constant 1 : i32
    %swap3A_192 = arith.index_cast %swap3A_191 : i32 to index
    %swap3A_193 = arith.constant 96 : index
    %swap3A_194 = tpu.vector_load %arg6[%swap3A_192, %swap3A_193] {strides = array<i32>} : memref<4x128xi32, #tpu.memory_space<vmem>>, vector<16xi32>,
    tpu.vector_store %arg6[%swap3A_192, %swap3A_193], %shift_right_logical3A_190 {strides = array<i32>} : memref<4x128xi32, #tpu.memory_space<vmem>>, vector<16xi32>,
    %get3A_195 = arith.constant 1 : i32
    %get3A_196 = arith.index_cast %get3A_195 : i32 to index
    %get3A_197 = arith.constant 112 : index
    %get3A_198 = tpu.vector_load %arg5[%get3A_196, %get3A_197] {strides = array<i32>} : memref<200x128xi32, #tpu.memory_space<vmem>>, vector<16xi32>,
    %shift_right_logical3A_199 = arith.constant 1 : i32
    %shift_right_logical3A_200 = vector.broadcast %shift_right_logical3A_199 : i32 to vector<16xi32>
    %shift_right_logical3A_201 = arith.shrui %get3A_198, %shift_right_logical3A_200 : vector<16xi32>
    %swap3A_202 = arith.constant 1 : i32
    %swap3A_203 = arith.index_cast %swap3A_202 : i32 to index
    %swap3A_204 = arith.constant 112 : index
    %swap3A_205 = tpu.vector_load %arg6[%swap3A_203, %swap3A_204] {strides = array<i32>} : memref<4x128xi32, #tpu.memory_space<vmem>>, vector<16xi32>,
    tpu.vector_store %arg6[%swap3A_203, %swap3A_204], %shift_right_logical3A_201 {strides = array<i32>} : memref<4x128xi32, #tpu.memory_space<vmem>>, vector<16xi32>,
    %dma_start3A_206 = arith.constant 1 : i32
    %dma_start3A_207 = arith.constant 0 : i32
    %dma_start3A_208 = tpu.memref_slice %arg6[%dma_start3A_206, %dma_start3A_207] : memref<4x128xi32, #tpu.memory_space<vmem>> -> memref<1x128xi32, #tpu.memory_space<vmem>>
    %dma_start3A_209 = tpu.memref_squeeze %dma_start3A_208 : memref<1x128xi32, #tpu.memory_space<vmem>> -> memref<128xi32, #tpu.memory_space<vmem>>
    %dma_start3A_210 = arith.constant 0 : i32
    %dma_start3A_211 = arith.constant 0 : i32
    %dma_start3A_212 = tpu.memref_slice %arg2[%dma_start3A_210, %dma_start3A_211] : memref<500000x128xf32, #tpu.memory_space<hbm>> -> memref<500000x128xf32, #tpu.memory_space<hbm>>
    tpu.enqueue_indirect_dma source(%dma_start3A_212 : memref<500000x128xf32, #tpu.memory_space<hbm>>) target(%arg8 : memref<128x128xf32, #tpu.memory_space<vmem>>) offsets(%dma_start3A_209 : memref<128xi32, #tpu.memory_space<vmem>>) semaphore(%arg14 : memref<!tpu.dma_semaphore, #tpu.memory_space<semaphore_mem>>)
    %get3A_213 = arith.constant 2 : i32
    %get3A_214 = arith.index_cast %get3A_213 : i32 to index
    %get3A_215 = arith.constant 0 : index
    %get3A_216 = tpu.vector_load %arg5[%get3A_214, %get3A_215] {strides = array<i32>} : memref<200x128xi32, #tpu.memory_space<vmem>>, vector<16xi32>,
    %shift_right_logical3A_217 = arith.constant 1 : i32
    %shift_right_logical3A_218 = vector.broadcast %shift_right_logical3A_217 : i32 to vector<16xi32>
    %shift_right_logical3A_219 = arith.shrui %get3A_216, %shift_right_logical3A_218 : vector<16xi32>
    %swap3A_220 = arith.constant 2 : i32
    %swap3A_221 = arith.index_cast %swap3A_220 : i32 to index
    %swap3A_222 = arith.constant 0 : index
    %swap3A_223 = tpu.vector_load %arg6[%swap3A_221, %swap3A_222] {strides = array<i32>} : memref<4x128xi32, #tpu.memory_space<vmem>>, vector<16xi32>,
    tpu.vector_store %arg6[%swap3A_221, %swap3A_222], %shift_right_logical3A_219 {strides = array<i32>} : memref<4x128xi32, #tpu.memory_space<vmem>>, vector<16xi32>,
    %get3A_224 = arith.constant 2 : i32
    %get3A_225 = arith.index_cast %get3A_224 : i32 to index
    %get3A_226 = arith.constant 16 : index
    %get3A_227 = tpu.vector_load %arg5[%get3A_225, %get3A_226] {strides = array<i32>} : memref<200x128xi32, #tpu.memory_space<vmem>>, vector<16xi32>,
    %shift_right_logical3A_228 = arith.constant 1 : i32
    %shift_right_logical3A_229 = vector.broadcast %shift_right_logical3A_228 : i32 to vector<16xi32>
    %shift_right_logical3A_230 = arith.shrui %get3A_227, %shift_right_logical3A_229 : vector<16xi32>
    %swap3A_231 = arith.constant 2 : i32
    %swap3A_232 = arith.index_cast %swap3A_231 : i32 to index
    %swap3A_233 = arith.constant 16 : index
    %swap3A_234 = tpu.vector_load %arg6[%swap3A_232, %swap3A_233] {strides = array<i32>} : memref<4x128xi32, #tpu.memory_space<vmem>>, vector<16xi32>,
    tpu.vector_store %arg6[%swap3A_232, %swap3A_233], %shift_right_logical3A_230 {strides = array<i32>} : memref<4x128xi32, #tpu.memory_space<vmem>>, vector<16xi32>,
    %get3A_235 = arith.constant 2 : i32
    %get3A_236 = arith.index_cast %get3A_235 : i32 to index
    %get3A_237 = arith.constant 32 : index
    %get3A_238 = tpu.vector_load %arg5[%get3A_236, %get3A_237] {strides = array<i32>} : memref<200x128xi32, #tpu.memory_space<vmem>>, vector<16xi32>,
    %shift_right_logical3A_239 = arith.constant 1 : i32
    %shift_right_logical3A_240 = vector.broadcast %shift_right_logical3A_239 : i32 to vector<16xi32>
    %shift_right_logical3A_241 = arith.shrui %get3A_238, %shift_right_logical3A_240 : vector<16xi32>
    %swap3A_242 = arith.constant 2 : i32
    %swap3A_243 = arith.index_cast %swap3A_242 : i32 to index
    %swap3A_244 = arith.constant 32 : index
    %swap3A_245 = tpu.vector_load %arg6[%swap3A_243, %swap3A_244] {strides = array<i32>} : memref<4x128xi32, #tpu.memory_space<vmem>>, vector<16xi32>,
    tpu.vector_store %arg6[%swap3A_243, %swap3A_244], %shift_right_logical3A_241 {strides = array<i32>} : memref<4x128xi32, #tpu.memory_space<vmem>>, vector<16xi32>,
    %get3A_246 = arith.constant 2 : i32
    %get3A_247 = arith.index_cast %get3A_246 : i32 to index
    %get3A_248 = arith.constant 48 : index
    %get3A_249 = tpu.vector_load %arg5[%get3A_247, %get3A_248] {strides = array<i32>} : memref<200x128xi32, #tpu.memory_space<vmem>>, vector<16xi32>,
    %shift_right_logical3A_250 = arith.constant 1 : i32
    %shift_right_logical3A_251 = vector.broadcast %shift_right_logical3A_250 : i32 to vector<16xi32>
    %shift_right_logical3A_252 = arith.shrui %get3A_249, %shift_right_logical3A_251 : vector<16xi32>
    %swap3A_253 = arith.constant 2 : i32
    %swap3A_254 = arith.index_cast %swap3A_253 : i32 to index
    %swap3A_255 = arith.constant 48 : index
    %swap3A_256 = tpu.vector_load %arg6[%swap3A_254, %swap3A_255] {strides = array<i32>} : memref<4x128xi32, #tpu.memory_space<vmem>>, vector<16xi32>,
    tpu.vector_store %arg6[%swap3A_254, %swap3A_255], %shift_right_logical3A_252 {strides = array<i32>} : memref<4x128xi32, #tpu.memory_space<vmem>>, vector<16xi32>,
    %get3A_257 = arith.constant 2 : i32
    %get3A_258 = arith.index_cast %get3A_257 : i32 to index
    %get3A_259 = arith.constant 64 : index
    %get3A_260 = tpu.vector_load %arg5[%get3A_258, %get3A_259] {strides = array<i32>} : memref<200x128xi32, #tpu.memory_space<vmem>>, vector<16xi32>,
    %shift_right_logical3A_261 = arith.constant 1 : i32
    %shift_right_logical3A_262 = vector.broadcast %shift_right_logical3A_261 : i32 to vector<16xi32>
    %shift_right_logical3A_263 = arith.shrui %get3A_260, %shift_right_logical3A_262 : vector<16xi32>
    %swap3A_264 = arith.constant 2 : i32
    %swap3A_265 = arith.index_cast %swap3A_264 : i32 to index
    %swap3A_266 = arith.constant 64 : index
    %swap3A_267 = tpu.vector_load %arg6[%swap3A_265, %swap3A_266] {strides = array<i32>} : memref<4x128xi32, #tpu.memory_space<vmem>>, vector<16xi32>,
    tpu.vector_store %arg6[%swap3A_265, %swap3A_266], %shift_right_logical3A_263 {strides = array<i32>} : memref<4x128xi32, #tpu.memory_space<vmem>>, vector<16xi32>,
    %get3A_268 = arith.constant 2 : i32
    %get3A_269 = arith.index_cast %get3A_268 : i32 to index
    %get3A_270 = arith.constant 80 : index
    %get3A_271 = tpu.vector_load %arg5[%get3A_269, %get3A_270] {strides = array<i32>} : memref<200x128xi32, #tpu.memory_space<vmem>>, vector<16xi32>,
    %shift_right_logical3A_272 = arith.constant 1 : i32
    %shift_right_logical3A_273 = vector.broadcast %shift_right_logical3A_272 : i32 to vector<16xi32>
    %shift_right_logical3A_274 = arith.shrui %get3A_271, %shift_right_logical3A_273 : vector<16xi32>
    %swap3A_275 = arith.constant 2 : i32
    %swap3A_276 = arith.index_cast %swap3A_275 : i32 to index
    %swap3A_277 = arith.constant 80 : index
    %swap3A_278 = tpu.vector_load %arg6[%swap3A_276, %swap3A_277] {strides = array<i32>} : memref<4x128xi32, #tpu.memory_space<vmem>>, vector<16xi32>,
    tpu.vector_store %arg6[%swap3A_276, %swap3A_277], %shift_right_logical3A_274 {strides = array<i32>} : memref<4x128xi32, #tpu.memory_space<vmem>>, vector<16xi32>,
    %get3A_279 = arith.constant 2 : i32
    %get3A_280 = arith.index_cast %get3A_279 : i32 to index
    %get3A_281 = arith.constant 96 : index
    %get3A_282 = tpu.vector_load %arg5[%get3A_280, %get3A_281] {strides = array<i32>} : memref<200x128xi32, #tpu.memory_space<vmem>>, vector<16xi32>,
    %shift_right_logical3A_283 = arith.constant 1 : i32
    %shift_right_logical3A_284 = vector.broadcast %shift_right_logical3A_283 : i32 to vector<16xi32>
    %shift_right_logical3A_285 = arith.shrui %get3A_282, %shift_right_logical3A_284 : vector<16xi32>
    %swap3A_286 = arith.constant 2 : i32
    %swap3A_287 = arith.index_cast %swap3A_286 : i32 to index
    %swap3A_288 = arith.constant 96 : index
    %swap3A_289 = tpu.vector_load %arg6[%swap3A_287, %swap3A_288] {strides = array<i32>} : memref<4x128xi32, #tpu.memory_space<vmem>>, vector<16xi32>,
    tpu.vector_store %arg6[%swap3A_287, %swap3A_288], %shift_right_logical3A_285 {strides = array<i32>} : memref<4x128xi32, #tpu.memory_space<vmem>>, vector<16xi32>,
    %get3A_290 = arith.constant 2 : i32
    %get3A_291 = arith.index_cast %get3A_290 : i32 to index
    %get3A_292 = arith.constant 112 : index
    %get3A_293 = tpu.vector_load %arg5[%get3A_291, %get3A_292] {strides = array<i32>} : memref<200x128xi32, #tpu.memory_space<vmem>>, vector<16xi32>,
    %shift_right_logical3A_294 = arith.constant 1 : i32
    %shift_right_logical3A_295 = vector.broadcast %shift_right_logical3A_294 : i32 to vector<16xi32>
    %shift_right_logical3A_296 = arith.shrui %get3A_293, %shift_right_logical3A_295 : vector<16xi32>
    %swap3A_297 = arith.constant 2 : i32
    %swap3A_298 = arith.index_cast %swap3A_297 : i32 to index
    %swap3A_299 = arith.constant 112 : index
    %swap3A_300 = tpu.vector_load %arg6[%swap3A_298, %swap3A_299] {strides = array<i32>} : memref<4x128xi32, #tpu.memory_space<vmem>>, vector<16xi32>,
    tpu.vector_store %arg6[%swap3A_298, %swap3A_299], %shift_right_logical3A_296 {strides = array<i32>} : memref<4x128xi32, #tpu.memory_space<vmem>>, vector<16xi32>,
    %dma_start3A_301 = arith.constant 2 : i32
    %dma_start3A_302 = arith.constant 0 : i32
    %dma_start3A_303 = tpu.memref_slice %arg6[%dma_start3A_301, %dma_start3A_302] : memref<4x128xi32, #tpu.memory_space<vmem>> -> memref<1x128xi32, #tpu.memory_space<vmem>>
    %dma_start3A_304 = tpu.memref_squeeze %dma_start3A_303 : memref<1x128xi32, #tpu.memory_space<vmem>> -> memref<128xi32, #tpu.memory_space<vmem>>
    %dma_start3A_305 = arith.constant 0 : i32
    %dma_start3A_306 = arith.constant 0 : i32
    %dma_start3A_307 = tpu.memref_slice %arg2[%dma_start3A_305, %dma_start3A_306] : memref<500000x128xf32, #tpu.memory_space<hbm>> -> memref<500000x128xf32, #tpu.memory_space<hbm>>
    tpu.enqueue_indirect_dma source(%dma_start3A_307 : memref<500000x128xf32, #tpu.memory_space<hbm>>) target(%arg9 : memref<128x128xf32, #tpu.memory_space<vmem>>) offsets(%dma_start3A_304 : memref<128xi32, #tpu.memory_space<vmem>>) semaphore(%arg15 : memref<!tpu.dma_semaphore, #tpu.memory_space<semaphore_mem>>)
    %scan3A = arith.constant 0 : i32
    %scan3A_308 = arith.constant 0 : i32
    %scan3A_309 = arith.constant 50 : i32
    %scan3A_310 = arith.addi %scan3A_308, %scan3A_309 : i32
    %scan3A_311 = arith.constant 1 : i32
    scf.for %scan3A_600 = %scan3A_308 to %scan3A_310 step %scan3A_311  : i32 {
      %mul3A_601 = arith.constant 4 : i32
      %mul3A_602 = arith.muli %scan3A_600, %mul3A_601 : i32
      %add3A_603 = arith.constant 0 : i32
      %add3A_604 = arith.addi %mul3A_602, %add3A_603 : i32
      %add3A_605 = arith.constant 3 : i32
      %add3A_606 = arith.addi %add3A_604, %add3A_605 : i32
      %lt3A = arith.constant 200 : i32
      %lt3A_607 = arith.cmpi slt, %add3A_606, %lt3A : i32
      %convert_element_type3A = arith.extui %lt3A_607 : i1 to i32
      %cond3A = arith.constant 0 : i32
      %cond3A_608 = arith.cmpi ne, %convert_element_type3A, %cond3A : i32
      scf.if %cond3A_608 {
        %add3A_1571 = arith.constant 3 : i32
        %add3A_1572 = arith.addi %add3A_604, %add3A_1571 : i32
        %get3A_1573 = arith.index_cast %add3A_1572 : i32 to index
        %get3A_1574 = arith.constant 0 : index
        %get3A_1575 = tpu.vector_load %arg5[%get3A_1573, %get3A_1574] {strides = array<i32>} : memref<200x128xi32, #tpu.memory_space<vmem>>, vector<16xi32>,
        %shift_right_logical3A_1576 = arith.constant 1 : i32
        %shift_right_logical3A_1577 = vector.broadcast %shift_right_logical3A_1576 : i32 to vector<16xi32>
        %shift_right_logical3A_1578 = arith.shrui %get3A_1575, %shift_right_logical3A_1577 : vector<16xi32>
        %swap3A_1579 = arith.constant 3 : i32
        %swap3A_1580 = arith.index_cast %swap3A_1579 : i32 to index
        %swap3A_1581 = arith.constant 0 : index
        %swap3A_1582 = tpu.vector_load %arg6[%swap3A_1580, %swap3A_1581] {strides = array<i32>} : memref<4x128xi32, #tpu.memory_space<vmem>>, vector<16xi32>,
        tpu.vector_store %arg6[%swap3A_1580, %swap3A_1581], %shift_right_logical3A_1578 {strides = array<i32>} : memref<4x128xi32, #tpu.memory_space<vmem>>, vector<16xi32>,
        %get3A_1583 = arith.index_cast %add3A_1572 : i32 to index
        %get3A_1584 = arith.constant 16 : index
        %get3A_1585 = tpu.vector_load %arg5[%get3A_1583, %get3A_1584] {strides = array<i32>} : memref<200x128xi32, #tpu.memory_space<vmem>>, vector<16xi32>,
        %shift_right_logical3A_1586 = arith.constant 1 : i32
        %shift_right_logical3A_1587 = vector.broadcast %shift_right_logical3A_1586 : i32 to vector<16xi32>
        %shift_right_logical3A_1588 = arith.shrui %get3A_1585, %shift_right_logical3A_1587 : vector<16xi32>
        %swap3A_1589 = arith.constant 3 : i32
        %swap3A_1590 = arith.index_cast %swap3A_1589 : i32 to index
        %swap3A_1591 = arith.constant 16 : index
        %swap3A_1592 = tpu.vector_load %arg6[%swap3A_1590, %swap3A_1591] {strides = array<i32>} : memref<4x128xi32, #tpu.memory_space<vmem>>, vector<16xi32>,
        tpu.vector_store %arg6[%swap3A_1590, %swap3A_1591], %shift_right_logical3A_1588 {strides = array<i32>} : memref<4x128xi32, #tpu.memory_space<vmem>>, vector<16xi32>,
        %get3A_1593 = arith.index_cast %add3A_1572 : i32 to index
        %get3A_1594 = arith.constant 32 : index
        %get3A_1595 = tpu.vector_load %arg5[%get3A_1593, %get3A_1594] {strides = array<i32>} : memref<200x128xi32, #tpu.memory_space<vmem>>, vector<16xi32>,
        %shift_right_logical3A_1596 = arith.constant 1 : i32
        %shift_right_logical3A_1597 = vector.broadcast %shift_right_logical3A_1596 : i32 to vector<16xi32>
        %shift_right_logical3A_1598 = arith.shrui %get3A_1595, %shift_right_logical3A_1597 : vector<16xi32>
        %swap3A_1599 = arith.constant 3 : i32
        %swap3A_1600 = arith.index_cast %swap3A_1599 : i32 to index
        %swap3A_1601 = arith.constant 32 : index
        %swap3A_1602 = tpu.vector_load %arg6[%swap3A_1600, %swap3A_1601] {strides = array<i32>} : memref<4x128xi32, #tpu.memory_space<vmem>>, vector<16xi32>,
        tpu.vector_store %arg6[%swap3A_1600, %swap3A_1601], %shift_right_logical3A_1598 {strides = array<i32>} : memref<4x128xi32, #tpu.memory_space<vmem>>, vector<16xi32>,
        %get3A_1603 = arith.index_cast %add3A_1572 : i32 to index
        %get3A_1604 = arith.constant 48 : index
        %get3A_1605 = tpu.vector_load %arg5[%get3A_1603, %get3A_1604] {strides = array<i32>} : memref<200x128xi32, #tpu.memory_space<vmem>>, vector<16xi32>,
        %shift_right_logical3A_1606 = arith.constant 1 : i32
        %shift_right_logical3A_1607 = vector.broadcast %shift_right_logical3A_1606 : i32 to vector<16xi32>
        %shift_right_logical3A_1608 = arith.shrui %get3A_1605, %shift_right_logical3A_1607 : vector<16xi32>
        %swap3A_1609 = arith.constant 3 : i32
        %swap3A_1610 = arith.index_cast %swap3A_1609 : i32 to index
        %swap3A_1611 = arith.constant 48 : index
        %swap3A_1612 = tpu.vector_load %arg6[%swap3A_1610, %swap3A_1611] {strides = array<i32>} : memref<4x128xi32, #tpu.memory_space<vmem>>, vector<16xi32>,
        tpu.vector_store %arg6[%swap3A_1610, %swap3A_1611], %shift_right_logical3A_1608 {strides = array<i32>} : memref<4x128xi32, #tpu.memory_space<vmem>>, vector<16xi32>,
        %get3A_1613 = arith.index_cast %add3A_1572 : i32 to index
        %get3A_1614 = arith.constant 64 : index
        %get3A_1615 = tpu.vector_load %arg5[%get3A_1613, %get3A_1614] {strides = array<i32>} : memref<200x128xi32, #tpu.memory_space<vmem>>, vector<16xi32>,
        %shift_right_logical3A_1616 = arith.constant 1 : i32
        %shift_right_logical3A_1617 = vector.broadcast %shift_right_logical3A_1616 : i32 to vector<16xi32>
        %shift_right_logical3A_1618 = arith.shrui %get3A_1615, %shift_right_logical3A_1617 : vector<16xi32>
        %swap3A_1619 = arith.constant 3 : i32
        %swap3A_1620 = arith.index_cast %swap3A_1619 : i32 to index
        %swap3A_1621 = arith.constant 64 : index
        %swap3A_1622 = tpu.vector_load %arg6[%swap3A_1620, %swap3A_1621] {strides = array<i32>} : memref<4x128xi32, #tpu.memory_space<vmem>>, vector<16xi32>,
        tpu.vector_store %arg6[%swap3A_1620, %swap3A_1621], %shift_right_logical3A_1618 {strides = array<i32>} : memref<4x128xi32, #tpu.memory_space<vmem>>, vector<16xi32>,
        %get3A_1623 = arith.index_cast %add3A_1572 : i32 to index
        %get3A_1624 = arith.constant 80 : index
        %get3A_1625 = tpu.vector_load %arg5[%get3A_1623, %get3A_1624] {strides = array<i32>} : memref<200x128xi32, #tpu.memory_space<vmem>>, vector<16xi32>,
        %shift_right_logical3A_1626 = arith.constant 1 : i32
        %shift_right_logical3A_1627 = vector.broadcast %shift_right_logical3A_1626 : i32 to vector<16xi32>
        %shift_right_logical3A_1628 = arith.shrui %get3A_1625, %shift_right_logical3A_1627 : vector<16xi32>
        %swap3A_1629 = arith.constant 3 : i32
        %swap3A_1630 = arith.index_cast %swap3A_1629 : i32 to index
        %swap3A_1631 = arith.constant 80 : index
        %swap3A_1632 = tpu.vector_load %arg6[%swap3A_1630, %swap3A_1631] {strides = array<i32>} : memref<4x128xi32, #tpu.memory_space<vmem>>, vector<16xi32>,
        tpu.vector_store %arg6[%swap3A_1630, %swap3A_1631], %shift_right_logical3A_1628 {strides = array<i32>} : memref<4x128xi32, #tpu.memory_space<vmem>>, vector<16xi32>,
        %get3A_1633 = arith.index_cast %add3A_1572 : i32 to index
        %get3A_1634 = arith.constant 96 : index
        %get3A_1635 = tpu.vector_load %arg5[%get3A_1633, %get3A_1634] {strides = array<i32>} : memref<200x128xi32, #tpu.memory_space<vmem>>, vector<16xi32>,
        %shift_right_logical3A_1636 = arith.constant 1 : i32
        %shift_right_logical3A_1637 = vector.broadcast %shift_right_logical3A_1636 : i32 to vector<16xi32>
        %shift_right_logical3A_1638 = arith.shrui %get3A_1635, %shift_right_logical3A_1637 : vector<16xi32>
        %swap3A_1639 = arith.constant 3 : i32
        %swap3A_1640 = arith.index_cast %swap3A_1639 : i32 to index
        %swap3A_1641 = arith.constant 96 : index
        %swap3A_1642 = tpu.vector_load %arg6[%swap3A_1640, %swap3A_1641] {strides = array<i32>} : memref<4x128xi32, #tpu.memory_space<vmem>>, vector<16xi32>,
        tpu.vector_store %arg6[%swap3A_1640, %swap3A_1641], %shift_right_logical3A_1638 {strides = array<i32>} : memref<4x128xi32, #tpu.memory_space<vmem>>, vector<16xi32>,
        %get3A_1643 = arith.index_cast %add3A_1572 : i32 to index
        %get3A_1644 = arith.constant 112 : index
        %get3A_1645 = tpu.vector_load %arg5[%get3A_1643, %get3A_1644] {strides = array<i32>} : memref<200x128xi32, #tpu.memory_space<vmem>>, vector<16xi32>,
        %shift_right_logical3A_1646 = arith.constant 1 : i32
        %shift_right_logical3A_1647 = vector.broadcast %shift_right_logical3A_1646 : i32 to vector<16xi32>
        %shift_right_logical3A_1648 = arith.shrui %get3A_1645, %shift_right_logical3A_1647 : vector<16xi32>
        %swap3A_1649 = arith.constant 3 : i32
        %swap3A_1650 = arith.index_cast %swap3A_1649 : i32 to index
        %swap3A_1651 = arith.constant 112 : index
        %swap3A_1652 = tpu.vector_load %arg6[%swap3A_1650, %swap3A_1651] {strides = array<i32>} : memref<4x128xi32, #tpu.memory_space<vmem>>, vector<16xi32>,
        tpu.vector_store %arg6[%swap3A_1650, %swap3A_1651], %shift_right_logical3A_1648 {strides = array<i32>} : memref<4x128xi32, #tpu.memory_space<vmem>>, vector<16xi32>,
        %dma_start3A_1653 = arith.constant 3 : i32
        %dma_start3A_1654 = arith.constant 0 : i32
        %dma_start3A_1655 = tpu.memref_slice %arg6[%dma_start3A_1653, %dma_start3A_1654] : memref<4x128xi32, #tpu.memory_space<vmem>> -> memref<1x128xi32, #tpu.memory_space<vmem>>
        %dma_start3A_1656 = tpu.memref_squeeze %dma_start3A_1655 : memref<1x128xi32, #tpu.memory_space<vmem>> -> memref<128xi32, #tpu.memory_space<vmem>>
        %dma_start3A_1657 = arith.constant 0 : i32
        %dma_start3A_1658 = arith.constant 0 : i32
        %dma_start3A_1659 = tpu.memref_slice %arg2[%dma_start3A_1657, %dma_start3A_1658] : memref<500000x128xf32, #tpu.memory_space<hbm>> -> memref<500000x128xf32, #tpu.memory_space<hbm>>
        tpu.enqueue_indirect_dma source(%dma_start3A_1659 : memref<500000x128xf32, #tpu.memory_space<hbm>>) target(%arg10 : memref<128x128xf32, #tpu.memory_space<vmem>>) offsets(%dma_start3A_1656 : memref<128xi32, #tpu.memory_space<vmem>>) semaphore(%arg16 : memref<!tpu.dma_semaphore, #tpu.memory_space<semaphore_mem>>)
      } else {
      }
      %dma_wait3A_609 = arith.constant 0 : i32
      %dma_wait3A_610 = arith.constant 0 : i32
      %dma_wait3A_611 = tpu.memref_slice %arg2[%dma_wait3A_609, %dma_wait3A_610] : memref<500000x128xf32, #tpu.memory_space<hbm>> -> memref<128x128xf32, #tpu.memory_space<hbm>>
      %dma_wait3A_612 = arith.constant 0 : i32
      %dma_wait3A_613 = arith.constant 0 : i32
      %dma_wait3A_614 = tpu.memref_slice %arg2[%dma_wait3A_612, %dma_wait3A_613] : memref<500000x128xf32, #tpu.memory_space<hbm>> -> memref<128x128xf32, #tpu.memory_space<hbm>>
      tpu.wait_dma2 semaphore(%arg13 : memref<!tpu.dma_semaphore, #tpu.memory_space<semaphore_mem>>) src(%dma_wait3A_614 : memref<128x128xf32, #tpu.memory_space<hbm>>) dst(%arg7 : memref<128x128xf32, #tpu.memory_space<vmem>>)
      %ge3A = arith.constant 2 : i32
      %ge3A_615 = arith.cmpi sge, %add3A_604, %ge3A : i32
      %convert_element_type3A_616 = arith.extui %ge3A_615 : i1 to i32
      %cond3A_617 = arith.constant 0 : i32
      %cond3A_618 = arith.cmpi ne, %convert_element_type3A_616, %cond3A_617 : i32
      scf.if %cond3A_618 {
        %sub3A_1571 = arith.constant 2 : i32
        %sub3A_1572 = arith.subi %add3A_604, %sub3A_1571 : i32
        %add3A_1573 = arith.addi %mul3A_2, %sub3A_1572 : i32
        %jit3A_1574 = arith.constant 32 : i32
        %div3A_1575 = arith.divsi %add3A_1573, %jit3A_1574 : i32
        %sign3A_1576 = arith.constant 0 : i32
        %sign3A_1577 = arith.cmpi sgt, %add3A_1573, %sign3A_1576 : i32
        %sign3A_1578 = arith.extui %sign3A_1577 : i1 to i32
        %sign3A_1579 = arith.constant 0 : i32
        %sign3A_1580 = arith.cmpi slt, %add3A_1573, %sign3A_1579 : i32
        %sign3A_1581 = arith.extui %sign3A_1580 : i1 to i32
        %sign3A_1582 = arith.subi %sign3A_1578, %sign3A_1581 : i32
        %sign3A_1583 = arith.constant 0 : i32
        %sign3A_1584 = arith.cmpi sgt, %jit3A_1574, %sign3A_1583 : i32
        %sign3A_1585 = arith.extui %sign3A_1584 : i1 to i32
        %sign3A_1586 = arith.constant 0 : i32
        %sign3A_1587 = arith.cmpi slt, %jit3A_1574, %sign3A_1586 : i32
        %sign3A_1588 = arith.extui %sign3A_1587 : i1 to i32
        %sign3A_1589 = arith.subi %sign3A_1585, %sign3A_1588 : i32
        %ne3A_1590 = arith.cmpi ne, %sign3A_1582, %sign3A_1589 : i32
        %rem3A_1591 = arith.remsi %add3A_1573, %jit3A_1574 : i32
        %ne3A_1592 = arith.constant 0 : i32
        %ne3A_1593 = arith.cmpi ne, %rem3A_1591, %ne3A_1592 : i32
        %and3A_1594 = arith.andi %ne3A_1590, %ne3A_1593 : i1
        %sub3A_1595 = arith.constant 1 : i32
        %sub3A_1596 = arith.subi %div3A_1575, %sub3A_1595 : i32
        %select_n3A_1597 = arith.select %and3A_1594, %sub3A_1596, %div3A_1575 : i32
        %rem3A_1598 = arith.constant 32 : i32
        %rem3A_1599 = arith.remsi %add3A_1573, %rem3A_1598 : i32
        %dma_wait3A_1600 = arith.constant 0 : i32
        %dma_wait3A_1601 = arith.constant 0 : i32
        %dma_wait3A_1602 = arith.constant 0 : i32
        %dma_wait3A_1603 = tpu.memref_slice %arg11[%dma_wait3A_1601, %dma_wait3A_1602] : memref<64x128xf32, #tpu.memory_space<vmem>> -> memref<8x128xf32, #tpu.memory_space<vmem>>
        %dma_wait3A_1604 = arith.constant 0 : i32
        %dma_wait3A_1605 = arith.constant 0 : i32
        %dma_wait3A_1606 = tpu.memref_slice %arg4[%select_n3A_1597, %dma_wait3A_1600, %rem3A_1599, %dma_wait3A_1604, %dma_wait3A_1605] : memref<200x8x32x8x128xf32, #tpu.memory_space<hbm>> -> memref<1x1x1x8x128xf32, #tpu.memory_space<hbm>>
        %dma_wait3A_1607 = tpu.memref_squeeze %dma_wait3A_1606 : memref<1x1x1x8x128xf32, #tpu.memory_space<hbm>> -> memref<8x128xf32, #tpu.memory_space<hbm>>
        %dma_wait3A_1608 = arith.constant 0 : i32
        %dma_wait3A_1609 = arith.constant 0 : i32
        %dma_wait3A_1610 = tpu.memref_slice %arg4[%select_n3A_1597, %dma_wait3A_1600, %rem3A_1599, %dma_wait3A_1608, %dma_wait3A_1609] : memref<200x8x32x8x128xf32, #tpu.memory_space<hbm>> -> memref<1x1x1x8x128xf32, #tpu.memory_space<hbm>>
        %dma_wait3A_1611 = tpu.memref_squeeze %dma_wait3A_1610 : memref<1x1x1x8x128xf32, #tpu.memory_space<hbm>> -> memref<8x128xf32, #tpu.memory_space<hbm>>
        %dma_wait3A_1612 = arith.constant 0 : i32
        %dma_wait3A_1613 = arith.constant 0 : i32
        %dma_wait3A_1614 = tpu.memref_slice %arg11[%dma_wait3A_1612, %dma_wait3A_1613] : memref<64x128xf32, #tpu.memory_space<vmem>> -> memref<8x128xf32, #tpu.memory_space<vmem>>
        tpu.wait_dma2 semaphore(%arg17 : memref<!tpu.dma_semaphore, #tpu.memory_space<semaphore_mem>>) src(%dma_wait3A_1614 : memref<8x128xf32, #tpu.memory_space<vmem>>) dst(%dma_wait3A_1611 : memref<8x128xf32, #tpu.memory_space<hbm>>)
        %dma_wait3A_1615 = arith.constant 1 : i32
        %dma_wait3A_1616 = arith.constant 8 : i32
        %dma_wait3A_1617 = arith.constant 0 : i32
        %dma_wait3A_1618 = tpu.memref_slice %arg11[%dma_wait3A_1616, %dma_wait3A_1617] : memref<64x128xf32, #tpu.memory_space<vmem>> -> memref<8x128xf32, #tpu.memory_space<vmem>>
        %dma_wait3A_1619 = arith.constant 0 : i32
        %dma_wait3A_1620 = arith.constant 0 : i32
        %dma_wait3A_1621 = tpu.memref_slice %arg4[%select_n3A_1597, %dma_wait3A_1615, %rem3A_1599, %dma_wait3A_1619, %dma_wait3A_1620] : memref<200x8x32x8x128xf32, #tpu.memory_space<hbm>> -> memref<1x1x1x8x128xf32, #tpu.memory_space<hbm>>
        %dma_wait3A_1622 = tpu.memref_squeeze %dma_wait3A_1621 : memref<1x1x1x8x128xf32, #tpu.memory_space<hbm>> -> memref<8x128xf32, #tpu.memory_space<hbm>>
        %dma_wait3A_1623 = arith.constant 0 : i32
        %dma_wait3A_1624 = arith.constant 0 : i32
        %dma_wait3A_1625 = tpu.memref_slice %arg4[%select_n3A_1597, %dma_wait3A_1615, %rem3A_1599, %dma_wait3A_1623, %dma_wait3A_1624] : memref<200x8x32x8x128xf32, #tpu.memory_space<hbm>> -> memref<1x1x1x8x128xf32, #tpu.memory_space<hbm>>
        %dma_wait3A_1626 = tpu.memref_squeeze %dma_wait3A_1625 : memref<1x1x1x8x128xf32, #tpu.memory_space<hbm>> -> memref<8x128xf32, #tpu.memory_space<hbm>>
        %dma_wait3A_1627 = arith.constant 8 : i32
        %dma_wait3A_1628 = arith.constant 0 : i32
        %dma_wait3A_1629 = tpu.memref_slice %arg11[%dma_wait3A_1627, %dma_wait3A_1628] : memref<64x128xf32, #tpu.memory_space<vmem>> -> memref<8x128xf32, #tpu.memory_space<vmem>>
        tpu.wait_dma2 semaphore(%arg17 : memref<!tpu.dma_semaphore, #tpu.memory_space<semaphore_mem>>) src(%dma_wait3A_1629 : memref<8x128xf32, #tpu.memory_space<vmem>>) dst(%dma_wait3A_1626 : memref<8x128xf32, #tpu.memory_space<hbm>>)
        %dma_wait3A_1630 = arith.constant 2 : i32
        %dma_wait3A_1631 = arith.constant 16 : i32
        %dma_wait3A_1632 = arith.constant 0 : i32
        %dma_wait3A_1633 = tpu.memref_slice %arg11[%dma_wait3A_1631, %dma_wait3A_1632] : memref<64x128xf32, #tpu.memory_space<vmem>> -> memref<8x128xf32, #tpu.memory_space<vmem>>
        %dma_wait3A_1634 = arith.constant 0 : i32
        %dma_wait3A_1635 = arith.constant 0 : i32
        %dma_wait3A_1636 = tpu.memref_slice %arg4[%select_n3A_1597, %dma_wait3A_1630, %rem3A_1599, %dma_wait3A_1634, %dma_wait3A_1635] : memref<200x8x32x8x128xf32, #tpu.memory_space<hbm>> -> memref<1x1x1x8x128xf32, #tpu.memory_space<hbm>>
        %dma_wait3A_1637 = tpu.memref_squeeze %dma_wait3A_1636 : memref<1x1x1x8x128xf32, #tpu.memory_space<hbm>> -> memref<8x128xf32, #tpu.memory_space<hbm>>
        %dma_wait3A_1638 = arith.constant 0 : i32
        %dma_wait3A_1639 = arith.constant 0 : i32
        %dma_wait3A_1640 = tpu.memref_slice %arg4[%select_n3A_1597, %dma_wait3A_1630, %rem3A_1599, %dma_wait3A_1638, %dma_wait3A_1639] : memref<200x8x32x8x128xf32, #tpu.memory_space<hbm>> -> memref<1x1x1x8x128xf32, #tpu.memory_space<hbm>>
        %dma_wait3A_1641 = tpu.memref_squeeze %dma_wait3A_1640 : memref<1x1x1x8x128xf32, #tpu.memory_space<hbm>> -> memref<8x128xf32, #tpu.memory_space<hbm>>
        %dma_wait3A_1642 = arith.constant 16 : i32
        %dma_wait3A_1643 = arith.constant 0 : i32
        %dma_wait3A_1644 = tpu.memref_slice %arg11[%dma_wait3A_1642, %dma_wait3A_1643] : memref<64x128xf32, #tpu.memory_space<vmem>> -> memref<8x128xf32, #tpu.memory_space<vmem>>
        tpu.wait_dma2 semaphore(%arg17 : memref<!tpu.dma_semaphore, #tpu.memory_space<semaphore_mem>>) src(%dma_wait3A_1644 : memref<8x128xf32, #tpu.memory_space<vmem>>) dst(%dma_wait3A_1641 : memref<8x128xf32, #tpu.memory_space<hbm>>)
        %dma_wait3A_1645 = arith.constant 3 : i32
        %dma_wait3A_1646 = arith.constant 24 : i32
        %dma_wait3A_1647 = arith.constant 0 : i32
        %dma_wait3A_1648 = tpu.memref_slice %arg11[%dma_wait3A_1646, %dma_wait3A_1647] : memref<64x128xf32, #tpu.memory_space<vmem>> -> memref<8x128xf32, #tpu.memory_space<vmem>>
        %dma_wait3A_1649 = arith.constant 0 : i32
        %dma_wait3A_1650 = arith.constant 0 : i32
        %dma_wait3A_1651 = tpu.memref_slice %arg4[%select_n3A_1597, %dma_wait3A_1645, %rem3A_1599, %dma_wait3A_1649, %dma_wait3A_1650] : memref<200x8x32x8x128xf32, #tpu.memory_space<hbm>> -> memref<1x1x1x8x128xf32, #tpu.memory_space<hbm>>
        %dma_wait3A_1652 = tpu.memref_squeeze %dma_wait3A_1651 : memref<1x1x1x8x128xf32, #tpu.memory_space<hbm>> -> memref<8x128xf32, #tpu.memory_space<hbm>>
        %dma_wait3A_1653 = arith.constant 0 : i32
        %dma_wait3A_1654 = arith.constant 0 : i32
        %dma_wait3A_1655 = tpu.memref_slice %arg4[%select_n3A_1597, %dma_wait3A_1645, %rem3A_1599, %dma_wait3A_1653, %dma_wait3A_1654] : memref<200x8x32x8x128xf32, #tpu.memory_space<hbm>> -> memref<1x1x1x8x128xf32, #tpu.memory_space<hbm>>
        %dma_wait3A_1656 = tpu.memref_squeeze %dma_wait3A_1655 : memref<1x1x1x8x128xf32, #tpu.memory_space<hbm>> -> memref<8x128xf32, #tpu.memory_space<hbm>>
        %dma_wait3A_1657 = arith.constant 24 : i32
        %dma_wait3A_1658 = arith.constant 0 : i32
        %dma_wait3A_1659 = tpu.memref_slice %arg11[%dma_wait3A_1657, %dma_wait3A_1658] : memref<64x128xf32, #tpu.memory_space<vmem>> -> memref<8x128xf32, #tpu.memory_space<vmem>>
        tpu.wait_dma2 semaphore(%arg17 : memref<!tpu.dma_semaphore, #tpu.memory_space<semaphore_mem>>) src(%dma_wait3A_1659 : memref<8x128xf32, #tpu.memory_space<vmem>>) dst(%dma_wait3A_1656 : memref<8x128xf32, #tpu.memory_space<hbm>>)
        %dma_wait3A_1660 = arith.constant 4 : i32
        %dma_wait3A_1661 = arith.constant 32 : i32
        %dma_wait3A_1662 = arith.constant 0 : i32
        %dma_wait3A_1663 = tpu.memref_slice %arg11[%dma_wait3A_1661, %dma_wait3A_1662] : memref<64x128xf32, #tpu.memory_space<vmem>> -> memref<8x128xf32, #tpu.memory_space<vmem>>
        %dma_wait3A_1664 = arith.constant 0 : i32
        %dma_wait3A_1665 = arith.constant 0 : i32
        %dma_wait3A_1666 = tpu.memref_slice %arg4[%select_n3A_1597, %dma_wait3A_1660, %rem3A_1599, %dma_wait3A_1664, %dma_wait3A_1665] : memref<200x8x32x8x128xf32, #tpu.memory_space<hbm>> -> memref<1x1x1x8x128xf32, #tpu.memory_space<hbm>>
        %dma_wait3A_1667 = tpu.memref_squeeze %dma_wait3A_1666 : memref<1x1x1x8x128xf32, #tpu.memory_space<hbm>> -> memref<8x128xf32, #tpu.memory_space<hbm>>
        %dma_wait3A_1668 = arith.constant 0 : i32
        %dma_wait3A_1669 = arith.constant 0 : i32
        %dma_wait3A_1670 = tpu.memref_slice %arg4[%select_n3A_1597, %dma_wait3A_1660, %rem3A_1599, %dma_wait3A_1668, %dma_wait3A_1669] : memref<200x8x32x8x128xf32, #tpu.memory_space<hbm>> -> memref<1x1x1x8x128xf32, #tpu.memory_space<hbm>>
        %dma_wait3A_1671 = tpu.memref_squeeze %dma_wait3A_1670 : memref<1x1x1x8x128xf32, #tpu.memory_space<hbm>> -> memref<8x128xf32, #tpu.memory_space<hbm>>
        %dma_wait3A_1672 = arith.constant 32 : i32
        %dma_wait3A_1673 = arith.constant 0 : i32
        %dma_wait3A_1674 = tpu.memref_slice %arg11[%dma_wait3A_1672, %dma_wait3A_1673] : memref<64x128xf32, #tpu.memory_space<vmem>> -> memref<8x128xf32, #tpu.memory_space<vmem>>
        tpu.wait_dma2 semaphore(%arg17 : memref<!tpu.dma_semaphore, #tpu.memory_space<semaphore_mem>>) src(%dma_wait3A_1674 : memref<8x128xf32, #tpu.memory_space<vmem>>) dst(%dma_wait3A_1671 : memref<8x128xf32, #tpu.memory_space<hbm>>)
        %dma_wait3A_1675 = arith.constant 5 : i32
        %dma_wait3A_1676 = arith.constant 40 : i32
        %dma_wait3A_1677 = arith.constant 0 : i32
        %dma_wait3A_1678 = tpu.memref_slice %arg11[%dma_wait3A_1676, %dma_wait3A_1677] : memref<64x128xf32, #tpu.memory_space<vmem>> -> memref<8x128xf32, #tpu.memory_space<vmem>>
        %dma_wait3A_1679 = arith.constant 0 : i32
        %dma_wait3A_1680 = arith.constant 0 : i32
        %dma_wait3A_1681 = tpu.memref_slice %arg4[%select_n3A_1597, %dma_wait3A_1675, %rem3A_1599, %dma_wait3A_1679, %dma_wait3A_1680] : memref<200x8x32x8x128xf32, #tpu.memory_space<hbm>> -> memref<1x1x1x8x128xf32, #tpu.memory_space<hbm>>
        %dma_wait3A_1682 = tpu.memref_squeeze %dma_wait3A_1681 : memref<1x1x1x8x128xf32, #tpu.memory_space<hbm>> -> memref<8x128xf32, #tpu.memory_space<hbm>>
        %dma_wait3A_1683 = arith.constant 0 : i32
        %dma_wait3A_1684 = arith.constant 0 : i32
        %dma_wait3A_1685 = tpu.memref_slice %arg4[%select_n3A_1597, %dma_wait3A_1675, %rem3A_1599, %dma_wait3A_1683, %dma_wait3A_1684] : memref<200x8x32x8x128xf32, #tpu.memory_space<hbm>> -> memref<1x1x1x8x128xf32, #tpu.memory_space<hbm>>
        %dma_wait3A_1686 = tpu.memref_squeeze %dma_wait3A_1685 : memref<1x1x1x8x128xf32, #tpu.memory_space<hbm>> -> memref<8x128xf32, #tpu.memory_space<hbm>>
        %dma_wait3A_1687 = arith.constant 40 : i32
        %dma_wait3A_1688 = arith.constant 0 : i32
        %dma_wait3A_1689 = tpu.memref_slice %arg11[%dma_wait3A_1687, %dma_wait3A_1688] : memref<64x128xf32, #tpu.memory_space<vmem>> -> memref<8x128xf32, #tpu.memory_space<vmem>>
        tpu.wait_dma2 semaphore(%arg17 : memref<!tpu.dma_semaphore, #tpu.memory_space<semaphore_mem>>) src(%dma_wait3A_1689 : memref<8x128xf32, #tpu.memory_space<vmem>>) dst(%dma_wait3A_1686 : memref<8x128xf32, #tpu.memory_space<hbm>>)
        %dma_wait3A_1690 = arith.constant 6 : i32
        %dma_wait3A_1691 = arith.constant 48 : i32
        %dma_wait3A_1692 = arith.constant 0 : i32
        %dma_wait3A_1693 = tpu.memref_slice %arg11[%dma_wait3A_1691, %dma_wait3A_1692] : memref<64x128xf32, #tpu.memory_space<vmem>> -> memref<8x128xf32, #tpu.memory_space<vmem>>
        %dma_wait3A_1694 = arith.constant 0 : i32
        %dma_wait3A_1695 = arith.constant 0 : i32
        %dma_wait3A_1696 = tpu.memref_slice %arg4[%select_n3A_1597, %dma_wait3A_1690, %rem3A_1599, %dma_wait3A_1694, %dma_wait3A_1695] : memref<200x8x32x8x128xf32, #tpu.memory_space<hbm>> -> memref<1x1x1x8x128xf32, #tpu.memory_space<hbm>>
        %dma_wait3A_1697 = tpu.memref_squeeze %dma_wait3A_1696 : memref<1x1x1x8x128xf32, #tpu.memory_space<hbm>> -> memref<8x128xf32, #tpu.memory_space<hbm>>
        %dma_wait3A_1698 = arith.constant 0 : i32
        %dma_wait3A_1699 = arith.constant 0 : i32
        %dma_wait3A_1700 = tpu.memref_slice %arg4[%select_n3A_1597, %dma_wait3A_1690, %rem3A_1599, %dma_wait3A_1698, %dma_wait3A_1699] : memref<200x8x32x8x128xf32, #tpu.memory_space<hbm>> -> memref<1x1x1x8x128xf32, #tpu.memory_space<hbm>>
        %dma_wait3A_1701 = tpu.memref_squeeze %dma_wait3A_1700 : memref<1x1x1x8x128xf32, #tpu.memory_space<hbm>> -> memref<8x128xf32, #tpu.memory_space<hbm>>
        %dma_wait3A_1702 = arith.constant 48 : i32
        %dma_wait3A_1703 = arith.constant 0 : i32
        %dma_wait3A_1704 = tpu.memref_slice %arg11[%dma_wait3A_1702, %dma_wait3A_1703] : memref<64x128xf32, #tpu.memory_space<vmem>> -> memref<8x128xf32, #tpu.memory_space<vmem>>
        tpu.wait_dma2 semaphore(%arg17 : memref<!tpu.dma_semaphore, #tpu.memory_space<semaphore_mem>>) src(%dma_wait3A_1704 : memref<8x128xf32, #tpu.memory_space<vmem>>) dst(%dma_wait3A_1701 : memref<8x128xf32, #tpu.memory_space<hbm>>)
        %dma_wait3A_1705 = arith.constant 7 : i32
        %dma_wait3A_1706 = arith.constant 56 : i32
        %dma_wait3A_1707 = arith.constant 0 : i32
        %dma_wait3A_1708 = tpu.memref_slice %arg11[%dma_wait3A_1706, %dma_wait3A_1707] : memref<64x128xf32, #tpu.memory_space<vmem>> -> memref<8x128xf32, #tpu.memory_space<vmem>>
        %dma_wait3A_1709 = arith.constant 0 : i32
        %dma_wait3A_1710 = arith.constant 0 : i32
        %dma_wait3A_1711 = tpu.memref_slice %arg4[%select_n3A_1597, %dma_wait3A_1705, %rem3A_1599, %dma_wait3A_1709, %dma_wait3A_1710] : memref<200x8x32x8x128xf32, #tpu.memory_space<hbm>> -> memref<1x1x1x8x128xf32, #tpu.memory_space<hbm>>
        %dma_wait3A_1712 = tpu.memref_squeeze %dma_wait3A_1711 : memref<1x1x1x8x128xf32, #tpu.memory_space<hbm>> -> memref<8x128xf32, #tpu.memory_space<hbm>>
        %dma_wait3A_1713 = arith.constant 0 : i32
        %dma_wait3A_1714 = arith.constant 0 : i32
        %dma_wait3A_1715 = tpu.memref_slice %arg4[%select_n3A_1597, %dma_wait3A_1705, %rem3A_1599, %dma_wait3A_1713, %dma_wait3A_1714] : memref<200x8x32x8x128xf32, #tpu.memory_space<hbm>> -> memref<1x1x1x8x128xf32, #tpu.memory_space<hbm>>
        %dma_wait3A_1716 = tpu.memref_squeeze %dma_wait3A_1715 : memref<1x1x1x8x128xf32, #tpu.memory_space<hbm>> -> memref<8x128xf32, #tpu.memory_space<hbm>>
        %dma_wait3A_1717 = arith.constant 56 : i32
        %dma_wait3A_1718 = arith.constant 0 : i32
        %dma_wait3A_1719 = tpu.memref_slice %arg11[%dma_wait3A_1717, %dma_wait3A_1718] : memref<64x128xf32, #tpu.memory_space<vmem>> -> memref<8x128xf32, #tpu.memory_space<vmem>>
        tpu.wait_dma2 semaphore(%arg17 : memref<!tpu.dma_semaphore, #tpu.memory_space<semaphore_mem>>) src(%dma_wait3A_1719 : memref<8x128xf32, #tpu.memory_space<vmem>>) dst(%dma_wait3A_1716 : memref<8x128xf32, #tpu.memory_space<hbm>>)
      } else {
      }
      %get3A_619 = arith.index_cast %add3A_604 : i32 to index
      %get3A_620 = arith.constant 0 : index
      %get3A_621 = tpu.vector_load %arg5[%get3A_619, %get3A_620] {strides = array<i32>} : memref<200x128xi32, #tpu.memory_space<vmem>>, vector<16xi32>,
      %and3A_622 = arith.constant 1 : i32
      %and3A_623 = vector.broadcast %and3A_622 : i32 to vector<16xi32>
      %and3A_624 = arith.andi %get3A_621, %and3A_623 : vector<16xi32>
      %shift_left3A = arith.constant 6 : i32
      %shift_left3A_625 = vector.broadcast %shift_left3A : i32 to vector<16xi32>
      %shift_left3A_626 = arith.shli %and3A_624, %shift_left3A_625 : vector<16xi32>
      %get3A_627 = arith.index_cast %add3A_604 : i32 to index
      %get3A_628 = arith.constant 16 : index
      %get3A_629 = tpu.vector_load %arg5[%get3A_627, %get3A_628] {strides = array<i32>} : memref<200x128xi32, #tpu.memory_space<vmem>>, vector<16xi32>,
      %and3A_630 = arith.constant 1 : i32
      %and3A_631 = vector.broadcast %and3A_630 : i32 to vector<16xi32>
      %and3A_632 = arith.andi %get3A_629, %and3A_631 : vector<16xi32>
      %shift_left3A_633 = arith.constant 6 : i32
      %shift_left3A_634 = vector.broadcast %shift_left3A_633 : i32 to vector<16xi32>
      %shift_left3A_635 = arith.shli %and3A_632, %shift_left3A_634 : vector<16xi32>
      %get3A_636 = arith.index_cast %add3A_604 : i32 to index
      %get3A_637 = arith.constant 32 : index
      %get3A_638 = tpu.vector_load %arg5[%get3A_636, %get3A_637] {strides = array<i32>} : memref<200x128xi32, #tpu.memory_space<vmem>>, vector<16xi32>,
      %and3A_639 = arith.constant 1 : i32
      %and3A_640 = vector.broadcast %and3A_639 : i32 to vector<16xi32>
      %and3A_641 = arith.andi %get3A_638, %and3A_640 : vector<16xi32>
      %shift_left3A_642 = arith.constant 6 : i32
      %shift_left3A_643 = vector.broadcast %shift_left3A_642 : i32 to vector<16xi32>
      %shift_left3A_644 = arith.shli %and3A_641, %shift_left3A_643 : vector<16xi32>
      %get3A_645 = arith.index_cast %add3A_604 : i32 to index
      %get3A_646 = arith.constant 48 : index
      %get3A_647 = tpu.vector_load %arg5[%get3A_645, %get3A_646] {strides = array<i32>} : memref<200x128xi32, #tpu.memory_space<vmem>>, vector<16xi32>,
      %and3A_648 = arith.constant 1 : i32
      %and3A_649 = vector.broadcast %and3A_648 : i32 to vector<16xi32>
      %and3A_650 = arith.andi %get3A_647, %and3A_649 : vector<16xi32>
      %shift_left3A_651 = arith.constant 6 : i32
      %shift_left3A_652 = vector.broadcast %shift_left3A_651 : i32 to vector<16xi32>
      %shift_left3A_653 = arith.shli %and3A_650, %shift_left3A_652 : vector<16xi32>
      %get3A_654 = arith.index_cast %add3A_604 : i32 to index
      %get3A_655 = arith.constant 64 : index
      %get3A_656 = tpu.vector_load %arg5[%get3A_654, %get3A_655] {strides = array<i32>} : memref<200x128xi32, #tpu.memory_space<vmem>>, vector<16xi32>,
      %and3A_657 = arith.constant 1 : i32
      %and3A_658 = vector.broadcast %and3A_657 : i32 to vector<16xi32>
      %and3A_659 = arith.andi %get3A_656, %and3A_658 : vector<16xi32>
      %shift_left3A_660 = arith.constant 6 : i32
      %shift_left3A_661 = vector.broadcast %shift_left3A_660 : i32 to vector<16xi32>
      %shift_left3A_662 = arith.shli %and3A_659, %shift_left3A_661 : vector<16xi32>
      %get3A_663 = arith.index_cast %add3A_604 : i32 to index
      %get3A_664 = arith.constant 80 : index
      %get3A_665 = tpu.vector_load %arg5[%get3A_663, %get3A_664] {strides = array<i32>} : memref<200x128xi32, #tpu.memory_space<vmem>>, vector<16xi32>,
      %and3A_666 = arith.constant 1 : i32
      %and3A_667 = vector.broadcast %and3A_666 : i32 to vector<16xi32>
      %and3A_668 = arith.andi %get3A_665, %and3A_667 : vector<16xi32>
      %shift_left3A_669 = arith.constant 6 : i32
      %shift_left3A_670 = vector.broadcast %shift_left3A_669 : i32 to vector<16xi32>
      %shift_left3A_671 = arith.shli %and3A_668, %shift_left3A_670 : vector<16xi32>
      %get3A_672 = arith.index_cast %add3A_604 : i32 to index
      %get3A_673 = arith.constant 96 : index
      %get3A_674 = tpu.vector_load %arg5[%get3A_672, %get3A_673] {strides = array<i32>} : memref<200x128xi32, #tpu.memory_space<vmem>>, vector<16xi32>,
      %and3A_675 = arith.constant 1 : i32
      %and3A_676 = vector.broadcast %and3A_675 : i32 to vector<16xi32>
      %and3A_677 = arith.andi %get3A_674, %and3A_676 : vector<16xi32>
      %shift_left3A_678 = arith.constant 6 : i32
      %shift_left3A_679 = vector.broadcast %shift_left3A_678 : i32 to vector<16xi32>
      %shift_left3A_680 = arith.shli %and3A_677, %shift_left3A_679 : vector<16xi32>
      %get3A_681 = arith.index_cast %add3A_604 : i32 to index
      %get3A_682 = arith.constant 112 : index
      %get3A_683 = tpu.vector_load %arg5[%get3A_681, %get3A_682] {strides = array<i32>} : memref<200x128xi32, #tpu.memory_space<vmem>>, vector<16xi32>,
      %and3A_684 = arith.constant 1 : i32
      %and3A_685 = vector.broadcast %and3A_684 : i32 to vector<16xi32>
      %and3A_686 = arith.andi %get3A_683, %and3A_685 : vector<16xi32>
      %shift_left3A_687 = arith.constant 6 : i32
      %shift_left3A_688 = vector.broadcast %shift_left3A_687 : i32 to vector<16xi32>
      %shift_left3A_689 = arith.shli %and3A_686, %shift_left3A_688 : vector<16xi32>
      %parallel_loop3A = arith.constant 0 : i32
      %parallel_loop3A_690 = arith.constant 64 : i32
      %parallel_loop3A_691 = arith.constant 1 : i32
      scf.for %parallel_loop3A_1571 = %parallel_loop3A to %parallel_loop3A_690 step %parallel_loop3A_691  : i32 {
        %parallel_loop3A_1572 = vector.broadcast %parallel_loop3A_1571 : i32 to vector<16xi32>
        %parallel_loop3A_1573 = arith.addi %shift_left3A_626, %parallel_loop3A_1572 : vector<16xi32>
        %parallel_loop3A_1574 = tpu.vector_load_idx %arg7[%add3A_5, %parallel_loop3A_1573] : memref<128x128xf32, #tpu.memory_space<vmem>>[vector<16xi32>, vector<16xi32>], vector<16xf32>,
        %parallel_loop3A_1575 = arith.index_cast %parallel_loop3A_1571 : i32 to index
        %parallel_loop3A_1576 = arith.constant 0 : index
        %parallel_loop3A_1577 = tpu.vector_load %arg11[%parallel_loop3A_1575, %parallel_loop3A_1576] {strides = array<i32>} : memref<64x128xf32, #tpu.memory_space<vmem>>, vector<16xf32>,
        tpu.vector_store %arg11[%parallel_loop3A_1575, %parallel_loop3A_1576], %parallel_loop3A_1574 {strides = array<i32>} : memref<64x128xf32, #tpu.memory_space<vmem>>, vector<16xf32>,
        %parallel_loop3A_1578 = vector.broadcast %parallel_loop3A_1571 : i32 to vector<16xi32>
        %parallel_loop3A_1579 = arith.addi %shift_left3A_635, %parallel_loop3A_1578 : vector<16xi32>
        %parallel_loop3A_1580 = tpu.vector_load_idx %arg7[%add3A_8, %parallel_loop3A_1579] : memref<128x128xf32, #tpu.memory_space<vmem>>[vector<16xi32>, vector<16xi32>], vector<16xf32>,
        %parallel_loop3A_1581 = arith.index_cast %parallel_loop3A_1571 : i32 to index
        %parallel_loop3A_1582 = arith.constant 16 : index
        %parallel_loop3A_1583 = tpu.vector_load %arg11[%parallel_loop3A_1581, %parallel_loop3A_1582] {strides = array<i32>} : memref<64x128xf32, #tpu.memory_space<vmem>>, vector<16xf32>,
        tpu.vector_store %arg11[%parallel_loop3A_1581, %parallel_loop3A_1582], %parallel_loop3A_1580 {strides = array<i32>} : memref<64x128xf32, #tpu.memory_space<vmem>>, vector<16xf32>,
        %parallel_loop3A_1584 = vector.broadcast %parallel_loop3A_1571 : i32 to vector<16xi32>
        %parallel_loop3A_1585 = arith.addi %shift_left3A_644, %parallel_loop3A_1584 : vector<16xi32>
        %parallel_loop3A_1586 = tpu.vector_load_idx %arg7[%add3A_11, %parallel_loop3A_1585] : memref<128x128xf32, #tpu.memory_space<vmem>>[vector<16xi32>, vector<16xi32>], vector<16xf32>,
        %parallel_loop3A_1587 = arith.index_cast %parallel_loop3A_1571 : i32 to index
        %parallel_loop3A_1588 = arith.constant 32 : index
        %parallel_loop3A_1589 = tpu.vector_load %arg11[%parallel_loop3A_1587, %parallel_loop3A_1588] {strides = array<i32>} : memref<64x128xf32, #tpu.memory_space<vmem>>, vector<16xf32>,
        tpu.vector_store %arg11[%parallel_loop3A_1587, %parallel_loop3A_1588], %parallel_loop3A_1586 {strides = array<i32>} : memref<64x128xf32, #tpu.memory_space<vmem>>, vector<16xf32>,
        %parallel_loop3A_1590 = vector.broadcast %parallel_loop3A_1571 : i32 to vector<16xi32>
        %parallel_loop3A_1591 = arith.addi %shift_left3A_653, %parallel_loop3A_1590 : vector<16xi32>
        %parallel_loop3A_1592 = tpu.vector_load_idx %arg7[%add3A_14, %parallel_loop3A_1591] : memref<128x128xf32, #tpu.memory_space<vmem>>[vector<16xi32>, vector<16xi32>], vector<16xf32>,
        %parallel_loop3A_1593 = arith.index_cast %parallel_loop3A_1571 : i32 to index
        %parallel_loop3A_1594 = arith.constant 48 : index
        %parallel_loop3A_1595 = tpu.vector_load %arg11[%parallel_loop3A_1593, %parallel_loop3A_1594] {strides = array<i32>} : memref<64x128xf32, #tpu.memory_space<vmem>>, vector<16xf32>,
        tpu.vector_store %arg11[%parallel_loop3A_1593, %parallel_loop3A_1594], %parallel_loop3A_1592 {strides = array<i32>} : memref<64x128xf32, #tpu.memory_space<vmem>>, vector<16xf32>,
        %parallel_loop3A_1596 = vector.broadcast %parallel_loop3A_1571 : i32 to vector<16xi32>
        %parallel_loop3A_1597 = arith.addi %shift_left3A_662, %parallel_loop3A_1596 : vector<16xi32>
        %parallel_loop3A_1598 = tpu.vector_load_idx %arg7[%add3A_17, %parallel_loop3A_1597] : memref<128x128xf32, #tpu.memory_space<vmem>>[vector<16xi32>, vector<16xi32>], vector<16xf32>,
        %parallel_loop3A_1599 = arith.index_cast %parallel_loop3A_1571 : i32 to index
        %parallel_loop3A_1600 = arith.constant 64 : index
        %parallel_loop3A_1601 = tpu.vector_load %arg11[%parallel_loop3A_1599, %parallel_loop3A_1600] {strides = array<i32>} : memref<64x128xf32, #tpu.memory_space<vmem>>, vector<16xf32>,
        tpu.vector_store %arg11[%parallel_loop3A_1599, %parallel_loop3A_1600], %parallel_loop3A_1598 {strides = array<i32>} : memref<64x128xf32, #tpu.memory_space<vmem>>, vector<16xf32>,
        %parallel_loop3A_1602 = vector.broadcast %parallel_loop3A_1571 : i32 to vector<16xi32>
        %parallel_loop3A_1603 = arith.addi %shift_left3A_671, %parallel_loop3A_1602 : vector<16xi32>
        %parallel_loop3A_1604 = tpu.vector_load_idx %arg7[%add3A_20, %parallel_loop3A_1603] : memref<128x128xf32, #tpu.memory_space<vmem>>[vector<16xi32>, vector<16xi32>], vector<16xf32>,
        %parallel_loop3A_1605 = arith.index_cast %parallel_loop3A_1571 : i32 to index
        %parallel_loop3A_1606 = arith.constant 80 : index
        %parallel_loop3A_1607 = tpu.vector_load %arg11[%parallel_loop3A_1605, %parallel_loop3A_1606] {strides = array<i32>} : memref<64x128xf32, #tpu.memory_space<vmem>>, vector<16xf32>,
        tpu.vector_store %arg11[%parallel_loop3A_1605, %parallel_loop3A_1606], %parallel_loop3A_1604 {strides = array<i32>} : memref<64x128xf32, #tpu.memory_space<vmem>>, vector<16xf32>,
        %parallel_loop3A_1608 = vector.broadcast %parallel_loop3A_1571 : i32 to vector<16xi32>
        %parallel_loop3A_1609 = arith.addi %shift_left3A_680, %parallel_loop3A_1608 : vector<16xi32>
        %parallel_loop3A_1610 = tpu.vector_load_idx %arg7[%add3A_23, %parallel_loop3A_1609] : memref<128x128xf32, #tpu.memory_space<vmem>>[vector<16xi32>, vector<16xi32>], vector<16xf32>,
        %parallel_loop3A_1611 = arith.index_cast %parallel_loop3A_1571 : i32 to index
        %parallel_loop3A_1612 = arith.constant 96 : index
        %parallel_loop3A_1613 = tpu.vector_load %arg11[%parallel_loop3A_1611, %parallel_loop3A_1612] {strides = array<i32>} : memref<64x128xf32, #tpu.memory_space<vmem>>, vector<16xf32>,
        tpu.vector_store %arg11[%parallel_loop3A_1611, %parallel_loop3A_1612], %parallel_loop3A_1610 {strides = array<i32>} : memref<64x128xf32, #tpu.memory_space<vmem>>, vector<16xf32>,
        %parallel_loop3A_1614 = vector.broadcast %parallel_loop3A_1571 : i32 to vector<16xi32>
        %parallel_loop3A_1615 = arith.addi %shift_left3A_689, %parallel_loop3A_1614 : vector<16xi32>
        %parallel_loop3A_1616 = tpu.vector_load_idx %arg7[%add3A_26, %parallel_loop3A_1615] : memref<128x128xf32, #tpu.memory_space<vmem>>[vector<16xi32>, vector<16xi32>], vector<16xf32>,
        %parallel_loop3A_1617 = arith.index_cast %parallel_loop3A_1571 : i32 to index
        %parallel_loop3A_1618 = arith.constant 112 : index
        %parallel_loop3A_1619 = tpu.vector_load %arg11[%parallel_loop3A_1617, %parallel_loop3A_1618] {strides = array<i32>} : memref<64x128xf32, #tpu.memory_space<vmem>>, vector<16xf32>,
        tpu.vector_store %arg11[%parallel_loop3A_1617, %parallel_loop3A_1618], %parallel_loop3A_1616 {strides = array<i32>} : memref<64x128xf32, #tpu.memory_space<vmem>>, vector<16xf32>,
      } {sc.loop_unroll_factor = 4 : i64, sc.parallel_access}
      %add3A_692 = arith.addi %mul3A_2, %add3A_604 : i32
      %jit3A_693 = arith.constant 32 : i32
      %div3A_694 = arith.divsi %add3A_692, %jit3A_693 : i32
      %sign3A_695 = arith.constant 0 : i32
      %sign3A_696 = arith.cmpi sgt, %add3A_692, %sign3A_695 : i32
      %sign3A_697 = arith.extui %sign3A_696 : i1 to i32
      %sign3A_698 = arith.constant 0 : i32
      %sign3A_699 = arith.cmpi slt, %add3A_692, %sign3A_698 : i32
      %sign3A_700 = arith.extui %sign3A_699 : i1 to i32
      %sign3A_701 = arith.subi %sign3A_697, %sign3A_700 : i32
      %sign3A_702 = arith.constant 0 : i32
      %sign3A_703 = arith.cmpi sgt, %jit3A_693, %sign3A_702 : i32
      %sign3A_704 = arith.extui %sign3A_703 : i1 to i32
      %sign3A_705 = arith.constant 0 : i32
      %sign3A_706 = arith.cmpi slt, %jit3A_693, %sign3A_705 : i32
      %sign3A_707 = arith.extui %sign3A_706 : i1 to i32
      %sign3A_708 = arith.subi %sign3A_704, %sign3A_707 : i32
      %ne3A_709 = arith.cmpi ne, %sign3A_701, %sign3A_708 : i32
      %rem3A_710 = arith.remsi %add3A_692, %jit3A_693 : i32
      %ne3A_711 = arith.constant 0 : i32
      %ne3A_712 = arith.cmpi ne, %rem3A_710, %ne3A_711 : i32
      %and3A_713 = arith.andi %ne3A_709, %ne3A_712 : i1
      %sub3A_714 = arith.constant 1 : i32
      %sub3A_715 = arith.subi %div3A_694, %sub3A_714 : i32
      %select_n3A_716 = arith.select %and3A_713, %sub3A_715, %div3A_694 : i32
      %rem3A_717 = arith.constant 32 : i32
      %rem3A_718 = arith.remsi %add3A_692, %rem3A_717 : i32
      %dma_start3A_719 = arith.constant 0 : i32
      %dma_start3A_720 = arith.constant 0 : i32
      %dma_start3A_721 = arith.constant 0 : i32
      %dma_start3A_722 = tpu.memref_slice %arg11[%dma_start3A_720, %dma_start3A_721] : memref<64x128xf32, #tpu.memory_space<vmem>> -> memref<8x128xf32, #tpu.memory_space<vmem>>
      %dma_start3A_723 = arith.constant 0 : i32
      %dma_start3A_724 = arith.constant 0 : i32
      %dma_start3A_725 = tpu.memref_slice %arg4[%select_n3A_716, %dma_start3A_719, %rem3A_718, %dma_start3A_723, %dma_start3A_724] : memref<200x8x32x8x128xf32, #tpu.memory_space<hbm>> -> memref<1x1x1x8x128xf32, #tpu.memory_space<hbm>>
      %dma_start3A_726 = tpu.memref_squeeze %dma_start3A_725 : memref<1x1x1x8x128xf32, #tpu.memory_space<hbm>> -> memref<8x128xf32, #tpu.memory_space<hbm>>
      %dma_start3A_727 = arith.constant 0 : i32
      %dma_start3A_728 = arith.constant 0 : i32
      %dma_start3A_729 = tpu.memref_slice %arg4[%select_n3A_716, %dma_start3A_719, %rem3A_718, %dma_start3A_727, %dma_start3A_728] : memref<200x8x32x8x128xf32, #tpu.memory_space<hbm>> -> memref<1x1x1x8x128xf32, #tpu.memory_space<hbm>>
      %dma_start3A_730 = tpu.memref_squeeze %dma_start3A_729 : memref<1x1x1x8x128xf32, #tpu.memory_space<hbm>> -> memref<8x128xf32, #tpu.memory_space<hbm>>
      %dma_start3A_731 = arith.constant 0 : i32
      %dma_start3A_732 = arith.constant 0 : i32
      %dma_start3A_733 = tpu.memref_slice %arg11[%dma_start3A_731, %dma_start3A_732] : memref<64x128xf32, #tpu.memory_space<vmem>> -> memref<8x128xf32, #tpu.memory_space<vmem>>
      tpu.enqueue_dma source(%dma_start3A_733 : memref<8x128xf32, #tpu.memory_space<vmem>>) target(%dma_start3A_730 : memref<8x128xf32, #tpu.memory_space<hbm>>) target_semaphore(%arg17 : memref<!tpu.dma_semaphore, #tpu.memory_space<semaphore_mem>>)
      %dma_start3A_734 = arith.constant 1 : i32
      %dma_start3A_735 = arith.constant 8 : i32
      %dma_start3A_736 = arith.constant 0 : i32
      %dma_start3A_737 = tpu.memref_slice %arg11[%dma_start3A_735, %dma_start3A_736] : memref<64x128xf32, #tpu.memory_space<vmem>> -> memref<8x128xf32, #tpu.memory_space<vmem>>
      %dma_start3A_738 = arith.constant 0 : i32
      %dma_start3A_739 = arith.constant 0 : i32
      %dma_start3A_740 = tpu.memref_slice %arg4[%select_n3A_716, %dma_start3A_734, %rem3A_718, %dma_start3A_738, %dma_start3A_739] : memref<200x8x32x8x128xf32, #tpu.memory_space<hbm>> -> memref<1x1x1x8x128xf32, #tpu.memory_space<hbm>>
      %dma_start3A_741 = tpu.memref_squeeze %dma_start3A_740 : memref<1x1x1x8x128xf32, #tpu.memory_space<hbm>> -> memref<8x128xf32, #tpu.memory_space<hbm>>
      %dma_start3A_742 = arith.constant 0 : i32
      %dma_start3A_743 = arith.constant 0 : i32
      %dma_start3A_744 = tpu.memref_slice %arg4[%select_n3A_716, %dma_start3A_734, %rem3A_718, %dma_start3A_742, %dma_start3A_743] : memref<200x8x32x8x128xf32, #tpu.memory_space<hbm>> -> memref<1x1x1x8x128xf32, #tpu.memory_space<hbm>>
      %dma_start3A_745 = tpu.memref_squeeze %dma_start3A_744 : memref<1x1x1x8x128xf32, #tpu.memory_space<hbm>> -> memref<8x128xf32, #tpu.memory_space<hbm>>
      %dma_start3A_746 = arith.constant 8 : i32
      %dma_start3A_747 = arith.constant 0 : i32
      %dma_start3A_748 = tpu.memref_slice %arg11[%dma_start3A_746, %dma_start3A_747] : memref<64x128xf32, #tpu.memory_space<vmem>> -> memref<8x128xf32, #tpu.memory_space<vmem>>
      tpu.enqueue_dma source(%dma_start3A_748 : memref<8x128xf32, #tpu.memory_space<vmem>>) target(%dma_start3A_745 : memref<8x128xf32, #tpu.memory_space<hbm>>) target_semaphore(%arg17 : memref<!tpu.dma_semaphore, #tpu.memory_space<semaphore_mem>>)
      %dma_start3A_749 = arith.constant 2 : i32
      %dma_start3A_750 = arith.constant 16 : i32
      %dma_start3A_751 = arith.constant 0 : i32
      %dma_start3A_752 = tpu.memref_slice %arg11[%dma_start3A_750, %dma_start3A_751] : memref<64x128xf32, #tpu.memory_space<vmem>> -> memref<8x128xf32, #tpu.memory_space<vmem>>
      %dma_start3A_753 = arith.constant 0 : i32
      %dma_start3A_754 = arith.constant 0 : i32
      %dma_start3A_755 = tpu.memref_slice %arg4[%select_n3A_716, %dma_start3A_749, %rem3A_718, %dma_start3A_753, %dma_start3A_754] : memref<200x8x32x8x128xf32, #tpu.memory_space<hbm>> -> memref<1x1x1x8x128xf32, #tpu.memory_space<hbm>>
      %dma_start3A_756 = tpu.memref_squeeze %dma_start3A_755 : memref<1x1x1x8x128xf32, #tpu.memory_space<hbm>> -> memref<8x128xf32, #tpu.memory_space<hbm>>
      %dma_start3A_757 = arith.constant 0 : i32
      %dma_start3A_758 = arith.constant 0 : i32
      %dma_start3A_759 = tpu.memref_slice %arg4[%select_n3A_716, %dma_start3A_749, %rem3A_718, %dma_start3A_757, %dma_start3A_758] : memref<200x8x32x8x128xf32, #tpu.memory_space<hbm>> -> memref<1x1x1x8x128xf32, #tpu.memory_space<hbm>>
      %dma_start3A_760 = tpu.memref_squeeze %dma_start3A_759 : memref<1x1x1x8x128xf32, #tpu.memory_space<hbm>> -> memref<8x128xf32, #tpu.memory_space<hbm>>
      %dma_start3A_761 = arith.constant 16 : i32
      %dma_start3A_762 = arith.constant 0 : i32
      %dma_start3A_763 = tpu.memref_slice %arg11[%dma_start3A_761, %dma_start3A_762] : memref<64x128xf32, #tpu.memory_space<vmem>> -> memref<8x128xf32, #tpu.memory_space<vmem>>
      tpu.enqueue_dma source(%dma_start3A_763 : memref<8x128xf32, #tpu.memory_space<vmem>>) target(%dma_start3A_760 : memref<8x128xf32, #tpu.memory_space<hbm>>) target_semaphore(%arg17 : memref<!tpu.dma_semaphore, #tpu.memory_space<semaphore_mem>>)
      %dma_start3A_764 = arith.constant 3 : i32
      %dma_start3A_765 = arith.constant 24 : i32
      %dma_start3A_766 = arith.constant 0 : i32
      %dma_start3A_767 = tpu.memref_slice %arg11[%dma_start3A_765, %dma_start3A_766] : memref<64x128xf32, #tpu.memory_space<vmem>> -> memref<8x128xf32, #tpu.memory_space<vmem>>
      %dma_start3A_768 = arith.constant 0 : i32
      %dma_start3A_769 = arith.constant 0 : i32
      %dma_start3A_770 = tpu.memref_slice %arg4[%select_n3A_716, %dma_start3A_764, %rem3A_718, %dma_start3A_768, %dma_start3A_769] : memref<200x8x32x8x128xf32, #tpu.memory_space<hbm>> -> memref<1x1x1x8x128xf32, #tpu.memory_space<hbm>>
      %dma_start3A_771 = tpu.memref_squeeze %dma_start3A_770 : memref<1x1x1x8x128xf32, #tpu.memory_space<hbm>> -> memref<8x128xf32, #tpu.memory_space<hbm>>
      %dma_start3A_772 = arith.constant 0 : i32
      %dma_start3A_773 = arith.constant 0 : i32
      %dma_start3A_774 = tpu.memref_slice %arg4[%select_n3A_716, %dma_start3A_764, %rem3A_718, %dma_start3A_772, %dma_start3A_773] : memref<200x8x32x8x128xf32, #tpu.memory_space<hbm>> -> memref<1x1x1x8x128xf32, #tpu.memory_space<hbm>>
      %dma_start3A_775 = tpu.memref_squeeze %dma_start3A_774 : memref<1x1x1x8x128xf32, #tpu.memory_space<hbm>> -> memref<8x128xf32, #tpu.memory_space<hbm>>
      %dma_start3A_776 = arith.constant 24 : i32
      %dma_start3A_777 = arith.constant 0 : i32
      %dma_start3A_778 = tpu.memref_slice %arg11[%dma_start3A_776, %dma_start3A_777] : memref<64x128xf32, #tpu.memory_space<vmem>> -> memref<8x128xf32, #tpu.memory_space<vmem>>
      tpu.enqueue_dma source(%dma_start3A_778 : memref<8x128xf32, #tpu.memory_space<vmem>>) target(%dma_start3A_775 : memref<8x128xf32, #tpu.memory_space<hbm>>) target_semaphore(%arg17 : memref<!tpu.dma_semaphore, #tpu.memory_space<semaphore_mem>>)
      %dma_start3A_779 = arith.constant 4 : i32
      %dma_start3A_780 = arith.constant 32 : i32
      %dma_start3A_781 = arith.constant 0 : i32
      %dma_start3A_782 = tpu.memref_slice %arg11[%dma_start3A_780, %dma_start3A_781] : memref<64x128xf32, #tpu.memory_space<vmem>> -> memref<8x128xf32, #tpu.memory_space<vmem>>
      %dma_start3A_783 = arith.constant 0 : i32
      %dma_start3A_784 = arith.constant 0 : i32
      %dma_start3A_785 = tpu.memref_slice %arg4[%select_n3A_716, %dma_start3A_779, %rem3A_718, %dma_start3A_783, %dma_start3A_784] : memref<200x8x32x8x128xf32, #tpu.memory_space<hbm>> -> memref<1x1x1x8x128xf32, #tpu.memory_space<hbm>>
      %dma_start3A_786 = tpu.memref_squeeze %dma_start3A_785 : memref<1x1x1x8x128xf32, #tpu.memory_space<hbm>> -> memref<8x128xf32, #tpu.memory_space<hbm>>
      %dma_start3A_787 = arith.constant 0 : i32
      %dma_start3A_788 = arith.constant 0 : i32
      %dma_start3A_789 = tpu.memref_slice %arg4[%select_n3A_716, %dma_start3A_779, %rem3A_718, %dma_start3A_787, %dma_start3A_788] : memref<200x8x32x8x128xf32, #tpu.memory_space<hbm>> -> memref<1x1x1x8x128xf32, #tpu.memory_space<hbm>>
      %dma_start3A_790 = tpu.memref_squeeze %dma_start3A_789 : memref<1x1x1x8x128xf32, #tpu.memory_space<hbm>> -> memref<8x128xf32, #tpu.memory_space<hbm>>
      %dma_start3A_791 = arith.constant 32 : i32
      %dma_start3A_792 = arith.constant 0 : i32
      %dma_start3A_793 = tpu.memref_slice %arg11[%dma_start3A_791, %dma_start3A_792] : memref<64x128xf32, #tpu.memory_space<vmem>> -> memref<8x128xf32, #tpu.memory_space<vmem>>
      tpu.enqueue_dma source(%dma_start3A_793 : memref<8x128xf32, #tpu.memory_space<vmem>>) target(%dma_start3A_790 : memref<8x128xf32, #tpu.memory_space<hbm>>) target_semaphore(%arg17 : memref<!tpu.dma_semaphore, #tpu.memory_space<semaphore_mem>>)
      %dma_start3A_794 = arith.constant 5 : i32
      %dma_start3A_795 = arith.constant 40 : i32
      %dma_start3A_796 = arith.constant 0 : i32
      %dma_start3A_797 = tpu.memref_slice %arg11[%dma_start3A_795, %dma_start3A_796] : memref<64x128xf32, #tpu.memory_space<vmem>> -> memref<8x128xf32, #tpu.memory_space<vmem>>
      %dma_start3A_798 = arith.constant 0 : i32
      %dma_start3A_799 = arith.constant 0 : i32
      %dma_start3A_800 = tpu.memref_slice %arg4[%select_n3A_716, %dma_start3A_794, %rem3A_718, %dma_start3A_798, %dma_start3A_799] : memref<200x8x32x8x128xf32, #tpu.memory_space<hbm>> -> memref<1x1x1x8x128xf32, #tpu.memory_space<hbm>>
      %dma_start3A_801 = tpu.memref_squeeze %dma_start3A_800 : memref<1x1x1x8x128xf32, #tpu.memory_space<hbm>> -> memref<8x128xf32, #tpu.memory_space<hbm>>
      %dma_start3A_802 = arith.constant 0 : i32
      %dma_start3A_803 = arith.constant 0 : i32
      %dma_start3A_804 = tpu.memref_slice %arg4[%select_n3A_716, %dma_start3A_794, %rem3A_718, %dma_start3A_802, %dma_start3A_803] : memref<200x8x32x8x128xf32, #tpu.memory_space<hbm>> -> memref<1x1x1x8x128xf32, #tpu.memory_space<hbm>>
      %dma_start3A_805 = tpu.memref_squeeze %dma_start3A_804 : memref<1x1x1x8x128xf32, #tpu.memory_space<hbm>> -> memref<8x128xf32, #tpu.memory_space<hbm>>
      %dma_start3A_806 = arith.constant 40 : i32
      %dma_start3A_807 = arith.constant 0 : i32
      %dma_start3A_808 = tpu.memref_slice %arg11[%dma_start3A_806, %dma_start3A_807] : memref<64x128xf32, #tpu.memory_space<vmem>> -> memref<8x128xf32, #tpu.memory_space<vmem>>
      tpu.enqueue_dma source(%dma_start3A_808 : memref<8x128xf32, #tpu.memory_space<vmem>>) target(%dma_start3A_805 : memref<8x128xf32, #tpu.memory_space<hbm>>) target_semaphore(%arg17 : memref<!tpu.dma_semaphore, #tpu.memory_space<semaphore_mem>>)
      %dma_start3A_809 = arith.constant 6 : i32
      %dma_start3A_810 = arith.constant 48 : i32
      %dma_start3A_811 = arith.constant 0 : i32
      %dma_start3A_812 = tpu.memref_slice %arg11[%dma_start3A_810, %dma_start3A_811] : memref<64x128xf32, #tpu.memory_space<vmem>> -> memref<8x128xf32, #tpu.memory_space<vmem>>
      %dma_start3A_813 = arith.constant 0 : i32
      %dma_start3A_814 = arith.constant 0 : i32
      %dma_start3A_815 = tpu.memref_slice %arg4[%select_n3A_716, %dma_start3A_809, %rem3A_718, %dma_start3A_813, %dma_start3A_814] : memref<200x8x32x8x128xf32, #tpu.memory_space<hbm>> -> memref<1x1x1x8x128xf32, #tpu.memory_space<hbm>>
      %dma_start3A_816 = tpu.memref_squeeze %dma_start3A_815 : memref<1x1x1x8x128xf32, #tpu.memory_space<hbm>> -> memref<8x128xf32, #tpu.memory_space<hbm>>
      %dma_start3A_817 = arith.constant 0 : i32
      %dma_start3A_818 = arith.constant 0 : i32
      %dma_start3A_819 = tpu.memref_slice %arg4[%select_n3A_716, %dma_start3A_809, %rem3A_718, %dma_start3A_817, %dma_start3A_818] : memref<200x8x32x8x128xf32, #tpu.memory_space<hbm>> -> memref<1x1x1x8x128xf32, #tpu.memory_space<hbm>>
      %dma_start3A_820 = tpu.memref_squeeze %dma_start3A_819 : memref<1x1x1x8x128xf32, #tpu.memory_space<hbm>> -> memref<8x128xf32, #tpu.memory_space<hbm>>
      %dma_start3A_821 = arith.constant 48 : i32
      %dma_start3A_822 = arith.constant 0 : i32
      %dma_start3A_823 = tpu.memref_slice %arg11[%dma_start3A_821, %dma_start3A_822] : memref<64x128xf32, #tpu.memory_space<vmem>> -> memref<8x128xf32, #tpu.memory_space<vmem>>
      tpu.enqueue_dma source(%dma_start3A_823 : memref<8x128xf32, #tpu.memory_space<vmem>>) target(%dma_start3A_820 : memref<8x128xf32, #tpu.memory_space<hbm>>) target_semaphore(%arg17 : memref<!tpu.dma_semaphore, #tpu.memory_space<semaphore_mem>>)
      %dma_start3A_824 = arith.constant 7 : i32
      %dma_start3A_825 = arith.constant 56 : i32
      %dma_start3A_826 = arith.constant 0 : i32
      %dma_start3A_827 = tpu.memref_slice %arg11[%dma_start3A_825, %dma_start3A_826] : memref<64x128xf32, #tpu.memory_space<vmem>> -> memref<8x128xf32, #tpu.memory_space<vmem>>
      %dma_start3A_828 = arith.constant 0 : i32
      %dma_start3A_829 = arith.constant 0 : i32
      %dma_start3A_830 = tpu.memref_slice %arg4[%select_n3A_716, %dma_start3A_824, %rem3A_718, %dma_start3A_828, %dma_start3A_829] : memref<200x8x32x8x128xf32, #tpu.memory_space<hbm>> -> memref<1x1x1x8x128xf32, #tpu.memory_space<hbm>>
      %dma_start3A_831 = tpu.memref_squeeze %dma_start3A_830 : memref<1x1x1x8x128xf32, #tpu.memory_space<hbm>> -> memref<8x128xf32, #tpu.memory_space<hbm>>
      %dma_start3A_832 = arith.constant 0 : i32
      %dma_start3A_833 = arith.constant 0 : i32
      %dma_start3A_834 = tpu.memref_slice %arg4[%select_n3A_716, %dma_start3A_824, %rem3A_718, %dma_start3A_832, %dma_start3A_833] : memref<200x8x32x8x128xf32, #tpu.memory_space<hbm>> -> memref<1x1x1x8x128xf32, #tpu.memory_space<hbm>>
      %dma_start3A_835 = tpu.memref_squeeze %dma_start3A_834 : memref<1x1x1x8x128xf32, #tpu.memory_space<hbm>> -> memref<8x128xf32, #tpu.memory_space<hbm>>
      %dma_start3A_836 = arith.constant 56 : i32
      %dma_start3A_837 = arith.constant 0 : i32
      %dma_start3A_838 = tpu.memref_slice %arg11[%dma_start3A_836, %dma_start3A_837] : memref<64x128xf32, #tpu.memory_space<vmem>> -> memref<8x128xf32, #tpu.memory_space<vmem>>
      tpu.enqueue_dma source(%dma_start3A_838 : memref<8x128xf32, #tpu.memory_space<vmem>>) target(%dma_start3A_835 : memref<8x128xf32, #tpu.memory_space<hbm>>) target_semaphore(%arg17 : memref<!tpu.dma_semaphore, #tpu.memory_space<semaphore_mem>>)
      %mul3A_839 = arith.constant 4 : i32
      %mul3A_840 = arith.muli %scan3A_600, %mul3A_839 : i32
      %add3A_841 = arith.constant 1 : i32
      %add3A_842 = arith.addi %mul3A_840, %add3A_841 : i32
      %add3A_843 = arith.constant 3 : i32
      %add3A_844 = arith.addi %add3A_842, %add3A_843 : i32
      %lt3A_845 = arith.constant 200 : i32
      %lt3A_846 = arith.cmpi slt, %add3A_844, %lt3A_845 : i32
      %convert_element_type3A_847 = arith.extui %lt3A_846 : i1 to i32
      %cond3A_848 = arith.constant 0 : i32
      %cond3A_849 = arith.cmpi ne, %convert_element_type3A_847, %cond3A_848 : i32
      scf.if %cond3A_849 {
        %add3A_1571 = arith.constant 3 : i32
        %add3A_1572 = arith.addi %add3A_842, %add3A_1571 : i32
        %get3A_1573 = arith.index_cast %add3A_1572 : i32 to index
        %get3A_1574 = arith.constant 0 : index
        %get3A_1575 = tpu.vector_load %arg5[%get3A_1573, %get3A_1574] {strides = array<i32>} : memref<200x128xi32, #tpu.memory_space<vmem>>, vector<16xi32>,
        %shift_right_logical3A_1576 = arith.constant 1 : i32
        %shift_right_logical3A_1577 = vector.broadcast %shift_right_logical3A_1576 : i32 to vector<16xi32>
        %shift_right_logical3A_1578 = arith.shrui %get3A_1575, %shift_right_logical3A_1577 : vector<16xi32>
        %swap3A_1579 = arith.constant 0 : i32
        %swap3A_1580 = arith.index_cast %swap3A_1579 : i32 to index
        %swap3A_1581 = arith.constant 0 : index
        %swap3A_1582 = tpu.vector_load %arg6[%swap3A_1580, %swap3A_1581] {strides = array<i32>} : memref<4x128xi32, #tpu.memory_space<vmem>>, vector<16xi32>,
        tpu.vector_store %arg6[%swap3A_1580, %swap3A_1581], %shift_right_logical3A_1578 {strides = array<i32>} : memref<4x128xi32, #tpu.memory_space<vmem>>, vector<16xi32>,
        %get3A_1583 = arith.index_cast %add3A_1572 : i32 to index
        %get3A_1584 = arith.constant 16 : index
        %get3A_1585 = tpu.vector_load %arg5[%get3A_1583, %get3A_1584] {strides = array<i32>} : memref<200x128xi32, #tpu.memory_space<vmem>>, vector<16xi32>,
        %shift_right_logical3A_1586 = arith.constant 1 : i32
        %shift_right_logical3A_1587 = vector.broadcast %shift_right_logical3A_1586 : i32 to vector<16xi32>
        %shift_right_logical3A_1588 = arith.shrui %get3A_1585, %shift_right_logical3A_1587 : vector<16xi32>
        %swap3A_1589 = arith.constant 0 : i32
        %swap3A_1590 = arith.index_cast %swap3A_1589 : i32 to index
        %swap3A_1591 = arith.constant 16 : index
        %swap3A_1592 = tpu.vector_load %arg6[%swap3A_1590, %swap3A_1591] {strides = array<i32>} : memref<4x128xi32, #tpu.memory_space<vmem>>, vector<16xi32>,
        tpu.vector_store %arg6[%swap3A_1590, %swap3A_1591], %shift_right_logical3A_1588 {strides = array<i32>} : memref<4x128xi32, #tpu.memory_space<vmem>>, vector<16xi32>,
        %get3A_1593 = arith.index_cast %add3A_1572 : i32 to index
        %get3A_1594 = arith.constant 32 : index
        %get3A_1595 = tpu.vector_load %arg5[%get3A_1593, %get3A_1594] {strides = array<i32>} : memref<200x128xi32, #tpu.memory_space<vmem>>, vector<16xi32>,
        %shift_right_logical3A_1596 = arith.constant 1 : i32
        %shift_right_logical3A_1597 = vector.broadcast %shift_right_logical3A_1596 : i32 to vector<16xi32>
        %shift_right_logical3A_1598 = arith.shrui %get3A_1595, %shift_right_logical3A_1597 : vector<16xi32>
        %swap3A_1599 = arith.constant 0 : i32
        %swap3A_1600 = arith.index_cast %swap3A_1599 : i32 to index
        %swap3A_1601 = arith.constant 32 : index
        %swap3A_1602 = tpu.vector_load %arg6[%swap3A_1600, %swap3A_1601] {strides = array<i32>} : memref<4x128xi32, #tpu.memory_space<vmem>>, vector<16xi32>,
        tpu.vector_store %arg6[%swap3A_1600, %swap3A_1601], %shift_right_logical3A_1598 {strides = array<i32>} : memref<4x128xi32, #tpu.memory_space<vmem>>, vector<16xi32>,
        %get3A_1603 = arith.index_cast %add3A_1572 : i32 to index
        %get3A_1604 = arith.constant 48 : index
        %get3A_1605 = tpu.vector_load %arg5[%get3A_1603, %get3A_1604] {strides = array<i32>} : memref<200x128xi32, #tpu.memory_space<vmem>>, vector<16xi32>,
        %shift_right_logical3A_1606 = arith.constant 1 : i32
        %shift_right_logical3A_1607 = vector.broadcast %shift_right_logical3A_1606 : i32 to vector<16xi32>
        %shift_right_logical3A_1608 = arith.shrui %get3A_1605, %shift_right_logical3A_1607 : vector<16xi32>
        %swap3A_1609 = arith.constant 0 : i32
        %swap3A_1610 = arith.index_cast %swap3A_1609 : i32 to index
        %swap3A_1611 = arith.constant 48 : index
        %swap3A_1612 = tpu.vector_load %arg6[%swap3A_1610, %swap3A_1611] {strides = array<i32>} : memref<4x128xi32, #tpu.memory_space<vmem>>, vector<16xi32>,
        tpu.vector_store %arg6[%swap3A_1610, %swap3A_1611], %shift_right_logical3A_1608 {strides = array<i32>} : memref<4x128xi32, #tpu.memory_space<vmem>>, vector<16xi32>,
        %get3A_1613 = arith.index_cast %add3A_1572 : i32 to index
        %get3A_1614 = arith.constant 64 : index
        %get3A_1615 = tpu.vector_load %arg5[%get3A_1613, %get3A_1614] {strides = array<i32>} : memref<200x128xi32, #tpu.memory_space<vmem>>, vector<16xi32>,
        %shift_right_logical3A_1616 = arith.constant 1 : i32
        %shift_right_logical3A_1617 = vector.broadcast %shift_right_logical3A_1616 : i32 to vector<16xi32>
        %shift_right_logical3A_1618 = arith.shrui %get3A_1615, %shift_right_logical3A_1617 : vector<16xi32>
        %swap3A_1619 = arith.constant 0 : i32
        %swap3A_1620 = arith.index_cast %swap3A_1619 : i32 to index
        %swap3A_1621 = arith.constant 64 : index
        %swap3A_1622 = tpu.vector_load %arg6[%swap3A_1620, %swap3A_1621] {strides = array<i32>} : memref<4x128xi32, #tpu.memory_space<vmem>>, vector<16xi32>,
        tpu.vector_store %arg6[%swap3A_1620, %swap3A_1621], %shift_right_logical3A_1618 {strides = array<i32>} : memref<4x128xi32, #tpu.memory_space<vmem>>, vector<16xi32>,
        %get3A_1623 = arith.index_cast %add3A_1572 : i32 to index
        %get3A_1624 = arith.constant 80 : index
        %get3A_1625 = tpu.vector_load %arg5[%get3A_1623, %get3A_1624] {strides = array<i32>} : memref<200x128xi32, #tpu.memory_space<vmem>>, vector<16xi32>,
        %shift_right_logical3A_1626 = arith.constant 1 : i32
        %shift_right_logical3A_1627 = vector.broadcast %shift_right_logical3A_1626 : i32 to vector<16xi32>
        %shift_right_logical3A_1628 = arith.shrui %get3A_1625, %shift_right_logical3A_1627 : vector<16xi32>
        %swap3A_1629 = arith.constant 0 : i32
        %swap3A_1630 = arith.index_cast %swap3A_1629 : i32 to index
        %swap3A_1631 = arith.constant 80 : index
        %swap3A_1632 = tpu.vector_load %arg6[%swap3A_1630, %swap3A_1631] {strides = array<i32>} : memref<4x128xi32, #tpu.memory_space<vmem>>, vector<16xi32>,
        tpu.vector_store %arg6[%swap3A_1630, %swap3A_1631], %shift_right_logical3A_1628 {strides = array<i32>} : memref<4x128xi32, #tpu.memory_space<vmem>>, vector<16xi32>,
        %get3A_1633 = arith.index_cast %add3A_1572 : i32 to index
        %get3A_1634 = arith.constant 96 : index
        %get3A_1635 = tpu.vector_load %arg5[%get3A_1633, %get3A_1634] {strides = array<i32>} : memref<200x128xi32, #tpu.memory_space<vmem>>, vector<16xi32>,
        %shift_right_logical3A_1636 = arith.constant 1 : i32
        %shift_right_logical3A_1637 = vector.broadcast %shift_right_logical3A_1636 : i32 to vector<16xi32>
        %shift_right_logical3A_1638 = arith.shrui %get3A_1635, %shift_right_logical3A_1637 : vector<16xi32>
        %swap3A_1639 = arith.constant 0 : i32
        %swap3A_1640 = arith.index_cast %swap3A_1639 : i32 to index
        %swap3A_1641 = arith.constant 96 : index
        %swap3A_1642 = tpu.vector_load %arg6[%swap3A_1640, %swap3A_1641] {strides = array<i32>} : memref<4x128xi32, #tpu.memory_space<vmem>>, vector<16xi32>,
        tpu.vector_store %arg6[%swap3A_1640, %swap3A_1641], %shift_right_logical3A_1638 {strides = array<i32>} : memref<4x128xi32, #tpu.memory_space<vmem>>, vector<16xi32>,
        %get3A_1643 = arith.index_cast %add3A_1572 : i32 to index
        %get3A_1644 = arith.constant 112 : index
        %get3A_1645 = tpu.vector_load %arg5[%get3A_1643, %get3A_1644] {strides = array<i32>} : memref<200x128xi32, #tpu.memory_space<vmem>>, vector<16xi32>,
        %shift_right_logical3A_1646 = arith.constant 1 : i32
        %shift_right_logical3A_1647 = vector.broadcast %shift_right_logical3A_1646 : i32 to vector<16xi32>
        %shift_right_logical3A_1648 = arith.shrui %get3A_1645, %shift_right_logical3A_1647 : vector<16xi32>
        %swap3A_1649 = arith.constant 0 : i32
        %swap3A_1650 = arith.index_cast %swap3A_1649 : i32 to index
        %swap3A_1651 = arith.constant 112 : index
        %swap3A_1652 = tpu.vector_load %arg6[%swap3A_1650, %swap3A_1651] {strides = array<i32>} : memref<4x128xi32, #tpu.memory_space<vmem>>, vector<16xi32>,
        tpu.vector_store %arg6[%swap3A_1650, %swap3A_1651], %shift_right_logical3A_1648 {strides = array<i32>} : memref<4x128xi32, #tpu.memory_space<vmem>>, vector<16xi32>,
        %dma_start3A_1653 = arith.constant 0 : i32
        %dma_start3A_1654 = arith.constant 0 : i32
        %dma_start3A_1655 = tpu.memref_slice %arg6[%dma_start3A_1653, %dma_start3A_1654] : memref<4x128xi32, #tpu.memory_space<vmem>> -> memref<1x128xi32, #tpu.memory_space<vmem>>
        %dma_start3A_1656 = tpu.memref_squeeze %dma_start3A_1655 : memref<1x128xi32, #tpu.memory_space<vmem>> -> memref<128xi32, #tpu.memory_space<vmem>>
        %dma_start3A_1657 = arith.constant 0 : i32
        %dma_start3A_1658 = arith.constant 0 : i32
        %dma_start3A_1659 = tpu.memref_slice %arg2[%dma_start3A_1657, %dma_start3A_1658] : memref<500000x128xf32, #tpu.memory_space<hbm>> -> memref<500000x128xf32, #tpu.memory_space<hbm>>
        tpu.enqueue_indirect_dma source(%dma_start3A_1659 : memref<500000x128xf32, #tpu.memory_space<hbm>>) target(%arg7 : memref<128x128xf32, #tpu.memory_space<vmem>>) offsets(%dma_start3A_1656 : memref<128xi32, #tpu.memory_space<vmem>>) semaphore(%arg13 : memref<!tpu.dma_semaphore, #tpu.memory_space<semaphore_mem>>)
      } else {
      }
      %dma_wait3A_850 = arith.constant 0 : i32
      %dma_wait3A_851 = arith.constant 0 : i32
      %dma_wait3A_852 = tpu.memref_slice %arg2[%dma_wait3A_850, %dma_wait3A_851] : memref<500000x128xf32, #tpu.memory_space<hbm>> -> memref<128x128xf32, #tpu.memory_space<hbm>>
      %dma_wait3A_853 = arith.constant 0 : i32
      %dma_wait3A_854 = arith.constant 0 : i32
      %dma_wait3A_855 = tpu.memref_slice %arg2[%dma_wait3A_853, %dma_wait3A_854] : memref<500000x128xf32, #tpu.memory_space<hbm>> -> memref<128x128xf32, #tpu.memory_space<hbm>>
      tpu.wait_dma2 semaphore(%arg14 : memref<!tpu.dma_semaphore, #tpu.memory_space<semaphore_mem>>) src(%dma_wait3A_855 : memref<128x128xf32, #tpu.memory_space<hbm>>) dst(%arg8 : memref<128x128xf32, #tpu.memory_space<vmem>>)
      %ge3A_856 = arith.constant 2 : i32
      %ge3A_857 = arith.cmpi sge, %add3A_842, %ge3A_856 : i32
      %convert_element_type3A_858 = arith.extui %ge3A_857 : i1 to i32
      %cond3A_859 = arith.constant 0 : i32
      %cond3A_860 = arith.cmpi ne, %convert_element_type3A_858, %cond3A_859 : i32
      scf.if %cond3A_860 {
        %sub3A_1571 = arith.constant 2 : i32
        %sub3A_1572 = arith.subi %add3A_842, %sub3A_1571 : i32
        %add3A_1573 = arith.addi %mul3A_2, %sub3A_1572 : i32
        %jit3A_1574 = arith.constant 32 : i32
        %div3A_1575 = arith.divsi %add3A_1573, %jit3A_1574 : i32
        %sign3A_1576 = arith.constant 0 : i32
        %sign3A_1577 = arith.cmpi sgt, %add3A_1573, %sign3A_1576 : i32
        %sign3A_1578 = arith.extui %sign3A_1577 : i1 to i32
        %sign3A_1579 = arith.constant 0 : i32
        %sign3A_1580 = arith.cmpi slt, %add3A_1573, %sign3A_1579 : i32
        %sign3A_1581 = arith.extui %sign3A_1580 : i1 to i32
        %sign3A_1582 = arith.subi %sign3A_1578, %sign3A_1581 : i32
        %sign3A_1583 = arith.constant 0 : i32
        %sign3A_1584 = arith.cmpi sgt, %jit3A_1574, %sign3A_1583 : i32
        %sign3A_1585 = arith.extui %sign3A_1584 : i1 to i32
        %sign3A_1586 = arith.constant 0 : i32
        %sign3A_1587 = arith.cmpi slt, %jit3A_1574, %sign3A_1586 : i32
        %sign3A_1588 = arith.extui %sign3A_1587 : i1 to i32
        %sign3A_1589 = arith.subi %sign3A_1585, %sign3A_1588 : i32
        %ne3A_1590 = arith.cmpi ne, %sign3A_1582, %sign3A_1589 : i32
        %rem3A_1591 = arith.remsi %add3A_1573, %jit3A_1574 : i32
        %ne3A_1592 = arith.constant 0 : i32
        %ne3A_1593 = arith.cmpi ne, %rem3A_1591, %ne3A_1592 : i32
        %and3A_1594 = arith.andi %ne3A_1590, %ne3A_1593 : i1
        %sub3A_1595 = arith.constant 1 : i32
        %sub3A_1596 = arith.subi %div3A_1575, %sub3A_1595 : i32
        %select_n3A_1597 = arith.select %and3A_1594, %sub3A_1596, %div3A_1575 : i32
        %rem3A_1598 = arith.constant 32 : i32
        %rem3A_1599 = arith.remsi %add3A_1573, %rem3A_1598 : i32
        %dma_wait3A_1600 = arith.constant 0 : i32
        %dma_wait3A_1601 = arith.constant 0 : i32
        %dma_wait3A_1602 = arith.constant 0 : i32
        %dma_wait3A_1603 = tpu.memref_slice %arg12[%dma_wait3A_1601, %dma_wait3A_1602] : memref<64x128xf32, #tpu.memory_space<vmem>> -> memref<8x128xf32, #tpu.memory_space<vmem>>
        %dma_wait3A_1604 = arith.constant 0 : i32
        %dma_wait3A_1605 = arith.constant 0 : i32
        %dma_wait3A_1606 = tpu.memref_slice %arg4[%select_n3A_1597, %dma_wait3A_1600, %rem3A_1599, %dma_wait3A_1604, %dma_wait3A_1605] : memref<200x8x32x8x128xf32, #tpu.memory_space<hbm>> -> memref<1x1x1x8x128xf32, #tpu.memory_space<hbm>>
        %dma_wait3A_1607 = tpu.memref_squeeze %dma_wait3A_1606 : memref<1x1x1x8x128xf32, #tpu.memory_space<hbm>> -> memref<8x128xf32, #tpu.memory_space<hbm>>
        %dma_wait3A_1608 = arith.constant 0 : i32
        %dma_wait3A_1609 = arith.constant 0 : i32
        %dma_wait3A_1610 = tpu.memref_slice %arg4[%select_n3A_1597, %dma_wait3A_1600, %rem3A_1599, %dma_wait3A_1608, %dma_wait3A_1609] : memref<200x8x32x8x128xf32, #tpu.memory_space<hbm>> -> memref<1x1x1x8x128xf32, #tpu.memory_space<hbm>>
        %dma_wait3A_1611 = tpu.memref_squeeze %dma_wait3A_1610 : memref<1x1x1x8x128xf32, #tpu.memory_space<hbm>> -> memref<8x128xf32, #tpu.memory_space<hbm>>
        %dma_wait3A_1612 = arith.constant 0 : i32
        %dma_wait3A_1613 = arith.constant 0 : i32
        %dma_wait3A_1614 = tpu.memref_slice %arg12[%dma_wait3A_1612, %dma_wait3A_1613] : memref<64x128xf32, #tpu.memory_space<vmem>> -> memref<8x128xf32, #tpu.memory_space<vmem>>
        tpu.wait_dma2 semaphore(%arg18 : memref<!tpu.dma_semaphore, #tpu.memory_space<semaphore_mem>>) src(%dma_wait3A_1614 : memref<8x128xf32, #tpu.memory_space<vmem>>) dst(%dma_wait3A_1611 : memref<8x128xf32, #tpu.memory_space<hbm>>)
        %dma_wait3A_1615 = arith.constant 1 : i32
        %dma_wait3A_1616 = arith.constant 8 : i32
        %dma_wait3A_1617 = arith.constant 0 : i32
        %dma_wait3A_1618 = tpu.memref_slice %arg12[%dma_wait3A_1616, %dma_wait3A_1617] : memref<64x128xf32, #tpu.memory_space<vmem>> -> memref<8x128xf32, #tpu.memory_space<vmem>>
        %dma_wait3A_1619 = arith.constant 0 : i32
        %dma_wait3A_1620 = arith.constant 0 : i32
        %dma_wait3A_1621 = tpu.memref_slice %arg4[%select_n3A_1597, %dma_wait3A_1615, %rem3A_1599, %dma_wait3A_1619, %dma_wait3A_1620] : memref<200x8x32x8x128xf32, #tpu.memory_space<hbm>> -> memref<1x1x1x8x128xf32, #tpu.memory_space<hbm>>
        %dma_wait3A_1622 = tpu.memref_squeeze %dma_wait3A_1621 : memref<1x1x1x8x128xf32, #tpu.memory_space<hbm>> -> memref<8x128xf32, #tpu.memory_space<hbm>>
        %dma_wait3A_1623 = arith.constant 0 : i32
        %dma_wait3A_1624 = arith.constant 0 : i32
        %dma_wait3A_1625 = tpu.memref_slice %arg4[%select_n3A_1597, %dma_wait3A_1615, %rem3A_1599, %dma_wait3A_1623, %dma_wait3A_1624] : memref<200x8x32x8x128xf32, #tpu.memory_space<hbm>> -> memref<1x1x1x8x128xf32, #tpu.memory_space<hbm>>
        %dma_wait3A_1626 = tpu.memref_squeeze %dma_wait3A_1625 : memref<1x1x1x8x128xf32, #tpu.memory_space<hbm>> -> memref<8x128xf32, #tpu.memory_space<hbm>>
        %dma_wait3A_1627 = arith.constant 8 : i32
        %dma_wait3A_1628 = arith.constant 0 : i32
        %dma_wait3A_1629 = tpu.memref_slice %arg12[%dma_wait3A_1627, %dma_wait3A_1628] : memref<64x128xf32, #tpu.memory_space<vmem>> -> memref<8x128xf32, #tpu.memory_space<vmem>>
        tpu.wait_dma2 semaphore(%arg18 : memref<!tpu.dma_semaphore, #tpu.memory_space<semaphore_mem>>) src(%dma_wait3A_1629 : memref<8x128xf32, #tpu.memory_space<vmem>>) dst(%dma_wait3A_1626 : memref<8x128xf32, #tpu.memory_space<hbm>>)
        %dma_wait3A_1630 = arith.constant 2 : i32
        %dma_wait3A_1631 = arith.constant 16 : i32
        %dma_wait3A_1632 = arith.constant 0 : i32
        %dma_wait3A_1633 = tpu.memref_slice %arg12[%dma_wait3A_1631, %dma_wait3A_1632] : memref<64x128xf32, #tpu.memory_space<vmem>> -> memref<8x128xf32, #tpu.memory_space<vmem>>
        %dma_wait3A_1634 = arith.constant 0 : i32
        %dma_wait3A_1635 = arith.constant 0 : i32
        %dma_wait3A_1636 = tpu.memref_slice %arg4[%select_n3A_1597, %dma_wait3A_1630, %rem3A_1599, %dma_wait3A_1634, %dma_wait3A_1635] : memref<200x8x32x8x128xf32, #tpu.memory_space<hbm>> -> memref<1x1x1x8x128xf32, #tpu.memory_space<hbm>>
        %dma_wait3A_1637 = tpu.memref_squeeze %dma_wait3A_1636 : memref<1x1x1x8x128xf32, #tpu.memory_space<hbm>> -> memref<8x128xf32, #tpu.memory_space<hbm>>
        %dma_wait3A_1638 = arith.constant 0 : i32
        %dma_wait3A_1639 = arith.constant 0 : i32
        %dma_wait3A_1640 = tpu.memref_slice %arg4[%select_n3A_1597, %dma_wait3A_1630, %rem3A_1599, %dma_wait3A_1638, %dma_wait3A_1639] : memref<200x8x32x8x128xf32, #tpu.memory_space<hbm>> -> memref<1x1x1x8x128xf32, #tpu.memory_space<hbm>>
        %dma_wait3A_1641 = tpu.memref_squeeze %dma_wait3A_1640 : memref<1x1x1x8x128xf32, #tpu.memory_space<hbm>> -> memref<8x128xf32, #tpu.memory_space<hbm>>
        %dma_wait3A_1642 = arith.constant 16 : i32
        %dma_wait3A_1643 = arith.constant 0 : i32
        %dma_wait3A_1644 = tpu.memref_slice %arg12[%dma_wait3A_1642, %dma_wait3A_1643] : memref<64x128xf32, #tpu.memory_space<vmem>> -> memref<8x128xf32, #tpu.memory_space<vmem>>
        tpu.wait_dma2 semaphore(%arg18 : memref<!tpu.dma_semaphore, #tpu.memory_space<semaphore_mem>>) src(%dma_wait3A_1644 : memref<8x128xf32, #tpu.memory_space<vmem>>) dst(%dma_wait3A_1641 : memref<8x128xf32, #tpu.memory_space<hbm>>)
        %dma_wait3A_1645 = arith.constant 3 : i32
        %dma_wait3A_1646 = arith.constant 24 : i32
        %dma_wait3A_1647 = arith.constant 0 : i32
        %dma_wait3A_1648 = tpu.memref_slice %arg12[%dma_wait3A_1646, %dma_wait3A_1647] : memref<64x128xf32, #tpu.memory_space<vmem>> -> memref<8x128xf32, #tpu.memory_space<vmem>>
        %dma_wait3A_1649 = arith.constant 0 : i32
        %dma_wait3A_1650 = arith.constant 0 : i32
        %dma_wait3A_1651 = tpu.memref_slice %arg4[%select_n3A_1597, %dma_wait3A_1645, %rem3A_1599, %dma_wait3A_1649, %dma_wait3A_1650] : memref<200x8x32x8x128xf32, #tpu.memory_space<hbm>> -> memref<1x1x1x8x128xf32, #tpu.memory_space<hbm>>
        %dma_wait3A_1652 = tpu.memref_squeeze %dma_wait3A_1651 : memref<1x1x1x8x128xf32, #tpu.memory_space<hbm>> -> memref<8x128xf32, #tpu.memory_space<hbm>>
        %dma_wait3A_1653 = arith.constant 0 : i32
        %dma_wait3A_1654 = arith.constant 0 : i32
        %dma_wait3A_1655 = tpu.memref_slice %arg4[%select_n3A_1597, %dma_wait3A_1645, %rem3A_1599, %dma_wait3A_1653, %dma_wait3A_1654] : memref<200x8x32x8x128xf32, #tpu.memory_space<hbm>> -> memref<1x1x1x8x128xf32, #tpu.memory_space<hbm>>
        %dma_wait3A_1656 = tpu.memref_squeeze %dma_wait3A_1655 : memref<1x1x1x8x128xf32, #tpu.memory_space<hbm>> -> memref<8x128xf32, #tpu.memory_space<hbm>>
        %dma_wait3A_1657 = arith.constant 24 : i32
        %dma_wait3A_1658 = arith.constant 0 : i32
        %dma_wait3A_1659 = tpu.memref_slice %arg12[%dma_wait3A_1657, %dma_wait3A_1658] : memref<64x128xf32, #tpu.memory_space<vmem>> -> memref<8x128xf32, #tpu.memory_space<vmem>>
        tpu.wait_dma2 semaphore(%arg18 : memref<!tpu.dma_semaphore, #tpu.memory_space<semaphore_mem>>) src(%dma_wait3A_1659 : memref<8x128xf32, #tpu.memory_space<vmem>>) dst(%dma_wait3A_1656 : memref<8x128xf32, #tpu.memory_space<hbm>>)
        %dma_wait3A_1660 = arith.constant 4 : i32
        %dma_wait3A_1661 = arith.constant 32 : i32
        %dma_wait3A_1662 = arith.constant 0 : i32
        %dma_wait3A_1663 = tpu.memref_slice %arg12[%dma_wait3A_1661, %dma_wait3A_1662] : memref<64x128xf32, #tpu.memory_space<vmem>> -> memref<8x128xf32, #tpu.memory_space<vmem>>
        %dma_wait3A_1664 = arith.constant 0 : i32
        %dma_wait3A_1665 = arith.constant 0 : i32
        %dma_wait3A_1666 = tpu.memref_slice %arg4[%select_n3A_1597, %dma_wait3A_1660, %rem3A_1599, %dma_wait3A_1664, %dma_wait3A_1665] : memref<200x8x32x8x128xf32, #tpu.memory_space<hbm>> -> memref<1x1x1x8x128xf32, #tpu.memory_space<hbm>>
        %dma_wait3A_1667 = tpu.memref_squeeze %dma_wait3A_1666 : memref<1x1x1x8x128xf32, #tpu.memory_space<hbm>> -> memref<8x128xf32, #tpu.memory_space<hbm>>
        %dma_wait3A_1668 = arith.constant 0 : i32
        %dma_wait3A_1669 = arith.constant 0 : i32
        %dma_wait3A_1670 = tpu.memref_slice %arg4[%select_n3A_1597, %dma_wait3A_1660, %rem3A_1599, %dma_wait3A_1668, %dma_wait3A_1669] : memref<200x8x32x8x128xf32, #tpu.memory_space<hbm>> -> memref<1x1x1x8x128xf32, #tpu.memory_space<hbm>>
        %dma_wait3A_1671 = tpu.memref_squeeze %dma_wait3A_1670 : memref<1x1x1x8x128xf32, #tpu.memory_space<hbm>> -> memref<8x128xf32, #tpu.memory_space<hbm>>
        %dma_wait3A_1672 = arith.constant 32 : i32
        %dma_wait3A_1673 = arith.constant 0 : i32
        %dma_wait3A_1674 = tpu.memref_slice %arg12[%dma_wait3A_1672, %dma_wait3A_1673] : memref<64x128xf32, #tpu.memory_space<vmem>> -> memref<8x128xf32, #tpu.memory_space<vmem>>
        tpu.wait_dma2 semaphore(%arg18 : memref<!tpu.dma_semaphore, #tpu.memory_space<semaphore_mem>>) src(%dma_wait3A_1674 : memref<8x128xf32, #tpu.memory_space<vmem>>) dst(%dma_wait3A_1671 : memref<8x128xf32, #tpu.memory_space<hbm>>)
        %dma_wait3A_1675 = arith.constant 5 : i32
        %dma_wait3A_1676 = arith.constant 40 : i32
        %dma_wait3A_1677 = arith.constant 0 : i32
        %dma_wait3A_1678 = tpu.memref_slice %arg12[%dma_wait3A_1676, %dma_wait3A_1677] : memref<64x128xf32, #tpu.memory_space<vmem>> -> memref<8x128xf32, #tpu.memory_space<vmem>>
        %dma_wait3A_1679 = arith.constant 0 : i32
        %dma_wait3A_1680 = arith.constant 0 : i32
        %dma_wait3A_1681 = tpu.memref_slice %arg4[%select_n3A_1597, %dma_wait3A_1675, %rem3A_1599, %dma_wait3A_1679, %dma_wait3A_1680] : memref<200x8x32x8x128xf32, #tpu.memory_space<hbm>> -> memref<1x1x1x8x128xf32, #tpu.memory_space<hbm>>
        %dma_wait3A_1682 = tpu.memref_squeeze %dma_wait3A_1681 : memref<1x1x1x8x128xf32, #tpu.memory_space<hbm>> -> memref<8x128xf32, #tpu.memory_space<hbm>>
        %dma_wait3A_1683 = arith.constant 0 : i32
        %dma_wait3A_1684 = arith.constant 0 : i32
        %dma_wait3A_1685 = tpu.memref_slice %arg4[%select_n3A_1597, %dma_wait3A_1675, %rem3A_1599, %dma_wait3A_1683, %dma_wait3A_1684] : memref<200x8x32x8x128xf32, #tpu.memory_space<hbm>> -> memref<1x1x1x8x128xf32, #tpu.memory_space<hbm>>
        %dma_wait3A_1686 = tpu.memref_squeeze %dma_wait3A_1685 : memref<1x1x1x8x128xf32, #tpu.memory_space<hbm>> -> memref<8x128xf32, #tpu.memory_space<hbm>>
        %dma_wait3A_1687 = arith.constant 40 : i32
        %dma_wait3A_1688 = arith.constant 0 : i32
        %dma_wait3A_1689 = tpu.memref_slice %arg12[%dma_wait3A_1687, %dma_wait3A_1688] : memref<64x128xf32, #tpu.memory_space<vmem>> -> memref<8x128xf32, #tpu.memory_space<vmem>>
        tpu.wait_dma2 semaphore(%arg18 : memref<!tpu.dma_semaphore, #tpu.memory_space<semaphore_mem>>) src(%dma_wait3A_1689 : memref<8x128xf32, #tpu.memory_space<vmem>>) dst(%dma_wait3A_1686 : memref<8x128xf32, #tpu.memory_space<hbm>>)
        %dma_wait3A_1690 = arith.constant 6 : i32
        %dma_wait3A_1691 = arith.constant 48 : i32
        %dma_wait3A_1692 = arith.constant 0 : i32
        %dma_wait3A_1693 = tpu.memref_slice %arg12[%dma_wait3A_1691, %dma_wait3A_1692] : memref<64x128xf32, #tpu.memory_space<vmem>> -> memref<8x128xf32, #tpu.memory_space<vmem>>
        %dma_wait3A_1694 = arith.constant 0 : i32
        %dma_wait3A_1695 = arith.constant 0 : i32
        %dma_wait3A_1696 = tpu.memref_slice %arg4[%select_n3A_1597, %dma_wait3A_1690, %rem3A_1599, %dma_wait3A_1694, %dma_wait3A_1695] : memref<200x8x32x8x128xf32, #tpu.memory_space<hbm>> -> memref<1x1x1x8x128xf32, #tpu.memory_space<hbm>>
        %dma_wait3A_1697 = tpu.memref_squeeze %dma_wait3A_1696 : memref<1x1x1x8x128xf32, #tpu.memory_space<hbm>> -> memref<8x128xf32, #tpu.memory_space<hbm>>
        %dma_wait3A_1698 = arith.constant 0 : i32
        %dma_wait3A_1699 = arith.constant 0 : i32
        %dma_wait3A_1700 = tpu.memref_slice %arg4[%select_n3A_1597, %dma_wait3A_1690, %rem3A_1599, %dma_wait3A_1698, %dma_wait3A_1699] : memref<200x8x32x8x128xf32, #tpu.memory_space<hbm>> -> memref<1x1x1x8x128xf32, #tpu.memory_space<hbm>>
        %dma_wait3A_1701 = tpu.memref_squeeze %dma_wait3A_1700 : memref<1x1x1x8x128xf32, #tpu.memory_space<hbm>> -> memref<8x128xf32, #tpu.memory_space<hbm>>
        %dma_wait3A_1702 = arith.constant 48 : i32
        %dma_wait3A_1703 = arith.constant 0 : i32
        %dma_wait3A_1704 = tpu.memref_slice %arg12[%dma_wait3A_1702, %dma_wait3A_1703] : memref<64x128xf32, #tpu.memory_space<vmem>> -> memref<8x128xf32, #tpu.memory_space<vmem>>
        tpu.wait_dma2 semaphore(%arg18 : memref<!tpu.dma_semaphore, #tpu.memory_space<semaphore_mem>>) src(%dma_wait3A_1704 : memref<8x128xf32, #tpu.memory_space<vmem>>) dst(%dma_wait3A_1701 : memref<8x128xf32, #tpu.memory_space<hbm>>)
        %dma_wait3A_1705 = arith.constant 7 : i32
        %dma_wait3A_1706 = arith.constant 56 : i32
        %dma_wait3A_1707 = arith.constant 0 : i32
        %dma_wait3A_1708 = tpu.memref_slice %arg12[%dma_wait3A_1706, %dma_wait3A_1707] : memref<64x128xf32, #tpu.memory_space<vmem>> -> memref<8x128xf32, #tpu.memory_space<vmem>>
        %dma_wait3A_1709 = arith.constant 0 : i32
        %dma_wait3A_1710 = arith.constant 0 : i32
        %dma_wait3A_1711 = tpu.memref_slice %arg4[%select_n3A_1597, %dma_wait3A_1705, %rem3A_1599, %dma_wait3A_1709, %dma_wait3A_1710] : memref<200x8x32x8x128xf32, #tpu.memory_space<hbm>> -> memref<1x1x1x8x128xf32, #tpu.memory_space<hbm>>
        %dma_wait3A_1712 = tpu.memref_squeeze %dma_wait3A_1711 : memref<1x1x1x8x128xf32, #tpu.memory_space<hbm>> -> memref<8x128xf32, #tpu.memory_space<hbm>>
        %dma_wait3A_1713 = arith.constant 0 : i32
        %dma_wait3A_1714 = arith.constant 0 : i32
        %dma_wait3A_1715 = tpu.memref_slice %arg4[%select_n3A_1597, %dma_wait3A_1705, %rem3A_1599, %dma_wait3A_1713, %dma_wait3A_1714] : memref<200x8x32x8x128xf32, #tpu.memory_space<hbm>> -> memref<1x1x1x8x128xf32, #tpu.memory_space<hbm>>
        %dma_wait3A_1716 = tpu.memref_squeeze %dma_wait3A_1715 : memref<1x1x1x8x128xf32, #tpu.memory_space<hbm>> -> memref<8x128xf32, #tpu.memory_space<hbm>>
        %dma_wait3A_1717 = arith.constant 56 : i32
        %dma_wait3A_1718 = arith.constant 0 : i32
        %dma_wait3A_1719 = tpu.memref_slice %arg12[%dma_wait3A_1717, %dma_wait3A_1718] : memref<64x128xf32, #tpu.memory_space<vmem>> -> memref<8x128xf32, #tpu.memory_space<vmem>>
        tpu.wait_dma2 semaphore(%arg18 : memref<!tpu.dma_semaphore, #tpu.memory_space<semaphore_mem>>) src(%dma_wait3A_1719 : memref<8x128xf32, #tpu.memory_space<vmem>>) dst(%dma_wait3A_1716 : memref<8x128xf32, #tpu.memory_space<hbm>>)
      } else {
      }
      %get3A_861 = arith.index_cast %add3A_842 : i32 to index
      %get3A_862 = arith.constant 0 : index
      %get3A_863 = tpu.vector_load %arg5[%get3A_861, %get3A_862] {strides = array<i32>} : memref<200x128xi32, #tpu.memory_space<vmem>>, vector<16xi32>,
      %and3A_864 = arith.constant 1 : i32
      %and3A_865 = vector.broadcast %and3A_864 : i32 to vector<16xi32>
      %and3A_866 = arith.andi %get3A_863, %and3A_865 : vector<16xi32>
      %shift_left3A_867 = arith.constant 6 : i32
      %shift_left3A_868 = vector.broadcast %shift_left3A_867 : i32 to vector<16xi32>
      %shift_left3A_869 = arith.shli %and3A_866, %shift_left3A_868 : vector<16xi32>
      %get3A_870 = arith.index_cast %add3A_842 : i32 to index
      %get3A_871 = arith.constant 16 : index
      %get3A_872 = tpu.vector_load %arg5[%get3A_870, %get3A_871] {strides = array<i32>} : memref<200x128xi32, #tpu.memory_space<vmem>>, vector<16xi32>,
      %and3A_873 = arith.constant 1 : i32
      %and3A_874 = vector.broadcast %and3A_873 : i32 to vector<16xi32>
      %and3A_875 = arith.andi %get3A_872, %and3A_874 : vector<16xi32>
      %shift_left3A_876 = arith.constant 6 : i32
      %shift_left3A_877 = vector.broadcast %shift_left3A_876 : i32 to vector<16xi32>
      %shift_left3A_878 = arith.shli %and3A_875, %shift_left3A_877 : vector<16xi32>
      %get3A_879 = arith.index_cast %add3A_842 : i32 to index
      %get3A_880 = arith.constant 32 : index
      %get3A_881 = tpu.vector_load %arg5[%get3A_879, %get3A_880] {strides = array<i32>} : memref<200x128xi32, #tpu.memory_space<vmem>>, vector<16xi32>,
      %and3A_882 = arith.constant 1 : i32
      %and3A_883 = vector.broadcast %and3A_882 : i32 to vector<16xi32>
      %and3A_884 = arith.andi %get3A_881, %and3A_883 : vector<16xi32>
      %shift_left3A_885 = arith.constant 6 : i32
      %shift_left3A_886 = vector.broadcast %shift_left3A_885 : i32 to vector<16xi32>
      %shift_left3A_887 = arith.shli %and3A_884, %shift_left3A_886 : vector<16xi32>
      %get3A_888 = arith.index_cast %add3A_842 : i32 to index
      %get3A_889 = arith.constant 48 : index
      %get3A_890 = tpu.vector_load %arg5[%get3A_888, %get3A_889] {strides = array<i32>} : memref<200x128xi32, #tpu.memory_space<vmem>>, vector<16xi32>,
      %and3A_891 = arith.constant 1 : i32
      %and3A_892 = vector.broadcast %and3A_891 : i32 to vector<16xi32>
      %and3A_893 = arith.andi %get3A_890, %and3A_892 : vector<16xi32>
      %shift_left3A_894 = arith.constant 6 : i32
      %shift_left3A_895 = vector.broadcast %shift_left3A_894 : i32 to vector<16xi32>
      %shift_left3A_896 = arith.shli %and3A_893, %shift_left3A_895 : vector<16xi32>
      %get3A_897 = arith.index_cast %add3A_842 : i32 to index
      %get3A_898 = arith.constant 64 : index
      %get3A_899 = tpu.vector_load %arg5[%get3A_897, %get3A_898] {strides = array<i32>} : memref<200x128xi32, #tpu.memory_space<vmem>>, vector<16xi32>,
      %and3A_900 = arith.constant 1 : i32
      %and3A_901 = vector.broadcast %and3A_900 : i32 to vector<16xi32>
      %and3A_902 = arith.andi %get3A_899, %and3A_901 : vector<16xi32>
      %shift_left3A_903 = arith.constant 6 : i32
      %shift_left3A_904 = vector.broadcast %shift_left3A_903 : i32 to vector<16xi32>
      %shift_left3A_905 = arith.shli %and3A_902, %shift_left3A_904 : vector<16xi32>
      %get3A_906 = arith.index_cast %add3A_842 : i32 to index
      %get3A_907 = arith.constant 80 : index
      %get3A_908 = tpu.vector_load %arg5[%get3A_906, %get3A_907] {strides = array<i32>} : memref<200x128xi32, #tpu.memory_space<vmem>>, vector<16xi32>,
      %and3A_909 = arith.constant 1 : i32
      %and3A_910 = vector.broadcast %and3A_909 : i32 to vector<16xi32>
      %and3A_911 = arith.andi %get3A_908, %and3A_910 : vector<16xi32>
      %shift_left3A_912 = arith.constant 6 : i32
      %shift_left3A_913 = vector.broadcast %shift_left3A_912 : i32 to vector<16xi32>
      %shift_left3A_914 = arith.shli %and3A_911, %shift_left3A_913 : vector<16xi32>
      %get3A_915 = arith.index_cast %add3A_842 : i32 to index
      %get3A_916 = arith.constant 96 : index
      %get3A_917 = tpu.vector_load %arg5[%get3A_915, %get3A_916] {strides = array<i32>} : memref<200x128xi32, #tpu.memory_space<vmem>>, vector<16xi32>,
      %and3A_918 = arith.constant 1 : i32
      %and3A_919 = vector.broadcast %and3A_918 : i32 to vector<16xi32>
      %and3A_920 = arith.andi %get3A_917, %and3A_919 : vector<16xi32>
      %shift_left3A_921 = arith.constant 6 : i32
      %shift_left3A_922 = vector.broadcast %shift_left3A_921 : i32 to vector<16xi32>
      %shift_left3A_923 = arith.shli %and3A_920, %shift_left3A_922 : vector<16xi32>
      %get3A_924 = arith.index_cast %add3A_842 : i32 to index
      %get3A_925 = arith.constant 112 : index
      %get3A_926 = tpu.vector_load %arg5[%get3A_924, %get3A_925] {strides = array<i32>} : memref<200x128xi32, #tpu.memory_space<vmem>>, vector<16xi32>,
      %and3A_927 = arith.constant 1 : i32
      %and3A_928 = vector.broadcast %and3A_927 : i32 to vector<16xi32>
      %and3A_929 = arith.andi %get3A_926, %and3A_928 : vector<16xi32>
      %shift_left3A_930 = arith.constant 6 : i32
      %shift_left3A_931 = vector.broadcast %shift_left3A_930 : i32 to vector<16xi32>
      %shift_left3A_932 = arith.shli %and3A_929, %shift_left3A_931 : vector<16xi32>
      %parallel_loop3A_933 = arith.constant 0 : i32
      %parallel_loop3A_934 = arith.constant 64 : i32
      %parallel_loop3A_935 = arith.constant 1 : i32
      scf.for %parallel_loop3A_1571 = %parallel_loop3A_933 to %parallel_loop3A_934 step %parallel_loop3A_935  : i32 {
        %parallel_loop3A_1572 = vector.broadcast %parallel_loop3A_1571 : i32 to vector<16xi32>
        %parallel_loop3A_1573 = arith.addi %shift_left3A_869, %parallel_loop3A_1572 : vector<16xi32>
        %parallel_loop3A_1574 = tpu.vector_load_idx %arg8[%add3A_5, %parallel_loop3A_1573] : memref<128x128xf32, #tpu.memory_space<vmem>>[vector<16xi32>, vector<16xi32>], vector<16xf32>,
        %parallel_loop3A_1575 = arith.index_cast %parallel_loop3A_1571 : i32 to index
        %parallel_loop3A_1576 = arith.constant 0 : index
        %parallel_loop3A_1577 = tpu.vector_load %arg12[%parallel_loop3A_1575, %parallel_loop3A_1576] {strides = array<i32>} : memref<64x128xf32, #tpu.memory_space<vmem>>, vector<16xf32>,
        tpu.vector_store %arg12[%parallel_loop3A_1575, %parallel_loop3A_1576], %parallel_loop3A_1574 {strides = array<i32>} : memref<64x128xf32, #tpu.memory_space<vmem>>, vector<16xf32>,
        %parallel_loop3A_1578 = vector.broadcast %parallel_loop3A_1571 : i32 to vector<16xi32>
        %parallel_loop3A_1579 = arith.addi %shift_left3A_878, %parallel_loop3A_1578 : vector<16xi32>
        %parallel_loop3A_1580 = tpu.vector_load_idx %arg8[%add3A_8, %parallel_loop3A_1579] : memref<128x128xf32, #tpu.memory_space<vmem>>[vector<16xi32>, vector<16xi32>], vector<16xf32>,
        %parallel_loop3A_1581 = arith.index_cast %parallel_loop3A_1571 : i32 to index
        %parallel_loop3A_1582 = arith.constant 16 : index
        %parallel_loop3A_1583 = tpu.vector_load %arg12[%parallel_loop3A_1581, %parallel_loop3A_1582] {strides = array<i32>} : memref<64x128xf32, #tpu.memory_space<vmem>>, vector<16xf32>,
        tpu.vector_store %arg12[%parallel_loop3A_1581, %parallel_loop3A_1582], %parallel_loop3A_1580 {strides = array<i32>} : memref<64x128xf32, #tpu.memory_space<vmem>>, vector<16xf32>,
        %parallel_loop3A_1584 = vector.broadcast %parallel_loop3A_1571 : i32 to vector<16xi32>
        %parallel_loop3A_1585 = arith.addi %shift_left3A_887, %parallel_loop3A_1584 : vector<16xi32>
        %parallel_loop3A_1586 = tpu.vector_load_idx %arg8[%add3A_11, %parallel_loop3A_1585] : memref<128x128xf32, #tpu.memory_space<vmem>>[vector<16xi32>, vector<16xi32>], vector<16xf32>,
        %parallel_loop3A_1587 = arith.index_cast %parallel_loop3A_1571 : i32 to index
        %parallel_loop3A_1588 = arith.constant 32 : index
        %parallel_loop3A_1589 = tpu.vector_load %arg12[%parallel_loop3A_1587, %parallel_loop3A_1588] {strides = array<i32>} : memref<64x128xf32, #tpu.memory_space<vmem>>, vector<16xf32>,
        tpu.vector_store %arg12[%parallel_loop3A_1587, %parallel_loop3A_1588], %parallel_loop3A_1586 {strides = array<i32>} : memref<64x128xf32, #tpu.memory_space<vmem>>, vector<16xf32>,
        %parallel_loop3A_1590 = vector.broadcast %parallel_loop3A_1571 : i32 to vector<16xi32>
        %parallel_loop3A_1591 = arith.addi %shift_left3A_896, %parallel_loop3A_1590 : vector<16xi32>
        %parallel_loop3A_1592 = tpu.vector_load_idx %arg8[%add3A_14, %parallel_loop3A_1591] : memref<128x128xf32, #tpu.memory_space<vmem>>[vector<16xi32>, vector<16xi32>], vector<16xf32>,
        %parallel_loop3A_1593 = arith.index_cast %parallel_loop3A_1571 : i32 to index
        %parallel_loop3A_1594 = arith.constant 48 : index
        %parallel_loop3A_1595 = tpu.vector_load %arg12[%parallel_loop3A_1593, %parallel_loop3A_1594] {strides = array<i32>} : memref<64x128xf32, #tpu.memory_space<vmem>>, vector<16xf32>,
        tpu.vector_store %arg12[%parallel_loop3A_1593, %parallel_loop3A_1594], %parallel_loop3A_1592 {strides = array<i32>} : memref<64x128xf32, #tpu.memory_space<vmem>>, vector<16xf32>,
        %parallel_loop3A_1596 = vector.broadcast %parallel_loop3A_1571 : i32 to vector<16xi32>
        %parallel_loop3A_1597 = arith.addi %shift_left3A_905, %parallel_loop3A_1596 : vector<16xi32>
        %parallel_loop3A_1598 = tpu.vector_load_idx %arg8[%add3A_17, %parallel_loop3A_1597] : memref<128x128xf32, #tpu.memory_space<vmem>>[vector<16xi32>, vector<16xi32>], vector<16xf32>,
        %parallel_loop3A_1599 = arith.index_cast %parallel_loop3A_1571 : i32 to index
        %parallel_loop3A_1600 = arith.constant 64 : index
        %parallel_loop3A_1601 = tpu.vector_load %arg12[%parallel_loop3A_1599, %parallel_loop3A_1600] {strides = array<i32>} : memref<64x128xf32, #tpu.memory_space<vmem>>, vector<16xf32>,
        tpu.vector_store %arg12[%parallel_loop3A_1599, %parallel_loop3A_1600], %parallel_loop3A_1598 {strides = array<i32>} : memref<64x128xf32, #tpu.memory_space<vmem>>, vector<16xf32>,
        %parallel_loop3A_1602 = vector.broadcast %parallel_loop3A_1571 : i32 to vector<16xi32>
        %parallel_loop3A_1603 = arith.addi %shift_left3A_914, %parallel_loop3A_1602 : vector<16xi32>
        %parallel_loop3A_1604 = tpu.vector_load_idx %arg8[%add3A_20, %parallel_loop3A_1603] : memref<128x128xf32, #tpu.memory_space<vmem>>[vector<16xi32>, vector<16xi32>], vector<16xf32>,
        %parallel_loop3A_1605 = arith.index_cast %parallel_loop3A_1571 : i32 to index
        %parallel_loop3A_1606 = arith.constant 80 : index
        %parallel_loop3A_1607 = tpu.vector_load %arg12[%parallel_loop3A_1605, %parallel_loop3A_1606] {strides = array<i32>} : memref<64x128xf32, #tpu.memory_space<vmem>>, vector<16xf32>,
        tpu.vector_store %arg12[%parallel_loop3A_1605, %parallel_loop3A_1606], %parallel_loop3A_1604 {strides = array<i32>} : memref<64x128xf32, #tpu.memory_space<vmem>>, vector<16xf32>,
        %parallel_loop3A_1608 = vector.broadcast %parallel_loop3A_1571 : i32 to vector<16xi32>
        %parallel_loop3A_1609 = arith.addi %shift_left3A_923, %parallel_loop3A_1608 : vector<16xi32>
        %parallel_loop3A_1610 = tpu.vector_load_idx %arg8[%add3A_23, %parallel_loop3A_1609] : memref<128x128xf32, #tpu.memory_space<vmem>>[vector<16xi32>, vector<16xi32>], vector<16xf32>,
        %parallel_loop3A_1611 = arith.index_cast %parallel_loop3A_1571 : i32 to index
        %parallel_loop3A_1612 = arith.constant 96 : index
        %parallel_loop3A_1613 = tpu.vector_load %arg12[%parallel_loop3A_1611, %parallel_loop3A_1612] {strides = array<i32>} : memref<64x128xf32, #tpu.memory_space<vmem>>, vector<16xf32>,
        tpu.vector_store %arg12[%parallel_loop3A_1611, %parallel_loop3A_1612], %parallel_loop3A_1610 {strides = array<i32>} : memref<64x128xf32, #tpu.memory_space<vmem>>, vector<16xf32>,
        %parallel_loop3A_1614 = vector.broadcast %parallel_loop3A_1571 : i32 to vector<16xi32>
        %parallel_loop3A_1615 = arith.addi %shift_left3A_932, %parallel_loop3A_1614 : vector<16xi32>
        %parallel_loop3A_1616 = tpu.vector_load_idx %arg8[%add3A_26, %parallel_loop3A_1615] : memref<128x128xf32, #tpu.memory_space<vmem>>[vector<16xi32>, vector<16xi32>], vector<16xf32>,
        %parallel_loop3A_1617 = arith.index_cast %parallel_loop3A_1571 : i32 to index
        %parallel_loop3A_1618 = arith.constant 112 : index
        %parallel_loop3A_1619 = tpu.vector_load %arg12[%parallel_loop3A_1617, %parallel_loop3A_1618] {strides = array<i32>} : memref<64x128xf32, #tpu.memory_space<vmem>>, vector<16xf32>,
        tpu.vector_store %arg12[%parallel_loop3A_1617, %parallel_loop3A_1618], %parallel_loop3A_1616 {strides = array<i32>} : memref<64x128xf32, #tpu.memory_space<vmem>>, vector<16xf32>,
      } {sc.loop_unroll_factor = 4 : i64, sc.parallel_access}
      %add3A_936 = arith.addi %mul3A_2, %add3A_842 : i32
      %jit3A_937 = arith.constant 32 : i32
      %div3A_938 = arith.divsi %add3A_936, %jit3A_937 : i32
      %sign3A_939 = arith.constant 0 : i32
      %sign3A_940 = arith.cmpi sgt, %add3A_936, %sign3A_939 : i32
      %sign3A_941 = arith.extui %sign3A_940 : i1 to i32
      %sign3A_942 = arith.constant 0 : i32
      %sign3A_943 = arith.cmpi slt, %add3A_936, %sign3A_942 : i32
      %sign3A_944 = arith.extui %sign3A_943 : i1 to i32
      %sign3A_945 = arith.subi %sign3A_941, %sign3A_944 : i32
      %sign3A_946 = arith.constant 0 : i32
      %sign3A_947 = arith.cmpi sgt, %jit3A_937, %sign3A_946 : i32
      %sign3A_948 = arith.extui %sign3A_947 : i1 to i32
      %sign3A_949 = arith.constant 0 : i32
      %sign3A_950 = arith.cmpi slt, %jit3A_937, %sign3A_949 : i32
      %sign3A_951 = arith.extui %sign3A_950 : i1 to i32
      %sign3A_952 = arith.subi %sign3A_948, %sign3A_951 : i32
      %ne3A_953 = arith.cmpi ne, %sign3A_945, %sign3A_952 : i32
      %rem3A_954 = arith.remsi %add3A_936, %jit3A_937 : i32
      %ne3A_955 = arith.constant 0 : i32
      %ne3A_956 = arith.cmpi ne, %rem3A_954, %ne3A_955 : i32
      %and3A_957 = arith.andi %ne3A_953, %ne3A_956 : i1
      %sub3A_958 = arith.constant 1 : i32
      %sub3A_959 = arith.subi %div3A_938, %sub3A_958 : i32
      %select_n3A_960 = arith.select %and3A_957, %sub3A_959, %div3A_938 : i32
      %rem3A_961 = arith.constant 32 : i32
      %rem3A_962 = arith.remsi %add3A_936, %rem3A_961 : i32
      %dma_start3A_963 = arith.constant 0 : i32
      %dma_start3A_964 = arith.constant 0 : i32
      %dma_start3A_965 = arith.constant 0 : i32
      %dma_start3A_966 = tpu.memref_slice %arg12[%dma_start3A_964, %dma_start3A_965] : memref<64x128xf32, #tpu.memory_space<vmem>> -> memref<8x128xf32, #tpu.memory_space<vmem>>
      %dma_start3A_967 = arith.constant 0 : i32
      %dma_start3A_968 = arith.constant 0 : i32
      %dma_start3A_969 = tpu.memref_slice %arg4[%select_n3A_960, %dma_start3A_963, %rem3A_962, %dma_start3A_967, %dma_start3A_968] : memref<200x8x32x8x128xf32, #tpu.memory_space<hbm>> -> memref<1x1x1x8x128xf32, #tpu.memory_space<hbm>>
      %dma_start3A_970 = tpu.memref_squeeze %dma_start3A_969 : memref<1x1x1x8x128xf32, #tpu.memory_space<hbm>> -> memref<8x128xf32, #tpu.memory_space<hbm>>
      %dma_start3A_971 = arith.constant 0 : i32
      %dma_start3A_972 = arith.constant 0 : i32
      %dma_start3A_973 = tpu.memref_slice %arg4[%select_n3A_960, %dma_start3A_963, %rem3A_962, %dma_start3A_971, %dma_start3A_972] : memref<200x8x32x8x128xf32, #tpu.memory_space<hbm>> -> memref<1x1x1x8x128xf32, #tpu.memory_space<hbm>>
      %dma_start3A_974 = tpu.memref_squeeze %dma_start3A_973 : memref<1x1x1x8x128xf32, #tpu.memory_space<hbm>> -> memref<8x128xf32, #tpu.memory_space<hbm>>
      %dma_start3A_975 = arith.constant 0 : i32
      %dma_start3A_976 = arith.constant 0 : i32
      %dma_start3A_977 = tpu.memref_slice %arg12[%dma_start3A_975, %dma_start3A_976] : memref<64x128xf32, #tpu.memory_space<vmem>> -> memref<8x128xf32, #tpu.memory_space<vmem>>
      tpu.enqueue_dma source(%dma_start3A_977 : memref<8x128xf32, #tpu.memory_space<vmem>>) target(%dma_start3A_974 : memref<8x128xf32, #tpu.memory_space<hbm>>) target_semaphore(%arg18 : memref<!tpu.dma_semaphore, #tpu.memory_space<semaphore_mem>>)
      %dma_start3A_978 = arith.constant 1 : i32
      %dma_start3A_979 = arith.constant 8 : i32
      %dma_start3A_980 = arith.constant 0 : i32
      %dma_start3A_981 = tpu.memref_slice %arg12[%dma_start3A_979, %dma_start3A_980] : memref<64x128xf32, #tpu.memory_space<vmem>> -> memref<8x128xf32, #tpu.memory_space<vmem>>
      %dma_start3A_982 = arith.constant 0 : i32
      %dma_start3A_983 = arith.constant 0 : i32
      %dma_start3A_984 = tpu.memref_slice %arg4[%select_n3A_960, %dma_start3A_978, %rem3A_962, %dma_start3A_982, %dma_start3A_983] : memref<200x8x32x8x128xf32, #tpu.memory_space<hbm>> -> memref<1x1x1x8x128xf32, #tpu.memory_space<hbm>>
      %dma_start3A_985 = tpu.memref_squeeze %dma_start3A_984 : memref<1x1x1x8x128xf32, #tpu.memory_space<hbm>> -> memref<8x128xf32, #tpu.memory_space<hbm>>
      %dma_start3A_986 = arith.constant 0 : i32
      %dma_start3A_987 = arith.constant 0 : i32
      %dma_start3A_988 = tpu.memref_slice %arg4[%select_n3A_960, %dma_start3A_978, %rem3A_962, %dma_start3A_986, %dma_start3A_987] : memref<200x8x32x8x128xf32, #tpu.memory_space<hbm>> -> memref<1x1x1x8x128xf32, #tpu.memory_space<hbm>>
      %dma_start3A_989 = tpu.memref_squeeze %dma_start3A_988 : memref<1x1x1x8x128xf32, #tpu.memory_space<hbm>> -> memref<8x128xf32, #tpu.memory_space<hbm>>
      %dma_start3A_990 = arith.constant 8 : i32
      %dma_start3A_991 = arith.constant 0 : i32
      %dma_start3A_992 = tpu.memref_slice %arg12[%dma_start3A_990, %dma_start3A_991] : memref<64x128xf32, #tpu.memory_space<vmem>> -> memref<8x128xf32, #tpu.memory_space<vmem>>
      tpu.enqueue_dma source(%dma_start3A_992 : memref<8x128xf32, #tpu.memory_space<vmem>>) target(%dma_start3A_989 : memref<8x128xf32, #tpu.memory_space<hbm>>) target_semaphore(%arg18 : memref<!tpu.dma_semaphore, #tpu.memory_space<semaphore_mem>>)
      %dma_start3A_993 = arith.constant 2 : i32
      %dma_start3A_994 = arith.constant 16 : i32
      %dma_start3A_995 = arith.constant 0 : i32
      %dma_start3A_996 = tpu.memref_slice %arg12[%dma_start3A_994, %dma_start3A_995] : memref<64x128xf32, #tpu.memory_space<vmem>> -> memref<8x128xf32, #tpu.memory_space<vmem>>
      %dma_start3A_997 = arith.constant 0 : i32
      %dma_start3A_998 = arith.constant 0 : i32
      %dma_start3A_999 = tpu.memref_slice %arg4[%select_n3A_960, %dma_start3A_993, %rem3A_962, %dma_start3A_997, %dma_start3A_998] : memref<200x8x32x8x128xf32, #tpu.memory_space<hbm>> -> memref<1x1x1x8x128xf32, #tpu.memory_space<hbm>>
      %dma_start3A_1000 = tpu.memref_squeeze %dma_start3A_999 : memref<1x1x1x8x128xf32, #tpu.memory_space<hbm>> -> memref<8x128xf32, #tpu.memory_space<hbm>>
      %dma_start3A_1001 = arith.constant 0 : i32
      %dma_start3A_1002 = arith.constant 0 : i32
      %dma_start3A_1003 = tpu.memref_slice %arg4[%select_n3A_960, %dma_start3A_993, %rem3A_962, %dma_start3A_1001, %dma_start3A_1002] : memref<200x8x32x8x128xf32, #tpu.memory_space<hbm>> -> memref<1x1x1x8x128xf32, #tpu.memory_space<hbm>>
      %dma_start3A_1004 = tpu.memref_squeeze %dma_start3A_1003 : memref<1x1x1x8x128xf32, #tpu.memory_space<hbm>> -> memref<8x128xf32, #tpu.memory_space<hbm>>
      %dma_start3A_1005 = arith.constant 16 : i32
      %dma_start3A_1006 = arith.constant 0 : i32
      %dma_start3A_1007 = tpu.memref_slice %arg12[%dma_start3A_1005, %dma_start3A_1006] : memref<64x128xf32, #tpu.memory_space<vmem>> -> memref<8x128xf32, #tpu.memory_space<vmem>>
      tpu.enqueue_dma source(%dma_start3A_1007 : memref<8x128xf32, #tpu.memory_space<vmem>>) target(%dma_start3A_1004 : memref<8x128xf32, #tpu.memory_space<hbm>>) target_semaphore(%arg18 : memref<!tpu.dma_semaphore, #tpu.memory_space<semaphore_mem>>)
      %dma_start3A_1008 = arith.constant 3 : i32
      %dma_start3A_1009 = arith.constant 24 : i32
      %dma_start3A_1010 = arith.constant 0 : i32
      %dma_start3A_1011 = tpu.memref_slice %arg12[%dma_start3A_1009, %dma_start3A_1010] : memref<64x128xf32, #tpu.memory_space<vmem>> -> memref<8x128xf32, #tpu.memory_space<vmem>>
      %dma_start3A_1012 = arith.constant 0 : i32
      %dma_start3A_1013 = arith.constant 0 : i32
      %dma_start3A_1014 = tpu.memref_slice %arg4[%select_n3A_960, %dma_start3A_1008, %rem3A_962, %dma_start3A_1012, %dma_start3A_1013] : memref<200x8x32x8x128xf32, #tpu.memory_space<hbm>> -> memref<1x1x1x8x128xf32, #tpu.memory_space<hbm>>
      %dma_start3A_1015 = tpu.memref_squeeze %dma_start3A_1014 : memref<1x1x1x8x128xf32, #tpu.memory_space<hbm>> -> memref<8x128xf32, #tpu.memory_space<hbm>>
      %dma_start3A_1016 = arith.constant 0 : i32
      %dma_start3A_1017 = arith.constant 0 : i32
      %dma_start3A_1018 = tpu.memref_slice %arg4[%select_n3A_960, %dma_start3A_1008, %rem3A_962, %dma_start3A_1016, %dma_start3A_1017] : memref<200x8x32x8x128xf32, #tpu.memory_space<hbm>> -> memref<1x1x1x8x128xf32, #tpu.memory_space<hbm>>
      %dma_start3A_1019 = tpu.memref_squeeze %dma_start3A_1018 : memref<1x1x1x8x128xf32, #tpu.memory_space<hbm>> -> memref<8x128xf32, #tpu.memory_space<hbm>>
      %dma_start3A_1020 = arith.constant 24 : i32
      %dma_start3A_1021 = arith.constant 0 : i32
      %dma_start3A_1022 = tpu.memref_slice %arg12[%dma_start3A_1020, %dma_start3A_1021] : memref<64x128xf32, #tpu.memory_space<vmem>> -> memref<8x128xf32, #tpu.memory_space<vmem>>
      tpu.enqueue_dma source(%dma_start3A_1022 : memref<8x128xf32, #tpu.memory_space<vmem>>) target(%dma_start3A_1019 : memref<8x128xf32, #tpu.memory_space<hbm>>) target_semaphore(%arg18 : memref<!tpu.dma_semaphore, #tpu.memory_space<semaphore_mem>>)
      %dma_start3A_1023 = arith.constant 4 : i32
      %dma_start3A_1024 = arith.constant 32 : i32
      %dma_start3A_1025 = arith.constant 0 : i32
      %dma_start3A_1026 = tpu.memref_slice %arg12[%dma_start3A_1024, %dma_start3A_1025] : memref<64x128xf32, #tpu.memory_space<vmem>> -> memref<8x128xf32, #tpu.memory_space<vmem>>
      %dma_start3A_1027 = arith.constant 0 : i32
      %dma_start3A_1028 = arith.constant 0 : i32
      %dma_start3A_1029 = tpu.memref_slice %arg4[%select_n3A_960, %dma_start3A_1023, %rem3A_962, %dma_start3A_1027, %dma_start3A_1028] : memref<200x8x32x8x128xf32, #tpu.memory_space<hbm>> -> memref<1x1x1x8x128xf32, #tpu.memory_space<hbm>>
      %dma_start3A_1030 = tpu.memref_squeeze %dma_start3A_1029 : memref<1x1x1x8x128xf32, #tpu.memory_space<hbm>> -> memref<8x128xf32, #tpu.memory_space<hbm>>
      %dma_start3A_1031 = arith.constant 0 : i32
      %dma_start3A_1032 = arith.constant 0 : i32
      %dma_start3A_1033 = tpu.memref_slice %arg4[%select_n3A_960, %dma_start3A_1023, %rem3A_962, %dma_start3A_1031, %dma_start3A_1032] : memref<200x8x32x8x128xf32, #tpu.memory_space<hbm>> -> memref<1x1x1x8x128xf32, #tpu.memory_space<hbm>>
      %dma_start3A_1034 = tpu.memref_squeeze %dma_start3A_1033 : memref<1x1x1x8x128xf32, #tpu.memory_space<hbm>> -> memref<8x128xf32, #tpu.memory_space<hbm>>
      %dma_start3A_1035 = arith.constant 32 : i32
      %dma_start3A_1036 = arith.constant 0 : i32
      %dma_start3A_1037 = tpu.memref_slice %arg12[%dma_start3A_1035, %dma_start3A_1036] : memref<64x128xf32, #tpu.memory_space<vmem>> -> memref<8x128xf32, #tpu.memory_space<vmem>>
      tpu.enqueue_dma source(%dma_start3A_1037 : memref<8x128xf32, #tpu.memory_space<vmem>>) target(%dma_start3A_1034 : memref<8x128xf32, #tpu.memory_space<hbm>>) target_semaphore(%arg18 : memref<!tpu.dma_semaphore, #tpu.memory_space<semaphore_mem>>)
      %dma_start3A_1038 = arith.constant 5 : i32
      %dma_start3A_1039 = arith.constant 40 : i32
      %dma_start3A_1040 = arith.constant 0 : i32
      %dma_start3A_1041 = tpu.memref_slice %arg12[%dma_start3A_1039, %dma_start3A_1040] : memref<64x128xf32, #tpu.memory_space<vmem>> -> memref<8x128xf32, #tpu.memory_space<vmem>>
      %dma_start3A_1042 = arith.constant 0 : i32
      %dma_start3A_1043 = arith.constant 0 : i32
      %dma_start3A_1044 = tpu.memref_slice %arg4[%select_n3A_960, %dma_start3A_1038, %rem3A_962, %dma_start3A_1042, %dma_start3A_1043] : memref<200x8x32x8x128xf32, #tpu.memory_space<hbm>> -> memref<1x1x1x8x128xf32, #tpu.memory_space<hbm>>
      %dma_start3A_1045 = tpu.memref_squeeze %dma_start3A_1044 : memref<1x1x1x8x128xf32, #tpu.memory_space<hbm>> -> memref<8x128xf32, #tpu.memory_space<hbm>>
      %dma_start3A_1046 = arith.constant 0 : i32
      %dma_start3A_1047 = arith.constant 0 : i32
      %dma_start3A_1048 = tpu.memref_slice %arg4[%select_n3A_960, %dma_start3A_1038, %rem3A_962, %dma_start3A_1046, %dma_start3A_1047] : memref<200x8x32x8x128xf32, #tpu.memory_space<hbm>> -> memref<1x1x1x8x128xf32, #tpu.memory_space<hbm>>
      %dma_start3A_1049 = tpu.memref_squeeze %dma_start3A_1048 : memref<1x1x1x8x128xf32, #tpu.memory_space<hbm>> -> memref<8x128xf32, #tpu.memory_space<hbm>>
      %dma_start3A_1050 = arith.constant 40 : i32
      %dma_start3A_1051 = arith.constant 0 : i32
      %dma_start3A_1052 = tpu.memref_slice %arg12[%dma_start3A_1050, %dma_start3A_1051] : memref<64x128xf32, #tpu.memory_space<vmem>> -> memref<8x128xf32, #tpu.memory_space<vmem>>
      tpu.enqueue_dma source(%dma_start3A_1052 : memref<8x128xf32, #tpu.memory_space<vmem>>) target(%dma_start3A_1049 : memref<8x128xf32, #tpu.memory_space<hbm>>) target_semaphore(%arg18 : memref<!tpu.dma_semaphore, #tpu.memory_space<semaphore_mem>>)
      %dma_start3A_1053 = arith.constant 6 : i32
      %dma_start3A_1054 = arith.constant 48 : i32
      %dma_start3A_1055 = arith.constant 0 : i32
      %dma_start3A_1056 = tpu.memref_slice %arg12[%dma_start3A_1054, %dma_start3A_1055] : memref<64x128xf32, #tpu.memory_space<vmem>> -> memref<8x128xf32, #tpu.memory_space<vmem>>
      %dma_start3A_1057 = arith.constant 0 : i32
      %dma_start3A_1058 = arith.constant 0 : i32
      %dma_start3A_1059 = tpu.memref_slice %arg4[%select_n3A_960, %dma_start3A_1053, %rem3A_962, %dma_start3A_1057, %dma_start3A_1058] : memref<200x8x32x8x128xf32, #tpu.memory_space<hbm>> -> memref<1x1x1x8x128xf32, #tpu.memory_space<hbm>>
      %dma_start3A_1060 = tpu.memref_squeeze %dma_start3A_1059 : memref<1x1x1x8x128xf32, #tpu.memory_space<hbm>> -> memref<8x128xf32, #tpu.memory_space<hbm>>
      %dma_start3A_1061 = arith.constant 0 : i32
      %dma_start3A_1062 = arith.constant 0 : i32
      %dma_start3A_1063 = tpu.memref_slice %arg4[%select_n3A_960, %dma_start3A_1053, %rem3A_962, %dma_start3A_1061, %dma_start3A_1062] : memref<200x8x32x8x128xf32, #tpu.memory_space<hbm>> -> memref<1x1x1x8x128xf32, #tpu.memory_space<hbm>>
      %dma_start3A_1064 = tpu.memref_squeeze %dma_start3A_1063 : memref<1x1x1x8x128xf32, #tpu.memory_space<hbm>> -> memref<8x128xf32, #tpu.memory_space<hbm>>
      %dma_start3A_1065 = arith.constant 48 : i32
      %dma_start3A_1066 = arith.constant 0 : i32
      %dma_start3A_1067 = tpu.memref_slice %arg12[%dma_start3A_1065, %dma_start3A_1066] : memref<64x128xf32, #tpu.memory_space<vmem>> -> memref<8x128xf32, #tpu.memory_space<vmem>>
      tpu.enqueue_dma source(%dma_start3A_1067 : memref<8x128xf32, #tpu.memory_space<vmem>>) target(%dma_start3A_1064 : memref<8x128xf32, #tpu.memory_space<hbm>>) target_semaphore(%arg18 : memref<!tpu.dma_semaphore, #tpu.memory_space<semaphore_mem>>)
      %dma_start3A_1068 = arith.constant 7 : i32
      %dma_start3A_1069 = arith.constant 56 : i32
      %dma_start3A_1070 = arith.constant 0 : i32
      %dma_start3A_1071 = tpu.memref_slice %arg12[%dma_start3A_1069, %dma_start3A_1070] : memref<64x128xf32, #tpu.memory_space<vmem>> -> memref<8x128xf32, #tpu.memory_space<vmem>>
      %dma_start3A_1072 = arith.constant 0 : i32
      %dma_start3A_1073 = arith.constant 0 : i32
      %dma_start3A_1074 = tpu.memref_slice %arg4[%select_n3A_960, %dma_start3A_1068, %rem3A_962, %dma_start3A_1072, %dma_start3A_1073] : memref<200x8x32x8x128xf32, #tpu.memory_space<hbm>> -> memref<1x1x1x8x128xf32, #tpu.memory_space<hbm>>
      %dma_start3A_1075 = tpu.memref_squeeze %dma_start3A_1074 : memref<1x1x1x8x128xf32, #tpu.memory_space<hbm>> -> memref<8x128xf32, #tpu.memory_space<hbm>>
      %dma_start3A_1076 = arith.constant 0 : i32
      %dma_start3A_1077 = arith.constant 0 : i32
      %dma_start3A_1078 = tpu.memref_slice %arg4[%select_n3A_960, %dma_start3A_1068, %rem3A_962, %dma_start3A_1076, %dma_start3A_1077] : memref<200x8x32x8x128xf32, #tpu.memory_space<hbm>> -> memref<1x1x1x8x128xf32, #tpu.memory_space<hbm>>
      %dma_start3A_1079 = tpu.memref_squeeze %dma_start3A_1078 : memref<1x1x1x8x128xf32, #tpu.memory_space<hbm>> -> memref<8x128xf32, #tpu.memory_space<hbm>>
      %dma_start3A_1080 = arith.constant 56 : i32
      %dma_start3A_1081 = arith.constant 0 : i32
      %dma_start3A_1082 = tpu.memref_slice %arg12[%dma_start3A_1080, %dma_start3A_1081] : memref<64x128xf32, #tpu.memory_space<vmem>> -> memref<8x128xf32, #tpu.memory_space<vmem>>
      tpu.enqueue_dma source(%dma_start3A_1082 : memref<8x128xf32, #tpu.memory_space<vmem>>) target(%dma_start3A_1079 : memref<8x128xf32, #tpu.memory_space<hbm>>) target_semaphore(%arg18 : memref<!tpu.dma_semaphore, #tpu.memory_space<semaphore_mem>>)
      %mul3A_1083 = arith.constant 4 : i32
      %mul3A_1084 = arith.muli %scan3A_600, %mul3A_1083 : i32
      %add3A_1085 = arith.constant 2 : i32
      %add3A_1086 = arith.addi %mul3A_1084, %add3A_1085 : i32
      %add3A_1087 = arith.constant 3 : i32
      %add3A_1088 = arith.addi %add3A_1086, %add3A_1087 : i32
      %lt3A_1089 = arith.constant 200 : i32
      %lt3A_1090 = arith.cmpi slt, %add3A_1088, %lt3A_1089 : i32
      %convert_element_type3A_1091 = arith.extui %lt3A_1090 : i1 to i32
      %cond3A_1092 = arith.constant 0 : i32
      %cond3A_1093 = arith.cmpi ne, %convert_element_type3A_1091, %cond3A_1092 : i32
      scf.if %cond3A_1093 {
        %add3A_1571 = arith.constant 3 : i32
        %add3A_1572 = arith.addi %add3A_1086, %add3A_1571 : i32
        %get3A_1573 = arith.index_cast %add3A_1572 : i32 to index
        %get3A_1574 = arith.constant 0 : index
        %get3A_1575 = tpu.vector_load %arg5[%get3A_1573, %get3A_1574] {strides = array<i32>} : memref<200x128xi32, #tpu.memory_space<vmem>>, vector<16xi32>,
        %shift_right_logical3A_1576 = arith.constant 1 : i32
        %shift_right_logical3A_1577 = vector.broadcast %shift_right_logical3A_1576 : i32 to vector<16xi32>
        %shift_right_logical3A_1578 = arith.shrui %get3A_1575, %shift_right_logical3A_1577 : vector<16xi32>
        %swap3A_1579 = arith.constant 1 : i32
        %swap3A_1580 = arith.index_cast %swap3A_1579 : i32 to index
        %swap3A_1581 = arith.constant 0 : index
        %swap3A_1582 = tpu.vector_load %arg6[%swap3A_1580, %swap3A_1581] {strides = array<i32>} : memref<4x128xi32, #tpu.memory_space<vmem>>, vector<16xi32>,
        tpu.vector_store %arg6[%swap3A_1580, %swap3A_1581], %shift_right_logical3A_1578 {strides = array<i32>} : memref<4x128xi32, #tpu.memory_space<vmem>>, vector<16xi32>,
        %get3A_1583 = arith.index_cast %add3A_1572 : i32 to index
        %get3A_1584 = arith.constant 16 : index
        %get3A_1585 = tpu.vector_load %arg5[%get3A_1583, %get3A_1584] {strides = array<i32>} : memref<200x128xi32, #tpu.memory_space<vmem>>, vector<16xi32>,
        %shift_right_logical3A_1586 = arith.constant 1 : i32
        %shift_right_logical3A_1587 = vector.broadcast %shift_right_logical3A_1586 : i32 to vector<16xi32>
        %shift_right_logical3A_1588 = arith.shrui %get3A_1585, %shift_right_logical3A_1587 : vector<16xi32>
        %swap3A_1589 = arith.constant 1 : i32
        %swap3A_1590 = arith.index_cast %swap3A_1589 : i32 to index
        %swap3A_1591 = arith.constant 16 : index
        %swap3A_1592 = tpu.vector_load %arg6[%swap3A_1590, %swap3A_1591] {strides = array<i32>} : memref<4x128xi32, #tpu.memory_space<vmem>>, vector<16xi32>,
        tpu.vector_store %arg6[%swap3A_1590, %swap3A_1591], %shift_right_logical3A_1588 {strides = array<i32>} : memref<4x128xi32, #tpu.memory_space<vmem>>, vector<16xi32>,
        %get3A_1593 = arith.index_cast %add3A_1572 : i32 to index
        %get3A_1594 = arith.constant 32 : index
        %get3A_1595 = tpu.vector_load %arg5[%get3A_1593, %get3A_1594] {strides = array<i32>} : memref<200x128xi32, #tpu.memory_space<vmem>>, vector<16xi32>,
        %shift_right_logical3A_1596 = arith.constant 1 : i32
        %shift_right_logical3A_1597 = vector.broadcast %shift_right_logical3A_1596 : i32 to vector<16xi32>
        %shift_right_logical3A_1598 = arith.shrui %get3A_1595, %shift_right_logical3A_1597 : vector<16xi32>
        %swap3A_1599 = arith.constant 1 : i32
        %swap3A_1600 = arith.index_cast %swap3A_1599 : i32 to index
        %swap3A_1601 = arith.constant 32 : index
        %swap3A_1602 = tpu.vector_load %arg6[%swap3A_1600, %swap3A_1601] {strides = array<i32>} : memref<4x128xi32, #tpu.memory_space<vmem>>, vector<16xi32>,
        tpu.vector_store %arg6[%swap3A_1600, %swap3A_1601], %shift_right_logical3A_1598 {strides = array<i32>} : memref<4x128xi32, #tpu.memory_space<vmem>>, vector<16xi32>,
        %get3A_1603 = arith.index_cast %add3A_1572 : i32 to index
        %get3A_1604 = arith.constant 48 : index
        %get3A_1605 = tpu.vector_load %arg5[%get3A_1603, %get3A_1604] {strides = array<i32>} : memref<200x128xi32, #tpu.memory_space<vmem>>, vector<16xi32>,
        %shift_right_logical3A_1606 = arith.constant 1 : i32
        %shift_right_logical3A_1607 = vector.broadcast %shift_right_logical3A_1606 : i32 to vector<16xi32>
        %shift_right_logical3A_1608 = arith.shrui %get3A_1605, %shift_right_logical3A_1607 : vector<16xi32>
        %swap3A_1609 = arith.constant 1 : i32
        %swap3A_1610 = arith.index_cast %swap3A_1609 : i32 to index
        %swap3A_1611 = arith.constant 48 : index
        %swap3A_1612 = tpu.vector_load %arg6[%swap3A_1610, %swap3A_1611] {strides = array<i32>} : memref<4x128xi32, #tpu.memory_space<vmem>>, vector<16xi32>,
        tpu.vector_store %arg6[%swap3A_1610, %swap3A_1611], %shift_right_logical3A_1608 {strides = array<i32>} : memref<4x128xi32, #tpu.memory_space<vmem>>, vector<16xi32>,
        %get3A_1613 = arith.index_cast %add3A_1572 : i32 to index
        %get3A_1614 = arith.constant 64 : index
        %get3A_1615 = tpu.vector_load %arg5[%get3A_1613, %get3A_1614] {strides = array<i32>} : memref<200x128xi32, #tpu.memory_space<vmem>>, vector<16xi32>,
        %shift_right_logical3A_1616 = arith.constant 1 : i32
        %shift_right_logical3A_1617 = vector.broadcast %shift_right_logical3A_1616 : i32 to vector<16xi32>
        %shift_right_logical3A_1618 = arith.shrui %get3A_1615, %shift_right_logical3A_1617 : vector<16xi32>
        %swap3A_1619 = arith.constant 1 : i32
        %swap3A_1620 = arith.index_cast %swap3A_1619 : i32 to index
        %swap3A_1621 = arith.constant 64 : index
        %swap3A_1622 = tpu.vector_load %arg6[%swap3A_1620, %swap3A_1621] {strides = array<i32>} : memref<4x128xi32, #tpu.memory_space<vmem>>, vector<16xi32>,
        tpu.vector_store %arg6[%swap3A_1620, %swap3A_1621], %shift_right_logical3A_1618 {strides = array<i32>} : memref<4x128xi32, #tpu.memory_space<vmem>>, vector<16xi32>,
        %get3A_1623 = arith.index_cast %add3A_1572 : i32 to index
        %get3A_1624 = arith.constant 80 : index
        %get3A_1625 = tpu.vector_load %arg5[%get3A_1623, %get3A_1624] {strides = array<i32>} : memref<200x128xi32, #tpu.memory_space<vmem>>, vector<16xi32>,
        %shift_right_logical3A_1626 = arith.constant 1 : i32
        %shift_right_logical3A_1627 = vector.broadcast %shift_right_logical3A_1626 : i32 to vector<16xi32>
        %shift_right_logical3A_1628 = arith.shrui %get3A_1625, %shift_right_logical3A_1627 : vector<16xi32>
        %swap3A_1629 = arith.constant 1 : i32
        %swap3A_1630 = arith.index_cast %swap3A_1629 : i32 to index
        %swap3A_1631 = arith.constant 80 : index
        %swap3A_1632 = tpu.vector_load %arg6[%swap3A_1630, %swap3A_1631] {strides = array<i32>} : memref<4x128xi32, #tpu.memory_space<vmem>>, vector<16xi32>,
        tpu.vector_store %arg6[%swap3A_1630, %swap3A_1631], %shift_right_logical3A_1628 {strides = array<i32>} : memref<4x128xi32, #tpu.memory_space<vmem>>, vector<16xi32>,
        %get3A_1633 = arith.index_cast %add3A_1572 : i32 to index
        %get3A_1634 = arith.constant 96 : index
        %get3A_1635 = tpu.vector_load %arg5[%get3A_1633, %get3A_1634] {strides = array<i32>} : memref<200x128xi32, #tpu.memory_space<vmem>>, vector<16xi32>,
        %shift_right_logical3A_1636 = arith.constant 1 : i32
        %shift_right_logical3A_1637 = vector.broadcast %shift_right_logical3A_1636 : i32 to vector<16xi32>
        %shift_right_logical3A_1638 = arith.shrui %get3A_1635, %shift_right_logical3A_1637 : vector<16xi32>
        %swap3A_1639 = arith.constant 1 : i32
        %swap3A_1640 = arith.index_cast %swap3A_1639 : i32 to index
        %swap3A_1641 = arith.constant 96 : index
        %swap3A_1642 = tpu.vector_load %arg6[%swap3A_1640, %swap3A_1641] {strides = array<i32>} : memref<4x128xi32, #tpu.memory_space<vmem>>, vector<16xi32>,
        tpu.vector_store %arg6[%swap3A_1640, %swap3A_1641], %shift_right_logical3A_1638 {strides = array<i32>} : memref<4x128xi32, #tpu.memory_space<vmem>>, vector<16xi32>,
        %get3A_1643 = arith.index_cast %add3A_1572 : i32 to index
        %get3A_1644 = arith.constant 112 : index
        %get3A_1645 = tpu.vector_load %arg5[%get3A_1643, %get3A_1644] {strides = array<i32>} : memref<200x128xi32, #tpu.memory_space<vmem>>, vector<16xi32>,
        %shift_right_logical3A_1646 = arith.constant 1 : i32
        %shift_right_logical3A_1647 = vector.broadcast %shift_right_logical3A_1646 : i32 to vector<16xi32>
        %shift_right_logical3A_1648 = arith.shrui %get3A_1645, %shift_right_logical3A_1647 : vector<16xi32>
        %swap3A_1649 = arith.constant 1 : i32
        %swap3A_1650 = arith.index_cast %swap3A_1649 : i32 to index
        %swap3A_1651 = arith.constant 112 : index
        %swap3A_1652 = tpu.vector_load %arg6[%swap3A_1650, %swap3A_1651] {strides = array<i32>} : memref<4x128xi32, #tpu.memory_space<vmem>>, vector<16xi32>,
        tpu.vector_store %arg6[%swap3A_1650, %swap3A_1651], %shift_right_logical3A_1648 {strides = array<i32>} : memref<4x128xi32, #tpu.memory_space<vmem>>, vector<16xi32>,
        %dma_start3A_1653 = arith.constant 1 : i32
        %dma_start3A_1654 = arith.constant 0 : i32
        %dma_start3A_1655 = tpu.memref_slice %arg6[%dma_start3A_1653, %dma_start3A_1654] : memref<4x128xi32, #tpu.memory_space<vmem>> -> memref<1x128xi32, #tpu.memory_space<vmem>>
        %dma_start3A_1656 = tpu.memref_squeeze %dma_start3A_1655 : memref<1x128xi32, #tpu.memory_space<vmem>> -> memref<128xi32, #tpu.memory_space<vmem>>
        %dma_start3A_1657 = arith.constant 0 : i32
        %dma_start3A_1658 = arith.constant 0 : i32
        %dma_start3A_1659 = tpu.memref_slice %arg2[%dma_start3A_1657, %dma_start3A_1658] : memref<500000x128xf32, #tpu.memory_space<hbm>> -> memref<500000x128xf32, #tpu.memory_space<hbm>>
        tpu.enqueue_indirect_dma source(%dma_start3A_1659 : memref<500000x128xf32, #tpu.memory_space<hbm>>) target(%arg8 : memref<128x128xf32, #tpu.memory_space<vmem>>) offsets(%dma_start3A_1656 : memref<128xi32, #tpu.memory_space<vmem>>) semaphore(%arg14 : memref<!tpu.dma_semaphore, #tpu.memory_space<semaphore_mem>>)
      } else {
      }
      %dma_wait3A_1094 = arith.constant 0 : i32
      %dma_wait3A_1095 = arith.constant 0 : i32
      %dma_wait3A_1096 = tpu.memref_slice %arg2[%dma_wait3A_1094, %dma_wait3A_1095] : memref<500000x128xf32, #tpu.memory_space<hbm>> -> memref<128x128xf32, #tpu.memory_space<hbm>>
      %dma_wait3A_1097 = arith.constant 0 : i32
      %dma_wait3A_1098 = arith.constant 0 : i32
      %dma_wait3A_1099 = tpu.memref_slice %arg2[%dma_wait3A_1097, %dma_wait3A_1098] : memref<500000x128xf32, #tpu.memory_space<hbm>> -> memref<128x128xf32, #tpu.memory_space<hbm>>
      tpu.wait_dma2 semaphore(%arg15 : memref<!tpu.dma_semaphore, #tpu.memory_space<semaphore_mem>>) src(%dma_wait3A_1099 : memref<128x128xf32, #tpu.memory_space<hbm>>) dst(%arg9 : memref<128x128xf32, #tpu.memory_space<vmem>>)
      %ge3A_1100 = arith.constant 2 : i32
      %ge3A_1101 = arith.cmpi sge, %add3A_1086, %ge3A_1100 : i32
      %convert_element_type3A_1102 = arith.extui %ge3A_1101 : i1 to i32
      %cond3A_1103 = arith.constant 0 : i32
      %cond3A_1104 = arith.cmpi ne, %convert_element_type3A_1102, %cond3A_1103 : i32
      scf.if %cond3A_1104 {
        %sub3A_1571 = arith.constant 2 : i32
        %sub3A_1572 = arith.subi %add3A_1086, %sub3A_1571 : i32
        %add3A_1573 = arith.addi %mul3A_2, %sub3A_1572 : i32
        %jit3A_1574 = arith.constant 32 : i32
        %div3A_1575 = arith.divsi %add3A_1573, %jit3A_1574 : i32
        %sign3A_1576 = arith.constant 0 : i32
        %sign3A_1577 = arith.cmpi sgt, %add3A_1573, %sign3A_1576 : i32
        %sign3A_1578 = arith.extui %sign3A_1577 : i1 to i32
        %sign3A_1579 = arith.constant 0 : i32
        %sign3A_1580 = arith.cmpi slt, %add3A_1573, %sign3A_1579 : i32
        %sign3A_1581 = arith.extui %sign3A_1580 : i1 to i32
        %sign3A_1582 = arith.subi %sign3A_1578, %sign3A_1581 : i32
        %sign3A_1583 = arith.constant 0 : i32
        %sign3A_1584 = arith.cmpi sgt, %jit3A_1574, %sign3A_1583 : i32
        %sign3A_1585 = arith.extui %sign3A_1584 : i1 to i32
        %sign3A_1586 = arith.constant 0 : i32
        %sign3A_1587 = arith.cmpi slt, %jit3A_1574, %sign3A_1586 : i32
        %sign3A_1588 = arith.extui %sign3A_1587 : i1 to i32
        %sign3A_1589 = arith.subi %sign3A_1585, %sign3A_1588 : i32
        %ne3A_1590 = arith.cmpi ne, %sign3A_1582, %sign3A_1589 : i32
        %rem3A_1591 = arith.remsi %add3A_1573, %jit3A_1574 : i32
        %ne3A_1592 = arith.constant 0 : i32
        %ne3A_1593 = arith.cmpi ne, %rem3A_1591, %ne3A_1592 : i32
        %and3A_1594 = arith.andi %ne3A_1590, %ne3A_1593 : i1
        %sub3A_1595 = arith.constant 1 : i32
        %sub3A_1596 = arith.subi %div3A_1575, %sub3A_1595 : i32
        %select_n3A_1597 = arith.select %and3A_1594, %sub3A_1596, %div3A_1575 : i32
        %rem3A_1598 = arith.constant 32 : i32
        %rem3A_1599 = arith.remsi %add3A_1573, %rem3A_1598 : i32
        %dma_wait3A_1600 = arith.constant 0 : i32
        %dma_wait3A_1601 = arith.constant 0 : i32
        %dma_wait3A_1602 = arith.constant 0 : i32
        %dma_wait3A_1603 = tpu.memref_slice %arg11[%dma_wait3A_1601, %dma_wait3A_1602] : memref<64x128xf32, #tpu.memory_space<vmem>> -> memref<8x128xf32, #tpu.memory_space<vmem>>
        %dma_wait3A_1604 = arith.constant 0 : i32
        %dma_wait3A_1605 = arith.constant 0 : i32
        %dma_wait3A_1606 = tpu.memref_slice %arg4[%select_n3A_1597, %dma_wait3A_1600, %rem3A_1599, %dma_wait3A_1604, %dma_wait3A_1605] : memref<200x8x32x8x128xf32, #tpu.memory_space<hbm>> -> memref<1x1x1x8x128xf32, #tpu.memory_space<hbm>>
        %dma_wait3A_1607 = tpu.memref_squeeze %dma_wait3A_1606 : memref<1x1x1x8x128xf32, #tpu.memory_space<hbm>> -> memref<8x128xf32, #tpu.memory_space<hbm>>
        %dma_wait3A_1608 = arith.constant 0 : i32
        %dma_wait3A_1609 = arith.constant 0 : i32
        %dma_wait3A_1610 = tpu.memref_slice %arg4[%select_n3A_1597, %dma_wait3A_1600, %rem3A_1599, %dma_wait3A_1608, %dma_wait3A_1609] : memref<200x8x32x8x128xf32, #tpu.memory_space<hbm>> -> memref<1x1x1x8x128xf32, #tpu.memory_space<hbm>>
        %dma_wait3A_1611 = tpu.memref_squeeze %dma_wait3A_1610 : memref<1x1x1x8x128xf32, #tpu.memory_space<hbm>> -> memref<8x128xf32, #tpu.memory_space<hbm>>
        %dma_wait3A_1612 = arith.constant 0 : i32
        %dma_wait3A_1613 = arith.constant 0 : i32
        %dma_wait3A_1614 = tpu.memref_slice %arg11[%dma_wait3A_1612, %dma_wait3A_1613] : memref<64x128xf32, #tpu.memory_space<vmem>> -> memref<8x128xf32, #tpu.memory_space<vmem>>
        tpu.wait_dma2 semaphore(%arg17 : memref<!tpu.dma_semaphore, #tpu.memory_space<semaphore_mem>>) src(%dma_wait3A_1614 : memref<8x128xf32, #tpu.memory_space<vmem>>) dst(%dma_wait3A_1611 : memref<8x128xf32, #tpu.memory_space<hbm>>)
        %dma_wait3A_1615 = arith.constant 1 : i32
        %dma_wait3A_1616 = arith.constant 8 : i32
        %dma_wait3A_1617 = arith.constant 0 : i32
        %dma_wait3A_1618 = tpu.memref_slice %arg11[%dma_wait3A_1616, %dma_wait3A_1617] : memref<64x128xf32, #tpu.memory_space<vmem>> -> memref<8x128xf32, #tpu.memory_space<vmem>>
        %dma_wait3A_1619 = arith.constant 0 : i32
        %dma_wait3A_1620 = arith.constant 0 : i32
        %dma_wait3A_1621 = tpu.memref_slice %arg4[%select_n3A_1597, %dma_wait3A_1615, %rem3A_1599, %dma_wait3A_1619, %dma_wait3A_1620] : memref<200x8x32x8x128xf32, #tpu.memory_space<hbm>> -> memref<1x1x1x8x128xf32, #tpu.memory_space<hbm>>
        %dma_wait3A_1622 = tpu.memref_squeeze %dma_wait3A_1621 : memref<1x1x1x8x128xf32, #tpu.memory_space<hbm>> -> memref<8x128xf32, #tpu.memory_space<hbm>>
        %dma_wait3A_1623 = arith.constant 0 : i32
        %dma_wait3A_1624 = arith.constant 0 : i32
        %dma_wait3A_1625 = tpu.memref_slice %arg4[%select_n3A_1597, %dma_wait3A_1615, %rem3A_1599, %dma_wait3A_1623, %dma_wait3A_1624] : memref<200x8x32x8x128xf32, #tpu.memory_space<hbm>> -> memref<1x1x1x8x128xf32, #tpu.memory_space<hbm>>
        %dma_wait3A_1626 = tpu.memref_squeeze %dma_wait3A_1625 : memref<1x1x1x8x128xf32, #tpu.memory_space<hbm>> -> memref<8x128xf32, #tpu.memory_space<hbm>>
        %dma_wait3A_1627 = arith.constant 8 : i32
        %dma_wait3A_1628 = arith.constant 0 : i32
        %dma_wait3A_1629 = tpu.memref_slice %arg11[%dma_wait3A_1627, %dma_wait3A_1628] : memref<64x128xf32, #tpu.memory_space<vmem>> -> memref<8x128xf32, #tpu.memory_space<vmem>>
        tpu.wait_dma2 semaphore(%arg17 : memref<!tpu.dma_semaphore, #tpu.memory_space<semaphore_mem>>) src(%dma_wait3A_1629 : memref<8x128xf32, #tpu.memory_space<vmem>>) dst(%dma_wait3A_1626 : memref<8x128xf32, #tpu.memory_space<hbm>>)
        %dma_wait3A_1630 = arith.constant 2 : i32
        %dma_wait3A_1631 = arith.constant 16 : i32
        %dma_wait3A_1632 = arith.constant 0 : i32
        %dma_wait3A_1633 = tpu.memref_slice %arg11[%dma_wait3A_1631, %dma_wait3A_1632] : memref<64x128xf32, #tpu.memory_space<vmem>> -> memref<8x128xf32, #tpu.memory_space<vmem>>
        %dma_wait3A_1634 = arith.constant 0 : i32
        %dma_wait3A_1635 = arith.constant 0 : i32
        %dma_wait3A_1636 = tpu.memref_slice %arg4[%select_n3A_1597, %dma_wait3A_1630, %rem3A_1599, %dma_wait3A_1634, %dma_wait3A_1635] : memref<200x8x32x8x128xf32, #tpu.memory_space<hbm>> -> memref<1x1x1x8x128xf32, #tpu.memory_space<hbm>>
        %dma_wait3A_1637 = tpu.memref_squeeze %dma_wait3A_1636 : memref<1x1x1x8x128xf32, #tpu.memory_space<hbm>> -> memref<8x128xf32, #tpu.memory_space<hbm>>
        %dma_wait3A_1638 = arith.constant 0 : i32
        %dma_wait3A_1639 = arith.constant 0 : i32
        %dma_wait3A_1640 = tpu.memref_slice %arg4[%select_n3A_1597, %dma_wait3A_1630, %rem3A_1599, %dma_wait3A_1638, %dma_wait3A_1639] : memref<200x8x32x8x128xf32, #tpu.memory_space<hbm>> -> memref<1x1x1x8x128xf32, #tpu.memory_space<hbm>>
        %dma_wait3A_1641 = tpu.memref_squeeze %dma_wait3A_1640 : memref<1x1x1x8x128xf32, #tpu.memory_space<hbm>> -> memref<8x128xf32, #tpu.memory_space<hbm>>
        %dma_wait3A_1642 = arith.constant 16 : i32
        %dma_wait3A_1643 = arith.constant 0 : i32
        %dma_wait3A_1644 = tpu.memref_slice %arg11[%dma_wait3A_1642, %dma_wait3A_1643] : memref<64x128xf32, #tpu.memory_space<vmem>> -> memref<8x128xf32, #tpu.memory_space<vmem>>
        tpu.wait_dma2 semaphore(%arg17 : memref<!tpu.dma_semaphore, #tpu.memory_space<semaphore_mem>>) src(%dma_wait3A_1644 : memref<8x128xf32, #tpu.memory_space<vmem>>) dst(%dma_wait3A_1641 : memref<8x128xf32, #tpu.memory_space<hbm>>)
        %dma_wait3A_1645 = arith.constant 3 : i32
        %dma_wait3A_1646 = arith.constant 24 : i32
        %dma_wait3A_1647 = arith.constant 0 : i32
        %dma_wait3A_1648 = tpu.memref_slice %arg11[%dma_wait3A_1646, %dma_wait3A_1647] : memref<64x128xf32, #tpu.memory_space<vmem>> -> memref<8x128xf32, #tpu.memory_space<vmem>>
        %dma_wait3A_1649 = arith.constant 0 : i32
        %dma_wait3A_1650 = arith.constant 0 : i32
        %dma_wait3A_1651 = tpu.memref_slice %arg4[%select_n3A_1597, %dma_wait3A_1645, %rem3A_1599, %dma_wait3A_1649, %dma_wait3A_1650] : memref<200x8x32x8x128xf32, #tpu.memory_space<hbm>> -> memref<1x1x1x8x128xf32, #tpu.memory_space<hbm>>
        %dma_wait3A_1652 = tpu.memref_squeeze %dma_wait3A_1651 : memref<1x1x1x8x128xf32, #tpu.memory_space<hbm>> -> memref<8x128xf32, #tpu.memory_space<hbm>>
        %dma_wait3A_1653 = arith.constant 0 : i32
        %dma_wait3A_1654 = arith.constant 0 : i32
        %dma_wait3A_1655 = tpu.memref_slice %arg4[%select_n3A_1597, %dma_wait3A_1645, %rem3A_1599, %dma_wait3A_1653, %dma_wait3A_1654] : memref<200x8x32x8x128xf32, #tpu.memory_space<hbm>> -> memref<1x1x1x8x128xf32, #tpu.memory_space<hbm>>
        %dma_wait3A_1656 = tpu.memref_squeeze %dma_wait3A_1655 : memref<1x1x1x8x128xf32, #tpu.memory_space<hbm>> -> memref<8x128xf32, #tpu.memory_space<hbm>>
        %dma_wait3A_1657 = arith.constant 24 : i32
        %dma_wait3A_1658 = arith.constant 0 : i32
        %dma_wait3A_1659 = tpu.memref_slice %arg11[%dma_wait3A_1657, %dma_wait3A_1658] : memref<64x128xf32, #tpu.memory_space<vmem>> -> memref<8x128xf32, #tpu.memory_space<vmem>>
        tpu.wait_dma2 semaphore(%arg17 : memref<!tpu.dma_semaphore, #tpu.memory_space<semaphore_mem>>) src(%dma_wait3A_1659 : memref<8x128xf32, #tpu.memory_space<vmem>>) dst(%dma_wait3A_1656 : memref<8x128xf32, #tpu.memory_space<hbm>>)
        %dma_wait3A_1660 = arith.constant 4 : i32
        %dma_wait3A_1661 = arith.constant 32 : i32
        %dma_wait3A_1662 = arith.constant 0 : i32
        %dma_wait3A_1663 = tpu.memref_slice %arg11[%dma_wait3A_1661, %dma_wait3A_1662] : memref<64x128xf32, #tpu.memory_space<vmem>> -> memref<8x128xf32, #tpu.memory_space<vmem>>
        %dma_wait3A_1664 = arith.constant 0 : i32
        %dma_wait3A_1665 = arith.constant 0 : i32
        %dma_wait3A_1666 = tpu.memref_slice %arg4[%select_n3A_1597, %dma_wait3A_1660, %rem3A_1599, %dma_wait3A_1664, %dma_wait3A_1665] : memref<200x8x32x8x128xf32, #tpu.memory_space<hbm>> -> memref<1x1x1x8x128xf32, #tpu.memory_space<hbm>>
        %dma_wait3A_1667 = tpu.memref_squeeze %dma_wait3A_1666 : memref<1x1x1x8x128xf32, #tpu.memory_space<hbm>> -> memref<8x128xf32, #tpu.memory_space<hbm>>
        %dma_wait3A_1668 = arith.constant 0 : i32
        %dma_wait3A_1669 = arith.constant 0 : i32
        %dma_wait3A_1670 = tpu.memref_slice %arg4[%select_n3A_1597, %dma_wait3A_1660, %rem3A_1599, %dma_wait3A_1668, %dma_wait3A_1669] : memref<200x8x32x8x128xf32, #tpu.memory_space<hbm>> -> memref<1x1x1x8x128xf32, #tpu.memory_space<hbm>>
        %dma_wait3A_1671 = tpu.memref_squeeze %dma_wait3A_1670 : memref<1x1x1x8x128xf32, #tpu.memory_space<hbm>> -> memref<8x128xf32, #tpu.memory_space<hbm>>
        %dma_wait3A_1672 = arith.constant 32 : i32
        %dma_wait3A_1673 = arith.constant 0 : i32
        %dma_wait3A_1674 = tpu.memref_slice %arg11[%dma_wait3A_1672, %dma_wait3A_1673] : memref<64x128xf32, #tpu.memory_space<vmem>> -> memref<8x128xf32, #tpu.memory_space<vmem>>
        tpu.wait_dma2 semaphore(%arg17 : memref<!tpu.dma_semaphore, #tpu.memory_space<semaphore_mem>>) src(%dma_wait3A_1674 : memref<8x128xf32, #tpu.memory_space<vmem>>) dst(%dma_wait3A_1671 : memref<8x128xf32, #tpu.memory_space<hbm>>)
        %dma_wait3A_1675 = arith.constant 5 : i32
        %dma_wait3A_1676 = arith.constant 40 : i32
        %dma_wait3A_1677 = arith.constant 0 : i32
        %dma_wait3A_1678 = tpu.memref_slice %arg11[%dma_wait3A_1676, %dma_wait3A_1677] : memref<64x128xf32, #tpu.memory_space<vmem>> -> memref<8x128xf32, #tpu.memory_space<vmem>>
        %dma_wait3A_1679 = arith.constant 0 : i32
        %dma_wait3A_1680 = arith.constant 0 : i32
        %dma_wait3A_1681 = tpu.memref_slice %arg4[%select_n3A_1597, %dma_wait3A_1675, %rem3A_1599, %dma_wait3A_1679, %dma_wait3A_1680] : memref<200x8x32x8x128xf32, #tpu.memory_space<hbm>> -> memref<1x1x1x8x128xf32, #tpu.memory_space<hbm>>
        %dma_wait3A_1682 = tpu.memref_squeeze %dma_wait3A_1681 : memref<1x1x1x8x128xf32, #tpu.memory_space<hbm>> -> memref<8x128xf32, #tpu.memory_space<hbm>>
        %dma_wait3A_1683 = arith.constant 0 : i32
        %dma_wait3A_1684 = arith.constant 0 : i32
        %dma_wait3A_1685 = tpu.memref_slice %arg4[%select_n3A_1597, %dma_wait3A_1675, %rem3A_1599, %dma_wait3A_1683, %dma_wait3A_1684] : memref<200x8x32x8x128xf32, #tpu.memory_space<hbm>> -> memref<1x1x1x8x128xf32, #tpu.memory_space<hbm>>
        %dma_wait3A_1686 = tpu.memref_squeeze %dma_wait3A_1685 : memref<1x1x1x8x128xf32, #tpu.memory_space<hbm>> -> memref<8x128xf32, #tpu.memory_space<hbm>>
        %dma_wait3A_1687 = arith.constant 40 : i32
        %dma_wait3A_1688 = arith.constant 0 : i32
        %dma_wait3A_1689 = tpu.memref_slice %arg11[%dma_wait3A_1687, %dma_wait3A_1688] : memref<64x128xf32, #tpu.memory_space<vmem>> -> memref<8x128xf32, #tpu.memory_space<vmem>>
        tpu.wait_dma2 semaphore(%arg17 : memref<!tpu.dma_semaphore, #tpu.memory_space<semaphore_mem>>) src(%dma_wait3A_1689 : memref<8x128xf32, #tpu.memory_space<vmem>>) dst(%dma_wait3A_1686 : memref<8x128xf32, #tpu.memory_space<hbm>>)
        %dma_wait3A_1690 = arith.constant 6 : i32
        %dma_wait3A_1691 = arith.constant 48 : i32
        %dma_wait3A_1692 = arith.constant 0 : i32
        %dma_wait3A_1693 = tpu.memref_slice %arg11[%dma_wait3A_1691, %dma_wait3A_1692] : memref<64x128xf32, #tpu.memory_space<vmem>> -> memref<8x128xf32, #tpu.memory_space<vmem>>
        %dma_wait3A_1694 = arith.constant 0 : i32
        %dma_wait3A_1695 = arith.constant 0 : i32
        %dma_wait3A_1696 = tpu.memref_slice %arg4[%select_n3A_1597, %dma_wait3A_1690, %rem3A_1599, %dma_wait3A_1694, %dma_wait3A_1695] : memref<200x8x32x8x128xf32, #tpu.memory_space<hbm>> -> memref<1x1x1x8x128xf32, #tpu.memory_space<hbm>>
        %dma_wait3A_1697 = tpu.memref_squeeze %dma_wait3A_1696 : memref<1x1x1x8x128xf32, #tpu.memory_space<hbm>> -> memref<8x128xf32, #tpu.memory_space<hbm>>
        %dma_wait3A_1698 = arith.constant 0 : i32
        %dma_wait3A_1699 = arith.constant 0 : i32
        %dma_wait3A_1700 = tpu.memref_slice %arg4[%select_n3A_1597, %dma_wait3A_1690, %rem3A_1599, %dma_wait3A_1698, %dma_wait3A_1699] : memref<200x8x32x8x128xf32, #tpu.memory_space<hbm>> -> memref<1x1x1x8x128xf32, #tpu.memory_space<hbm>>
        %dma_wait3A_1701 = tpu.memref_squeeze %dma_wait3A_1700 : memref<1x1x1x8x128xf32, #tpu.memory_space<hbm>> -> memref<8x128xf32, #tpu.memory_space<hbm>>
        %dma_wait3A_1702 = arith.constant 48 : i32
        %dma_wait3A_1703 = arith.constant 0 : i32
        %dma_wait3A_1704 = tpu.memref_slice %arg11[%dma_wait3A_1702, %dma_wait3A_1703] : memref<64x128xf32, #tpu.memory_space<vmem>> -> memref<8x128xf32, #tpu.memory_space<vmem>>
        tpu.wait_dma2 semaphore(%arg17 : memref<!tpu.dma_semaphore, #tpu.memory_space<semaphore_mem>>) src(%dma_wait3A_1704 : memref<8x128xf32, #tpu.memory_space<vmem>>) dst(%dma_wait3A_1701 : memref<8x128xf32, #tpu.memory_space<hbm>>)
        %dma_wait3A_1705 = arith.constant 7 : i32
        %dma_wait3A_1706 = arith.constant 56 : i32
        %dma_wait3A_1707 = arith.constant 0 : i32
        %dma_wait3A_1708 = tpu.memref_slice %arg11[%dma_wait3A_1706, %dma_wait3A_1707] : memref<64x128xf32, #tpu.memory_space<vmem>> -> memref<8x128xf32, #tpu.memory_space<vmem>>
        %dma_wait3A_1709 = arith.constant 0 : i32
        %dma_wait3A_1710 = arith.constant 0 : i32
        %dma_wait3A_1711 = tpu.memref_slice %arg4[%select_n3A_1597, %dma_wait3A_1705, %rem3A_1599, %dma_wait3A_1709, %dma_wait3A_1710] : memref<200x8x32x8x128xf32, #tpu.memory_space<hbm>> -> memref<1x1x1x8x128xf32, #tpu.memory_space<hbm>>
        %dma_wait3A_1712 = tpu.memref_squeeze %dma_wait3A_1711 : memref<1x1x1x8x128xf32, #tpu.memory_space<hbm>> -> memref<8x128xf32, #tpu.memory_space<hbm>>
        %dma_wait3A_1713 = arith.constant 0 : i32
        %dma_wait3A_1714 = arith.constant 0 : i32
        %dma_wait3A_1715 = tpu.memref_slice %arg4[%select_n3A_1597, %dma_wait3A_1705, %rem3A_1599, %dma_wait3A_1713, %dma_wait3A_1714] : memref<200x8x32x8x128xf32, #tpu.memory_space<hbm>> -> memref<1x1x1x8x128xf32, #tpu.memory_space<hbm>>
        %dma_wait3A_1716 = tpu.memref_squeeze %dma_wait3A_1715 : memref<1x1x1x8x128xf32, #tpu.memory_space<hbm>> -> memref<8x128xf32, #tpu.memory_space<hbm>>
        %dma_wait3A_1717 = arith.constant 56 : i32
        %dma_wait3A_1718 = arith.constant 0 : i32
        %dma_wait3A_1719 = tpu.memref_slice %arg11[%dma_wait3A_1717, %dma_wait3A_1718] : memref<64x128xf32, #tpu.memory_space<vmem>> -> memref<8x128xf32, #tpu.memory_space<vmem>>
        tpu.wait_dma2 semaphore(%arg17 : memref<!tpu.dma_semaphore, #tpu.memory_space<semaphore_mem>>) src(%dma_wait3A_1719 : memref<8x128xf32, #tpu.memory_space<vmem>>) dst(%dma_wait3A_1716 : memref<8x128xf32, #tpu.memory_space<hbm>>)
      } else {
      }
      %get3A_1105 = arith.index_cast %add3A_1086 : i32 to index
      %get3A_1106 = arith.constant 0 : index
      %get3A_1107 = tpu.vector_load %arg5[%get3A_1105, %get3A_1106] {strides = array<i32>} : memref<200x128xi32, #tpu.memory_space<vmem>>, vector<16xi32>,
      %and3A_1108 = arith.constant 1 : i32
      %and3A_1109 = vector.broadcast %and3A_1108 : i32 to vector<16xi32>
      %and3A_1110 = arith.andi %get3A_1107, %and3A_1109 : vector<16xi32>
      %shift_left3A_1111 = arith.constant 6 : i32
      %shift_left3A_1112 = vector.broadcast %shift_left3A_1111 : i32 to vector<16xi32>
      %shift_left3A_1113 = arith.shli %and3A_1110, %shift_left3A_1112 : vector<16xi32>
      %get3A_1114 = arith.index_cast %add3A_1086 : i32 to index
      %get3A_1115 = arith.constant 16 : index
      %get3A_1116 = tpu.vector_load %arg5[%get3A_1114, %get3A_1115] {strides = array<i32>} : memref<200x128xi32, #tpu.memory_space<vmem>>, vector<16xi32>,
      %and3A_1117 = arith.constant 1 : i32
      %and3A_1118 = vector.broadcast %and3A_1117 : i32 to vector<16xi32>
      %and3A_1119 = arith.andi %get3A_1116, %and3A_1118 : vector<16xi32>
      %shift_left3A_1120 = arith.constant 6 : i32
      %shift_left3A_1121 = vector.broadcast %shift_left3A_1120 : i32 to vector<16xi32>
      %shift_left3A_1122 = arith.shli %and3A_1119, %shift_left3A_1121 : vector<16xi32>
      %get3A_1123 = arith.index_cast %add3A_1086 : i32 to index
      %get3A_1124 = arith.constant 32 : index
      %get3A_1125 = tpu.vector_load %arg5[%get3A_1123, %get3A_1124] {strides = array<i32>} : memref<200x128xi32, #tpu.memory_space<vmem>>, vector<16xi32>,
      %and3A_1126 = arith.constant 1 : i32
      %and3A_1127 = vector.broadcast %and3A_1126 : i32 to vector<16xi32>
      %and3A_1128 = arith.andi %get3A_1125, %and3A_1127 : vector<16xi32>
      %shift_left3A_1129 = arith.constant 6 : i32
      %shift_left3A_1130 = vector.broadcast %shift_left3A_1129 : i32 to vector<16xi32>
      %shift_left3A_1131 = arith.shli %and3A_1128, %shift_left3A_1130 : vector<16xi32>
      %get3A_1132 = arith.index_cast %add3A_1086 : i32 to index
      %get3A_1133 = arith.constant 48 : index
      %get3A_1134 = tpu.vector_load %arg5[%get3A_1132, %get3A_1133] {strides = array<i32>} : memref<200x128xi32, #tpu.memory_space<vmem>>, vector<16xi32>,
      %and3A_1135 = arith.constant 1 : i32
      %and3A_1136 = vector.broadcast %and3A_1135 : i32 to vector<16xi32>
      %and3A_1137 = arith.andi %get3A_1134, %and3A_1136 : vector<16xi32>
      %shift_left3A_1138 = arith.constant 6 : i32
      %shift_left3A_1139 = vector.broadcast %shift_left3A_1138 : i32 to vector<16xi32>
      %shift_left3A_1140 = arith.shli %and3A_1137, %shift_left3A_1139 : vector<16xi32>
      %get3A_1141 = arith.index_cast %add3A_1086 : i32 to index
      %get3A_1142 = arith.constant 64 : index
      %get3A_1143 = tpu.vector_load %arg5[%get3A_1141, %get3A_1142] {strides = array<i32>} : memref<200x128xi32, #tpu.memory_space<vmem>>, vector<16xi32>,
      %and3A_1144 = arith.constant 1 : i32
      %and3A_1145 = vector.broadcast %and3A_1144 : i32 to vector<16xi32>
      %and3A_1146 = arith.andi %get3A_1143, %and3A_1145 : vector<16xi32>
      %shift_left3A_1147 = arith.constant 6 : i32
      %shift_left3A_1148 = vector.broadcast %shift_left3A_1147 : i32 to vector<16xi32>
      %shift_left3A_1149 = arith.shli %and3A_1146, %shift_left3A_1148 : vector<16xi32>
      %get3A_1150 = arith.index_cast %add3A_1086 : i32 to index
      %get3A_1151 = arith.constant 80 : index
      %get3A_1152 = tpu.vector_load %arg5[%get3A_1150, %get3A_1151] {strides = array<i32>} : memref<200x128xi32, #tpu.memory_space<vmem>>, vector<16xi32>,
      %and3A_1153 = arith.constant 1 : i32
      %and3A_1154 = vector.broadcast %and3A_1153 : i32 to vector<16xi32>
      %and3A_1155 = arith.andi %get3A_1152, %and3A_1154 : vector<16xi32>
      %shift_left3A_1156 = arith.constant 6 : i32
      %shift_left3A_1157 = vector.broadcast %shift_left3A_1156 : i32 to vector<16xi32>
      %shift_left3A_1158 = arith.shli %and3A_1155, %shift_left3A_1157 : vector<16xi32>
      %get3A_1159 = arith.index_cast %add3A_1086 : i32 to index
      %get3A_1160 = arith.constant 96 : index
      %get3A_1161 = tpu.vector_load %arg5[%get3A_1159, %get3A_1160] {strides = array<i32>} : memref<200x128xi32, #tpu.memory_space<vmem>>, vector<16xi32>,
      %and3A_1162 = arith.constant 1 : i32
      %and3A_1163 = vector.broadcast %and3A_1162 : i32 to vector<16xi32>
      %and3A_1164 = arith.andi %get3A_1161, %and3A_1163 : vector<16xi32>
      %shift_left3A_1165 = arith.constant 6 : i32
      %shift_left3A_1166 = vector.broadcast %shift_left3A_1165 : i32 to vector<16xi32>
      %shift_left3A_1167 = arith.shli %and3A_1164, %shift_left3A_1166 : vector<16xi32>
      %get3A_1168 = arith.index_cast %add3A_1086 : i32 to index
      %get3A_1169 = arith.constant 112 : index
      %get3A_1170 = tpu.vector_load %arg5[%get3A_1168, %get3A_1169] {strides = array<i32>} : memref<200x128xi32, #tpu.memory_space<vmem>>, vector<16xi32>,
      %and3A_1171 = arith.constant 1 : i32
      %and3A_1172 = vector.broadcast %and3A_1171 : i32 to vector<16xi32>
      %and3A_1173 = arith.andi %get3A_1170, %and3A_1172 : vector<16xi32>
      %shift_left3A_1174 = arith.constant 6 : i32
      %shift_left3A_1175 = vector.broadcast %shift_left3A_1174 : i32 to vector<16xi32>
      %shift_left3A_1176 = arith.shli %and3A_1173, %shift_left3A_1175 : vector<16xi32>
      %parallel_loop3A_1177 = arith.constant 0 : i32
      %parallel_loop3A_1178 = arith.constant 64 : i32
      %parallel_loop3A_1179 = arith.constant 1 : i32
      scf.for %parallel_loop3A_1571 = %parallel_loop3A_1177 to %parallel_loop3A_1178 step %parallel_loop3A_1179  : i32 {
        %parallel_loop3A_1572 = vector.broadcast %parallel_loop3A_1571 : i32 to vector<16xi32>
        %parallel_loop3A_1573 = arith.addi %shift_left3A_1113, %parallel_loop3A_1572 : vector<16xi32>
        %parallel_loop3A_1574 = tpu.vector_load_idx %arg9[%add3A_5, %parallel_loop3A_1573] : memref<128x128xf32, #tpu.memory_space<vmem>>[vector<16xi32>, vector<16xi32>], vector<16xf32>,
        %parallel_loop3A_1575 = arith.index_cast %parallel_loop3A_1571 : i32 to index
        %parallel_loop3A_1576 = arith.constant 0 : index
        %parallel_loop3A_1577 = tpu.vector_load %arg11[%parallel_loop3A_1575, %parallel_loop3A_1576] {strides = array<i32>} : memref<64x128xf32, #tpu.memory_space<vmem>>, vector<16xf32>,
        tpu.vector_store %arg11[%parallel_loop3A_1575, %parallel_loop3A_1576], %parallel_loop3A_1574 {strides = array<i32>} : memref<64x128xf32, #tpu.memory_space<vmem>>, vector<16xf32>,
        %parallel_loop3A_1578 = vector.broadcast %parallel_loop3A_1571 : i32 to vector<16xi32>
        %parallel_loop3A_1579 = arith.addi %shift_left3A_1122, %parallel_loop3A_1578 : vector<16xi32>
        %parallel_loop3A_1580 = tpu.vector_load_idx %arg9[%add3A_8, %parallel_loop3A_1579] : memref<128x128xf32, #tpu.memory_space<vmem>>[vector<16xi32>, vector<16xi32>], vector<16xf32>,
        %parallel_loop3A_1581 = arith.index_cast %parallel_loop3A_1571 : i32 to index
        %parallel_loop3A_1582 = arith.constant 16 : index
        %parallel_loop3A_1583 = tpu.vector_load %arg11[%parallel_loop3A_1581, %parallel_loop3A_1582] {strides = array<i32>} : memref<64x128xf32, #tpu.memory_space<vmem>>, vector<16xf32>,
        tpu.vector_store %arg11[%parallel_loop3A_1581, %parallel_loop3A_1582], %parallel_loop3A_1580 {strides = array<i32>} : memref<64x128xf32, #tpu.memory_space<vmem>>, vector<16xf32>,
        %parallel_loop3A_1584 = vector.broadcast %parallel_loop3A_1571 : i32 to vector<16xi32>
        %parallel_loop3A_1585 = arith.addi %shift_left3A_1131, %parallel_loop3A_1584 : vector<16xi32>
        %parallel_loop3A_1586 = tpu.vector_load_idx %arg9[%add3A_11, %parallel_loop3A_1585] : memref<128x128xf32, #tpu.memory_space<vmem>>[vector<16xi32>, vector<16xi32>], vector<16xf32>,
        %parallel_loop3A_1587 = arith.index_cast %parallel_loop3A_1571 : i32 to index
        %parallel_loop3A_1588 = arith.constant 32 : index
        %parallel_loop3A_1589 = tpu.vector_load %arg11[%parallel_loop3A_1587, %parallel_loop3A_1588] {strides = array<i32>} : memref<64x128xf32, #tpu.memory_space<vmem>>, vector<16xf32>,
        tpu.vector_store %arg11[%parallel_loop3A_1587, %parallel_loop3A_1588], %parallel_loop3A_1586 {strides = array<i32>} : memref<64x128xf32, #tpu.memory_space<vmem>>, vector<16xf32>,
        %parallel_loop3A_1590 = vector.broadcast %parallel_loop3A_1571 : i32 to vector<16xi32>
        %parallel_loop3A_1591 = arith.addi %shift_left3A_1140, %parallel_loop3A_1590 : vector<16xi32>
        %parallel_loop3A_1592 = tpu.vector_load_idx %arg9[%add3A_14, %parallel_loop3A_1591] : memref<128x128xf32, #tpu.memory_space<vmem>>[vector<16xi32>, vector<16xi32>], vector<16xf32>,
        %parallel_loop3A_1593 = arith.index_cast %parallel_loop3A_1571 : i32 to index
        %parallel_loop3A_1594 = arith.constant 48 : index
        %parallel_loop3A_1595 = tpu.vector_load %arg11[%parallel_loop3A_1593, %parallel_loop3A_1594] {strides = array<i32>} : memref<64x128xf32, #tpu.memory_space<vmem>>, vector<16xf32>,
        tpu.vector_store %arg11[%parallel_loop3A_1593, %parallel_loop3A_1594], %parallel_loop3A_1592 {strides = array<i32>} : memref<64x128xf32, #tpu.memory_space<vmem>>, vector<16xf32>,
        %parallel_loop3A_1596 = vector.broadcast %parallel_loop3A_1571 : i32 to vector<16xi32>
        %parallel_loop3A_1597 = arith.addi %shift_left3A_1149, %parallel_loop3A_1596 : vector<16xi32>
        %parallel_loop3A_1598 = tpu.vector_load_idx %arg9[%add3A_17, %parallel_loop3A_1597] : memref<128x128xf32, #tpu.memory_space<vmem>>[vector<16xi32>, vector<16xi32>], vector<16xf32>,
        %parallel_loop3A_1599 = arith.index_cast %parallel_loop3A_1571 : i32 to index
        %parallel_loop3A_1600 = arith.constant 64 : index
        %parallel_loop3A_1601 = tpu.vector_load %arg11[%parallel_loop3A_1599, %parallel_loop3A_1600] {strides = array<i32>} : memref<64x128xf32, #tpu.memory_space<vmem>>, vector<16xf32>,
        tpu.vector_store %arg11[%parallel_loop3A_1599, %parallel_loop3A_1600], %parallel_loop3A_1598 {strides = array<i32>} : memref<64x128xf32, #tpu.memory_space<vmem>>, vector<16xf32>,
        %parallel_loop3A_1602 = vector.broadcast %parallel_loop3A_1571 : i32 to vector<16xi32>
        %parallel_loop3A_1603 = arith.addi %shift_left3A_1158, %parallel_loop3A_1602 : vector<16xi32>
        %parallel_loop3A_1604 = tpu.vector_load_idx %arg9[%add3A_20, %parallel_loop3A_1603] : memref<128x128xf32, #tpu.memory_space<vmem>>[vector<16xi32>, vector<16xi32>], vector<16xf32>,
        %parallel_loop3A_1605 = arith.index_cast %parallel_loop3A_1571 : i32 to index
        %parallel_loop3A_1606 = arith.constant 80 : index
        %parallel_loop3A_1607 = tpu.vector_load %arg11[%parallel_loop3A_1605, %parallel_loop3A_1606] {strides = array<i32>} : memref<64x128xf32, #tpu.memory_space<vmem>>, vector<16xf32>,
        tpu.vector_store %arg11[%parallel_loop3A_1605, %parallel_loop3A_1606], %parallel_loop3A_1604 {strides = array<i32>} : memref<64x128xf32, #tpu.memory_space<vmem>>, vector<16xf32>,
        %parallel_loop3A_1608 = vector.broadcast %parallel_loop3A_1571 : i32 to vector<16xi32>
        %parallel_loop3A_1609 = arith.addi %shift_left3A_1167, %parallel_loop3A_1608 : vector<16xi32>
        %parallel_loop3A_1610 = tpu.vector_load_idx %arg9[%add3A_23, %parallel_loop3A_1609] : memref<128x128xf32, #tpu.memory_space<vmem>>[vector<16xi32>, vector<16xi32>], vector<16xf32>,
        %parallel_loop3A_1611 = arith.index_cast %parallel_loop3A_1571 : i32 to index
        %parallel_loop3A_1612 = arith.constant 96 : index
        %parallel_loop3A_1613 = tpu.vector_load %arg11[%parallel_loop3A_1611, %parallel_loop3A_1612] {strides = array<i32>} : memref<64x128xf32, #tpu.memory_space<vmem>>, vector<16xf32>,
        tpu.vector_store %arg11[%parallel_loop3A_1611, %parallel_loop3A_1612], %parallel_loop3A_1610 {strides = array<i32>} : memref<64x128xf32, #tpu.memory_space<vmem>>, vector<16xf32>,
        %parallel_loop3A_1614 = vector.broadcast %parallel_loop3A_1571 : i32 to vector<16xi32>
        %parallel_loop3A_1615 = arith.addi %shift_left3A_1176, %parallel_loop3A_1614 : vector<16xi32>
        %parallel_loop3A_1616 = tpu.vector_load_idx %arg9[%add3A_26, %parallel_loop3A_1615] : memref<128x128xf32, #tpu.memory_space<vmem>>[vector<16xi32>, vector<16xi32>], vector<16xf32>,
        %parallel_loop3A_1617 = arith.index_cast %parallel_loop3A_1571 : i32 to index
        %parallel_loop3A_1618 = arith.constant 112 : index
        %parallel_loop3A_1619 = tpu.vector_load %arg11[%parallel_loop3A_1617, %parallel_loop3A_1618] {strides = array<i32>} : memref<64x128xf32, #tpu.memory_space<vmem>>, vector<16xf32>,
        tpu.vector_store %arg11[%parallel_loop3A_1617, %parallel_loop3A_1618], %parallel_loop3A_1616 {strides = array<i32>} : memref<64x128xf32, #tpu.memory_space<vmem>>, vector<16xf32>,
      } {sc.loop_unroll_factor = 4 : i64, sc.parallel_access}
      %add3A_1180 = arith.addi %mul3A_2, %add3A_1086 : i32
      %jit3A_1181 = arith.constant 32 : i32
      %div3A_1182 = arith.divsi %add3A_1180, %jit3A_1181 : i32
      %sign3A_1183 = arith.constant 0 : i32
      %sign3A_1184 = arith.cmpi sgt, %add3A_1180, %sign3A_1183 : i32
      %sign3A_1185 = arith.extui %sign3A_1184 : i1 to i32
      %sign3A_1186 = arith.constant 0 : i32
      %sign3A_1187 = arith.cmpi slt, %add3A_1180, %sign3A_1186 : i32
      %sign3A_1188 = arith.extui %sign3A_1187 : i1 to i32
      %sign3A_1189 = arith.subi %sign3A_1185, %sign3A_1188 : i32
      %sign3A_1190 = arith.constant 0 : i32
      %sign3A_1191 = arith.cmpi sgt, %jit3A_1181, %sign3A_1190 : i32
      %sign3A_1192 = arith.extui %sign3A_1191 : i1 to i32
      %sign3A_1193 = arith.constant 0 : i32
      %sign3A_1194 = arith.cmpi slt, %jit3A_1181, %sign3A_1193 : i32
      %sign3A_1195 = arith.extui %sign3A_1194 : i1 to i32
      %sign3A_1196 = arith.subi %sign3A_1192, %sign3A_1195 : i32
      %ne3A_1197 = arith.cmpi ne, %sign3A_1189, %sign3A_1196 : i32
      %rem3A_1198 = arith.remsi %add3A_1180, %jit3A_1181 : i32
      %ne3A_1199 = arith.constant 0 : i32
      %ne3A_1200 = arith.cmpi ne, %rem3A_1198, %ne3A_1199 : i32
      %and3A_1201 = arith.andi %ne3A_1197, %ne3A_1200 : i1
      %sub3A_1202 = arith.constant 1 : i32
      %sub3A_1203 = arith.subi %div3A_1182, %sub3A_1202 : i32
      %select_n3A_1204 = arith.select %and3A_1201, %sub3A_1203, %div3A_1182 : i32
      %rem3A_1205 = arith.constant 32 : i32
      %rem3A_1206 = arith.remsi %add3A_1180, %rem3A_1205 : i32
      %dma_start3A_1207 = arith.constant 0 : i32
      %dma_start3A_1208 = arith.constant 0 : i32
      %dma_start3A_1209 = arith.constant 0 : i32
      %dma_start3A_1210 = tpu.memref_slice %arg11[%dma_start3A_1208, %dma_start3A_1209] : memref<64x128xf32, #tpu.memory_space<vmem>> -> memref<8x128xf32, #tpu.memory_space<vmem>>
      %dma_start3A_1211 = arith.constant 0 : i32
      %dma_start3A_1212 = arith.constant 0 : i32
      %dma_start3A_1213 = tpu.memref_slice %arg4[%select_n3A_1204, %dma_start3A_1207, %rem3A_1206, %dma_start3A_1211, %dma_start3A_1212] : memref<200x8x32x8x128xf32, #tpu.memory_space<hbm>> -> memref<1x1x1x8x128xf32, #tpu.memory_space<hbm>>
      %dma_start3A_1214 = tpu.memref_squeeze %dma_start3A_1213 : memref<1x1x1x8x128xf32, #tpu.memory_space<hbm>> -> memref<8x128xf32, #tpu.memory_space<hbm>>
      %dma_start3A_1215 = arith.constant 0 : i32
      %dma_start3A_1216 = arith.constant 0 : i32
      %dma_start3A_1217 = tpu.memref_slice %arg4[%select_n3A_1204, %dma_start3A_1207, %rem3A_1206, %dma_start3A_1215, %dma_start3A_1216] : memref<200x8x32x8x128xf32, #tpu.memory_space<hbm>> -> memref<1x1x1x8x128xf32, #tpu.memory_space<hbm>>
      %dma_start3A_1218 = tpu.memref_squeeze %dma_start3A_1217 : memref<1x1x1x8x128xf32, #tpu.memory_space<hbm>> -> memref<8x128xf32, #tpu.memory_space<hbm>>
      %dma_start3A_1219 = arith.constant 0 : i32
      %dma_start3A_1220 = arith.constant 0 : i32
      %dma_start3A_1221 = tpu.memref_slice %arg11[%dma_start3A_1219, %dma_start3A_1220] : memref<64x128xf32, #tpu.memory_space<vmem>> -> memref<8x128xf32, #tpu.memory_space<vmem>>
      tpu.enqueue_dma source(%dma_start3A_1221 : memref<8x128xf32, #tpu.memory_space<vmem>>) target(%dma_start3A_1218 : memref<8x128xf32, #tpu.memory_space<hbm>>) target_semaphore(%arg17 : memref<!tpu.dma_semaphore, #tpu.memory_space<semaphore_mem>>)
      %dma_start3A_1222 = arith.constant 1 : i32
      %dma_start3A_1223 = arith.constant 8 : i32
      %dma_start3A_1224 = arith.constant 0 : i32
      %dma_start3A_1225 = tpu.memref_slice %arg11[%dma_start3A_1223, %dma_start3A_1224] : memref<64x128xf32, #tpu.memory_space<vmem>> -> memref<8x128xf32, #tpu.memory_space<vmem>>
      %dma_start3A_1226 = arith.constant 0 : i32
      %dma_start3A_1227 = arith.constant 0 : i32
      %dma_start3A_1228 = tpu.memref_slice %arg4[%select_n3A_1204, %dma_start3A_1222, %rem3A_1206, %dma_start3A_1226, %dma_start3A_1227] : memref<200x8x32x8x128xf32, #tpu.memory_space<hbm>> -> memref<1x1x1x8x128xf32, #tpu.memory_space<hbm>>
      %dma_start3A_1229 = tpu.memref_squeeze %dma_start3A_1228 : memref<1x1x1x8x128xf32, #tpu.memory_space<hbm>> -> memref<8x128xf32, #tpu.memory_space<hbm>>
      %dma_start3A_1230 = arith.constant 0 : i32
      %dma_start3A_1231 = arith.constant 0 : i32
      %dma_start3A_1232 = tpu.memref_slice %arg4[%select_n3A_1204, %dma_start3A_1222, %rem3A_1206, %dma_start3A_1230, %dma_start3A_1231] : memref<200x8x32x8x128xf32, #tpu.memory_space<hbm>> -> memref<1x1x1x8x128xf32, #tpu.memory_space<hbm>>
      %dma_start3A_1233 = tpu.memref_squeeze %dma_start3A_1232 : memref<1x1x1x8x128xf32, #tpu.memory_space<hbm>> -> memref<8x128xf32, #tpu.memory_space<hbm>>
      %dma_start3A_1234 = arith.constant 8 : i32
      %dma_start3A_1235 = arith.constant 0 : i32
      %dma_start3A_1236 = tpu.memref_slice %arg11[%dma_start3A_1234, %dma_start3A_1235] : memref<64x128xf32, #tpu.memory_space<vmem>> -> memref<8x128xf32, #tpu.memory_space<vmem>>
      tpu.enqueue_dma source(%dma_start3A_1236 : memref<8x128xf32, #tpu.memory_space<vmem>>) target(%dma_start3A_1233 : memref<8x128xf32, #tpu.memory_space<hbm>>) target_semaphore(%arg17 : memref<!tpu.dma_semaphore, #tpu.memory_space<semaphore_mem>>)
      %dma_start3A_1237 = arith.constant 2 : i32
      %dma_start3A_1238 = arith.constant 16 : i32
      %dma_start3A_1239 = arith.constant 0 : i32
      %dma_start3A_1240 = tpu.memref_slice %arg11[%dma_start3A_1238, %dma_start3A_1239] : memref<64x128xf32, #tpu.memory_space<vmem>> -> memref<8x128xf32, #tpu.memory_space<vmem>>
      %dma_start3A_1241 = arith.constant 0 : i32
      %dma_start3A_1242 = arith.constant 0 : i32
      %dma_start3A_1243 = tpu.memref_slice %arg4[%select_n3A_1204, %dma_start3A_1237, %rem3A_1206, %dma_start3A_1241, %dma_start3A_1242] : memref<200x8x32x8x128xf32, #tpu.memory_space<hbm>> -> memref<1x1x1x8x128xf32, #tpu.memory_space<hbm>>
      %dma_start3A_1244 = tpu.memref_squeeze %dma_start3A_1243 : memref<1x1x1x8x128xf32, #tpu.memory_space<hbm>> -> memref<8x128xf32, #tpu.memory_space<hbm>>
      %dma_start3A_1245 = arith.constant 0 : i32
      %dma_start3A_1246 = arith.constant 0 : i32
      %dma_start3A_1247 = tpu.memref_slice %arg4[%select_n3A_1204, %dma_start3A_1237, %rem3A_1206, %dma_start3A_1245, %dma_start3A_1246] : memref<200x8x32x8x128xf32, #tpu.memory_space<hbm>> -> memref<1x1x1x8x128xf32, #tpu.memory_space<hbm>>
      %dma_start3A_1248 = tpu.memref_squeeze %dma_start3A_1247 : memref<1x1x1x8x128xf32, #tpu.memory_space<hbm>> -> memref<8x128xf32, #tpu.memory_space<hbm>>
      %dma_start3A_1249 = arith.constant 16 : i32
      %dma_start3A_1250 = arith.constant 0 : i32
      %dma_start3A_1251 = tpu.memref_slice %arg11[%dma_start3A_1249, %dma_start3A_1250] : memref<64x128xf32, #tpu.memory_space<vmem>> -> memref<8x128xf32, #tpu.memory_space<vmem>>
      tpu.enqueue_dma source(%dma_start3A_1251 : memref<8x128xf32, #tpu.memory_space<vmem>>) target(%dma_start3A_1248 : memref<8x128xf32, #tpu.memory_space<hbm>>) target_semaphore(%arg17 : memref<!tpu.dma_semaphore, #tpu.memory_space<semaphore_mem>>)
      %dma_start3A_1252 = arith.constant 3 : i32
      %dma_start3A_1253 = arith.constant 24 : i32
      %dma_start3A_1254 = arith.constant 0 : i32
      %dma_start3A_1255 = tpu.memref_slice %arg11[%dma_start3A_1253, %dma_start3A_1254] : memref<64x128xf32, #tpu.memory_space<vmem>> -> memref<8x128xf32, #tpu.memory_space<vmem>>
      %dma_start3A_1256 = arith.constant 0 : i32
      %dma_start3A_1257 = arith.constant 0 : i32
      %dma_start3A_1258 = tpu.memref_slice %arg4[%select_n3A_1204, %dma_start3A_1252, %rem3A_1206, %dma_start3A_1256, %dma_start3A_1257] : memref<200x8x32x8x128xf32, #tpu.memory_space<hbm>> -> memref<1x1x1x8x128xf32, #tpu.memory_space<hbm>>
      %dma_start3A_1259 = tpu.memref_squeeze %dma_start3A_1258 : memref<1x1x1x8x128xf32, #tpu.memory_space<hbm>> -> memref<8x128xf32, #tpu.memory_space<hbm>>
      %dma_start3A_1260 = arith.constant 0 : i32
      %dma_start3A_1261 = arith.constant 0 : i32
      %dma_start3A_1262 = tpu.memref_slice %arg4[%select_n3A_1204, %dma_start3A_1252, %rem3A_1206, %dma_start3A_1260, %dma_start3A_1261] : memref<200x8x32x8x128xf32, #tpu.memory_space<hbm>> -> memref<1x1x1x8x128xf32, #tpu.memory_space<hbm>>
      %dma_start3A_1263 = tpu.memref_squeeze %dma_start3A_1262 : memref<1x1x1x8x128xf32, #tpu.memory_space<hbm>> -> memref<8x128xf32, #tpu.memory_space<hbm>>
      %dma_start3A_1264 = arith.constant 24 : i32
      %dma_start3A_1265 = arith.constant 0 : i32
      %dma_start3A_1266 = tpu.memref_slice %arg11[%dma_start3A_1264, %dma_start3A_1265] : memref<64x128xf32, #tpu.memory_space<vmem>> -> memref<8x128xf32, #tpu.memory_space<vmem>>
      tpu.enqueue_dma source(%dma_start3A_1266 : memref<8x128xf32, #tpu.memory_space<vmem>>) target(%dma_start3A_1263 : memref<8x128xf32, #tpu.memory_space<hbm>>) target_semaphore(%arg17 : memref<!tpu.dma_semaphore, #tpu.memory_space<semaphore_mem>>)
      %dma_start3A_1267 = arith.constant 4 : i32
      %dma_start3A_1268 = arith.constant 32 : i32
      %dma_start3A_1269 = arith.constant 0 : i32
      %dma_start3A_1270 = tpu.memref_slice %arg11[%dma_start3A_1268, %dma_start3A_1269] : memref<64x128xf32, #tpu.memory_space<vmem>> -> memref<8x128xf32, #tpu.memory_space<vmem>>
      %dma_start3A_1271 = arith.constant 0 : i32
      %dma_start3A_1272 = arith.constant 0 : i32
      %dma_start3A_1273 = tpu.memref_slice %arg4[%select_n3A_1204, %dma_start3A_1267, %rem3A_1206, %dma_start3A_1271, %dma_start3A_1272] : memref<200x8x32x8x128xf32, #tpu.memory_space<hbm>> -> memref<1x1x1x8x128xf32, #tpu.memory_space<hbm>>
      %dma_start3A_1274 = tpu.memref_squeeze %dma_start3A_1273 : memref<1x1x1x8x128xf32, #tpu.memory_space<hbm>> -> memref<8x128xf32, #tpu.memory_space<hbm>>
      %dma_start3A_1275 = arith.constant 0 : i32
      %dma_start3A_1276 = arith.constant 0 : i32
      %dma_start3A_1277 = tpu.memref_slice %arg4[%select_n3A_1204, %dma_start3A_1267, %rem3A_1206, %dma_start3A_1275, %dma_start3A_1276] : memref<200x8x32x8x128xf32, #tpu.memory_space<hbm>> -> memref<1x1x1x8x128xf32, #tpu.memory_space<hbm>>
      %dma_start3A_1278 = tpu.memref_squeeze %dma_start3A_1277 : memref<1x1x1x8x128xf32, #tpu.memory_space<hbm>> -> memref<8x128xf32, #tpu.memory_space<hbm>>
      %dma_start3A_1279 = arith.constant 32 : i32
      %dma_start3A_1280 = arith.constant 0 : i32
      %dma_start3A_1281 = tpu.memref_slice %arg11[%dma_start3A_1279, %dma_start3A_1280] : memref<64x128xf32, #tpu.memory_space<vmem>> -> memref<8x128xf32, #tpu.memory_space<vmem>>
      tpu.enqueue_dma source(%dma_start3A_1281 : memref<8x128xf32, #tpu.memory_space<vmem>>) target(%dma_start3A_1278 : memref<8x128xf32, #tpu.memory_space<hbm>>) target_semaphore(%arg17 : memref<!tpu.dma_semaphore, #tpu.memory_space<semaphore_mem>>)
      %dma_start3A_1282 = arith.constant 5 : i32
      %dma_start3A_1283 = arith.constant 40 : i32
      %dma_start3A_1284 = arith.constant 0 : i32
      %dma_start3A_1285 = tpu.memref_slice %arg11[%dma_start3A_1283, %dma_start3A_1284] : memref<64x128xf32, #tpu.memory_space<vmem>> -> memref<8x128xf32, #tpu.memory_space<vmem>>
      %dma_start3A_1286 = arith.constant 0 : i32
      %dma_start3A_1287 = arith.constant 0 : i32
      %dma_start3A_1288 = tpu.memref_slice %arg4[%select_n3A_1204, %dma_start3A_1282, %rem3A_1206, %dma_start3A_1286, %dma_start3A_1287] : memref<200x8x32x8x128xf32, #tpu.memory_space<hbm>> -> memref<1x1x1x8x128xf32, #tpu.memory_space<hbm>>
      %dma_start3A_1289 = tpu.memref_squeeze %dma_start3A_1288 : memref<1x1x1x8x128xf32, #tpu.memory_space<hbm>> -> memref<8x128xf32, #tpu.memory_space<hbm>>
      %dma_start3A_1290 = arith.constant 0 : i32
      %dma_start3A_1291 = arith.constant 0 : i32
      %dma_start3A_1292 = tpu.memref_slice %arg4[%select_n3A_1204, %dma_start3A_1282, %rem3A_1206, %dma_start3A_1290, %dma_start3A_1291] : memref<200x8x32x8x128xf32, #tpu.memory_space<hbm>> -> memref<1x1x1x8x128xf32, #tpu.memory_space<hbm>>
      %dma_start3A_1293 = tpu.memref_squeeze %dma_start3A_1292 : memref<1x1x1x8x128xf32, #tpu.memory_space<hbm>> -> memref<8x128xf32, #tpu.memory_space<hbm>>
      %dma_start3A_1294 = arith.constant 40 : i32
      %dma_start3A_1295 = arith.constant 0 : i32
      %dma_start3A_1296 = tpu.memref_slice %arg11[%dma_start3A_1294, %dma_start3A_1295] : memref<64x128xf32, #tpu.memory_space<vmem>> -> memref<8x128xf32, #tpu.memory_space<vmem>>
      tpu.enqueue_dma source(%dma_start3A_1296 : memref<8x128xf32, #tpu.memory_space<vmem>>) target(%dma_start3A_1293 : memref<8x128xf32, #tpu.memory_space<hbm>>) target_semaphore(%arg17 : memref<!tpu.dma_semaphore, #tpu.memory_space<semaphore_mem>>)
      %dma_start3A_1297 = arith.constant 6 : i32
      %dma_start3A_1298 = arith.constant 48 : i32
      %dma_start3A_1299 = arith.constant 0 : i32
      %dma_start3A_1300 = tpu.memref_slice %arg11[%dma_start3A_1298, %dma_start3A_1299] : memref<64x128xf32, #tpu.memory_space<vmem>> -> memref<8x128xf32, #tpu.memory_space<vmem>>
      %dma_start3A_1301 = arith.constant 0 : i32
      %dma_start3A_1302 = arith.constant 0 : i32
      %dma_start3A_1303 = tpu.memref_slice %arg4[%select_n3A_1204, %dma_start3A_1297, %rem3A_1206, %dma_start3A_1301, %dma_start3A_1302] : memref<200x8x32x8x128xf32, #tpu.memory_space<hbm>> -> memref<1x1x1x8x128xf32, #tpu.memory_space<hbm>>
      %dma_start3A_1304 = tpu.memref_squeeze %dma_start3A_1303 : memref<1x1x1x8x128xf32, #tpu.memory_space<hbm>> -> memref<8x128xf32, #tpu.memory_space<hbm>>
      %dma_start3A_1305 = arith.constant 0 : i32
      %dma_start3A_1306 = arith.constant 0 : i32
      %dma_start3A_1307 = tpu.memref_slice %arg4[%select_n3A_1204, %dma_start3A_1297, %rem3A_1206, %dma_start3A_1305, %dma_start3A_1306] : memref<200x8x32x8x128xf32, #tpu.memory_space<hbm>> -> memref<1x1x1x8x128xf32, #tpu.memory_space<hbm>>
      %dma_start3A_1308 = tpu.memref_squeeze %dma_start3A_1307 : memref<1x1x1x8x128xf32, #tpu.memory_space<hbm>> -> memref<8x128xf32, #tpu.memory_space<hbm>>
      %dma_start3A_1309 = arith.constant 48 : i32
      %dma_start3A_1310 = arith.constant 0 : i32
      %dma_start3A_1311 = tpu.memref_slice %arg11[%dma_start3A_1309, %dma_start3A_1310] : memref<64x128xf32, #tpu.memory_space<vmem>> -> memref<8x128xf32, #tpu.memory_space<vmem>>
      tpu.enqueue_dma source(%dma_start3A_1311 : memref<8x128xf32, #tpu.memory_space<vmem>>) target(%dma_start3A_1308 : memref<8x128xf32, #tpu.memory_space<hbm>>) target_semaphore(%arg17 : memref<!tpu.dma_semaphore, #tpu.memory_space<semaphore_mem>>)
      %dma_start3A_1312 = arith.constant 7 : i32
      %dma_start3A_1313 = arith.constant 56 : i32
      %dma_start3A_1314 = arith.constant 0 : i32
      %dma_start3A_1315 = tpu.memref_slice %arg11[%dma_start3A_1313, %dma_start3A_1314] : memref<64x128xf32, #tpu.memory_space<vmem>> -> memref<8x128xf32, #tpu.memory_space<vmem>>
      %dma_start3A_1316 = arith.constant 0 : i32
      %dma_start3A_1317 = arith.constant 0 : i32
      %dma_start3A_1318 = tpu.memref_slice %arg4[%select_n3A_1204, %dma_start3A_1312, %rem3A_1206, %dma_start3A_1316, %dma_start3A_1317] : memref<200x8x32x8x128xf32, #tpu.memory_space<hbm>> -> memref<1x1x1x8x128xf32, #tpu.memory_space<hbm>>
      %dma_start3A_1319 = tpu.memref_squeeze %dma_start3A_1318 : memref<1x1x1x8x128xf32, #tpu.memory_space<hbm>> -> memref<8x128xf32, #tpu.memory_space<hbm>>
      %dma_start3A_1320 = arith.constant 0 : i32
      %dma_start3A_1321 = arith.constant 0 : i32
      %dma_start3A_1322 = tpu.memref_slice %arg4[%select_n3A_1204, %dma_start3A_1312, %rem3A_1206, %dma_start3A_1320, %dma_start3A_1321] : memref<200x8x32x8x128xf32, #tpu.memory_space<hbm>> -> memref<1x1x1x8x128xf32, #tpu.memory_space<hbm>>
      %dma_start3A_1323 = tpu.memref_squeeze %dma_start3A_1322 : memref<1x1x1x8x128xf32, #tpu.memory_space<hbm>> -> memref<8x128xf32, #tpu.memory_space<hbm>>
      %dma_start3A_1324 = arith.constant 56 : i32
      %dma_start3A_1325 = arith.constant 0 : i32
      %dma_start3A_1326 = tpu.memref_slice %arg11[%dma_start3A_1324, %dma_start3A_1325] : memref<64x128xf32, #tpu.memory_space<vmem>> -> memref<8x128xf32, #tpu.memory_space<vmem>>
      tpu.enqueue_dma source(%dma_start3A_1326 : memref<8x128xf32, #tpu.memory_space<vmem>>) target(%dma_start3A_1323 : memref<8x128xf32, #tpu.memory_space<hbm>>) target_semaphore(%arg17 : memref<!tpu.dma_semaphore, #tpu.memory_space<semaphore_mem>>)
      %mul3A_1327 = arith.constant 4 : i32
      %mul3A_1328 = arith.muli %scan3A_600, %mul3A_1327 : i32
      %add3A_1329 = arith.constant 3 : i32
      %add3A_1330 = arith.addi %mul3A_1328, %add3A_1329 : i32
      %add3A_1331 = arith.constant 3 : i32
      %add3A_1332 = arith.addi %add3A_1330, %add3A_1331 : i32
      %lt3A_1333 = arith.constant 200 : i32
      %lt3A_1334 = arith.cmpi slt, %add3A_1332, %lt3A_1333 : i32
      %convert_element_type3A_1335 = arith.extui %lt3A_1334 : i1 to i32
      %cond3A_1336 = arith.constant 0 : i32
      %cond3A_1337 = arith.cmpi ne, %convert_element_type3A_1335, %cond3A_1336 : i32
      scf.if %cond3A_1337 {
        %add3A_1571 = arith.constant 3 : i32
        %add3A_1572 = arith.addi %add3A_1330, %add3A_1571 : i32
        %get3A_1573 = arith.index_cast %add3A_1572 : i32 to index
        %get3A_1574 = arith.constant 0 : index
        %get3A_1575 = tpu.vector_load %arg5[%get3A_1573, %get3A_1574] {strides = array<i32>} : memref<200x128xi32, #tpu.memory_space<vmem>>, vector<16xi32>,
        %shift_right_logical3A_1576 = arith.constant 1 : i32
        %shift_right_logical3A_1577 = vector.broadcast %shift_right_logical3A_1576 : i32 to vector<16xi32>
        %shift_right_logical3A_1578 = arith.shrui %get3A_1575, %shift_right_logical3A_1577 : vector<16xi32>
        %swap3A_1579 = arith.constant 2 : i32
        %swap3A_1580 = arith.index_cast %swap3A_1579 : i32 to index
        %swap3A_1581 = arith.constant 0 : index
        %swap3A_1582 = tpu.vector_load %arg6[%swap3A_1580, %swap3A_1581] {strides = array<i32>} : memref<4x128xi32, #tpu.memory_space<vmem>>, vector<16xi32>,
        tpu.vector_store %arg6[%swap3A_1580, %swap3A_1581], %shift_right_logical3A_1578 {strides = array<i32>} : memref<4x128xi32, #tpu.memory_space<vmem>>, vector<16xi32>,
        %get3A_1583 = arith.index_cast %add3A_1572 : i32 to index
        %get3A_1584 = arith.constant 16 : index
        %get3A_1585 = tpu.vector_load %arg5[%get3A_1583, %get3A_1584] {strides = array<i32>} : memref<200x128xi32, #tpu.memory_space<vmem>>, vector<16xi32>,
        %shift_right_logical3A_1586 = arith.constant 1 : i32
        %shift_right_logical3A_1587 = vector.broadcast %shift_right_logical3A_1586 : i32 to vector<16xi32>
        %shift_right_logical3A_1588 = arith.shrui %get3A_1585, %shift_right_logical3A_1587 : vector<16xi32>
        %swap3A_1589 = arith.constant 2 : i32
        %swap3A_1590 = arith.index_cast %swap3A_1589 : i32 to index
        %swap3A_1591 = arith.constant 16 : index
        %swap3A_1592 = tpu.vector_load %arg6[%swap3A_1590, %swap3A_1591] {strides = array<i32>} : memref<4x128xi32, #tpu.memory_space<vmem>>, vector<16xi32>,
        tpu.vector_store %arg6[%swap3A_1590, %swap3A_1591], %shift_right_logical3A_1588 {strides = array<i32>} : memref<4x128xi32, #tpu.memory_space<vmem>>, vector<16xi32>,
        %get3A_1593 = arith.index_cast %add3A_1572 : i32 to index
        %get3A_1594 = arith.constant 32 : index
        %get3A_1595 = tpu.vector_load %arg5[%get3A_1593, %get3A_1594] {strides = array<i32>} : memref<200x128xi32, #tpu.memory_space<vmem>>, vector<16xi32>,
        %shift_right_logical3A_1596 = arith.constant 1 : i32
        %shift_right_logical3A_1597 = vector.broadcast %shift_right_logical3A_1596 : i32 to vector<16xi32>
        %shift_right_logical3A_1598 = arith.shrui %get3A_1595, %shift_right_logical3A_1597 : vector<16xi32>
        %swap3A_1599 = arith.constant 2 : i32
        %swap3A_1600 = arith.index_cast %swap3A_1599 : i32 to index
        %swap3A_1601 = arith.constant 32 : index
        %swap3A_1602 = tpu.vector_load %arg6[%swap3A_1600, %swap3A_1601] {strides = array<i32>} : memref<4x128xi32, #tpu.memory_space<vmem>>, vector<16xi32>,
        tpu.vector_store %arg6[%swap3A_1600, %swap3A_1601], %shift_right_logical3A_1598 {strides = array<i32>} : memref<4x128xi32, #tpu.memory_space<vmem>>, vector<16xi32>,
        %get3A_1603 = arith.index_cast %add3A_1572 : i32 to index
        %get3A_1604 = arith.constant 48 : index
        %get3A_1605 = tpu.vector_load %arg5[%get3A_1603, %get3A_1604] {strides = array<i32>} : memref<200x128xi32, #tpu.memory_space<vmem>>, vector<16xi32>,
        %shift_right_logical3A_1606 = arith.constant 1 : i32
        %shift_right_logical3A_1607 = vector.broadcast %shift_right_logical3A_1606 : i32 to vector<16xi32>
        %shift_right_logical3A_1608 = arith.shrui %get3A_1605, %shift_right_logical3A_1607 : vector<16xi32>
        %swap3A_1609 = arith.constant 2 : i32
        %swap3A_1610 = arith.index_cast %swap3A_1609 : i32 to index
        %swap3A_1611 = arith.constant 48 : index
        %swap3A_1612 = tpu.vector_load %arg6[%swap3A_1610, %swap3A_1611] {strides = array<i32>} : memref<4x128xi32, #tpu.memory_space<vmem>>, vector<16xi32>,
        tpu.vector_store %arg6[%swap3A_1610, %swap3A_1611], %shift_right_logical3A_1608 {strides = array<i32>} : memref<4x128xi32, #tpu.memory_space<vmem>>, vector<16xi32>,
        %get3A_1613 = arith.index_cast %add3A_1572 : i32 to index
        %get3A_1614 = arith.constant 64 : index
        %get3A_1615 = tpu.vector_load %arg5[%get3A_1613, %get3A_1614] {strides = array<i32>} : memref<200x128xi32, #tpu.memory_space<vmem>>, vector<16xi32>,
        %shift_right_logical3A_1616 = arith.constant 1 : i32
        %shift_right_logical3A_1617 = vector.broadcast %shift_right_logical3A_1616 : i32 to vector<16xi32>
        %shift_right_logical3A_1618 = arith.shrui %get3A_1615, %shift_right_logical3A_1617 : vector<16xi32>
        %swap3A_1619 = arith.constant 2 : i32
        %swap3A_1620 = arith.index_cast %swap3A_1619 : i32 to index
        %swap3A_1621 = arith.constant 64 : index
        %swap3A_1622 = tpu.vector_load %arg6[%swap3A_1620, %swap3A_1621] {strides = array<i32>} : memref<4x128xi32, #tpu.memory_space<vmem>>, vector<16xi32>,
        tpu.vector_store %arg6[%swap3A_1620, %swap3A_1621], %shift_right_logical3A_1618 {strides = array<i32>} : memref<4x128xi32, #tpu.memory_space<vmem>>, vector<16xi32>,
        %get3A_1623 = arith.index_cast %add3A_1572 : i32 to index
        %get3A_1624 = arith.constant 80 : index
        %get3A_1625 = tpu.vector_load %arg5[%get3A_1623, %get3A_1624] {strides = array<i32>} : memref<200x128xi32, #tpu.memory_space<vmem>>, vector<16xi32>,
        %shift_right_logical3A_1626 = arith.constant 1 : i32
        %shift_right_logical3A_1627 = vector.broadcast %shift_right_logical3A_1626 : i32 to vector<16xi32>
        %shift_right_logical3A_1628 = arith.shrui %get3A_1625, %shift_right_logical3A_1627 : vector<16xi32>
        %swap3A_1629 = arith.constant 2 : i32
        %swap3A_1630 = arith.index_cast %swap3A_1629 : i32 to index
        %swap3A_1631 = arith.constant 80 : index
        %swap3A_1632 = tpu.vector_load %arg6[%swap3A_1630, %swap3A_1631] {strides = array<i32>} : memref<4x128xi32, #tpu.memory_space<vmem>>, vector<16xi32>,
        tpu.vector_store %arg6[%swap3A_1630, %swap3A_1631], %shift_right_logical3A_1628 {strides = array<i32>} : memref<4x128xi32, #tpu.memory_space<vmem>>, vector<16xi32>,
        %get3A_1633 = arith.index_cast %add3A_1572 : i32 to index
        %get3A_1634 = arith.constant 96 : index
        %get3A_1635 = tpu.vector_load %arg5[%get3A_1633, %get3A_1634] {strides = array<i32>} : memref<200x128xi32, #tpu.memory_space<vmem>>, vector<16xi32>,
        %shift_right_logical3A_1636 = arith.constant 1 : i32
        %shift_right_logical3A_1637 = vector.broadcast %shift_right_logical3A_1636 : i32 to vector<16xi32>
        %shift_right_logical3A_1638 = arith.shrui %get3A_1635, %shift_right_logical3A_1637 : vector<16xi32>
        %swap3A_1639 = arith.constant 2 : i32
        %swap3A_1640 = arith.index_cast %swap3A_1639 : i32 to index
        %swap3A_1641 = arith.constant 96 : index
        %swap3A_1642 = tpu.vector_load %arg6[%swap3A_1640, %swap3A_1641] {strides = array<i32>} : memref<4x128xi32, #tpu.memory_space<vmem>>, vector<16xi32>,
        tpu.vector_store %arg6[%swap3A_1640, %swap3A_1641], %shift_right_logical3A_1638 {strides = array<i32>} : memref<4x128xi32, #tpu.memory_space<vmem>>, vector<16xi32>,
        %get3A_1643 = arith.index_cast %add3A_1572 : i32 to index
        %get3A_1644 = arith.constant 112 : index
        %get3A_1645 = tpu.vector_load %arg5[%get3A_1643, %get3A_1644] {strides = array<i32>} : memref<200x128xi32, #tpu.memory_space<vmem>>, vector<16xi32>,
        %shift_right_logical3A_1646 = arith.constant 1 : i32
        %shift_right_logical3A_1647 = vector.broadcast %shift_right_logical3A_1646 : i32 to vector<16xi32>
        %shift_right_logical3A_1648 = arith.shrui %get3A_1645, %shift_right_logical3A_1647 : vector<16xi32>
        %swap3A_1649 = arith.constant 2 : i32
        %swap3A_1650 = arith.index_cast %swap3A_1649 : i32 to index
        %swap3A_1651 = arith.constant 112 : index
        %swap3A_1652 = tpu.vector_load %arg6[%swap3A_1650, %swap3A_1651] {strides = array<i32>} : memref<4x128xi32, #tpu.memory_space<vmem>>, vector<16xi32>,
        tpu.vector_store %arg6[%swap3A_1650, %swap3A_1651], %shift_right_logical3A_1648 {strides = array<i32>} : memref<4x128xi32, #tpu.memory_space<vmem>>, vector<16xi32>,
        %dma_start3A_1653 = arith.constant 2 : i32
        %dma_start3A_1654 = arith.constant 0 : i32
        %dma_start3A_1655 = tpu.memref_slice %arg6[%dma_start3A_1653, %dma_start3A_1654] : memref<4x128xi32, #tpu.memory_space<vmem>> -> memref<1x128xi32, #tpu.memory_space<vmem>>
        %dma_start3A_1656 = tpu.memref_squeeze %dma_start3A_1655 : memref<1x128xi32, #tpu.memory_space<vmem>> -> memref<128xi32, #tpu.memory_space<vmem>>
        %dma_start3A_1657 = arith.constant 0 : i32
        %dma_start3A_1658 = arith.constant 0 : i32
        %dma_start3A_1659 = tpu.memref_slice %arg2[%dma_start3A_1657, %dma_start3A_1658] : memref<500000x128xf32, #tpu.memory_space<hbm>> -> memref<500000x128xf32, #tpu.memory_space<hbm>>
        tpu.enqueue_indirect_dma source(%dma_start3A_1659 : memref<500000x128xf32, #tpu.memory_space<hbm>>) target(%arg9 : memref<128x128xf32, #tpu.memory_space<vmem>>) offsets(%dma_start3A_1656 : memref<128xi32, #tpu.memory_space<vmem>>) semaphore(%arg15 : memref<!tpu.dma_semaphore, #tpu.memory_space<semaphore_mem>>)
      } else {
      }
      %dma_wait3A_1338 = arith.constant 0 : i32
      %dma_wait3A_1339 = arith.constant 0 : i32
      %dma_wait3A_1340 = tpu.memref_slice %arg2[%dma_wait3A_1338, %dma_wait3A_1339] : memref<500000x128xf32, #tpu.memory_space<hbm>> -> memref<128x128xf32, #tpu.memory_space<hbm>>
      %dma_wait3A_1341 = arith.constant 0 : i32
      %dma_wait3A_1342 = arith.constant 0 : i32
      %dma_wait3A_1343 = tpu.memref_slice %arg2[%dma_wait3A_1341, %dma_wait3A_1342] : memref<500000x128xf32, #tpu.memory_space<hbm>> -> memref<128x128xf32, #tpu.memory_space<hbm>>
      tpu.wait_dma2 semaphore(%arg16 : memref<!tpu.dma_semaphore, #tpu.memory_space<semaphore_mem>>) src(%dma_wait3A_1343 : memref<128x128xf32, #tpu.memory_space<hbm>>) dst(%arg10 : memref<128x128xf32, #tpu.memory_space<vmem>>)
      %ge3A_1344 = arith.constant 2 : i32
      %ge3A_1345 = arith.cmpi sge, %add3A_1330, %ge3A_1344 : i32
      %convert_element_type3A_1346 = arith.extui %ge3A_1345 : i1 to i32
      %cond3A_1347 = arith.constant 0 : i32
      %cond3A_1348 = arith.cmpi ne, %convert_element_type3A_1346, %cond3A_1347 : i32
      scf.if %cond3A_1348 {
        %sub3A_1571 = arith.constant 2 : i32
        %sub3A_1572 = arith.subi %add3A_1330, %sub3A_1571 : i32
        %add3A_1573 = arith.addi %mul3A_2, %sub3A_1572 : i32
        %jit3A_1574 = arith.constant 32 : i32
        %div3A_1575 = arith.divsi %add3A_1573, %jit3A_1574 : i32
        %sign3A_1576 = arith.constant 0 : i32
        %sign3A_1577 = arith.cmpi sgt, %add3A_1573, %sign3A_1576 : i32
        %sign3A_1578 = arith.extui %sign3A_1577 : i1 to i32
        %sign3A_1579 = arith.constant 0 : i32
        %sign3A_1580 = arith.cmpi slt, %add3A_1573, %sign3A_1579 : i32
        %sign3A_1581 = arith.extui %sign3A_1580 : i1 to i32
        %sign3A_1582 = arith.subi %sign3A_1578, %sign3A_1581 : i32
        %sign3A_1583 = arith.constant 0 : i32
        %sign3A_1584 = arith.cmpi sgt, %jit3A_1574, %sign3A_1583 : i32
        %sign3A_1585 = arith.extui %sign3A_1584 : i1 to i32
        %sign3A_1586 = arith.constant 0 : i32
        %sign3A_1587 = arith.cmpi slt, %jit3A_1574, %sign3A_1586 : i32
        %sign3A_1588 = arith.extui %sign3A_1587 : i1 to i32
        %sign3A_1589 = arith.subi %sign3A_1585, %sign3A_1588 : i32
        %ne3A_1590 = arith.cmpi ne, %sign3A_1582, %sign3A_1589 : i32
        %rem3A_1591 = arith.remsi %add3A_1573, %jit3A_1574 : i32
        %ne3A_1592 = arith.constant 0 : i32
        %ne3A_1593 = arith.cmpi ne, %rem3A_1591, %ne3A_1592 : i32
        %and3A_1594 = arith.andi %ne3A_1590, %ne3A_1593 : i1
        %sub3A_1595 = arith.constant 1 : i32
        %sub3A_1596 = arith.subi %div3A_1575, %sub3A_1595 : i32
        %select_n3A_1597 = arith.select %and3A_1594, %sub3A_1596, %div3A_1575 : i32
        %rem3A_1598 = arith.constant 32 : i32
        %rem3A_1599 = arith.remsi %add3A_1573, %rem3A_1598 : i32
        %dma_wait3A_1600 = arith.constant 0 : i32
        %dma_wait3A_1601 = arith.constant 0 : i32
        %dma_wait3A_1602 = arith.constant 0 : i32
        %dma_wait3A_1603 = tpu.memref_slice %arg12[%dma_wait3A_1601, %dma_wait3A_1602] : memref<64x128xf32, #tpu.memory_space<vmem>> -> memref<8x128xf32, #tpu.memory_space<vmem>>
        %dma_wait3A_1604 = arith.constant 0 : i32
        %dma_wait3A_1605 = arith.constant 0 : i32
        %dma_wait3A_1606 = tpu.memref_slice %arg4[%select_n3A_1597, %dma_wait3A_1600, %rem3A_1599, %dma_wait3A_1604, %dma_wait3A_1605] : memref<200x8x32x8x128xf32, #tpu.memory_space<hbm>> -> memref<1x1x1x8x128xf32, #tpu.memory_space<hbm>>
        %dma_wait3A_1607 = tpu.memref_squeeze %dma_wait3A_1606 : memref<1x1x1x8x128xf32, #tpu.memory_space<hbm>> -> memref<8x128xf32, #tpu.memory_space<hbm>>
        %dma_wait3A_1608 = arith.constant 0 : i32
        %dma_wait3A_1609 = arith.constant 0 : i32
        %dma_wait3A_1610 = tpu.memref_slice %arg4[%select_n3A_1597, %dma_wait3A_1600, %rem3A_1599, %dma_wait3A_1608, %dma_wait3A_1609] : memref<200x8x32x8x128xf32, #tpu.memory_space<hbm>> -> memref<1x1x1x8x128xf32, #tpu.memory_space<hbm>>
        %dma_wait3A_1611 = tpu.memref_squeeze %dma_wait3A_1610 : memref<1x1x1x8x128xf32, #tpu.memory_space<hbm>> -> memref<8x128xf32, #tpu.memory_space<hbm>>
        %dma_wait3A_1612 = arith.constant 0 : i32
        %dma_wait3A_1613 = arith.constant 0 : i32
        %dma_wait3A_1614 = tpu.memref_slice %arg12[%dma_wait3A_1612, %dma_wait3A_1613] : memref<64x128xf32, #tpu.memory_space<vmem>> -> memref<8x128xf32, #tpu.memory_space<vmem>>
        tpu.wait_dma2 semaphore(%arg18 : memref<!tpu.dma_semaphore, #tpu.memory_space<semaphore_mem>>) src(%dma_wait3A_1614 : memref<8x128xf32, #tpu.memory_space<vmem>>) dst(%dma_wait3A_1611 : memref<8x128xf32, #tpu.memory_space<hbm>>)
        %dma_wait3A_1615 = arith.constant 1 : i32
        %dma_wait3A_1616 = arith.constant 8 : i32
        %dma_wait3A_1617 = arith.constant 0 : i32
        %dma_wait3A_1618 = tpu.memref_slice %arg12[%dma_wait3A_1616, %dma_wait3A_1617] : memref<64x128xf32, #tpu.memory_space<vmem>> -> memref<8x128xf32, #tpu.memory_space<vmem>>
        %dma_wait3A_1619 = arith.constant 0 : i32
        %dma_wait3A_1620 = arith.constant 0 : i32
        %dma_wait3A_1621 = tpu.memref_slice %arg4[%select_n3A_1597, %dma_wait3A_1615, %rem3A_1599, %dma_wait3A_1619, %dma_wait3A_1620] : memref<200x8x32x8x128xf32, #tpu.memory_space<hbm>> -> memref<1x1x1x8x128xf32, #tpu.memory_space<hbm>>
        %dma_wait3A_1622 = tpu.memref_squeeze %dma_wait3A_1621 : memref<1x1x1x8x128xf32, #tpu.memory_space<hbm>> -> memref<8x128xf32, #tpu.memory_space<hbm>>
        %dma_wait3A_1623 = arith.constant 0 : i32
        %dma_wait3A_1624 = arith.constant 0 : i32
        %dma_wait3A_1625 = tpu.memref_slice %arg4[%select_n3A_1597, %dma_wait3A_1615, %rem3A_1599, %dma_wait3A_1623, %dma_wait3A_1624] : memref<200x8x32x8x128xf32, #tpu.memory_space<hbm>> -> memref<1x1x1x8x128xf32, #tpu.memory_space<hbm>>
        %dma_wait3A_1626 = tpu.memref_squeeze %dma_wait3A_1625 : memref<1x1x1x8x128xf32, #tpu.memory_space<hbm>> -> memref<8x128xf32, #tpu.memory_space<hbm>>
        %dma_wait3A_1627 = arith.constant 8 : i32
        %dma_wait3A_1628 = arith.constant 0 : i32
        %dma_wait3A_1629 = tpu.memref_slice %arg12[%dma_wait3A_1627, %dma_wait3A_1628] : memref<64x128xf32, #tpu.memory_space<vmem>> -> memref<8x128xf32, #tpu.memory_space<vmem>>
        tpu.wait_dma2 semaphore(%arg18 : memref<!tpu.dma_semaphore, #tpu.memory_space<semaphore_mem>>) src(%dma_wait3A_1629 : memref<8x128xf32, #tpu.memory_space<vmem>>) dst(%dma_wait3A_1626 : memref<8x128xf32, #tpu.memory_space<hbm>>)
        %dma_wait3A_1630 = arith.constant 2 : i32
        %dma_wait3A_1631 = arith.constant 16 : i32
        %dma_wait3A_1632 = arith.constant 0 : i32
        %dma_wait3A_1633 = tpu.memref_slice %arg12[%dma_wait3A_1631, %dma_wait3A_1632] : memref<64x128xf32, #tpu.memory_space<vmem>> -> memref<8x128xf32, #tpu.memory_space<vmem>>
        %dma_wait3A_1634 = arith.constant 0 : i32
        %dma_wait3A_1635 = arith.constant 0 : i32
        %dma_wait3A_1636 = tpu.memref_slice %arg4[%select_n3A_1597, %dma_wait3A_1630, %rem3A_1599, %dma_wait3A_1634, %dma_wait3A_1635] : memref<200x8x32x8x128xf32, #tpu.memory_space<hbm>> -> memref<1x1x1x8x128xf32, #tpu.memory_space<hbm>>
        %dma_wait3A_1637 = tpu.memref_squeeze %dma_wait3A_1636 : memref<1x1x1x8x128xf32, #tpu.memory_space<hbm>> -> memref<8x128xf32, #tpu.memory_space<hbm>>
        %dma_wait3A_1638 = arith.constant 0 : i32
        %dma_wait3A_1639 = arith.constant 0 : i32
        %dma_wait3A_1640 = tpu.memref_slice %arg4[%select_n3A_1597, %dma_wait3A_1630, %rem3A_1599, %dma_wait3A_1638, %dma_wait3A_1639] : memref<200x8x32x8x128xf32, #tpu.memory_space<hbm>> -> memref<1x1x1x8x128xf32, #tpu.memory_space<hbm>>
        %dma_wait3A_1641 = tpu.memref_squeeze %dma_wait3A_1640 : memref<1x1x1x8x128xf32, #tpu.memory_space<hbm>> -> memref<8x128xf32, #tpu.memory_space<hbm>>
        %dma_wait3A_1642 = arith.constant 16 : i32
        %dma_wait3A_1643 = arith.constant 0 : i32
        %dma_wait3A_1644 = tpu.memref_slice %arg12[%dma_wait3A_1642, %dma_wait3A_1643] : memref<64x128xf32, #tpu.memory_space<vmem>> -> memref<8x128xf32, #tpu.memory_space<vmem>>
        tpu.wait_dma2 semaphore(%arg18 : memref<!tpu.dma_semaphore, #tpu.memory_space<semaphore_mem>>) src(%dma_wait3A_1644 : memref<8x128xf32, #tpu.memory_space<vmem>>) dst(%dma_wait3A_1641 : memref<8x128xf32, #tpu.memory_space<hbm>>)
        %dma_wait3A_1645 = arith.constant 3 : i32
        %dma_wait3A_1646 = arith.constant 24 : i32
        %dma_wait3A_1647 = arith.constant 0 : i32
        %dma_wait3A_1648 = tpu.memref_slice %arg12[%dma_wait3A_1646, %dma_wait3A_1647] : memref<64x128xf32, #tpu.memory_space<vmem>> -> memref<8x128xf32, #tpu.memory_space<vmem>>
        %dma_wait3A_1649 = arith.constant 0 : i32
        %dma_wait3A_1650 = arith.constant 0 : i32
        %dma_wait3A_1651 = tpu.memref_slice %arg4[%select_n3A_1597, %dma_wait3A_1645, %rem3A_1599, %dma_wait3A_1649, %dma_wait3A_1650] : memref<200x8x32x8x128xf32, #tpu.memory_space<hbm>> -> memref<1x1x1x8x128xf32, #tpu.memory_space<hbm>>
        %dma_wait3A_1652 = tpu.memref_squeeze %dma_wait3A_1651 : memref<1x1x1x8x128xf32, #tpu.memory_space<hbm>> -> memref<8x128xf32, #tpu.memory_space<hbm>>
        %dma_wait3A_1653 = arith.constant 0 : i32
        %dma_wait3A_1654 = arith.constant 0 : i32
        %dma_wait3A_1655 = tpu.memref_slice %arg4[%select_n3A_1597, %dma_wait3A_1645, %rem3A_1599, %dma_wait3A_1653, %dma_wait3A_1654] : memref<200x8x32x8x128xf32, #tpu.memory_space<hbm>> -> memref<1x1x1x8x128xf32, #tpu.memory_space<hbm>>
        %dma_wait3A_1656 = tpu.memref_squeeze %dma_wait3A_1655 : memref<1x1x1x8x128xf32, #tpu.memory_space<hbm>> -> memref<8x128xf32, #tpu.memory_space<hbm>>
        %dma_wait3A_1657 = arith.constant 24 : i32
        %dma_wait3A_1658 = arith.constant 0 : i32
        %dma_wait3A_1659 = tpu.memref_slice %arg12[%dma_wait3A_1657, %dma_wait3A_1658] : memref<64x128xf32, #tpu.memory_space<vmem>> -> memref<8x128xf32, #tpu.memory_space<vmem>>
        tpu.wait_dma2 semaphore(%arg18 : memref<!tpu.dma_semaphore, #tpu.memory_space<semaphore_mem>>) src(%dma_wait3A_1659 : memref<8x128xf32, #tpu.memory_space<vmem>>) dst(%dma_wait3A_1656 : memref<8x128xf32, #tpu.memory_space<hbm>>)
        %dma_wait3A_1660 = arith.constant 4 : i32
        %dma_wait3A_1661 = arith.constant 32 : i32
        %dma_wait3A_1662 = arith.constant 0 : i32
        %dma_wait3A_1663 = tpu.memref_slice %arg12[%dma_wait3A_1661, %dma_wait3A_1662] : memref<64x128xf32, #tpu.memory_space<vmem>> -> memref<8x128xf32, #tpu.memory_space<vmem>>
        %dma_wait3A_1664 = arith.constant 0 : i32
        %dma_wait3A_1665 = arith.constant 0 : i32
        %dma_wait3A_1666 = tpu.memref_slice %arg4[%select_n3A_1597, %dma_wait3A_1660, %rem3A_1599, %dma_wait3A_1664, %dma_wait3A_1665] : memref<200x8x32x8x128xf32, #tpu.memory_space<hbm>> -> memref<1x1x1x8x128xf32, #tpu.memory_space<hbm>>
        %dma_wait3A_1667 = tpu.memref_squeeze %dma_wait3A_1666 : memref<1x1x1x8x128xf32, #tpu.memory_space<hbm>> -> memref<8x128xf32, #tpu.memory_space<hbm>>
        %dma_wait3A_1668 = arith.constant 0 : i32
        %dma_wait3A_1669 = arith.constant 0 : i32
        %dma_wait3A_1670 = tpu.memref_slice %arg4[%select_n3A_1597, %dma_wait3A_1660, %rem3A_1599, %dma_wait3A_1668, %dma_wait3A_1669] : memref<200x8x32x8x128xf32, #tpu.memory_space<hbm>> -> memref<1x1x1x8x128xf32, #tpu.memory_space<hbm>>
        %dma_wait3A_1671 = tpu.memref_squeeze %dma_wait3A_1670 : memref<1x1x1x8x128xf32, #tpu.memory_space<hbm>> -> memref<8x128xf32, #tpu.memory_space<hbm>>
        %dma_wait3A_1672 = arith.constant 32 : i32
        %dma_wait3A_1673 = arith.constant 0 : i32
        %dma_wait3A_1674 = tpu.memref_slice %arg12[%dma_wait3A_1672, %dma_wait3A_1673] : memref<64x128xf32, #tpu.memory_space<vmem>> -> memref<8x128xf32, #tpu.memory_space<vmem>>
        tpu.wait_dma2 semaphore(%arg18 : memref<!tpu.dma_semaphore, #tpu.memory_space<semaphore_mem>>) src(%dma_wait3A_1674 : memref<8x128xf32, #tpu.memory_space<vmem>>) dst(%dma_wait3A_1671 : memref<8x128xf32, #tpu.memory_space<hbm>>)
        %dma_wait3A_1675 = arith.constant 5 : i32
        %dma_wait3A_1676 = arith.constant 40 : i32
        %dma_wait3A_1677 = arith.constant 0 : i32
        %dma_wait3A_1678 = tpu.memref_slice %arg12[%dma_wait3A_1676, %dma_wait3A_1677] : memref<64x128xf32, #tpu.memory_space<vmem>> -> memref<8x128xf32, #tpu.memory_space<vmem>>
        %dma_wait3A_1679 = arith.constant 0 : i32
        %dma_wait3A_1680 = arith.constant 0 : i32
        %dma_wait3A_1681 = tpu.memref_slice %arg4[%select_n3A_1597, %dma_wait3A_1675, %rem3A_1599, %dma_wait3A_1679, %dma_wait3A_1680] : memref<200x8x32x8x128xf32, #tpu.memory_space<hbm>> -> memref<1x1x1x8x128xf32, #tpu.memory_space<hbm>>
        %dma_wait3A_1682 = tpu.memref_squeeze %dma_wait3A_1681 : memref<1x1x1x8x128xf32, #tpu.memory_space<hbm>> -> memref<8x128xf32, #tpu.memory_space<hbm>>
        %dma_wait3A_1683 = arith.constant 0 : i32
        %dma_wait3A_1684 = arith.constant 0 : i32
        %dma_wait3A_1685 = tpu.memref_slice %arg4[%select_n3A_1597, %dma_wait3A_1675, %rem3A_1599, %dma_wait3A_1683, %dma_wait3A_1684] : memref<200x8x32x8x128xf32, #tpu.memory_space<hbm>> -> memref<1x1x1x8x128xf32, #tpu.memory_space<hbm>>
        %dma_wait3A_1686 = tpu.memref_squeeze %dma_wait3A_1685 : memref<1x1x1x8x128xf32, #tpu.memory_space<hbm>> -> memref<8x128xf32, #tpu.memory_space<hbm>>
        %dma_wait3A_1687 = arith.constant 40 : i32
        %dma_wait3A_1688 = arith.constant 0 : i32
        %dma_wait3A_1689 = tpu.memref_slice %arg12[%dma_wait3A_1687, %dma_wait3A_1688] : memref<64x128xf32, #tpu.memory_space<vmem>> -> memref<8x128xf32, #tpu.memory_space<vmem>>
        tpu.wait_dma2 semaphore(%arg18 : memref<!tpu.dma_semaphore, #tpu.memory_space<semaphore_mem>>) src(%dma_wait3A_1689 : memref<8x128xf32, #tpu.memory_space<vmem>>) dst(%dma_wait3A_1686 : memref<8x128xf32, #tpu.memory_space<hbm>>)
        %dma_wait3A_1690 = arith.constant 6 : i32
        %dma_wait3A_1691 = arith.constant 48 : i32
        %dma_wait3A_1692 = arith.constant 0 : i32
        %dma_wait3A_1693 = tpu.memref_slice %arg12[%dma_wait3A_1691, %dma_wait3A_1692] : memref<64x128xf32, #tpu.memory_space<vmem>> -> memref<8x128xf32, #tpu.memory_space<vmem>>
        %dma_wait3A_1694 = arith.constant 0 : i32
        %dma_wait3A_1695 = arith.constant 0 : i32
        %dma_wait3A_1696 = tpu.memref_slice %arg4[%select_n3A_1597, %dma_wait3A_1690, %rem3A_1599, %dma_wait3A_1694, %dma_wait3A_1695] : memref<200x8x32x8x128xf32, #tpu.memory_space<hbm>> -> memref<1x1x1x8x128xf32, #tpu.memory_space<hbm>>
        %dma_wait3A_1697 = tpu.memref_squeeze %dma_wait3A_1696 : memref<1x1x1x8x128xf32, #tpu.memory_space<hbm>> -> memref<8x128xf32, #tpu.memory_space<hbm>>
        %dma_wait3A_1698 = arith.constant 0 : i32
        %dma_wait3A_1699 = arith.constant 0 : i32
        %dma_wait3A_1700 = tpu.memref_slice %arg4[%select_n3A_1597, %dma_wait3A_1690, %rem3A_1599, %dma_wait3A_1698, %dma_wait3A_1699] : memref<200x8x32x8x128xf32, #tpu.memory_space<hbm>> -> memref<1x1x1x8x128xf32, #tpu.memory_space<hbm>>
        %dma_wait3A_1701 = tpu.memref_squeeze %dma_wait3A_1700 : memref<1x1x1x8x128xf32, #tpu.memory_space<hbm>> -> memref<8x128xf32, #tpu.memory_space<hbm>>
        %dma_wait3A_1702 = arith.constant 48 : i32
        %dma_wait3A_1703 = arith.constant 0 : i32
        %dma_wait3A_1704 = tpu.memref_slice %arg12[%dma_wait3A_1702, %dma_wait3A_1703] : memref<64x128xf32, #tpu.memory_space<vmem>> -> memref<8x128xf32, #tpu.memory_space<vmem>>
        tpu.wait_dma2 semaphore(%arg18 : memref<!tpu.dma_semaphore, #tpu.memory_space<semaphore_mem>>) src(%dma_wait3A_1704 : memref<8x128xf32, #tpu.memory_space<vmem>>) dst(%dma_wait3A_1701 : memref<8x128xf32, #tpu.memory_space<hbm>>)
        %dma_wait3A_1705 = arith.constant 7 : i32
        %dma_wait3A_1706 = arith.constant 56 : i32
        %dma_wait3A_1707 = arith.constant 0 : i32
        %dma_wait3A_1708 = tpu.memref_slice %arg12[%dma_wait3A_1706, %dma_wait3A_1707] : memref<64x128xf32, #tpu.memory_space<vmem>> -> memref<8x128xf32, #tpu.memory_space<vmem>>
        %dma_wait3A_1709 = arith.constant 0 : i32
        %dma_wait3A_1710 = arith.constant 0 : i32
        %dma_wait3A_1711 = tpu.memref_slice %arg4[%select_n3A_1597, %dma_wait3A_1705, %rem3A_1599, %dma_wait3A_1709, %dma_wait3A_1710] : memref<200x8x32x8x128xf32, #tpu.memory_space<hbm>> -> memref<1x1x1x8x128xf32, #tpu.memory_space<hbm>>
        %dma_wait3A_1712 = tpu.memref_squeeze %dma_wait3A_1711 : memref<1x1x1x8x128xf32, #tpu.memory_space<hbm>> -> memref<8x128xf32, #tpu.memory_space<hbm>>
        %dma_wait3A_1713 = arith.constant 0 : i32
        %dma_wait3A_1714 = arith.constant 0 : i32
        %dma_wait3A_1715 = tpu.memref_slice %arg4[%select_n3A_1597, %dma_wait3A_1705, %rem3A_1599, %dma_wait3A_1713, %dma_wait3A_1714] : memref<200x8x32x8x128xf32, #tpu.memory_space<hbm>> -> memref<1x1x1x8x128xf32, #tpu.memory_space<hbm>>
        %dma_wait3A_1716 = tpu.memref_squeeze %dma_wait3A_1715 : memref<1x1x1x8x128xf32, #tpu.memory_space<hbm>> -> memref<8x128xf32, #tpu.memory_space<hbm>>
        %dma_wait3A_1717 = arith.constant 56 : i32
        %dma_wait3A_1718 = arith.constant 0 : i32
        %dma_wait3A_1719 = tpu.memref_slice %arg12[%dma_wait3A_1717, %dma_wait3A_1718] : memref<64x128xf32, #tpu.memory_space<vmem>> -> memref<8x128xf32, #tpu.memory_space<vmem>>
        tpu.wait_dma2 semaphore(%arg18 : memref<!tpu.dma_semaphore, #tpu.memory_space<semaphore_mem>>) src(%dma_wait3A_1719 : memref<8x128xf32, #tpu.memory_space<vmem>>) dst(%dma_wait3A_1716 : memref<8x128xf32, #tpu.memory_space<hbm>>)
      } else {
      }
      %get3A_1349 = arith.index_cast %add3A_1330 : i32 to index
      %get3A_1350 = arith.constant 0 : index
      %get3A_1351 = tpu.vector_load %arg5[%get3A_1349, %get3A_1350] {strides = array<i32>} : memref<200x128xi32, #tpu.memory_space<vmem>>, vector<16xi32>,
      %and3A_1352 = arith.constant 1 : i32
      %and3A_1353 = vector.broadcast %and3A_1352 : i32 to vector<16xi32>
      %and3A_1354 = arith.andi %get3A_1351, %and3A_1353 : vector<16xi32>
      %shift_left3A_1355 = arith.constant 6 : i32
      %shift_left3A_1356 = vector.broadcast %shift_left3A_1355 : i32 to vector<16xi32>
      %shift_left3A_1357 = arith.shli %and3A_1354, %shift_left3A_1356 : vector<16xi32>
      %get3A_1358 = arith.index_cast %add3A_1330 : i32 to index
      %get3A_1359 = arith.constant 16 : index
      %get3A_1360 = tpu.vector_load %arg5[%get3A_1358, %get3A_1359] {strides = array<i32>} : memref<200x128xi32, #tpu.memory_space<vmem>>, vector<16xi32>,
      %and3A_1361 = arith.constant 1 : i32
      %and3A_1362 = vector.broadcast %and3A_1361 : i32 to vector<16xi32>
      %and3A_1363 = arith.andi %get3A_1360, %and3A_1362 : vector<16xi32>
      %shift_left3A_1364 = arith.constant 6 : i32
      %shift_left3A_1365 = vector.broadcast %shift_left3A_1364 : i32 to vector<16xi32>
      %shift_left3A_1366 = arith.shli %and3A_1363, %shift_left3A_1365 : vector<16xi32>
      %get3A_1367 = arith.index_cast %add3A_1330 : i32 to index
      %get3A_1368 = arith.constant 32 : index
      %get3A_1369 = tpu.vector_load %arg5[%get3A_1367, %get3A_1368] {strides = array<i32>} : memref<200x128xi32, #tpu.memory_space<vmem>>, vector<16xi32>,
      %and3A_1370 = arith.constant 1 : i32
      %and3A_1371 = vector.broadcast %and3A_1370 : i32 to vector<16xi32>
      %and3A_1372 = arith.andi %get3A_1369, %and3A_1371 : vector<16xi32>
      %shift_left3A_1373 = arith.constant 6 : i32
      %shift_left3A_1374 = vector.broadcast %shift_left3A_1373 : i32 to vector<16xi32>
      %shift_left3A_1375 = arith.shli %and3A_1372, %shift_left3A_1374 : vector<16xi32>
      %get3A_1376 = arith.index_cast %add3A_1330 : i32 to index
      %get3A_1377 = arith.constant 48 : index
      %get3A_1378 = tpu.vector_load %arg5[%get3A_1376, %get3A_1377] {strides = array<i32>} : memref<200x128xi32, #tpu.memory_space<vmem>>, vector<16xi32>,
      %and3A_1379 = arith.constant 1 : i32
      %and3A_1380 = vector.broadcast %and3A_1379 : i32 to vector<16xi32>
      %and3A_1381 = arith.andi %get3A_1378, %and3A_1380 : vector<16xi32>
      %shift_left3A_1382 = arith.constant 6 : i32
      %shift_left3A_1383 = vector.broadcast %shift_left3A_1382 : i32 to vector<16xi32>
      %shift_left3A_1384 = arith.shli %and3A_1381, %shift_left3A_1383 : vector<16xi32>
      %get3A_1385 = arith.index_cast %add3A_1330 : i32 to index
      %get3A_1386 = arith.constant 64 : index
      %get3A_1387 = tpu.vector_load %arg5[%get3A_1385, %get3A_1386] {strides = array<i32>} : memref<200x128xi32, #tpu.memory_space<vmem>>, vector<16xi32>,
      %and3A_1388 = arith.constant 1 : i32
      %and3A_1389 = vector.broadcast %and3A_1388 : i32 to vector<16xi32>
      %and3A_1390 = arith.andi %get3A_1387, %and3A_1389 : vector<16xi32>
      %shift_left3A_1391 = arith.constant 6 : i32
      %shift_left3A_1392 = vector.broadcast %shift_left3A_1391 : i32 to vector<16xi32>
      %shift_left3A_1393 = arith.shli %and3A_1390, %shift_left3A_1392 : vector<16xi32>
      %get3A_1394 = arith.index_cast %add3A_1330 : i32 to index
      %get3A_1395 = arith.constant 80 : index
      %get3A_1396 = tpu.vector_load %arg5[%get3A_1394, %get3A_1395] {strides = array<i32>} : memref<200x128xi32, #tpu.memory_space<vmem>>, vector<16xi32>,
      %and3A_1397 = arith.constant 1 : i32
      %and3A_1398 = vector.broadcast %and3A_1397 : i32 to vector<16xi32>
      %and3A_1399 = arith.andi %get3A_1396, %and3A_1398 : vector<16xi32>
      %shift_left3A_1400 = arith.constant 6 : i32
      %shift_left3A_1401 = vector.broadcast %shift_left3A_1400 : i32 to vector<16xi32>
      %shift_left3A_1402 = arith.shli %and3A_1399, %shift_left3A_1401 : vector<16xi32>
      %get3A_1403 = arith.index_cast %add3A_1330 : i32 to index
      %get3A_1404 = arith.constant 96 : index
      %get3A_1405 = tpu.vector_load %arg5[%get3A_1403, %get3A_1404] {strides = array<i32>} : memref<200x128xi32, #tpu.memory_space<vmem>>, vector<16xi32>,
      %and3A_1406 = arith.constant 1 : i32
      %and3A_1407 = vector.broadcast %and3A_1406 : i32 to vector<16xi32>
      %and3A_1408 = arith.andi %get3A_1405, %and3A_1407 : vector<16xi32>
      %shift_left3A_1409 = arith.constant 6 : i32
      %shift_left3A_1410 = vector.broadcast %shift_left3A_1409 : i32 to vector<16xi32>
      %shift_left3A_1411 = arith.shli %and3A_1408, %shift_left3A_1410 : vector<16xi32>
      %get3A_1412 = arith.index_cast %add3A_1330 : i32 to index
      %get3A_1413 = arith.constant 112 : index
      %get3A_1414 = tpu.vector_load %arg5[%get3A_1412, %get3A_1413] {strides = array<i32>} : memref<200x128xi32, #tpu.memory_space<vmem>>, vector<16xi32>,
      %and3A_1415 = arith.constant 1 : i32
      %and3A_1416 = vector.broadcast %and3A_1415 : i32 to vector<16xi32>
      %and3A_1417 = arith.andi %get3A_1414, %and3A_1416 : vector<16xi32>
      %shift_left3A_1418 = arith.constant 6 : i32
      %shift_left3A_1419 = vector.broadcast %shift_left3A_1418 : i32 to vector<16xi32>
      %shift_left3A_1420 = arith.shli %and3A_1417, %shift_left3A_1419 : vector<16xi32>
      %parallel_loop3A_1421 = arith.constant 0 : i32
      %parallel_loop3A_1422 = arith.constant 64 : i32
      %parallel_loop3A_1423 = arith.constant 1 : i32
      scf.for %parallel_loop3A_1571 = %parallel_loop3A_1421 to %parallel_loop3A_1422 step %parallel_loop3A_1423  : i32 {
        %parallel_loop3A_1572 = vector.broadcast %parallel_loop3A_1571 : i32 to vector<16xi32>
        %parallel_loop3A_1573 = arith.addi %shift_left3A_1357, %parallel_loop3A_1572 : vector<16xi32>
        %parallel_loop3A_1574 = tpu.vector_load_idx %arg10[%add3A_5, %parallel_loop3A_1573] : memref<128x128xf32, #tpu.memory_space<vmem>>[vector<16xi32>, vector<16xi32>], vector<16xf32>,
        %parallel_loop3A_1575 = arith.index_cast %parallel_loop3A_1571 : i32 to index
        %parallel_loop3A_1576 = arith.constant 0 : index
        %parallel_loop3A_1577 = tpu.vector_load %arg12[%parallel_loop3A_1575, %parallel_loop3A_1576] {strides = array<i32>} : memref<64x128xf32, #tpu.memory_space<vmem>>, vector<16xf32>,
        tpu.vector_store %arg12[%parallel_loop3A_1575, %parallel_loop3A_1576], %parallel_loop3A_1574 {strides = array<i32>} : memref<64x128xf32, #tpu.memory_space<vmem>>, vector<16xf32>,
        %parallel_loop3A_1578 = vector.broadcast %parallel_loop3A_1571 : i32 to vector<16xi32>
        %parallel_loop3A_1579 = arith.addi %shift_left3A_1366, %parallel_loop3A_1578 : vector<16xi32>
        %parallel_loop3A_1580 = tpu.vector_load_idx %arg10[%add3A_8, %parallel_loop3A_1579] : memref<128x128xf32, #tpu.memory_space<vmem>>[vector<16xi32>, vector<16xi32>], vector<16xf32>,
        %parallel_loop3A_1581 = arith.index_cast %parallel_loop3A_1571 : i32 to index
        %parallel_loop3A_1582 = arith.constant 16 : index
        %parallel_loop3A_1583 = tpu.vector_load %arg12[%parallel_loop3A_1581, %parallel_loop3A_1582] {strides = array<i32>} : memref<64x128xf32, #tpu.memory_space<vmem>>, vector<16xf32>,
        tpu.vector_store %arg12[%parallel_loop3A_1581, %parallel_loop3A_1582], %parallel_loop3A_1580 {strides = array<i32>} : memref<64x128xf32, #tpu.memory_space<vmem>>, vector<16xf32>,
        %parallel_loop3A_1584 = vector.broadcast %parallel_loop3A_1571 : i32 to vector<16xi32>
        %parallel_loop3A_1585 = arith.addi %shift_left3A_1375, %parallel_loop3A_1584 : vector<16xi32>
        %parallel_loop3A_1586 = tpu.vector_load_idx %arg10[%add3A_11, %parallel_loop3A_1585] : memref<128x128xf32, #tpu.memory_space<vmem>>[vector<16xi32>, vector<16xi32>], vector<16xf32>,
        %parallel_loop3A_1587 = arith.index_cast %parallel_loop3A_1571 : i32 to index
        %parallel_loop3A_1588 = arith.constant 32 : index
        %parallel_loop3A_1589 = tpu.vector_load %arg12[%parallel_loop3A_1587, %parallel_loop3A_1588] {strides = array<i32>} : memref<64x128xf32, #tpu.memory_space<vmem>>, vector<16xf32>,
        tpu.vector_store %arg12[%parallel_loop3A_1587, %parallel_loop3A_1588], %parallel_loop3A_1586 {strides = array<i32>} : memref<64x128xf32, #tpu.memory_space<vmem>>, vector<16xf32>,
        %parallel_loop3A_1590 = vector.broadcast %parallel_loop3A_1571 : i32 to vector<16xi32>
        %parallel_loop3A_1591 = arith.addi %shift_left3A_1384, %parallel_loop3A_1590 : vector<16xi32>
        %parallel_loop3A_1592 = tpu.vector_load_idx %arg10[%add3A_14, %parallel_loop3A_1591] : memref<128x128xf32, #tpu.memory_space<vmem>>[vector<16xi32>, vector<16xi32>], vector<16xf32>,
        %parallel_loop3A_1593 = arith.index_cast %parallel_loop3A_1571 : i32 to index
        %parallel_loop3A_1594 = arith.constant 48 : index
        %parallel_loop3A_1595 = tpu.vector_load %arg12[%parallel_loop3A_1593, %parallel_loop3A_1594] {strides = array<i32>} : memref<64x128xf32, #tpu.memory_space<vmem>>, vector<16xf32>,
        tpu.vector_store %arg12[%parallel_loop3A_1593, %parallel_loop3A_1594], %parallel_loop3A_1592 {strides = array<i32>} : memref<64x128xf32, #tpu.memory_space<vmem>>, vector<16xf32>,
        %parallel_loop3A_1596 = vector.broadcast %parallel_loop3A_1571 : i32 to vector<16xi32>
        %parallel_loop3A_1597 = arith.addi %shift_left3A_1393, %parallel_loop3A_1596 : vector<16xi32>
        %parallel_loop3A_1598 = tpu.vector_load_idx %arg10[%add3A_17, %parallel_loop3A_1597] : memref<128x128xf32, #tpu.memory_space<vmem>>[vector<16xi32>, vector<16xi32>], vector<16xf32>,
        %parallel_loop3A_1599 = arith.index_cast %parallel_loop3A_1571 : i32 to index
        %parallel_loop3A_1600 = arith.constant 64 : index
        %parallel_loop3A_1601 = tpu.vector_load %arg12[%parallel_loop3A_1599, %parallel_loop3A_1600] {strides = array<i32>} : memref<64x128xf32, #tpu.memory_space<vmem>>, vector<16xf32>,
        tpu.vector_store %arg12[%parallel_loop3A_1599, %parallel_loop3A_1600], %parallel_loop3A_1598 {strides = array<i32>} : memref<64x128xf32, #tpu.memory_space<vmem>>, vector<16xf32>,
        %parallel_loop3A_1602 = vector.broadcast %parallel_loop3A_1571 : i32 to vector<16xi32>
        %parallel_loop3A_1603 = arith.addi %shift_left3A_1402, %parallel_loop3A_1602 : vector<16xi32>
        %parallel_loop3A_1604 = tpu.vector_load_idx %arg10[%add3A_20, %parallel_loop3A_1603] : memref<128x128xf32, #tpu.memory_space<vmem>>[vector<16xi32>, vector<16xi32>], vector<16xf32>,
        %parallel_loop3A_1605 = arith.index_cast %parallel_loop3A_1571 : i32 to index
        %parallel_loop3A_1606 = arith.constant 80 : index
        %parallel_loop3A_1607 = tpu.vector_load %arg12[%parallel_loop3A_1605, %parallel_loop3A_1606] {strides = array<i32>} : memref<64x128xf32, #tpu.memory_space<vmem>>, vector<16xf32>,
        tpu.vector_store %arg12[%parallel_loop3A_1605, %parallel_loop3A_1606], %parallel_loop3A_1604 {strides = array<i32>} : memref<64x128xf32, #tpu.memory_space<vmem>>, vector<16xf32>,
        %parallel_loop3A_1608 = vector.broadcast %parallel_loop3A_1571 : i32 to vector<16xi32>
        %parallel_loop3A_1609 = arith.addi %shift_left3A_1411, %parallel_loop3A_1608 : vector<16xi32>
        %parallel_loop3A_1610 = tpu.vector_load_idx %arg10[%add3A_23, %parallel_loop3A_1609] : memref<128x128xf32, #tpu.memory_space<vmem>>[vector<16xi32>, vector<16xi32>], vector<16xf32>,
        %parallel_loop3A_1611 = arith.index_cast %parallel_loop3A_1571 : i32 to index
        %parallel_loop3A_1612 = arith.constant 96 : index
        %parallel_loop3A_1613 = tpu.vector_load %arg12[%parallel_loop3A_1611, %parallel_loop3A_1612] {strides = array<i32>} : memref<64x128xf32, #tpu.memory_space<vmem>>, vector<16xf32>,
        tpu.vector_store %arg12[%parallel_loop3A_1611, %parallel_loop3A_1612], %parallel_loop3A_1610 {strides = array<i32>} : memref<64x128xf32, #tpu.memory_space<vmem>>, vector<16xf32>,
        %parallel_loop3A_1614 = vector.broadcast %parallel_loop3A_1571 : i32 to vector<16xi32>
        %parallel_loop3A_1615 = arith.addi %shift_left3A_1420, %parallel_loop3A_1614 : vector<16xi32>
        %parallel_loop3A_1616 = tpu.vector_load_idx %arg10[%add3A_26, %parallel_loop3A_1615] : memref<128x128xf32, #tpu.memory_space<vmem>>[vector<16xi32>, vector<16xi32>], vector<16xf32>,
        %parallel_loop3A_1617 = arith.index_cast %parallel_loop3A_1571 : i32 to index
        %parallel_loop3A_1618 = arith.constant 112 : index
        %parallel_loop3A_1619 = tpu.vector_load %arg12[%parallel_loop3A_1617, %parallel_loop3A_1618] {strides = array<i32>} : memref<64x128xf32, #tpu.memory_space<vmem>>, vector<16xf32>,
        tpu.vector_store %arg12[%parallel_loop3A_1617, %parallel_loop3A_1618], %parallel_loop3A_1616 {strides = array<i32>} : memref<64x128xf32, #tpu.memory_space<vmem>>, vector<16xf32>,
      } {sc.loop_unroll_factor = 4 : i64, sc.parallel_access}
      %add3A_1424 = arith.addi %mul3A_2, %add3A_1330 : i32
      %jit3A_1425 = arith.constant 32 : i32
      %div3A_1426 = arith.divsi %add3A_1424, %jit3A_1425 : i32
      %sign3A_1427 = arith.constant 0 : i32
      %sign3A_1428 = arith.cmpi sgt, %add3A_1424, %sign3A_1427 : i32
      %sign3A_1429 = arith.extui %sign3A_1428 : i1 to i32
      %sign3A_1430 = arith.constant 0 : i32
      %sign3A_1431 = arith.cmpi slt, %add3A_1424, %sign3A_1430 : i32
      %sign3A_1432 = arith.extui %sign3A_1431 : i1 to i32
      %sign3A_1433 = arith.subi %sign3A_1429, %sign3A_1432 : i32
      %sign3A_1434 = arith.constant 0 : i32
      %sign3A_1435 = arith.cmpi sgt, %jit3A_1425, %sign3A_1434 : i32
      %sign3A_1436 = arith.extui %sign3A_1435 : i1 to i32
      %sign3A_1437 = arith.constant 0 : i32
      %sign3A_1438 = arith.cmpi slt, %jit3A_1425, %sign3A_1437 : i32
      %sign3A_1439 = arith.extui %sign3A_1438 : i1 to i32
      %sign3A_1440 = arith.subi %sign3A_1436, %sign3A_1439 : i32
      %ne3A_1441 = arith.cmpi ne, %sign3A_1433, %sign3A_1440 : i32
      %rem3A_1442 = arith.remsi %add3A_1424, %jit3A_1425 : i32
      %ne3A_1443 = arith.constant 0 : i32
      %ne3A_1444 = arith.cmpi ne, %rem3A_1442, %ne3A_1443 : i32
      %and3A_1445 = arith.andi %ne3A_1441, %ne3A_1444 : i1
      %sub3A_1446 = arith.constant 1 : i32
      %sub3A_1447 = arith.subi %div3A_1426, %sub3A_1446 : i32
      %select_n3A_1448 = arith.select %and3A_1445, %sub3A_1447, %div3A_1426 : i32
      %rem3A_1449 = arith.constant 32 : i32
      %rem3A_1450 = arith.remsi %add3A_1424, %rem3A_1449 : i32
      %dma_start3A_1451 = arith.constant 0 : i32
      %dma_start3A_1452 = arith.constant 0 : i32
      %dma_start3A_1453 = arith.constant 0 : i32
      %dma_start3A_1454 = tpu.memref_slice %arg12[%dma_start3A_1452, %dma_start3A_1453] : memref<64x128xf32, #tpu.memory_space<vmem>> -> memref<8x128xf32, #tpu.memory_space<vmem>>
      %dma_start3A_1455 = arith.constant 0 : i32
      %dma_start3A_1456 = arith.constant 0 : i32
      %dma_start3A_1457 = tpu.memref_slice %arg4[%select_n3A_1448, %dma_start3A_1451, %rem3A_1450, %dma_start3A_1455, %dma_start3A_1456] : memref<200x8x32x8x128xf32, #tpu.memory_space<hbm>> -> memref<1x1x1x8x128xf32, #tpu.memory_space<hbm>>
      %dma_start3A_1458 = tpu.memref_squeeze %dma_start3A_1457 : memref<1x1x1x8x128xf32, #tpu.memory_space<hbm>> -> memref<8x128xf32, #tpu.memory_space<hbm>>
      %dma_start3A_1459 = arith.constant 0 : i32
      %dma_start3A_1460 = arith.constant 0 : i32
      %dma_start3A_1461 = tpu.memref_slice %arg4[%select_n3A_1448, %dma_start3A_1451, %rem3A_1450, %dma_start3A_1459, %dma_start3A_1460] : memref<200x8x32x8x128xf32, #tpu.memory_space<hbm>> -> memref<1x1x1x8x128xf32, #tpu.memory_space<hbm>>
      %dma_start3A_1462 = tpu.memref_squeeze %dma_start3A_1461 : memref<1x1x1x8x128xf32, #tpu.memory_space<hbm>> -> memref<8x128xf32, #tpu.memory_space<hbm>>
      %dma_start3A_1463 = arith.constant 0 : i32
      %dma_start3A_1464 = arith.constant 0 : i32
      %dma_start3A_1465 = tpu.memref_slice %arg12[%dma_start3A_1463, %dma_start3A_1464] : memref<64x128xf32, #tpu.memory_space<vmem>> -> memref<8x128xf32, #tpu.memory_space<vmem>>
      tpu.enqueue_dma source(%dma_start3A_1465 : memref<8x128xf32, #tpu.memory_space<vmem>>) target(%dma_start3A_1462 : memref<8x128xf32, #tpu.memory_space<hbm>>) target_semaphore(%arg18 : memref<!tpu.dma_semaphore, #tpu.memory_space<semaphore_mem>>)
      %dma_start3A_1466 = arith.constant 1 : i32
      %dma_start3A_1467 = arith.constant 8 : i32
      %dma_start3A_1468 = arith.constant 0 : i32
      %dma_start3A_1469 = tpu.memref_slice %arg12[%dma_start3A_1467, %dma_start3A_1468] : memref<64x128xf32, #tpu.memory_space<vmem>> -> memref<8x128xf32, #tpu.memory_space<vmem>>
      %dma_start3A_1470 = arith.constant 0 : i32
      %dma_start3A_1471 = arith.constant 0 : i32
      %dma_start3A_1472 = tpu.memref_slice %arg4[%select_n3A_1448, %dma_start3A_1466, %rem3A_1450, %dma_start3A_1470, %dma_start3A_1471] : memref<200x8x32x8x128xf32, #tpu.memory_space<hbm>> -> memref<1x1x1x8x128xf32, #tpu.memory_space<hbm>>
      %dma_start3A_1473 = tpu.memref_squeeze %dma_start3A_1472 : memref<1x1x1x8x128xf32, #tpu.memory_space<hbm>> -> memref<8x128xf32, #tpu.memory_space<hbm>>
      %dma_start3A_1474 = arith.constant 0 : i32
      %dma_start3A_1475 = arith.constant 0 : i32
      %dma_start3A_1476 = tpu.memref_slice %arg4[%select_n3A_1448, %dma_start3A_1466, %rem3A_1450, %dma_start3A_1474, %dma_start3A_1475] : memref<200x8x32x8x128xf32, #tpu.memory_space<hbm>> -> memref<1x1x1x8x128xf32, #tpu.memory_space<hbm>>
      %dma_start3A_1477 = tpu.memref_squeeze %dma_start3A_1476 : memref<1x1x1x8x128xf32, #tpu.memory_space<hbm>> -> memref<8x128xf32, #tpu.memory_space<hbm>>
      %dma_start3A_1478 = arith.constant 8 : i32
      %dma_start3A_1479 = arith.constant 0 : i32
      %dma_start3A_1480 = tpu.memref_slice %arg12[%dma_start3A_1478, %dma_start3A_1479] : memref<64x128xf32, #tpu.memory_space<vmem>> -> memref<8x128xf32, #tpu.memory_space<vmem>>
      tpu.enqueue_dma source(%dma_start3A_1480 : memref<8x128xf32, #tpu.memory_space<vmem>>) target(%dma_start3A_1477 : memref<8x128xf32, #tpu.memory_space<hbm>>) target_semaphore(%arg18 : memref<!tpu.dma_semaphore, #tpu.memory_space<semaphore_mem>>)
      %dma_start3A_1481 = arith.constant 2 : i32
      %dma_start3A_1482 = arith.constant 16 : i32
      %dma_start3A_1483 = arith.constant 0 : i32
      %dma_start3A_1484 = tpu.memref_slice %arg12[%dma_start3A_1482, %dma_start3A_1483] : memref<64x128xf32, #tpu.memory_space<vmem>> -> memref<8x128xf32, #tpu.memory_space<vmem>>
      %dma_start3A_1485 = arith.constant 0 : i32
      %dma_start3A_1486 = arith.constant 0 : i32
      %dma_start3A_1487 = tpu.memref_slice %arg4[%select_n3A_1448, %dma_start3A_1481, %rem3A_1450, %dma_start3A_1485, %dma_start3A_1486] : memref<200x8x32x8x128xf32, #tpu.memory_space<hbm>> -> memref<1x1x1x8x128xf32, #tpu.memory_space<hbm>>
      %dma_start3A_1488 = tpu.memref_squeeze %dma_start3A_1487 : memref<1x1x1x8x128xf32, #tpu.memory_space<hbm>> -> memref<8x128xf32, #tpu.memory_space<hbm>>
      %dma_start3A_1489 = arith.constant 0 : i32
      %dma_start3A_1490 = arith.constant 0 : i32
      %dma_start3A_1491 = tpu.memref_slice %arg4[%select_n3A_1448, %dma_start3A_1481, %rem3A_1450, %dma_start3A_1489, %dma_start3A_1490] : memref<200x8x32x8x128xf32, #tpu.memory_space<hbm>> -> memref<1x1x1x8x128xf32, #tpu.memory_space<hbm>>
      %dma_start3A_1492 = tpu.memref_squeeze %dma_start3A_1491 : memref<1x1x1x8x128xf32, #tpu.memory_space<hbm>> -> memref<8x128xf32, #tpu.memory_space<hbm>>
      %dma_start3A_1493 = arith.constant 16 : i32
      %dma_start3A_1494 = arith.constant 0 : i32
      %dma_start3A_1495 = tpu.memref_slice %arg12[%dma_start3A_1493, %dma_start3A_1494] : memref<64x128xf32, #tpu.memory_space<vmem>> -> memref<8x128xf32, #tpu.memory_space<vmem>>
      tpu.enqueue_dma source(%dma_start3A_1495 : memref<8x128xf32, #tpu.memory_space<vmem>>) target(%dma_start3A_1492 : memref<8x128xf32, #tpu.memory_space<hbm>>) target_semaphore(%arg18 : memref<!tpu.dma_semaphore, #tpu.memory_space<semaphore_mem>>)
      %dma_start3A_1496 = arith.constant 3 : i32
      %dma_start3A_1497 = arith.constant 24 : i32
      %dma_start3A_1498 = arith.constant 0 : i32
      %dma_start3A_1499 = tpu.memref_slice %arg12[%dma_start3A_1497, %dma_start3A_1498] : memref<64x128xf32, #tpu.memory_space<vmem>> -> memref<8x128xf32, #tpu.memory_space<vmem>>
      %dma_start3A_1500 = arith.constant 0 : i32
      %dma_start3A_1501 = arith.constant 0 : i32
      %dma_start3A_1502 = tpu.memref_slice %arg4[%select_n3A_1448, %dma_start3A_1496, %rem3A_1450, %dma_start3A_1500, %dma_start3A_1501] : memref<200x8x32x8x128xf32, #tpu.memory_space<hbm>> -> memref<1x1x1x8x128xf32, #tpu.memory_space<hbm>>
      %dma_start3A_1503 = tpu.memref_squeeze %dma_start3A_1502 : memref<1x1x1x8x128xf32, #tpu.memory_space<hbm>> -> memref<8x128xf32, #tpu.memory_space<hbm>>
      %dma_start3A_1504 = arith.constant 0 : i32
      %dma_start3A_1505 = arith.constant 0 : i32
      %dma_start3A_1506 = tpu.memref_slice %arg4[%select_n3A_1448, %dma_start3A_1496, %rem3A_1450, %dma_start3A_1504, %dma_start3A_1505] : memref<200x8x32x8x128xf32, #tpu.memory_space<hbm>> -> memref<1x1x1x8x128xf32, #tpu.memory_space<hbm>>
      %dma_start3A_1507 = tpu.memref_squeeze %dma_start3A_1506 : memref<1x1x1x8x128xf32, #tpu.memory_space<hbm>> -> memref<8x128xf32, #tpu.memory_space<hbm>>
      %dma_start3A_1508 = arith.constant 24 : i32
      %dma_start3A_1509 = arith.constant 0 : i32
      %dma_start3A_1510 = tpu.memref_slice %arg12[%dma_start3A_1508, %dma_start3A_1509] : memref<64x128xf32, #tpu.memory_space<vmem>> -> memref<8x128xf32, #tpu.memory_space<vmem>>
      tpu.enqueue_dma source(%dma_start3A_1510 : memref<8x128xf32, #tpu.memory_space<vmem>>) target(%dma_start3A_1507 : memref<8x128xf32, #tpu.memory_space<hbm>>) target_semaphore(%arg18 : memref<!tpu.dma_semaphore, #tpu.memory_space<semaphore_mem>>)
      %dma_start3A_1511 = arith.constant 4 : i32
      %dma_start3A_1512 = arith.constant 32 : i32
      %dma_start3A_1513 = arith.constant 0 : i32
      %dma_start3A_1514 = tpu.memref_slice %arg12[%dma_start3A_1512, %dma_start3A_1513] : memref<64x128xf32, #tpu.memory_space<vmem>> -> memref<8x128xf32, #tpu.memory_space<vmem>>
      %dma_start3A_1515 = arith.constant 0 : i32
      %dma_start3A_1516 = arith.constant 0 : i32
      %dma_start3A_1517 = tpu.memref_slice %arg4[%select_n3A_1448, %dma_start3A_1511, %rem3A_1450, %dma_start3A_1515, %dma_start3A_1516] : memref<200x8x32x8x128xf32, #tpu.memory_space<hbm>> -> memref<1x1x1x8x128xf32, #tpu.memory_space<hbm>>
      %dma_start3A_1518 = tpu.memref_squeeze %dma_start3A_1517 : memref<1x1x1x8x128xf32, #tpu.memory_space<hbm>> -> memref<8x128xf32, #tpu.memory_space<hbm>>
      %dma_start3A_1519 = arith.constant 0 : i32
      %dma_start3A_1520 = arith.constant 0 : i32
      %dma_start3A_1521 = tpu.memref_slice %arg4[%select_n3A_1448, %dma_start3A_1511, %rem3A_1450, %dma_start3A_1519, %dma_start3A_1520] : memref<200x8x32x8x128xf32, #tpu.memory_space<hbm>> -> memref<1x1x1x8x128xf32, #tpu.memory_space<hbm>>
      %dma_start3A_1522 = tpu.memref_squeeze %dma_start3A_1521 : memref<1x1x1x8x128xf32, #tpu.memory_space<hbm>> -> memref<8x128xf32, #tpu.memory_space<hbm>>
      %dma_start3A_1523 = arith.constant 32 : i32
      %dma_start3A_1524 = arith.constant 0 : i32
      %dma_start3A_1525 = tpu.memref_slice %arg12[%dma_start3A_1523, %dma_start3A_1524] : memref<64x128xf32, #tpu.memory_space<vmem>> -> memref<8x128xf32, #tpu.memory_space<vmem>>
      tpu.enqueue_dma source(%dma_start3A_1525 : memref<8x128xf32, #tpu.memory_space<vmem>>) target(%dma_start3A_1522 : memref<8x128xf32, #tpu.memory_space<hbm>>) target_semaphore(%arg18 : memref<!tpu.dma_semaphore, #tpu.memory_space<semaphore_mem>>)
      %dma_start3A_1526 = arith.constant 5 : i32
      %dma_start3A_1527 = arith.constant 40 : i32
      %dma_start3A_1528 = arith.constant 0 : i32
      %dma_start3A_1529 = tpu.memref_slice %arg12[%dma_start3A_1527, %dma_start3A_1528] : memref<64x128xf32, #tpu.memory_space<vmem>> -> memref<8x128xf32, #tpu.memory_space<vmem>>
      %dma_start3A_1530 = arith.constant 0 : i32
      %dma_start3A_1531 = arith.constant 0 : i32
      %dma_start3A_1532 = tpu.memref_slice %arg4[%select_n3A_1448, %dma_start3A_1526, %rem3A_1450, %dma_start3A_1530, %dma_start3A_1531] : memref<200x8x32x8x128xf32, #tpu.memory_space<hbm>> -> memref<1x1x1x8x128xf32, #tpu.memory_space<hbm>>
      %dma_start3A_1533 = tpu.memref_squeeze %dma_start3A_1532 : memref<1x1x1x8x128xf32, #tpu.memory_space<hbm>> -> memref<8x128xf32, #tpu.memory_space<hbm>>
      %dma_start3A_1534 = arith.constant 0 : i32
      %dma_start3A_1535 = arith.constant 0 : i32
      %dma_start3A_1536 = tpu.memref_slice %arg4[%select_n3A_1448, %dma_start3A_1526, %rem3A_1450, %dma_start3A_1534, %dma_start3A_1535] : memref<200x8x32x8x128xf32, #tpu.memory_space<hbm>> -> memref<1x1x1x8x128xf32, #tpu.memory_space<hbm>>
      %dma_start3A_1537 = tpu.memref_squeeze %dma_start3A_1536 : memref<1x1x1x8x128xf32, #tpu.memory_space<hbm>> -> memref<8x128xf32, #tpu.memory_space<hbm>>
      %dma_start3A_1538 = arith.constant 40 : i32
      %dma_start3A_1539 = arith.constant 0 : i32
      %dma_start3A_1540 = tpu.memref_slice %arg12[%dma_start3A_1538, %dma_start3A_1539] : memref<64x128xf32, #tpu.memory_space<vmem>> -> memref<8x128xf32, #tpu.memory_space<vmem>>
      tpu.enqueue_dma source(%dma_start3A_1540 : memref<8x128xf32, #tpu.memory_space<vmem>>) target(%dma_start3A_1537 : memref<8x128xf32, #tpu.memory_space<hbm>>) target_semaphore(%arg18 : memref<!tpu.dma_semaphore, #tpu.memory_space<semaphore_mem>>)
      %dma_start3A_1541 = arith.constant 6 : i32
      %dma_start3A_1542 = arith.constant 48 : i32
      %dma_start3A_1543 = arith.constant 0 : i32
      %dma_start3A_1544 = tpu.memref_slice %arg12[%dma_start3A_1542, %dma_start3A_1543] : memref<64x128xf32, #tpu.memory_space<vmem>> -> memref<8x128xf32, #tpu.memory_space<vmem>>
      %dma_start3A_1545 = arith.constant 0 : i32
      %dma_start3A_1546 = arith.constant 0 : i32
      %dma_start3A_1547 = tpu.memref_slice %arg4[%select_n3A_1448, %dma_start3A_1541, %rem3A_1450, %dma_start3A_1545, %dma_start3A_1546] : memref<200x8x32x8x128xf32, #tpu.memory_space<hbm>> -> memref<1x1x1x8x128xf32, #tpu.memory_space<hbm>>
      %dma_start3A_1548 = tpu.memref_squeeze %dma_start3A_1547 : memref<1x1x1x8x128xf32, #tpu.memory_space<hbm>> -> memref<8x128xf32, #tpu.memory_space<hbm>>
      %dma_start3A_1549 = arith.constant 0 : i32
      %dma_start3A_1550 = arith.constant 0 : i32
      %dma_start3A_1551 = tpu.memref_slice %arg4[%select_n3A_1448, %dma_start3A_1541, %rem3A_1450, %dma_start3A_1549, %dma_start3A_1550] : memref<200x8x32x8x128xf32, #tpu.memory_space<hbm>> -> memref<1x1x1x8x128xf32, #tpu.memory_space<hbm>>
      %dma_start3A_1552 = tpu.memref_squeeze %dma_start3A_1551 : memref<1x1x1x8x128xf32, #tpu.memory_space<hbm>> -> memref<8x128xf32, #tpu.memory_space<hbm>>
      %dma_start3A_1553 = arith.constant 48 : i32
      %dma_start3A_1554 = arith.constant 0 : i32
      %dma_start3A_1555 = tpu.memref_slice %arg12[%dma_start3A_1553, %dma_start3A_1554] : memref<64x128xf32, #tpu.memory_space<vmem>> -> memref<8x128xf32, #tpu.memory_space<vmem>>
      tpu.enqueue_dma source(%dma_start3A_1555 : memref<8x128xf32, #tpu.memory_space<vmem>>) target(%dma_start3A_1552 : memref<8x128xf32, #tpu.memory_space<hbm>>) target_semaphore(%arg18 : memref<!tpu.dma_semaphore, #tpu.memory_space<semaphore_mem>>)
      %dma_start3A_1556 = arith.constant 7 : i32
      %dma_start3A_1557 = arith.constant 56 : i32
      %dma_start3A_1558 = arith.constant 0 : i32
      %dma_start3A_1559 = tpu.memref_slice %arg12[%dma_start3A_1557, %dma_start3A_1558] : memref<64x128xf32, #tpu.memory_space<vmem>> -> memref<8x128xf32, #tpu.memory_space<vmem>>
      %dma_start3A_1560 = arith.constant 0 : i32
      %dma_start3A_1561 = arith.constant 0 : i32
      %dma_start3A_1562 = tpu.memref_slice %arg4[%select_n3A_1448, %dma_start3A_1556, %rem3A_1450, %dma_start3A_1560, %dma_start3A_1561] : memref<200x8x32x8x128xf32, #tpu.memory_space<hbm>> -> memref<1x1x1x8x128xf32, #tpu.memory_space<hbm>>
      %dma_start3A_1563 = tpu.memref_squeeze %dma_start3A_1562 : memref<1x1x1x8x128xf32, #tpu.memory_space<hbm>> -> memref<8x128xf32, #tpu.memory_space<hbm>>
      %dma_start3A_1564 = arith.constant 0 : i32
      %dma_start3A_1565 = arith.constant 0 : i32
      %dma_start3A_1566 = tpu.memref_slice %arg4[%select_n3A_1448, %dma_start3A_1556, %rem3A_1450, %dma_start3A_1564, %dma_start3A_1565] : memref<200x8x32x8x128xf32, #tpu.memory_space<hbm>> -> memref<1x1x1x8x128xf32, #tpu.memory_space<hbm>>
      %dma_start3A_1567 = tpu.memref_squeeze %dma_start3A_1566 : memref<1x1x1x8x128xf32, #tpu.memory_space<hbm>> -> memref<8x128xf32, #tpu.memory_space<hbm>>
      %dma_start3A_1568 = arith.constant 56 : i32
      %dma_start3A_1569 = arith.constant 0 : i32
      %dma_start3A_1570 = tpu.memref_slice %arg12[%dma_start3A_1568, %dma_start3A_1569] : memref<64x128xf32, #tpu.memory_space<vmem>> -> memref<8x128xf32, #tpu.memory_space<vmem>>
      tpu.enqueue_dma source(%dma_start3A_1570 : memref<8x128xf32, #tpu.memory_space<vmem>>) target(%dma_start3A_1567 : memref<8x128xf32, #tpu.memory_space<hbm>>) target_semaphore(%arg18 : memref<!tpu.dma_semaphore, #tpu.memory_space<semaphore_mem>>)
    }
    %scan3A_312 = arith.constant 50 : i32
    %add3A_313 = arith.constant 198 : i32
    %add3A_314 = arith.addi %mul3A_2, %add3A_313 : i32
    %jit3A = arith.constant 32 : i32
    %div3A = arith.divsi %add3A_314, %jit3A : i32
    %sign3A = arith.constant 0 : i32
    %sign3A_315 = arith.cmpi sgt, %add3A_314, %sign3A : i32
    %sign3A_316 = arith.extui %sign3A_315 : i1 to i32
    %sign3A_317 = arith.constant 0 : i32
    %sign3A_318 = arith.cmpi slt, %add3A_314, %sign3A_317 : i32
    %sign3A_319 = arith.extui %sign3A_318 : i1 to i32
    %sign3A_320 = arith.subi %sign3A_316, %sign3A_319 : i32
    %sign3A_321 = arith.constant 0 : i32
    %sign3A_322 = arith.cmpi sgt, %jit3A, %sign3A_321 : i32
    %sign3A_323 = arith.extui %sign3A_322 : i1 to i32
    %sign3A_324 = arith.constant 0 : i32
    %sign3A_325 = arith.cmpi slt, %jit3A, %sign3A_324 : i32
    %sign3A_326 = arith.extui %sign3A_325 : i1 to i32
    %sign3A_327 = arith.subi %sign3A_323, %sign3A_326 : i32
    %ne3A = arith.cmpi ne, %sign3A_320, %sign3A_327 : i32
    %rem3A = arith.remsi %add3A_314, %jit3A : i32
    %ne3A_328 = arith.constant 0 : i32
    %ne3A_329 = arith.cmpi ne, %rem3A, %ne3A_328 : i32
    %and3A = arith.andi %ne3A, %ne3A_329 : i1
    %sub3A = arith.constant 1 : i32
    %sub3A_330 = arith.subi %div3A, %sub3A : i32
    %select_n3A = arith.select %and3A, %sub3A_330, %div3A : i32
    %rem3A_331 = arith.constant 32 : i32
    %rem3A_332 = arith.remsi %add3A_314, %rem3A_331 : i32
    %dma_wait3A = arith.constant 0 : i32
    %dma_wait3A_333 = arith.constant 0 : i32
    %dma_wait3A_334 = arith.constant 0 : i32
    %dma_wait3A_335 = tpu.memref_slice %arg11[%dma_wait3A_333, %dma_wait3A_334] : memref<64x128xf32, #tpu.memory_space<vmem>> -> memref<8x128xf32, #tpu.memory_space<vmem>>
    %dma_wait3A_336 = arith.constant 0 : i32
    %dma_wait3A_337 = arith.constant 0 : i32
    %dma_wait3A_338 = tpu.memref_slice %arg4[%select_n3A, %dma_wait3A, %rem3A_332, %dma_wait3A_336, %dma_wait3A_337] : memref<200x8x32x8x128xf32, #tpu.memory_space<hbm>> -> memref<1x1x1x8x128xf32, #tpu.memory_space<hbm>>
    %dma_wait3A_339 = tpu.memref_squeeze %dma_wait3A_338 : memref<1x1x1x8x128xf32, #tpu.memory_space<hbm>> -> memref<8x128xf32, #tpu.memory_space<hbm>>
    %dma_wait3A_340 = arith.constant 0 : i32
    %dma_wait3A_341 = arith.constant 0 : i32
    %dma_wait3A_342 = tpu.memref_slice %arg4[%select_n3A, %dma_wait3A, %rem3A_332, %dma_wait3A_340, %dma_wait3A_341] : memref<200x8x32x8x128xf32, #tpu.memory_space<hbm>> -> memref<1x1x1x8x128xf32, #tpu.memory_space<hbm>>
    %dma_wait3A_343 = tpu.memref_squeeze %dma_wait3A_342 : memref<1x1x1x8x128xf32, #tpu.memory_space<hbm>> -> memref<8x128xf32, #tpu.memory_space<hbm>>
    %dma_wait3A_344 = arith.constant 0 : i32
    %dma_wait3A_345 = arith.constant 0 : i32
    %dma_wait3A_346 = tpu.memref_slice %arg11[%dma_wait3A_344, %dma_wait3A_345] : memref<64x128xf32, #tpu.memory_space<vmem>> -> memref<8x128xf32, #tpu.memory_space<vmem>>
    tpu.wait_dma2 semaphore(%arg17 : memref<!tpu.dma_semaphore, #tpu.memory_space<semaphore_mem>>) src(%dma_wait3A_346 : memref<8x128xf32, #tpu.memory_space<vmem>>) dst(%dma_wait3A_343 : memref<8x128xf32, #tpu.memory_space<hbm>>)
    %dma_wait3A_347 = arith.constant 1 : i32
    %dma_wait3A_348 = arith.constant 8 : i32
    %dma_wait3A_349 = arith.constant 0 : i32
    %dma_wait3A_350 = tpu.memref_slice %arg11[%dma_wait3A_348, %dma_wait3A_349] : memref<64x128xf32, #tpu.memory_space<vmem>> -> memref<8x128xf32, #tpu.memory_space<vmem>>
    %dma_wait3A_351 = arith.constant 0 : i32
    %dma_wait3A_352 = arith.constant 0 : i32
    %dma_wait3A_353 = tpu.memref_slice %arg4[%select_n3A, %dma_wait3A_347, %rem3A_332, %dma_wait3A_351, %dma_wait3A_352] : memref<200x8x32x8x128xf32, #tpu.memory_space<hbm>> -> memref<1x1x1x8x128xf32, #tpu.memory_space<hbm>>
    %dma_wait3A_354 = tpu.memref_squeeze %dma_wait3A_353 : memref<1x1x1x8x128xf32, #tpu.memory_space<hbm>> -> memref<8x128xf32, #tpu.memory_space<hbm>>
    %dma_wait3A_355 = arith.constant 0 : i32
    %dma_wait3A_356 = arith.constant 0 : i32
    %dma_wait3A_357 = tpu.memref_slice %arg4[%select_n3A, %dma_wait3A_347, %rem3A_332, %dma_wait3A_355, %dma_wait3A_356] : memref<200x8x32x8x128xf32, #tpu.memory_space<hbm>> -> memref<1x1x1x8x128xf32, #tpu.memory_space<hbm>>
    %dma_wait3A_358 = tpu.memref_squeeze %dma_wait3A_357 : memref<1x1x1x8x128xf32, #tpu.memory_space<hbm>> -> memref<8x128xf32, #tpu.memory_space<hbm>>
    %dma_wait3A_359 = arith.constant 8 : i32
    %dma_wait3A_360 = arith.constant 0 : i32
    %dma_wait3A_361 = tpu.memref_slice %arg11[%dma_wait3A_359, %dma_wait3A_360] : memref<64x128xf32, #tpu.memory_space<vmem>> -> memref<8x128xf32, #tpu.memory_space<vmem>>
    tpu.wait_dma2 semaphore(%arg17 : memref<!tpu.dma_semaphore, #tpu.memory_space<semaphore_mem>>) src(%dma_wait3A_361 : memref<8x128xf32, #tpu.memory_space<vmem>>) dst(%dma_wait3A_358 : memref<8x128xf32, #tpu.memory_space<hbm>>)
    %dma_wait3A_362 = arith.constant 2 : i32
    %dma_wait3A_363 = arith.constant 16 : i32
    %dma_wait3A_364 = arith.constant 0 : i32
    %dma_wait3A_365 = tpu.memref_slice %arg11[%dma_wait3A_363, %dma_wait3A_364] : memref<64x128xf32, #tpu.memory_space<vmem>> -> memref<8x128xf32, #tpu.memory_space<vmem>>
    %dma_wait3A_366 = arith.constant 0 : i32
    %dma_wait3A_367 = arith.constant 0 : i32
    %dma_wait3A_368 = tpu.memref_slice %arg4[%select_n3A, %dma_wait3A_362, %rem3A_332, %dma_wait3A_366, %dma_wait3A_367] : memref<200x8x32x8x128xf32, #tpu.memory_space<hbm>> -> memref<1x1x1x8x128xf32, #tpu.memory_space<hbm>>
    %dma_wait3A_369 = tpu.memref_squeeze %dma_wait3A_368 : memref<1x1x1x8x128xf32, #tpu.memory_space<hbm>> -> memref<8x128xf32, #tpu.memory_space<hbm>>
    %dma_wait3A_370 = arith.constant 0 : i32
    %dma_wait3A_371 = arith.constant 0 : i32
    %dma_wait3A_372 = tpu.memref_slice %arg4[%select_n3A, %dma_wait3A_362, %rem3A_332, %dma_wait3A_370, %dma_wait3A_371] : memref<200x8x32x8x128xf32, #tpu.memory_space<hbm>> -> memref<1x1x1x8x128xf32, #tpu.memory_space<hbm>>
    %dma_wait3A_373 = tpu.memref_squeeze %dma_wait3A_372 : memref<1x1x1x8x128xf32, #tpu.memory_space<hbm>> -> memref<8x128xf32, #tpu.memory_space<hbm>>
    %dma_wait3A_374 = arith.constant 16 : i32
    %dma_wait3A_375 = arith.constant 0 : i32
    %dma_wait3A_376 = tpu.memref_slice %arg11[%dma_wait3A_374, %dma_wait3A_375] : memref<64x128xf32, #tpu.memory_space<vmem>> -> memref<8x128xf32, #tpu.memory_space<vmem>>
    tpu.wait_dma2 semaphore(%arg17 : memref<!tpu.dma_semaphore, #tpu.memory_space<semaphore_mem>>) src(%dma_wait3A_376 : memref<8x128xf32, #tpu.memory_space<vmem>>) dst(%dma_wait3A_373 : memref<8x128xf32, #tpu.memory_space<hbm>>)
    %dma_wait3A_377 = arith.constant 3 : i32
    %dma_wait3A_378 = arith.constant 24 : i32
    %dma_wait3A_379 = arith.constant 0 : i32
    %dma_wait3A_380 = tpu.memref_slice %arg11[%dma_wait3A_378, %dma_wait3A_379] : memref<64x128xf32, #tpu.memory_space<vmem>> -> memref<8x128xf32, #tpu.memory_space<vmem>>
    %dma_wait3A_381 = arith.constant 0 : i32
    %dma_wait3A_382 = arith.constant 0 : i32
    %dma_wait3A_383 = tpu.memref_slice %arg4[%select_n3A, %dma_wait3A_377, %rem3A_332, %dma_wait3A_381, %dma_wait3A_382] : memref<200x8x32x8x128xf32, #tpu.memory_space<hbm>> -> memref<1x1x1x8x128xf32, #tpu.memory_space<hbm>>
    %dma_wait3A_384 = tpu.memref_squeeze %dma_wait3A_383 : memref<1x1x1x8x128xf32, #tpu.memory_space<hbm>> -> memref<8x128xf32, #tpu.memory_space<hbm>>
    %dma_wait3A_385 = arith.constant 0 : i32
    %dma_wait3A_386 = arith.constant 0 : i32
    %dma_wait3A_387 = tpu.memref_slice %arg4[%select_n3A, %dma_wait3A_377, %rem3A_332, %dma_wait3A_385, %dma_wait3A_386] : memref<200x8x32x8x128xf32, #tpu.memory_space<hbm>> -> memref<1x1x1x8x128xf32, #tpu.memory_space<hbm>>
    %dma_wait3A_388 = tpu.memref_squeeze %dma_wait3A_387 : memref<1x1x1x8x128xf32, #tpu.memory_space<hbm>> -> memref<8x128xf32, #tpu.memory_space<hbm>>
    %dma_wait3A_389 = arith.constant 24 : i32
    %dma_wait3A_390 = arith.constant 0 : i32
    %dma_wait3A_391 = tpu.memref_slice %arg11[%dma_wait3A_389, %dma_wait3A_390] : memref<64x128xf32, #tpu.memory_space<vmem>> -> memref<8x128xf32, #tpu.memory_space<vmem>>
    tpu.wait_dma2 semaphore(%arg17 : memref<!tpu.dma_semaphore, #tpu.memory_space<semaphore_mem>>) src(%dma_wait3A_391 : memref<8x128xf32, #tpu.memory_space<vmem>>) dst(%dma_wait3A_388 : memref<8x128xf32, #tpu.memory_space<hbm>>)
    %dma_wait3A_392 = arith.constant 4 : i32
    %dma_wait3A_393 = arith.constant 32 : i32
    %dma_wait3A_394 = arith.constant 0 : i32
    %dma_wait3A_395 = tpu.memref_slice %arg11[%dma_wait3A_393, %dma_wait3A_394] : memref<64x128xf32, #tpu.memory_space<vmem>> -> memref<8x128xf32, #tpu.memory_space<vmem>>
    %dma_wait3A_396 = arith.constant 0 : i32
    %dma_wait3A_397 = arith.constant 0 : i32
    %dma_wait3A_398 = tpu.memref_slice %arg4[%select_n3A, %dma_wait3A_392, %rem3A_332, %dma_wait3A_396, %dma_wait3A_397] : memref<200x8x32x8x128xf32, #tpu.memory_space<hbm>> -> memref<1x1x1x8x128xf32, #tpu.memory_space<hbm>>
    %dma_wait3A_399 = tpu.memref_squeeze %dma_wait3A_398 : memref<1x1x1x8x128xf32, #tpu.memory_space<hbm>> -> memref<8x128xf32, #tpu.memory_space<hbm>>
    %dma_wait3A_400 = arith.constant 0 : i32
    %dma_wait3A_401 = arith.constant 0 : i32
    %dma_wait3A_402 = tpu.memref_slice %arg4[%select_n3A, %dma_wait3A_392, %rem3A_332, %dma_wait3A_400, %dma_wait3A_401] : memref<200x8x32x8x128xf32, #tpu.memory_space<hbm>> -> memref<1x1x1x8x128xf32, #tpu.memory_space<hbm>>
    %dma_wait3A_403 = tpu.memref_squeeze %dma_wait3A_402 : memref<1x1x1x8x128xf32, #tpu.memory_space<hbm>> -> memref<8x128xf32, #tpu.memory_space<hbm>>
    %dma_wait3A_404 = arith.constant 32 : i32
    %dma_wait3A_405 = arith.constant 0 : i32
    %dma_wait3A_406 = tpu.memref_slice %arg11[%dma_wait3A_404, %dma_wait3A_405] : memref<64x128xf32, #tpu.memory_space<vmem>> -> memref<8x128xf32, #tpu.memory_space<vmem>>
    tpu.wait_dma2 semaphore(%arg17 : memref<!tpu.dma_semaphore, #tpu.memory_space<semaphore_mem>>) src(%dma_wait3A_406 : memref<8x128xf32, #tpu.memory_space<vmem>>) dst(%dma_wait3A_403 : memref<8x128xf32, #tpu.memory_space<hbm>>)
    %dma_wait3A_407 = arith.constant 5 : i32
    %dma_wait3A_408 = arith.constant 40 : i32
    %dma_wait3A_409 = arith.constant 0 : i32
    %dma_wait3A_410 = tpu.memref_slice %arg11[%dma_wait3A_408, %dma_wait3A_409] : memref<64x128xf32, #tpu.memory_space<vmem>> -> memref<8x128xf32, #tpu.memory_space<vmem>>
    %dma_wait3A_411 = arith.constant 0 : i32
    %dma_wait3A_412 = arith.constant 0 : i32
    %dma_wait3A_413 = tpu.memref_slice %arg4[%select_n3A, %dma_wait3A_407, %rem3A_332, %dma_wait3A_411, %dma_wait3A_412] : memref<200x8x32x8x128xf32, #tpu.memory_space<hbm>> -> memref<1x1x1x8x128xf32, #tpu.memory_space<hbm>>
    %dma_wait3A_414 = tpu.memref_squeeze %dma_wait3A_413 : memref<1x1x1x8x128xf32, #tpu.memory_space<hbm>> -> memref<8x128xf32, #tpu.memory_space<hbm>>
    %dma_wait3A_415 = arith.constant 0 : i32
    %dma_wait3A_416 = arith.constant 0 : i32
    %dma_wait3A_417 = tpu.memref_slice %arg4[%select_n3A, %dma_wait3A_407, %rem3A_332, %dma_wait3A_415, %dma_wait3A_416] : memref<200x8x32x8x128xf32, #tpu.memory_space<hbm>> -> memref<1x1x1x8x128xf32, #tpu.memory_space<hbm>>
    %dma_wait3A_418 = tpu.memref_squeeze %dma_wait3A_417 : memref<1x1x1x8x128xf32, #tpu.memory_space<hbm>> -> memref<8x128xf32, #tpu.memory_space<hbm>>
    %dma_wait3A_419 = arith.constant 40 : i32
    %dma_wait3A_420 = arith.constant 0 : i32
    %dma_wait3A_421 = tpu.memref_slice %arg11[%dma_wait3A_419, %dma_wait3A_420] : memref<64x128xf32, #tpu.memory_space<vmem>> -> memref<8x128xf32, #tpu.memory_space<vmem>>
    tpu.wait_dma2 semaphore(%arg17 : memref<!tpu.dma_semaphore, #tpu.memory_space<semaphore_mem>>) src(%dma_wait3A_421 : memref<8x128xf32, #tpu.memory_space<vmem>>) dst(%dma_wait3A_418 : memref<8x128xf32, #tpu.memory_space<hbm>>)
    %dma_wait3A_422 = arith.constant 6 : i32
    %dma_wait3A_423 = arith.constant 48 : i32
    %dma_wait3A_424 = arith.constant 0 : i32
    %dma_wait3A_425 = tpu.memref_slice %arg11[%dma_wait3A_423, %dma_wait3A_424] : memref<64x128xf32, #tpu.memory_space<vmem>> -> memref<8x128xf32, #tpu.memory_space<vmem>>
    %dma_wait3A_426 = arith.constant 0 : i32
    %dma_wait3A_427 = arith.constant 0 : i32
    %dma_wait3A_428 = tpu.memref_slice %arg4[%select_n3A, %dma_wait3A_422, %rem3A_332, %dma_wait3A_426, %dma_wait3A_427] : memref<200x8x32x8x128xf32, #tpu.memory_space<hbm>> -> memref<1x1x1x8x128xf32, #tpu.memory_space<hbm>>
    %dma_wait3A_429 = tpu.memref_squeeze %dma_wait3A_428 : memref<1x1x1x8x128xf32, #tpu.memory_space<hbm>> -> memref<8x128xf32, #tpu.memory_space<hbm>>
    %dma_wait3A_430 = arith.constant 0 : i32
    %dma_wait3A_431 = arith.constant 0 : i32
    %dma_wait3A_432 = tpu.memref_slice %arg4[%select_n3A, %dma_wait3A_422, %rem3A_332, %dma_wait3A_430, %dma_wait3A_431] : memref<200x8x32x8x128xf32, #tpu.memory_space<hbm>> -> memref<1x1x1x8x128xf32, #tpu.memory_space<hbm>>
    %dma_wait3A_433 = tpu.memref_squeeze %dma_wait3A_432 : memref<1x1x1x8x128xf32, #tpu.memory_space<hbm>> -> memref<8x128xf32, #tpu.memory_space<hbm>>
    %dma_wait3A_434 = arith.constant 48 : i32
    %dma_wait3A_435 = arith.constant 0 : i32
    %dma_wait3A_436 = tpu.memref_slice %arg11[%dma_wait3A_434, %dma_wait3A_435] : memref<64x128xf32, #tpu.memory_space<vmem>> -> memref<8x128xf32, #tpu.memory_space<vmem>>
    tpu.wait_dma2 semaphore(%arg17 : memref<!tpu.dma_semaphore, #tpu.memory_space<semaphore_mem>>) src(%dma_wait3A_436 : memref<8x128xf32, #tpu.memory_space<vmem>>) dst(%dma_wait3A_433 : memref<8x128xf32, #tpu.memory_space<hbm>>)
    %dma_wait3A_437 = arith.constant 7 : i32
    %dma_wait3A_438 = arith.constant 56 : i32
    %dma_wait3A_439 = arith.constant 0 : i32
    %dma_wait3A_440 = tpu.memref_slice %arg11[%dma_wait3A_438, %dma_wait3A_439] : memref<64x128xf32, #tpu.memory_space<vmem>> -> memref<8x128xf32, #tpu.memory_space<vmem>>
    %dma_wait3A_441 = arith.constant 0 : i32
    %dma_wait3A_442 = arith.constant 0 : i32
    %dma_wait3A_443 = tpu.memref_slice %arg4[%select_n3A, %dma_wait3A_437, %rem3A_332, %dma_wait3A_441, %dma_wait3A_442] : memref<200x8x32x8x128xf32, #tpu.memory_space<hbm>> -> memref<1x1x1x8x128xf32, #tpu.memory_space<hbm>>
    %dma_wait3A_444 = tpu.memref_squeeze %dma_wait3A_443 : memref<1x1x1x8x128xf32, #tpu.memory_space<hbm>> -> memref<8x128xf32, #tpu.memory_space<hbm>>
    %dma_wait3A_445 = arith.constant 0 : i32
    %dma_wait3A_446 = arith.constant 0 : i32
    %dma_wait3A_447 = tpu.memref_slice %arg4[%select_n3A, %dma_wait3A_437, %rem3A_332, %dma_wait3A_445, %dma_wait3A_446] : memref<200x8x32x8x128xf32, #tpu.memory_space<hbm>> -> memref<1x1x1x8x128xf32, #tpu.memory_space<hbm>>
    %dma_wait3A_448 = tpu.memref_squeeze %dma_wait3A_447 : memref<1x1x1x8x128xf32, #tpu.memory_space<hbm>> -> memref<8x128xf32, #tpu.memory_space<hbm>>
    %dma_wait3A_449 = arith.constant 56 : i32
    %dma_wait3A_450 = arith.constant 0 : i32
    %dma_wait3A_451 = tpu.memref_slice %arg11[%dma_wait3A_449, %dma_wait3A_450] : memref<64x128xf32, #tpu.memory_space<vmem>> -> memref<8x128xf32, #tpu.memory_space<vmem>>
    tpu.wait_dma2 semaphore(%arg17 : memref<!tpu.dma_semaphore, #tpu.memory_space<semaphore_mem>>) src(%dma_wait3A_451 : memref<8x128xf32, #tpu.memory_space<vmem>>) dst(%dma_wait3A_448 : memref<8x128xf32, #tpu.memory_space<hbm>>)
    %add3A_452 = arith.constant 199 : i32
    %add3A_453 = arith.addi %mul3A_2, %add3A_452 : i32
    %jit3A_454 = arith.constant 32 : i32
    %div3A_455 = arith.divsi %add3A_453, %jit3A_454 : i32
    %sign3A_456 = arith.constant 0 : i32
    %sign3A_457 = arith.cmpi sgt, %add3A_453, %sign3A_456 : i32
    %sign3A_458 = arith.extui %sign3A_457 : i1 to i32
    %sign3A_459 = arith.constant 0 : i32
    %sign3A_460 = arith.cmpi slt, %add3A_453, %sign3A_459 : i32
    %sign3A_461 = arith.extui %sign3A_460 : i1 to i32
    %sign3A_462 = arith.subi %sign3A_458, %sign3A_461 : i32
    %sign3A_463 = arith.constant 0 : i32
    %sign3A_464 = arith.cmpi sgt, %jit3A_454, %sign3A_463 : i32
    %sign3A_465 = arith.extui %sign3A_464 : i1 to i32
    %sign3A_466 = arith.constant 0 : i32
    %sign3A_467 = arith.cmpi slt, %jit3A_454, %sign3A_466 : i32
    %sign3A_468 = arith.extui %sign3A_467 : i1 to i32
    %sign3A_469 = arith.subi %sign3A_465, %sign3A_468 : i32
    %ne3A_470 = arith.cmpi ne, %sign3A_462, %sign3A_469 : i32
    %rem3A_471 = arith.remsi %add3A_453, %jit3A_454 : i32
    %ne3A_472 = arith.constant 0 : i32
    %ne3A_473 = arith.cmpi ne, %rem3A_471, %ne3A_472 : i32
    %and3A_474 = arith.andi %ne3A_470, %ne3A_473 : i1
    %sub3A_475 = arith.constant 1 : i32
    %sub3A_476 = arith.subi %div3A_455, %sub3A_475 : i32
    %select_n3A_477 = arith.select %and3A_474, %sub3A_476, %div3A_455 : i32
    %rem3A_478 = arith.constant 32 : i32
    %rem3A_479 = arith.remsi %add3A_453, %rem3A_478 : i32
    %dma_wait3A_480 = arith.constant 0 : i32
    %dma_wait3A_481 = arith.constant 0 : i32
    %dma_wait3A_482 = arith.constant 0 : i32
    %dma_wait3A_483 = tpu.memref_slice %arg12[%dma_wait3A_481, %dma_wait3A_482] : memref<64x128xf32, #tpu.memory_space<vmem>> -> memref<8x128xf32, #tpu.memory_space<vmem>>
    %dma_wait3A_484 = arith.constant 0 : i32
    %dma_wait3A_485 = arith.constant 0 : i32
    %dma_wait3A_486 = tpu.memref_slice %arg4[%select_n3A_477, %dma_wait3A_480, %rem3A_479, %dma_wait3A_484, %dma_wait3A_485] : memref<200x8x32x8x128xf32, #tpu.memory_space<hbm>> -> memref<1x1x1x8x128xf32, #tpu.memory_space<hbm>>
    %dma_wait3A_487 = tpu.memref_squeeze %dma_wait3A_486 : memref<1x1x1x8x128xf32, #tpu.memory_space<hbm>> -> memref<8x128xf32, #tpu.memory_space<hbm>>
    %dma_wait3A_488 = arith.constant 0 : i32
    %dma_wait3A_489 = arith.constant 0 : i32
    %dma_wait3A_490 = tpu.memref_slice %arg4[%select_n3A_477, %dma_wait3A_480, %rem3A_479, %dma_wait3A_488, %dma_wait3A_489] : memref<200x8x32x8x128xf32, #tpu.memory_space<hbm>> -> memref<1x1x1x8x128xf32, #tpu.memory_space<hbm>>
    %dma_wait3A_491 = tpu.memref_squeeze %dma_wait3A_490 : memref<1x1x1x8x128xf32, #tpu.memory_space<hbm>> -> memref<8x128xf32, #tpu.memory_space<hbm>>
    %dma_wait3A_492 = arith.constant 0 : i32
    %dma_wait3A_493 = arith.constant 0 : i32
    %dma_wait3A_494 = tpu.memref_slice %arg12[%dma_wait3A_492, %dma_wait3A_493] : memref<64x128xf32, #tpu.memory_space<vmem>> -> memref<8x128xf32, #tpu.memory_space<vmem>>
    tpu.wait_dma2 semaphore(%arg18 : memref<!tpu.dma_semaphore, #tpu.memory_space<semaphore_mem>>) src(%dma_wait3A_494 : memref<8x128xf32, #tpu.memory_space<vmem>>) dst(%dma_wait3A_491 : memref<8x128xf32, #tpu.memory_space<hbm>>)
    %dma_wait3A_495 = arith.constant 1 : i32
    %dma_wait3A_496 = arith.constant 8 : i32
    %dma_wait3A_497 = arith.constant 0 : i32
    %dma_wait3A_498 = tpu.memref_slice %arg12[%dma_wait3A_496, %dma_wait3A_497] : memref<64x128xf32, #tpu.memory_space<vmem>> -> memref<8x128xf32, #tpu.memory_space<vmem>>
    %dma_wait3A_499 = arith.constant 0 : i32
    %dma_wait3A_500 = arith.constant 0 : i32
    %dma_wait3A_501 = tpu.memref_slice %arg4[%select_n3A_477, %dma_wait3A_495, %rem3A_479, %dma_wait3A_499, %dma_wait3A_500] : memref<200x8x32x8x128xf32, #tpu.memory_space<hbm>> -> memref<1x1x1x8x128xf32, #tpu.memory_space<hbm>>
    %dma_wait3A_502 = tpu.memref_squeeze %dma_wait3A_501 : memref<1x1x1x8x128xf32, #tpu.memory_space<hbm>> -> memref<8x128xf32, #tpu.memory_space<hbm>>
    %dma_wait3A_503 = arith.constant 0 : i32
    %dma_wait3A_504 = arith.constant 0 : i32
    %dma_wait3A_505 = tpu.memref_slice %arg4[%select_n3A_477, %dma_wait3A_495, %rem3A_479, %dma_wait3A_503, %dma_wait3A_504] : memref<200x8x32x8x128xf32, #tpu.memory_space<hbm>> -> memref<1x1x1x8x128xf32, #tpu.memory_space<hbm>>
    %dma_wait3A_506 = tpu.memref_squeeze %dma_wait3A_505 : memref<1x1x1x8x128xf32, #tpu.memory_space<hbm>> -> memref<8x128xf32, #tpu.memory_space<hbm>>
    %dma_wait3A_507 = arith.constant 8 : i32
    %dma_wait3A_508 = arith.constant 0 : i32
    %dma_wait3A_509 = tpu.memref_slice %arg12[%dma_wait3A_507, %dma_wait3A_508] : memref<64x128xf32, #tpu.memory_space<vmem>> -> memref<8x128xf32, #tpu.memory_space<vmem>>
    tpu.wait_dma2 semaphore(%arg18 : memref<!tpu.dma_semaphore, #tpu.memory_space<semaphore_mem>>) src(%dma_wait3A_509 : memref<8x128xf32, #tpu.memory_space<vmem>>) dst(%dma_wait3A_506 : memref<8x128xf32, #tpu.memory_space<hbm>>)
    %dma_wait3A_510 = arith.constant 2 : i32
    %dma_wait3A_511 = arith.constant 16 : i32
    %dma_wait3A_512 = arith.constant 0 : i32
    %dma_wait3A_513 = tpu.memref_slice %arg12[%dma_wait3A_511, %dma_wait3A_512] : memref<64x128xf32, #tpu.memory_space<vmem>> -> memref<8x128xf32, #tpu.memory_space<vmem>>
    %dma_wait3A_514 = arith.constant 0 : i32
    %dma_wait3A_515 = arith.constant 0 : i32
    %dma_wait3A_516 = tpu.memref_slice %arg4[%select_n3A_477, %dma_wait3A_510, %rem3A_479, %dma_wait3A_514, %dma_wait3A_515] : memref<200x8x32x8x128xf32, #tpu.memory_space<hbm>> -> memref<1x1x1x8x128xf32, #tpu.memory_space<hbm>>
    %dma_wait3A_517 = tpu.memref_squeeze %dma_wait3A_516 : memref<1x1x1x8x128xf32, #tpu.memory_space<hbm>> -> memref<8x128xf32, #tpu.memory_space<hbm>>
    %dma_wait3A_518 = arith.constant 0 : i32
    %dma_wait3A_519 = arith.constant 0 : i32
    %dma_wait3A_520 = tpu.memref_slice %arg4[%select_n3A_477, %dma_wait3A_510, %rem3A_479, %dma_wait3A_518, %dma_wait3A_519] : memref<200x8x32x8x128xf32, #tpu.memory_space<hbm>> -> memref<1x1x1x8x128xf32, #tpu.memory_space<hbm>>
    %dma_wait3A_521 = tpu.memref_squeeze %dma_wait3A_520 : memref<1x1x1x8x128xf32, #tpu.memory_space<hbm>> -> memref<8x128xf32, #tpu.memory_space<hbm>>
    %dma_wait3A_522 = arith.constant 16 : i32
    %dma_wait3A_523 = arith.constant 0 : i32
    %dma_wait3A_524 = tpu.memref_slice %arg12[%dma_wait3A_522, %dma_wait3A_523] : memref<64x128xf32, #tpu.memory_space<vmem>> -> memref<8x128xf32, #tpu.memory_space<vmem>>
    tpu.wait_dma2 semaphore(%arg18 : memref<!tpu.dma_semaphore, #tpu.memory_space<semaphore_mem>>) src(%dma_wait3A_524 : memref<8x128xf32, #tpu.memory_space<vmem>>) dst(%dma_wait3A_521 : memref<8x128xf32, #tpu.memory_space<hbm>>)
    %dma_wait3A_525 = arith.constant 3 : i32
    %dma_wait3A_526 = arith.constant 24 : i32
    %dma_wait3A_527 = arith.constant 0 : i32
    %dma_wait3A_528 = tpu.memref_slice %arg12[%dma_wait3A_526, %dma_wait3A_527] : memref<64x128xf32, #tpu.memory_space<vmem>> -> memref<8x128xf32, #tpu.memory_space<vmem>>
    %dma_wait3A_529 = arith.constant 0 : i32
    %dma_wait3A_530 = arith.constant 0 : i32
    %dma_wait3A_531 = tpu.memref_slice %arg4[%select_n3A_477, %dma_wait3A_525, %rem3A_479, %dma_wait3A_529, %dma_wait3A_530] : memref<200x8x32x8x128xf32, #tpu.memory_space<hbm>> -> memref<1x1x1x8x128xf32, #tpu.memory_space<hbm>>
    %dma_wait3A_532 = tpu.memref_squeeze %dma_wait3A_531 : memref<1x1x1x8x128xf32, #tpu.memory_space<hbm>> -> memref<8x128xf32, #tpu.memory_space<hbm>>
    %dma_wait3A_533 = arith.constant 0 : i32
    %dma_wait3A_534 = arith.constant 0 : i32
    %dma_wait3A_535 = tpu.memref_slice %arg4[%select_n3A_477, %dma_wait3A_525, %rem3A_479, %dma_wait3A_533, %dma_wait3A_534] : memref<200x8x32x8x128xf32, #tpu.memory_space<hbm>> -> memref<1x1x1x8x128xf32, #tpu.memory_space<hbm>>
    %dma_wait3A_536 = tpu.memref_squeeze %dma_wait3A_535 : memref<1x1x1x8x128xf32, #tpu.memory_space<hbm>> -> memref<8x128xf32, #tpu.memory_space<hbm>>
    %dma_wait3A_537 = arith.constant 24 : i32
    %dma_wait3A_538 = arith.constant 0 : i32
    %dma_wait3A_539 = tpu.memref_slice %arg12[%dma_wait3A_537, %dma_wait3A_538] : memref<64x128xf32, #tpu.memory_space<vmem>> -> memref<8x128xf32, #tpu.memory_space<vmem>>
    tpu.wait_dma2 semaphore(%arg18 : memref<!tpu.dma_semaphore, #tpu.memory_space<semaphore_mem>>) src(%dma_wait3A_539 : memref<8x128xf32, #tpu.memory_space<vmem>>) dst(%dma_wait3A_536 : memref<8x128xf32, #tpu.memory_space<hbm>>)
    %dma_wait3A_540 = arith.constant 4 : i32
    %dma_wait3A_541 = arith.constant 32 : i32
    %dma_wait3A_542 = arith.constant 0 : i32
    %dma_wait3A_543 = tpu.memref_slice %arg12[%dma_wait3A_541, %dma_wait3A_542] : memref<64x128xf32, #tpu.memory_space<vmem>> -> memref<8x128xf32, #tpu.memory_space<vmem>>
    %dma_wait3A_544 = arith.constant 0 : i32
    %dma_wait3A_545 = arith.constant 0 : i32
    %dma_wait3A_546 = tpu.memref_slice %arg4[%select_n3A_477, %dma_wait3A_540, %rem3A_479, %dma_wait3A_544, %dma_wait3A_545] : memref<200x8x32x8x128xf32, #tpu.memory_space<hbm>> -> memref<1x1x1x8x128xf32, #tpu.memory_space<hbm>>
    %dma_wait3A_547 = tpu.memref_squeeze %dma_wait3A_546 : memref<1x1x1x8x128xf32, #tpu.memory_space<hbm>> -> memref<8x128xf32, #tpu.memory_space<hbm>>
    %dma_wait3A_548 = arith.constant 0 : i32
    %dma_wait3A_549 = arith.constant 0 : i32
    %dma_wait3A_550 = tpu.memref_slice %arg4[%select_n3A_477, %dma_wait3A_540, %rem3A_479, %dma_wait3A_548, %dma_wait3A_549] : memref<200x8x32x8x128xf32, #tpu.memory_space<hbm>> -> memref<1x1x1x8x128xf32, #tpu.memory_space<hbm>>
    %dma_wait3A_551 = tpu.memref_squeeze %dma_wait3A_550 : memref<1x1x1x8x128xf32, #tpu.memory_space<hbm>> -> memref<8x128xf32, #tpu.memory_space<hbm>>
    %dma_wait3A_552 = arith.constant 32 : i32
    %dma_wait3A_553 = arith.constant 0 : i32
    %dma_wait3A_554 = tpu.memref_slice %arg12[%dma_wait3A_552, %dma_wait3A_553] : memref<64x128xf32, #tpu.memory_space<vmem>> -> memref<8x128xf32, #tpu.memory_space<vmem>>
    tpu.wait_dma2 semaphore(%arg18 : memref<!tpu.dma_semaphore, #tpu.memory_space<semaphore_mem>>) src(%dma_wait3A_554 : memref<8x128xf32, #tpu.memory_space<vmem>>) dst(%dma_wait3A_551 : memref<8x128xf32, #tpu.memory_space<hbm>>)
    %dma_wait3A_555 = arith.constant 5 : i32
    %dma_wait3A_556 = arith.constant 40 : i32
    %dma_wait3A_557 = arith.constant 0 : i32
    %dma_wait3A_558 = tpu.memref_slice %arg12[%dma_wait3A_556, %dma_wait3A_557] : memref<64x128xf32, #tpu.memory_space<vmem>> -> memref<8x128xf32, #tpu.memory_space<vmem>>
    %dma_wait3A_559 = arith.constant 0 : i32
    %dma_wait3A_560 = arith.constant 0 : i32
    %dma_wait3A_561 = tpu.memref_slice %arg4[%select_n3A_477, %dma_wait3A_555, %rem3A_479, %dma_wait3A_559, %dma_wait3A_560] : memref<200x8x32x8x128xf32, #tpu.memory_space<hbm>> -> memref<1x1x1x8x128xf32, #tpu.memory_space<hbm>>
    %dma_wait3A_562 = tpu.memref_squeeze %dma_wait3A_561 : memref<1x1x1x8x128xf32, #tpu.memory_space<hbm>> -> memref<8x128xf32, #tpu.memory_space<hbm>>
    %dma_wait3A_563 = arith.constant 0 : i32
    %dma_wait3A_564 = arith.constant 0 : i32
    %dma_wait3A_565 = tpu.memref_slice %arg4[%select_n3A_477, %dma_wait3A_555, %rem3A_479, %dma_wait3A_563, %dma_wait3A_564] : memref<200x8x32x8x128xf32, #tpu.memory_space<hbm>> -> memref<1x1x1x8x128xf32, #tpu.memory_space<hbm>>
    %dma_wait3A_566 = tpu.memref_squeeze %dma_wait3A_565 : memref<1x1x1x8x128xf32, #tpu.memory_space<hbm>> -> memref<8x128xf32, #tpu.memory_space<hbm>>
    %dma_wait3A_567 = arith.constant 40 : i32
    %dma_wait3A_568 = arith.constant 0 : i32
    %dma_wait3A_569 = tpu.memref_slice %arg12[%dma_wait3A_567, %dma_wait3A_568] : memref<64x128xf32, #tpu.memory_space<vmem>> -> memref<8x128xf32, #tpu.memory_space<vmem>>
    tpu.wait_dma2 semaphore(%arg18 : memref<!tpu.dma_semaphore, #tpu.memory_space<semaphore_mem>>) src(%dma_wait3A_569 : memref<8x128xf32, #tpu.memory_space<vmem>>) dst(%dma_wait3A_566 : memref<8x128xf32, #tpu.memory_space<hbm>>)
    %dma_wait3A_570 = arith.constant 6 : i32
    %dma_wait3A_571 = arith.constant 48 : i32
    %dma_wait3A_572 = arith.constant 0 : i32
    %dma_wait3A_573 = tpu.memref_slice %arg12[%dma_wait3A_571, %dma_wait3A_572] : memref<64x128xf32, #tpu.memory_space<vmem>> -> memref<8x128xf32, #tpu.memory_space<vmem>>
    %dma_wait3A_574 = arith.constant 0 : i32
    %dma_wait3A_575 = arith.constant 0 : i32
    %dma_wait3A_576 = tpu.memref_slice %arg4[%select_n3A_477, %dma_wait3A_570, %rem3A_479, %dma_wait3A_574, %dma_wait3A_575] : memref<200x8x32x8x128xf32, #tpu.memory_space<hbm>> -> memref<1x1x1x8x128xf32, #tpu.memory_space<hbm>>
    %dma_wait3A_577 = tpu.memref_squeeze %dma_wait3A_576 : memref<1x1x1x8x128xf32, #tpu.memory_space<hbm>> -> memref<8x128xf32, #tpu.memory_space<hbm>>
    %dma_wait3A_578 = arith.constant 0 : i32
    %dma_wait3A_579 = arith.constant 0 : i32
    %dma_wait3A_580 = tpu.memref_slice %arg4[%select_n3A_477, %dma_wait3A_570, %rem3A_479, %dma_wait3A_578, %dma_wait3A_579] : memref<200x8x32x8x128xf32, #tpu.memory_space<hbm>> -> memref<1x1x1x8x128xf32, #tpu.memory_space<hbm>>
    %dma_wait3A_581 = tpu.memref_squeeze %dma_wait3A_580 : memref<1x1x1x8x128xf32, #tpu.memory_space<hbm>> -> memref<8x128xf32, #tpu.memory_space<hbm>>
    %dma_wait3A_582 = arith.constant 48 : i32
    %dma_wait3A_583 = arith.constant 0 : i32
    %dma_wait3A_584 = tpu.memref_slice %arg12[%dma_wait3A_582, %dma_wait3A_583] : memref<64x128xf32, #tpu.memory_space<vmem>> -> memref<8x128xf32, #tpu.memory_space<vmem>>
    tpu.wait_dma2 semaphore(%arg18 : memref<!tpu.dma_semaphore, #tpu.memory_space<semaphore_mem>>) src(%dma_wait3A_584 : memref<8x128xf32, #tpu.memory_space<vmem>>) dst(%dma_wait3A_581 : memref<8x128xf32, #tpu.memory_space<hbm>>)
    %dma_wait3A_585 = arith.constant 7 : i32
    %dma_wait3A_586 = arith.constant 56 : i32
    %dma_wait3A_587 = arith.constant 0 : i32
    %dma_wait3A_588 = tpu.memref_slice %arg12[%dma_wait3A_586, %dma_wait3A_587] : memref<64x128xf32, #tpu.memory_space<vmem>> -> memref<8x128xf32, #tpu.memory_space<vmem>>
    %dma_wait3A_589 = arith.constant 0 : i32
    %dma_wait3A_590 = arith.constant 0 : i32
    %dma_wait3A_591 = tpu.memref_slice %arg4[%select_n3A_477, %dma_wait3A_585, %rem3A_479, %dma_wait3A_589, %dma_wait3A_590] : memref<200x8x32x8x128xf32, #tpu.memory_space<hbm>> -> memref<1x1x1x8x128xf32, #tpu.memory_space<hbm>>
    %dma_wait3A_592 = tpu.memref_squeeze %dma_wait3A_591 : memref<1x1x1x8x128xf32, #tpu.memory_space<hbm>> -> memref<8x128xf32, #tpu.memory_space<hbm>>
    %dma_wait3A_593 = arith.constant 0 : i32
    %dma_wait3A_594 = arith.constant 0 : i32
    %dma_wait3A_595 = tpu.memref_slice %arg4[%select_n3A_477, %dma_wait3A_585, %rem3A_479, %dma_wait3A_593, %dma_wait3A_594] : memref<200x8x32x8x128xf32, #tpu.memory_space<hbm>> -> memref<1x1x1x8x128xf32, #tpu.memory_space<hbm>>
    %dma_wait3A_596 = tpu.memref_squeeze %dma_wait3A_595 : memref<1x1x1x8x128xf32, #tpu.memory_space<hbm>> -> memref<8x128xf32, #tpu.memory_space<hbm>>
    %dma_wait3A_597 = arith.constant 56 : i32
    %dma_wait3A_598 = arith.constant 0 : i32
    %dma_wait3A_599 = tpu.memref_slice %arg12[%dma_wait3A_597, %dma_wait3A_598] : memref<64x128xf32, #tpu.memory_space<vmem>> -> memref<8x128xf32, #tpu.memory_space<vmem>>
    tpu.wait_dma2 semaphore(%arg18 : memref<!tpu.dma_semaphore, #tpu.memory_space<semaphore_mem>>) src(%dma_wait3A_599 : memref<8x128xf32, #tpu.memory_space<vmem>>) dst(%dma_wait3A_596 : memref<8x128xf32, #tpu.memory_space<hbm>>)
    return
  }
}

</mosaic_0001>

<sc_bundles>
// kernel: _gather_out.3.cloned.1.call-start
scs
__scs_entry_jumppad:
0x0: {  	(pc) =	sbr.rel $0x88, $3  }
0x1: {  	(tag) =	ssettag $0x0;
	lr =	simm.s32 $0x1  }
0x2: {  	[smem:$0x3F9F] =	sst lr;
	_ =	strace $0xD0000000  }
0x3: {  	_ = 	snop  }
0x4: {  	_ = 	snop  }
0x5: {  	_ = 	snop  }
0x6: {  	_ = 	snop  }
0x7: {  	_ = 	snop  }
__scs_overlays_trampoline_lowered:
0x8: {  	[smem:$0x3FAE] =	sst s0  }
0x9: {  	[smem:$0x3FAF] =	sst s1  }
0xa: {  	[smem:$0x3FB0] =	sst s2  }
0xb: {  	[smem:$0x3FB1] =	sst s3  }
0xc: {  	[smem:$0x3FB2] =	sst s4  }
0xd: {  	[smem:$0x3FB3] =	sst s5  }
0xe: {  	[smem:$0x3FB4] =	sst s6  }
0xf: {  	[smem:$0x3FB5] =	sst s7  }
0x10: {  	[smem:$0x3FB6] =	sst s8  }
0x11: {  	[smem:$0x3FB7] =	sst s9;
	s0 =	simm.s32 @!p0 $0x0  }
0x12: {  	s1 =	sld [smem:$0x3F9D];
	s0 =	simm.s32 @p0 $0x1  }
0x13: {  	[smem:$0x3FB8] =	sst s0;
	s0 =	simm.s32 @!p1 $0x0  }
0x14: {  	s2 =	sld [smem:$0x3F9C];
	s0 =	simm.s32 @p1 $0x1  }
0x15: {  	[smem:$0x3FB9] =	sst s0;
	s0 =	simm.s32 @!p2 $0x0  }
0x16: {  	s3 =	sld [smem:$0x3FDB];
	s0 =	simm.s32 @p2 $0x1  }
0x17: {  	s4 =	simm.s32 $0x1BF5;
	[smem:$0x3FBB] =	sst s0  }
0x18: {  	s0 =	sld [smem:$0x3F9E];
	_ =	swait.ge [sflag:s4], $0x0  }
0x19: {  	s7 =	sld [smem:$0x3F9F]  }
0x1a: {  	s8 =	sadd.s32 $0xFFFFE003, lr  }
0x1b: {  	s9 =	sadd.s32 $0xFFFFFEF7, lr;
	s5 =	simm.s32 $0xFFFFFFFF;
	p2 =	slt.u32 s8, $0xFFFFF086  }
0x1c: {  	p1 =	slt.u32 s9, $0xF7A;
	s5 =	simm.s32 @!p2 $0x0  }
0x1d: {  	s5 =	simm.s32 @p1 $0x1;
	p0 =	seq.s32 s7, s2  }
0x1e: {  	s7 =	smul.u32 @!p0 $0xF7A, s2;
	p2 =	seq.s32 @!p0 s5, $0x0  }
0x1f: {  	s9 =	smul.u32 $0xF7A, s1;
	s8 =	simm.s32 @!p0 $0x1BF5;
	p2 =	por !p2, p0  }
0x20: {  	[sflag:s8] =	ssyncset.s32 @!p0 $0xFFFFF086;
	s6 =	sadd.s32 @!p0 s3, s7;
	s7 =	simm.s32 @!p0 $0x108  }
0x21: {  	s3 =	sadd.s32 s3, s9;
	s6 =	sadd.s32 @!p0 $0x88, s6;
	s7 =	simm.s32 @p2 $0x1082  }
0x22: {  	[simem:s7], [sflag:s8] =	dma.local @!p0 [hbm:s6], $0xF7A  }
0x23: {  	s9 =	sor.u32 $0xD0000000, s2;
	s6 =	simm.s32 $0x108;
	_ =	swait.ge @!p0 [sflag:s8], $0x0  }
0x24: {  	s3 =	sadd.s32 $0x88, s3;
	s6 =	simm.s32 @!p1 $0x1082;
	[sflag:s4] =	ssyncset.s32 $0xFFFFF086  }
0x25: {  	[simem:s6], [sflag:s4] =	dma.local [hbm:s3], $0xF7A  }
0x26: {  	[smem:$0x3F9F] =	sst s1;
	(tag) =	ssettag s2;
	_ =	strace s9  }
0x27: {  	s1 =	sld [smem:$0x3FAF]  }
0x28: {  	s2 =	sld [smem:$0x3FB0]  }
0x29: {  	s4 =	sld [smem:$0x3FB2]  }
0x2a: {  	p0 =	seq.s32 s5, $0x0;
	s5 =	sld [smem:$0x3FB3]  }
0x2b: {  	s6 =	sld [smem:$0x3FB4]  }
0x2c: {  	s7 =	sld [smem:$0x3FB5]  }
0x2d: {  	s3 =	simm.s32 $0x108;
	s8 =	sld [smem:$0x3FB6]  }
0x2e: {  	s3 =	simm.s32 @!p0 $0x1082;
	s9 =	sld [smem:$0x3FB7]  }
0x2f: {  	lr =	sadd.s32 s0, s3;
	s0 =	sld [smem:$0x3FAE]  }
0x30: {  	s3 =	sld [smem:$0x3FB1]  }
0x31: {  	[smem:$0x3FBA] =	sst s10  }
0x32: {  	s10 =	sld [smem:$0x3FB8];
	_ =	sdelay $0x3  }
0x33: {  	p0 =	seq.s32 s10, $0x1;
	s10 =	sld [smem:$0x3FBA];
	_ =	sdelay $0x3  }
0x34: {  	[smem:$0x3FBA] =	sst s10  }
0x35: {  	s10 =	sld [smem:$0x3FB9];
	_ =	sdelay $0x3  }
0x36: {  	p1 =	seq.s32 s10, $0x1;
	s10 =	sld [smem:$0x3FBA];
	_ =	sdelay $0x3  }
0x37: {  	[smem:$0x3FBA] =	sst s10  }
0x38: {  	s10 =	sld [smem:$0x3FBB]  }
0x39: {  	_ = 	snop;
	(pc) =	sbr.ind lr, $3  }
0x3a: {  	_ = 	snop  }
0x3b: {  	_ = 	snop  }
0x3c: {  	p2 =	seq.s32 s10, $0x1;
	s10 =	sld [smem:$0x3FBA]  }
0x3d: {  	_ =	shalt  }
0x3e: {  	_ =	shalt  }
0x3f: {  	_ =	shalt  }
0x40: {  	_ =	shalt  }
0x41: {  	_ =	shalt  }
0x42: {  	_ =	shalt  }
0x43: {  	_ =	shalt  }
0x44: {  	_ =	shalt  }
0x45: {  	_ =	shalt  }
0x46: {  	_ =	shalt  }
0x47: {  	_ =	shalt  }
0x48: {  	_ =	shalt  }
0x49: {  	_ =	shalt  }
0x4a: {  	_ =	shalt  }
0x4b: {  	_ =	shalt  }
0x4c: {  	_ =	shalt  }
0x4d: {  	_ =	shalt  }
0x4e: {  	_ =	shalt  }
0x4f: {  	_ =	shalt  }
0x50: {  	_ =	shalt  }
0x51: {  	_ =	shalt  }
0x52: {  	_ =	shalt  }
0x53: {  	_ =	shalt  }
0x54: {  	_ =	shalt  }
0x55: {  	_ =	shalt  }
0x56: {  	_ =	shalt  }
0x57: {  	_ =	shalt  }
0x58: {  	_ =	shalt  }
0x59: {  	_ =	shalt  }
0x5a: {  	_ =	shalt  }
0x5b: {  	_ =	shalt  }
0x5c: {  	_ =	shalt  }
0x5d: {  	_ =	shalt  }
0x5e: {  	_ =	shalt  }
0x5f: {  	_ =	shalt  }
0x60: {  	_ =	shalt  }
0x61: {  	_ =	shalt  }
0x62: {  	_ =	shalt  }
0x63: {  	_ =	shalt  }
0x64: {  	_ =	shalt  }
0x65: {  	_ =	shalt  }
0x66: {  	_ =	shalt  }
0x67: {  	_ =	shalt  }
0x68: {  	_ =	shalt  }
0x69: {  	_ =	shalt  }
0x6a: {  	_ =	shalt  }
0x6b: {  	_ =	shalt  }
0x6c: {  	_ =	shalt  }
0x6d: {  	_ =	shalt  }
0x6e: {  	_ =	shalt  }
0x6f: {  	_ =	shalt  }
0x70: {  	_ =	shalt  }
0x71: {  	_ =	shalt  }
0x72: {  	_ =	shalt  }
0x73: {  	_ =	shalt  }
0x74: {  	_ =	shalt  }
0x75: {  	_ =	shalt  }
0x76: {  	_ =	shalt  }
0x77: {  	_ =	shalt  }
0x78: {  	_ =	shalt  }
0x79: {  	_ =	shalt  }
0x7a: {  	_ =	shalt  }
0x7b: {  	_ =	shalt  }
0x7c: {  	_ =	shalt  }
0x7d: {  	_ =	shalt  }
0x7e: {  	_ =	shalt  }
0x7f: {  	_ =	shalt  }
0x80: {  	_ =	shalt  }
0x81: {  	_ =	shalt  }
0x82: {  	_ =	shalt  }
0x83: {  	_ =	shalt  }
0x84: {  	_ =	shalt  }
0x85: {  	_ =	shalt  }
0x86: {  	_ =	shalt  }
0x87: {  	_ =	shalt  }
.Lfunc_end0:
.L_simem_size_0:
called_computation_lowered:
.L_overlay_start_0:
0x88: {  	s2 =	sld [smem:$0x3FD9]  }
0x89: {  	s3 =	sld [smem:$0x3FFE];
	_ =	sdelay $0x1  }
0x8a: {  	s1 =	srdreg.scid  }
0x8b: {  	s0 =	sand.u32 $0x1, s1  }
0x8c: {  	s18 =	sshll.u32 s0, $0xA;
	s2 =	sadd.s32 s3, s2  }
0x8d: {  	s2 =	sadd.s32 s2, s18  }
0x8e: {  	[smem:$0x3FC6] =	sst s2  }
0x8f: {  	_ = 	snop  }
0x90: {  	s2 =	sld [smem:$0x3FC9]  }
0x91: {  	s19 =	sld [smem:$0x3FC8]  }
0x92: {  	s4 =	sld [smem:$0x3FD0];
	(tm) =	ssettm $0x1  }
0x93: {  	s5 =	sld [smem:$0x3FFB];
	_ =	sdelay $0x3  }
0x94: {  	_ =	strace s5  }
0x95: {  	s5 =	sld [smem:$0x3FFC];
	_ =	sdelay $0x3  }
0x96: {  	_ =	strace s5  }
0x97: {  	s5 =	sld [smem:$0x3FFD];
	_ =	sdelay $0x3  }
0x98: {  	_ =	strace s5  }
0x99: {  	_ =	strace $0x8FFFFFFF  }
0x9a: {  	s20 =	sld [smem:$0x3FDB];
	_ =	sdelay $0x1  }
0x9b: {  	s6 =	simm.s32 $_scs_section_size  }
0x9c: {  	s7 =	simm.s32 $_size__tile_overlayer_lowered;
	s8 =	simm.s32 $_tile_overlayer_lowered  }
0x9d: {  	s23 =	simm.s32 $0x1BFF;
	s22 =	sshll.u32 s8, $0x1;
	s5 =	sadd.s32 s6, s20  }
0x9e: {  	s9 =	simm.s32 $0x0;
	s21 =	sshll.u32 s7, $0x1;
	s7 =	sadd.s32 s22, s5  }
0x9f: {  	[timem:s9], [sflag:s23] =	dma.local [hbm:s7], s21  }
0xa0: {  	_ =	swait.ge [sflag:s23], s21  }
0xa1: {  	s6 =	ssub.s32 $0x0, s21;
	[sflag:s23] =	ssyncset.done $0x0  }
0xa2: {  	[sflag:s23] =	ssyncadd.s32 s6;
	_ =	sdelay $0x1  }
0xa3: {  	s24 =	simm.s32 $0x1B8B  }
0xa4: {  	_ =	swait.ge [sflag:s24], $0x1  }
0xa5: {  	[sflag:s24] =	ssyncset.done $0x0  }
0xa6: {  	s25 =	simm.s32 $0x1B8E;
	[sflag:s24] =	ssyncadd.s32 $0xFFFFFFFF  }
0xa7: {  	s26 =	simm.s32 $execute0_lowered;
	[smem:$0x3FD2] =	sst s25  }
0xa8: {  	s6 =	sshll.u32 s26, $0x1;
	_ =	strace $0x80000046;
	[dreg:$0x1] =	wrdreg $0xFFFFFFFF  }
0xa9: {  	s28 =	simm.s32 $_size_execute0_lowered;
	s5 =	sadd.s32 s5, s6;
	[dreg:$0x0] =	wrdreg $0x0  }
0xaa: {  	s6 =	sshll.u32 s28, $0x1;
	[dreg:$0x2] =	wrdreg s5  }
0xab: {  	[dreg:$0x3] =	wrdreg s6  }
0xac: {  	[dreg:$0x4] =	wrdreg $0xC0  }
0xad: {  	_ =	task [dreg:s9], $0x5FFFF  }
0xae: {  	[dreg:$0x1] =	wrdreg $0xFFFFFFFF  }
0xaf: {  	[dreg:$0x0] =	wrdreg $0x60  }
0xb0: {  	[dreg:$0x2] =	wrdreg s2  }
0xb1: {  	[dreg:$0x3] =	wrdreg s19  }
0xb2: {  	[dreg:$0x4] =	wrdreg s4  }
0xb3: {  	[dreg:$0x5] =	wrdreg $0x9  }
0xb4: {  	_ =	task.clear_ibuf [dreg:s9], $0x6FFFF;
	_ =	strace $0x90000046  }
0xb5: {  	s29 =	simm.s32 $0x9;
	_ =	strace $0x80000048  }
0xb6: {  	_ =	swait.ge [sflag:s29], $0x1  }
0xb7: {  	[sflag:s29] =	ssyncadd.s32 $0xFFFFFFFF  }
0xb8: {  	_ =	strace $0x90000048  }
0xb9: {  	_ =	sfence  }
0xba: {  	s30 =	sld [smem:$0x0];
	_ =	sdelay $0x2  }
0xbb: {  	s31 =	sshll.u32 s1, $0xD;
	s1 =	sshrl.u32 s1, $0x2  }
0xbc: {  	s3 =	sand.u32 $0x4000, s31;
	s1 =	sadd.s32 s1, s30  }
0xbd: {  	s0 =	sor.u32 s3, s0;
	s1 =	sshll.u32 s1, $0x11  }
0xbe: {  	s0 =	sor.u32 s1, s0  }
0xbf: {  	s0 =	sadd.s32 $0x8F2B, s0  }
0xc0: {  	[sflag:s0] =	ssyncadd.remote.s32 $0x1  }
0xc1: {  	_ =	sfence.sel $0xFFFF  }
0xc2: {  	[dreg:$0x0] =	wrdreg $0xFFFFFFFF;
	(pc) =	sbr.abs _section_cstart, $3  }
0xc3: {  	[dreg:$0x1] =	wrdreg $0xFFFFFFFF  }
0xc4: {  	_ =	task.clear_ibuf [dreg:s9], $0x2FFFF;
	_ =	strace $0x9FFFFFFF  }
0xc5: {  	(tm) =	ssettm $0x7FFFFFFF  }
tec
execute0_lowered:
.L_overlay_start_1:
0x0: {  	(tag) =	ssettag $0x1  }
0x1: {  	s30 =	rddreg [dreg:$0x0]  }
0x2: {  	s0 =	rddreg [dreg:$0x1]  }
0x3: {  	s3 =	rddreg [dreg:$0x2];
	s1 =	srdreg.scid  }
0x4: {  	s2 =	stileid.u32;
	s4 =	simm.s32 $0x0;
	s18 =	simm.s32 $0x6600  }
0x5: {  	s20 =	simm.s32 $0xA600;
	s22 =	simm.s32 $0xE600;
	s24 =	simm.s32 $0x12600  }
0x6: {  	s31 =	simm.s32 $0x5;
	s1 =	sand.u32 $0x1, s1;
	s2 =	sshll.u32 s2, $0x1  }
0x7: {  	[smem:$0x7FF] =	sst s4;
	s7 =	sadd.s32 $0x1000, s3;
	s8 =	sadd.s32 $0x2000, s3  }
0x8: {  	v0 =	vlaneseq.u32;
	s9 =	sadd.s32 $0x3000, s3;
	s5 =	ssub.s32 $0x2, s1;
	s1 =	sor.u32 s1, s2  }
0x9: {  	s10 =	sadd.s32 $0x4000, s3;
	s11 =	sadd.s32 $0x5000, s3;
	v0 =	vmul.u32 $0x80, v0;
	s6 =	smul.u32 $0xC80, s1  }
0xa: {  	s12 =	sadd.s32 $0x6000, s3;
	s13 =	sadd.s32 $0x7000, s3;
	s28 =	sshrl.u32 s5, $0x1  }
0xb: {  	_ =	strace $0x80000047;
	v1 =	vor.u32 $0x800, v0;
	s2 =	ssub.s32 s5, s28;
	s0 =	sadd.s32 s0, s6  }
0xc: {  	v2 =	vor.u32 $0x1000, v0;
	v3 =	vor.u32 $0x1800, v0;
	v4 =	vor.u32 $0x2000, v0;
	s5 =	smul.u32 $0xC8, s1;
	s29 =	smax.u32 s2, $0x1;
	[dreg:$0x4] =	wrdreg s0  }
0xd: {  	v5 =	vor.u32 $0x2800, v0;
	v6 =	vor.u32 $0x3000, v0;
	v7 =	vor.u32 $0x3800, v0;
	s1 =	simm.s32 $0x0;
	s6 =	simm.s32 $0x6;
	[dreg:$0x5] =	wrdreg s29  }
.LBB2_1:
0xe: {  	[dreg:$0x6] =	wrdreg s1  }
0xf: {  	s0 =	rddreg [dreg:$0x4];
	s23 =	simm.s32 $0x7  }
0x10: {  	[tilespmem:s4], [sflag:$0x7] =	stream.linear.gather [hbm4b:s0+s4], $0x6400, $0x38;
	[tilespmem:$0x1A600] =	vst v63  }
0x11: {  	_ =	swait.ge [sflag:s23], $0x6400  }
0x12: {  	[sflag:s23] =	ssyncset.done $0x0  }
0x13: {  	[sflag:s23] =	ssyncadd.s32 $0xFFFF9C00  }
0x14: {  	v8 =	vld [tilespmem:$0x0]  }
0x15: {  	v9 =	vld [tilespmem:$0x10]  }
0x16: {  	v10 =	vld [tilespmem:$0x20]  }
0x17: {  	v11 =	vld [tilespmem:$0x30]  }
0x18: {  	v12 =	vld [tilespmem:$0x40]  }
0x19: {  	v13 =	vld [tilespmem:$0x50];
	v8 =	vshrl.u32 v8, $0x1  }
0x1a: {  	v48 =	vld [tilespmem:$0x60];
	[tilespmem:$0x6400] =	vst v8;
	v8 =	vshrl.u32 v9, $0x1  }
0x1b: {  	v49 =	vld [tilespmem:$0x70];
	[tilespmem:$0x6410] =	vst v8;
	v8 =	vshrl.u32 v10, $0x1  }
0x1c: {  	[tilespmem:$0x6420] =	vst v8;
	v8 =	vshrl.u32 v11, $0x1  }
0x1d: {  	[tilespmem:$0x6430] =	vst v8;
	v8 =	vshrl.u32 v12, $0x1  }
0x1e: {  	[tilespmem:$0x6440] =	vst v8;
	v8 =	vshrl.u32 v13, $0x1  }
0x1f: {  	[tilespmem:$0x6450] =	vst v8;
	v8 =	vshrl.u32 v48, $0x1  }
0x20: {  	[tilespmem:$0x6460] =	vst v8;
	v8 =	vshrl.u32 v49, $0x1  }
0x21: {  	s25 =	simm.s32 $0x80;
	s26 =	simm.s32 $0x6400;
	[tilespmem:$0x6470] =	vst v8  }
0x22: {  	[tilespmem:s18], [sflag:$0x1] =	stream.indirect.gather [hbm4b:s30+s25], $0x80, s26, s25, $0xb8;
	[tilespmem:$0x1A600] =	vst v63  }
0x23: {  	v8 =	vld [tilespmem:$0x80]  }
0x24: {  	v50 =	vld [tilespmem:$0x90]  }
0x25: {  	v51 =	vld [tilespmem:$0xA0]  }
0x26: {  	v52 =	vld [tilespmem:$0xB0]  }
0x27: {  	v53 =	vld [tilespmem:$0xC0]  }
0x28: {  	v54 =	vld [tilespmem:$0xD0];
	v8 =	vshrl.u32 v8, $0x1  }
0x29: {  	v55 =	vld [tilespmem:$0xE0];
	[tilespmem:$0x6480] =	vst v8;
	v8 =	vshrl.u32 v50, $0x1  }
0x2a: {  	v56 =	vld [tilespmem:$0xF0];
	[tilespmem:$0x6490] =	vst v8;
	v8 =	vshrl.u32 v51, $0x1  }
0x2b: {  	[tilespmem:$0x64A0] =	vst v8;
	v8 =	vshrl.u32 v52, $0x1  }
0x2c: {  	[tilespmem:$0x64B0] =	vst v8;
	v8 =	vshrl.u32 v53, $0x1  }
0x2d: {  	[tilespmem:$0x64C0] =	vst v8;
	v8 =	vshrl.u32 v54, $0x1  }
0x2e: {  	[tilespmem:$0x64D0] =	vst v8;
	v8 =	vshrl.u32 v55, $0x1  }
0x2f: {  	[tilespmem:$0x64E0] =	vst v8;
	v8 =	vshrl.u32 v56, $0x1  }
0x30: {  	s28 =	simm.s32 $0x6480;
	[tilespmem:$0x64F0] =	vst v8  }
0x31: {  	[tilespmem:s20], [sflag:$0x2] =	stream.indirect.gather [hbm4b:s30+s25], $0x80, s28, s25, $0xb8;
	[tilespmem:$0x1A600] =	vst v63  }
0x32: {  	v8 =	vld [tilespmem:$0x100]  }
0x33: {  	v57 =	vld [tilespmem:$0x110]  }
0x34: {  	v58 =	vld [tilespmem:$0x120]  }
0x35: {  	v59 =	vld [tilespmem:$0x130]  }
0x36: {  	v60 =	vld [tilespmem:$0x140]  }
0x37: {  	v61 =	vld [tilespmem:$0x150];
	v8 =	vshrl.u32 v8, $0x1  }
0x38: {  	v62 =	vld [tilespmem:$0x160];
	[tilespmem:$0x6500] =	vst v8;
	v8 =	vshrl.u32 v57, $0x1  }
0x39: {  	v63 =	vld [tilespmem:$0x170];
	[tilespmem:$0x6510] =	vst v8;
	v8 =	vshrl.u32 v58, $0x1  }
0x3a: {  	[tilespmem:$0x6520] =	vst v8;
	v8 =	vshrl.u32 v59, $0x1  }
0x3b: {  	[tilespmem:$0x6530] =	vst v8;
	v8 =	vshrl.u32 v60, $0x1  }
0x3c: {  	[tilespmem:$0x6540] =	vst v8;
	v8 =	vshrl.u32 v61, $0x1  }
0x3d: {  	[tilespmem:$0x6550] =	vst v8;
	v8 =	vshrl.u32 v62, $0x1  }
0x3e: {  	[tilespmem:$0x6560] =	vst v8;
	v8 =	vshrl.u32 v63, $0x1  }
0x3f: {  	s29 =	simm.s32 $0x6500;
	s1 =	simm.s32 $0x0;
	[tilespmem:$0x6570] =	vst v8  }
0x40: {  	[tilespmem:s22], [sflag:$0x3] =	stream.indirect.gather [hbm4b:s30+s25], $0x80, s29, s25, $0xb8;
	[tilespmem:$0x1A600] =	vst v63  }
.LBB2_2:
0x41: {  	s19 =	sshllo.u32 s1, $0x2  }
0x42: {  	s0 =	sshll.u32 s19, $0x7  }
0x43: {  	s14 =	sand.u32 $0x3FFFFF80, s0  }
0x44: {  	v8 =	vld [tilespmem:s14+$0x0];
	_ =	sdelay $0x4  }
0x45: {  	v8 =	vshrl.u32 v8, $0x1  }
0x46: {  	[tilespmem:$0x6580] =	vst v8  }
0x47: {  	v8 =	vld [tilespmem:s14+$0x10];
	_ =	sdelay $0x4  }
0x48: {  	v8 =	vshrl.u32 v8, $0x1  }
0x49: {  	[tilespmem:$0x6590] =	vst v8  }
0x4a: {  	v8 =	vld [tilespmem:s14+$0x20];
	_ =	sdelay $0x4  }
0x4b: {  	v8 =	vshrl.u32 v8, $0x1  }
0x4c: {  	[tilespmem:$0x65A0] =	vst v8  }
0x4d: {  	v8 =	vld [tilespmem:s14+$0x30];
	_ =	sdelay $0x4  }
0x4e: {  	v8 =	vshrl.u32 v8, $0x1  }
0x4f: {  	[tilespmem:$0x65B0] =	vst v8  }
0x50: {  	v8 =	vld [tilespmem:s14+$0x40];
	_ =	sdelay $0x4  }
0x51: {  	v8 =	vshrl.u32 v8, $0x1  }
0x52: {  	[tilespmem:$0x65C0] =	vst v8  }
0x53: {  	v8 =	vld [tilespmem:s14+$0x50];
	_ =	sdelay $0x4  }
0x54: {  	v8 =	vshrl.u32 v8, $0x1  }
0x55: {  	[tilespmem:$0x65D0] =	vst v8  }
0x56: {  	v8 =	vld [tilespmem:s14+$0x60];
	_ =	sdelay $0x4  }
0x57: {  	v8 =	vshrl.u32 v8, $0x1  }
0x58: {  	[tilespmem:$0x65E0] =	vst v8  }
0x59: {  	v8 =	vld [tilespmem:s14+$0x70];
	_ =	sdelay $0x4  }
0x5a: {  	v8 =	vshrl.u32 v8, $0x1  }
0x5b: {  	s26 =	simm.s32 $0x80;
	s2 =	simm.s32 $0x6580;
	s15 =	simm.s32 $0x1;
	[tilespmem:$0x65F0] =	vst v8  }
0x5c: {  	[tilespmem:s24], [sflag:$0x4] =	stream.indirect.gather [hbm4b:s30+s26], $0x80, s2, s26, $0xb8;
	[tilespmem:$0x1A600] =	vst v63  }
0x5d: {  	_ =	swait.ge [sflag:s15], $0x4000  }
0x5e: {  	p0 =	seq.s32 s1, $0x0;
	[sflag:s15] =	ssyncset.done $0x0  }
0x5f: {  	s0 =	simm.s32 @!p0 $0x5;
	[sflag:s15] =	ssyncadd.s32 $0xFFFFC000  }
0x60: {  	_ =	swait.ge @!p0 [sflag:s0], $0x400  }
0x61: {  	[sflag:s0] =	ssyncset.done @!p0 $0x0  }
0x62: {  	[sflag:s0] =	ssyncadd.s32 @!p0 $0xFFFFFC00  }
0x63: {  	_ =	swait.ge @!p0 [sflag:s0], $0x400  }
0x64: {  	[sflag:s0] =	ssyncset.done @!p0 $0x0  }
0x65: {  	[sflag:s0] =	ssyncadd.s32 @!p0 $0xFFFFFC00  }
0x66: {  	_ =	swait.ge @!p0 [sflag:s0], $0x400  }
0x67: {  	[sflag:s0] =	ssyncset.done @!p0 $0x0  }
0x68: {  	[sflag:s0] =	ssyncadd.s32 @!p0 $0xFFFFFC00  }
0x69: {  	_ =	swait.ge @!p0 [sflag:s0], $0x400  }
0x6a: {  	[sflag:s0] =	ssyncset.done @!p0 $0x0  }
0x6b: {  	[sflag:s0] =	ssyncadd.s32 @!p0 $0xFFFFFC00  }
0x6c: {  	_ =	swait.ge @!p0 [sflag:s0], $0x400  }
0x6d: {  	[sflag:s0] =	ssyncset.done @!p0 $0x0  }
0x6e: {  	[sflag:s0] =	ssyncadd.s32 @!p0 $0xFFFFFC00  }
0x6f: {  	_ =	swait.ge @!p0 [sflag:s0], $0x400  }
0x70: {  	[sflag:s0] =	ssyncset.done @!p0 $0x0  }
0x71: {  	[sflag:s0] =	ssyncadd.s32 @!p0 $0xFFFFFC00  }
0x72: {  	_ =	swait.ge @!p0 [sflag:s0], $0x400  }
0x73: {  	[sflag:s0] =	ssyncset.done @!p0 $0x0  }
0x74: {  	[sflag:s0] =	ssyncadd.s32 @!p0 $0xFFFFFC00  }
0x75: {  	_ =	swait.ge @!p0 [sflag:s0], $0x400  }
0x76: {  	s16 =	sshll.u32 s1, $0xB;
	[sflag:s0] =	ssyncset.done @!p0 $0x0  }
0x77: {  	s15 =	sshra.s32 s16, $0x2;
	[sflag:s0] =	ssyncadd.s32 @!p0 $0xFFFFFC00  }
0x78: {  	v8 =	vld [tilespmem:s15+$0x0]  }
0x79: {  	v9 =	vld [tilespmem:s15+$0x10]  }
0x7a: {  	v10 =	vld [tilespmem:s15+$0x20]  }
0x7b: {  	v11 =	vld [tilespmem:s15+$0x30]  }
0x7c: {  	v12 =	vld [tilespmem:s15+$0x40]  }
0x7d: {  	v14 =	vld [tilespmem:s15+$0x50]  }
0x7e: {  	v16 =	vld [tilespmem:s15+$0x60]  }
0x7f: {  	v20 =	vld [tilespmem:s15+$0x70];
	_ =	sdelay $0x2  }
0x80: {  	v19 =	vshll.u32 v8, $0x6;
	v18 =	vshll.u32 v9, $0x6  }
0x81: {  	v17 =	vshll.u32 v10, $0x6;
	v15 =	vshll.u32 v11, $0x6;
	v13 =	vshll.u32 v12, $0x6  }
0x82: {  	s25 =	simm.s32 $0x0;
	s26 =	simm.s32 $0x2;
	v11 =	vshll.u32 v14, $0x6;
	v10 =	vshll.u32 v16, $0x6;
	v8 =	vshll.u32 v20, $0x6  }
0x83: {  	s17 =	simm.s32 $0x1;
	s21 =	simm.s32 $0x3;
	v12 =	vmov s25;
	v20 =	vmov s26;
	v9 =	vor.u32 s25, v19  }
0x84: {  	v16 =	vor.u32 s17, v19;
	v21 =	vor.u32 s26, v19;
	v24 =	vor.u32 s21, v19  }
0x85: {  	v14 =	vand.u32 $0x78, v9;
	v9 =	vand.u32 $0x4, v12;
	v12 =	vmov s17  }
0x86: {  	v23 =	vand.u32 $0x78, v16;
	v16 =	vmov s21;
	v22 =	vor.u32 v14, v9  }
0x87: {  	v14 =	vand.u32 $0x5, v12;
	v12 =	vand.u32 $0x78, v24;
	v16 =	vand.u32 $0x7, v16  }
0x88: {  	v25 =	vor.u32 s17, v18;
	v21 =	vand.u32 $0x78, v21;
	v24 =	vor.u32 v12, v16  }
0x89: {  	v23 =	vor.u32 v23, v14;
	v12 =	vand.u32 $0x6, v20;
	v20 =	vor.u32 v0, v24  }
0x8a: {  	v26 =	vor.u32 s26, v18;
	v23 =	vor.u32 v0, v23;
	v21 =	vor.u32 v21, v12  }
0x8b: {  	v27 =	vor.u32 s25, v18;
	v28 =	vor.u32 s21, v17;
	v21 =	vor.u32 v0, v21  }
0x8c: {  	v29 =	vor.u32 s17, v17;
	v30 =	vor.u32 s26, v17;
	v24 =	vor.u32 s21, v18  }
0x8d: {  	v32 =	vor.u32 s25, v13;
	v22 =	vor.u32 v0, v22;
	v24 =	vand.u32 $0x78, v24  }
0x8e: {  	v33 =	vor.u32 s25, v15;
	v25 =	vand.u32 $0x78, v25;
	v24 =	vor.u32 v24, v16;
	v20 =	vld.idx.msk [tilespmem:v20+s18+$0x0], $0xffff  }
0x8f: {  	v26 =	vand.u32 $0x78, v26;
	v25 =	vor.u32 v25, v14;
	v24 =	vor.u32 v1, v24;
	v23 =	vld.idx.msk [tilespmem:v23+s18+$0x0], $0xffff  }
0x90: {  	v34 =	vor.u32 s17, v15;
	v26 =	vor.u32 v26, v12;
	v25 =	vor.u32 v1, v25;
	v21 =	vld.idx.msk [tilespmem:v21+s18+$0x0], $0xffff  }
0x91: {  	v51 =	vor.u32 s26, v15;
	v27 =	vand.u32 $0x78, v27;
	v26 =	vor.u32 v1, v26  }
0x92: {  	s16 =	simm.s32 $0x16700;
	v36 =	vor.u32 s21, v13;
	v37 =	vor.u32 s17, v10;
	v27 =	vor.u32 v27, v9;
	v22 =	vld.idx.msk [tilespmem:v22+s18+$0x0], $0xffff  }
0x93: {  	v55 =	vor.u32 s17, v11;
	v28 =	vand.u32 $0x78, v28;
	v27 =	vor.u32 v1, v27;
	[tilespmem:s16+$0x80] =	vst v20  }
0x94: {  	v29 =	vand.u32 $0x78, v29;
	v30 =	vand.u32 $0x78, v30;
	v28 =	vor.u32 v28, v16;
	[tilespmem:s16+$0xFFFFFF80] =	vst v23;
	v23 =	vld.idx.msk [tilespmem:v24+s18+$0x0], $0xffff  }
0x95: {  	v29 =	vor.u32 v29, v14;
	v20 =	vor.u32 v2, v28;
	v28 =	vor.u32 s25, v17;
	v25 =	vld.idx.msk [tilespmem:v25+s18+$0x0], $0xffff;
	[tilespmem:s16+$0x0] =	vst v21  }
0x96: {  	v30 =	vor.u32 v30, v12;
	v24 =	vor.u32 v2, v29;
	v28 =	vand.u32 $0x78, v28;
	v26 =	vld.idx.msk [tilespmem:v26+s18+$0x0], $0xffff  }
0x97: {  	v38 =	vor.u32 s26, v11;
	[tilespmem:s16+$0xFFFFFF00] =	vst v22;
	v29 =	vor.u32 v2, v30;
	v21 =	vor.u32 v28, v9  }
0x98: {  	s29 =	simm.s32 $0x5;
	v39 =	vor.u32 s21, v11;
	v27 =	vld.idx.msk [tilespmem:v27+s18+$0x0], $0xffff;
	v31 =	vor.u32 v2, v21;
	v21 =	vor.u32 s21, v15  }
0x99: {  	v57 =	vor.u32 s29, v19;
	v22 =	vand.u32 $0x78, v34;
	v21 =	vand.u32 $0x78, v21;
	[tilespmem:s16+$0x90] =	vst v23  }
0x9a: {  	v22 =	vor.u32 v22, v14;
	v21 =	vor.u32 v21, v16;
	v23 =	vand.u32 $0x78, v51;
	[tilespmem:s16+$0xFFFFFF90] =	vst v25;
	v20 =	vld.idx.msk [tilespmem:v20+s18+$0x0], $0xffff  }
0x9b: {  	v62 =	vor.u32 s21, v10;
	v52 =	vor.u32 v3, v21;
	v21 =	vor.u32 v23, v12;
	v23 =	vld.idx.msk [tilespmem:v24+s18+$0x0], $0xffff;
	[tilespmem:s16+$0x10] =	vst v26  }
0x9c: {  	v36 =	vand.u32 $0x78, v36;
	v32 =	vand.u32 $0x78, v32;
	v35 =	vor.u32 v3, v22;
	v29 =	vld.idx.msk [tilespmem:v29+s18+$0x0], $0xffff  }
0x9d: {  	v58 =	vand.u32 $0x78, v38;
	v22 =	vand.u32 $0x78, v33;
	[tilespmem:s16+$0xFFFFFF10] =	vst v27;
	v26 =	vor.u32 v3, v21  }
0x9e: {  	v61 =	vand.u32 $0x78, v37;
	v63 =	vand.u32 $0x78, v57;
	v33 =	vor.u32 v22, v9;
	v31 =	vld.idx.msk [tilespmem:v31+s18+$0x0], $0xffff  }
0x9f: {  	v36 =	vor.u32 v36, v16;
	v33 =	vor.u32 v3, v33;
	v27 =	vor.u32 s17, v13;
	[tilespmem:s16+$0xA0] =	vst v20  }
0xa0: {  	s28 =	simm.s32 $0x6;
	v53 =	vor.u32 v4, v36;
	v20 =	vand.u32 $0x78, v27;
	v27 =	vor.u32 s26, v13;
	[tilespmem:s16+$0xFFFFFFA0] =	vst v23;
	v23 =	vld.idx.msk [tilespmem:v52+s18+$0x0], $0xffff  }
0xa1: {  	v34 =	vor.u32 s28, v19;
	v20 =	vor.u32 v20, v14;
	v27 =	vand.u32 $0x78, v27;
	v35 =	vld.idx.msk [tilespmem:v35+s18+$0x0], $0xffff;
	[tilespmem:s16+$0x20] =	vst v29  }
0xa2: {  	v28 =	vor.u32 s25, v11;
	v29 =	vor.u32 v4, v20;
	v20 =	vor.u32 v27, v12;
	v26 =	vld.idx.msk [tilespmem:v26+s18+$0x0], $0xffff  }
0xa3: {  	s23 =	simm.s32 $0x4;
	v30 =	vor.u32 s25, v10;
	v54 =	vand.u32 $0x78, v28;
	[tilespmem:s16+$0xFFFFFF20] =	vst v31;
	v28 =	vor.u32 v4, v20  }
0xa4: {  	v22 =	vor.u32 s17, v8;
	v25 =	vmov s23;
	v33 =	vld.idx.msk [tilespmem:v33+s18+$0x0], $0xffff;
	v20 =	vor.u32 v32, v9  }
0xa5: {  	v31 =	vor.u32 v4, v20;
	v20 =	vand.u32 $0x4, v25;
	v25 =	vand.u32 $0x78, v39;
	[tilespmem:s16+$0xB0] =	vst v23  }
0xa6: {  	v60 =	vor.u32 v54, v9;
	v32 =	vand.u32 $0x78, v55;
	v25 =	vor.u32 v25, v16;
	[tilespmem:s16+$0xFFFFFFB0] =	vst v35;
	v56 =	vld.idx.msk [tilespmem:v53+s18+$0x0], $0xffff  }
0xa7: {  	v30 =	vand.u32 $0x78, v30;
	v59 =	vor.u32 v5, v25;
	v29 =	vld.idx.msk [tilespmem:v29+s18+$0x0], $0xffff;
	[tilespmem:s16+$0x30] =	vst v26;
	v26 =	vor.u32 v32, v14  }
0xa8: {  	v24 =	vor.u32 s23, v19;
	v32 =	vor.u32 v58, v12;
	v40 =	vld.idx.msk [tilespmem:v28+s18+$0x0], $0xffff;
	v26 =	vor.u32 v5, v26  }
0xa9: {  	v27 =	vor.u32 s26, v10;
	v25 =	vor.u32 v30, v9;
	[tilespmem:s16+$0xFFFFFF30] =	vst v33;
	v30 =	vor.u32 v5, v32  }
0xaa: {  	v21 =	vor.u32 s26, v8;
	v24 =	vand.u32 $0x78, v24;
	v41 =	vand.u32 $0x78, v27;
	v33 =	vld.idx.msk [tilespmem:v31+s18+$0x0], $0xffff  }
0xab: {  	v27 =	vor.u32 v5, v60;
	v24 =	vor.u32 v24, v20;
	v23 =	vmov s29;
	[tilespmem:s16+$0xC0] =	vst v56  }
0xac: {  	v35 =	vand.u32 $0x78, v62;
	v36 =	vor.u32 v0, v24;
	v23 =	vand.u32 $0x5, v23;
	[tilespmem:s16+$0xFFFFFFC0] =	vst v29;
	v31 =	vld.idx.msk [tilespmem:v59+s18+$0x0], $0xffff  }
0xad: {  	s3 =	smov.u32 s30;
	s30 =	simm.s32 $0x8;
	v24 =	vor.u32 v35, v16;
	v35 =	vor.u32 v41, v12;
	v28 =	vmov s28;
	v29 =	vld.idx.msk [tilespmem:v26+s18+$0x0], $0xffff;
	[tilespmem:s16+$0x40] =	vst v40  }
0xae: {  	s0 =	simm.s32 $0x7;
	s17 =	sshll.u32 s1, $0x2;
	s26 =	simm.s32 $0x16700;
	v32 =	vor.u32 v61, v14;
	v37 =	vor.u32 v63, v23;
	v26 =	vor.u32 v6, v24;
	v30 =	vld.idx.msk [tilespmem:v30+s18+$0x0], $0xffff  }
.LBB2_3:
0xaf: {  	p1 =	slt.u32 s30, $0x3C;
	v24 =	vmov s0;
	v38 =	vor.u32 s0, v19;
	[tilespmem:s16+$0xFFFFFF40] =	vst v33;
	v32 =	vor.u32 v6, v32  }
0xb0: {  	v35 =	vor.u32 v6, v35;
	v33 =	vand.u32 $0x78, v38;
	v24 =	vand.u32 $0x7, v24;
	v27 =	vld.idx.msk [tilespmem:v27+s18+$0x0], $0xffff  }
0xb1: {  	v37 =	vor.u32 v0, v37;
	v34 =	vand.u32 $0x78, v34;
	v33 =	vor.u32 v33, v24  }
0xb2: {  	v28 =	vand.u32 $0x6, v28;
	v36 =	vld.idx.msk [tilespmem:v36+s18+$0x0], $0xffff;
	v33 =	vor.u32 v0, v33;
	[tilespmem:s16+$0xD0] =	vst v31;
	v31 =	vor.u32 s21, v8;
	s21 =	smov.u32 s0  }
0xb3: {  	v25 =	vor.u32 v6, v25;
	v34 =	vor.u32 v34, v28;
	[tilespmem:s16+$0xFFFFFFD0] =	vst v29;
	v26 =	vld.idx.msk [tilespmem:v26+s18+$0x0], $0xffff;
	v29 =	vand.u32 $0x78, v31  }
0xb4: {  	v22 =	vand.u32 $0x78, v22;
	v31 =	vor.u32 v0, v34;
	v32 =	vld.idx.msk [tilespmem:v32+s18+$0x0], $0xffff;
	[tilespmem:s16+$0x50] =	vst v30;
	v30 =	vor.u32 v29, v16  }
0xb5: {  	v21 =	vand.u32 $0x78, v21;
	v38 =	vor.u32 v22, v14;
	v16 =	vmovc v24;
	v22 =	vld.idx.msk [tilespmem:v35+s18+$0x0], $0xffff;
	v29 =	vor.u32 v7, v30  }
0xb6: {  	v30 =	vor.u32 s21, v18;
	v35 =	vor.u32 v21, v12;
	v24 =	vld.idx.msk [tilespmem:v37+s18+$0x0], $0xffff;
	[tilespmem:s16+$0xFFFFFF50] =	vst v27;
	v27 =	vor.u32 v7, v38  }
0xb7: {  	v14 =	vmovc v23;
	v21 =	vor.u32 s29, v18;
	v12 =	vmovc v28;
	v30 =	vand.u32 $0x78, v30;
	v34 =	vor.u32 v7, v35;
	v33 =	vld.idx.msk [tilespmem:v33+s18+$0x0], $0xffff  }
0xb8: {  	v23 =	vor.u32 s28, v18;
	v21 =	vand.u32 $0x78, v21;
	v28 =	vor.u32 v30, v16;
	v25 =	vld.idx.msk [tilespmem:v25+s18+$0x0], $0xffff  }
0xb9: {  	v23 =	vand.u32 $0x78, v23;
	v21 =	vor.u32 v21, v14;
	v28 =	vor.u32 v1, v28;
	v30 =	vld.idx.msk [tilespmem:v31+s18+$0x0], $0xffff;
	[tilespmem:s16+$0xE0] =	vst v26  }
0xba: {  	v23 =	vor.u32 v23, v12;
	v21 =	vor.u32 v1, v21;
	v26 =	vor.u32 s23, v18;
	[tilespmem:s16+$0xFFFFFFE0] =	vst v32;
	v29 =	vld.idx.msk [tilespmem:v29+s18+$0x0], $0xffff  }
0xbb: {  	v23 =	vor.u32 v1, v23;
	v31 =	vor.u32 s25, v8;
	s25 =	smov.u32 s23;
	s23 =	smov.u32 s30;
	v26 =	vand.u32 $0x78, v26;
	v27 =	vld.idx.msk [tilespmem:v27+s18+$0x0], $0xffff;
	[tilespmem:s16+$0x60] =	vst v22  }
0xbc: {  	v22 =	vor.u32 v26, v20;
	v26 =	vand.u32 $0x78, v31;
	s16 =	sadd.s32 $0x200, s16;
	v31 =	vld.idx.msk [tilespmem:v34+s18+$0x0], $0xffff  }
0xbd: {  	v32 =	vor.u32 s21, v17;
	v22 =	vor.u32 v1, v22;
	v26 =	vor.u32 v26, v9;
	v9 =	vmovc v20;
	[tilespmem:s16+$0x80] =	vst v33  }
0xbe: {  	v20 =	vor.u32 s29, v17;
	v26 =	vor.u32 v7, v26;
	[tilespmem:s16+$0xFFFFFF80] =	vst v24;
	v24 =	vld.idx.msk [tilespmem:v28+s18+$0x0], $0xffff;
	v28 =	vand.u32 $0x78, v32  }
0xbf: {  	v20 =	vand.u32 $0x78, v20;
	v21 =	vld.idx.msk [tilespmem:v21+s18+$0x0], $0xffff;
	[tilespmem:s16+$0x0] =	vst v30;
	v30 =	vor.u32 s28, v17;
	v28 =	vor.u32 v28, v16  }
0xc0: {  	v20 =	vor.u32 v20, v14;
	v23 =	vld.idx.msk [tilespmem:v23+s18+$0x0], $0xffff;
	v30 =	vand.u32 $0x78, v30;
	v28 =	vor.u32 v2, v28;
	[tilespmem:s26+$0xF0] =	vst v29  }
0xc1: {  	v20 =	vor.u32 v2, v20;
	v29 =	vor.u32 s25, v17;
	[tilespmem:s16+$0xFFFFFF00] =	vst v36;
	v30 =	vor.u32 v30, v12  }
0xc2: {  	v29 =	vand.u32 $0x78, v29;
	v22 =	vld.idx.msk [tilespmem:v22+s18+$0x0], $0xffff;
	v30 =	vor.u32 v2, v30;
	[tilespmem:s26+$0xFFFFFF60] =	vst v25  }
0xc3: {  	v32 =	vor.u32 s25, v10;
	v25 =	vor.u32 v29, v9;
	v29 =	vor.u32 s25, v11;
	v26 =	vld.idx.msk [tilespmem:v26+s18+$0x0], $0xffff;
	[tilespmem:s26+$0xFFFFFFF0] =	vst v27  }
0xc4: {  	v25 =	vor.u32 v2, v25;
	v27 =	vor.u32 s25, v13;
	[tilespmem:s16+$0x90] =	vst v24;
	v24 =	vor.u32 s21, v15  }
0xc5: {  	v33 =	vor.u32 s25, v15;
	[tilespmem:s16+$0xFFFFFF90] =	vst v21;
	v21 =	vor.u32 s29, v15;
	v28 =	vld.idx.msk [tilespmem:v28+s18+$0x0], $0xffff;
	v24 =	vand.u32 $0x78, v24  }
0xc6: {  	v20 =	vld.idx.msk [tilespmem:v20+s18+$0x0], $0xffff;
	v21 =	vand.u32 $0x78, v21;
	[tilespmem:s16+$0x10] =	vst v23;
	v23 =	vor.u32 s28, v15;
	v24 =	vor.u32 v24, v16  }
0xc7: {  	v21 =	vor.u32 v21, v14;
	v30 =	vld.idx.msk [tilespmem:v30+s18+$0x0], $0xffff;
	v23 =	vand.u32 $0x78, v23;
	v24 =	vor.u32 v3, v24;
	[tilespmem:s26+$0x70] =	vst v31  }
0xc8: {  	v31 =	vmov s30;
	[tilespmem:s16+$0xFFFFFF10] =	vst v22;
	v34 =	vor.u32 v3, v21;
	v21 =	vor.u32 v23, v12  }
0xc9: {  	v23 =	vor.u32 s30, v19;
	v22 =	vand.u32 $0x78, v33;
	v25 =	vld.idx.msk [tilespmem:v25+s18+$0x0], $0xffff;
	v33 =	vor.u32 v3, v21;
	[tilespmem:s26+$0xFFFFFF70] =	vst v26;
	s26 =	smov.u32 s16  }
0xca: {  	v26 =	vor.u32 v22, v9;
	v22 =	vor.u32 s29, v8;
	v21 =	vor.u32 s28, v8  }
0xcb: {  	v32 =	vand.u32 $0x78, v32;
	v26 =	vor.u32 v3, v26;
	[tilespmem:s16+$0xA0] =	vst v28;
	v28 =	vor.u32 s21, v13  }
0xcc: {  	v35 =	vor.u32 s29, v10;
	[tilespmem:s16+$0xFFFFFFA0] =	vst v20;
	v20 =	vor.u32 s29, v13;
	v24 =	vld.idx.msk [tilespmem:v24+s18+$0x0], $0xffff;
	v28 =	vand.u32 $0x78, v28  }
0xcd: {  	v34 =	vld.idx.msk [tilespmem:v34+s18+$0x0], $0xffff;
	v20 =	vand.u32 $0x78, v20;
	[tilespmem:s16+$0x20] =	vst v30;
	v30 =	vor.u32 s28, v13;
	v28 =	vor.u32 v28, v16  }
0xce: {  	v20 =	vor.u32 v20, v14;
	v33 =	vld.idx.msk [tilespmem:v33+s18+$0x0], $0xffff;
	v30 =	vand.u32 $0x78, v30;
	v28 =	vor.u32 v4, v28  }
0xcf: {  	[tilespmem:s16+$0xFFFFFF20] =	vst v25;
	v25 =	vor.u32 v4, v20;
	v20 =	vor.u32 v30, v12;
	v30 =	vor.u32 s28, v10  }
0xd0: {  	v29 =	vand.u32 $0x78, v29;
	v27 =	vand.u32 $0x78, v27;
	v26 =	vld.idx.msk [tilespmem:v26+s18+$0x0], $0xffff;
	v36 =	vor.u32 v4, v20  }
0xd1: {  	v37 =	vor.u32 s28, v11;
	v20 =	vor.u32 v27, v9;
	v27 =	vor.u32 s29, v11  }
0xd2: {  	v23 =	vand.u32 $0x78, v23;
	s29 =	sadd.s32 $0x1, s30;
	v38 =	vor.u32 v4, v20;
	[tilespmem:s16+$0xB0] =	vst v24;
	v24 =	vor.u32 s21, v11  }
0xd3: {  	v20 =	vand.u32 $0x4, v31;
	v39 =	vmov s29;
	[tilespmem:s16+$0xFFFFFFB0] =	vst v34;
	v31 =	vld.idx.msk [tilespmem:v28+s18+$0x0], $0xffff;
	v24 =	vand.u32 $0x78, v24  }
0xd4: {  	v40 =	vor.u32 s29, v19;
	v41 =	vld.idx.msk [tilespmem:v25+s18+$0x0], $0xffff;
	v25 =	vand.u32 $0x78, v27;
	[tilespmem:s16+$0x30] =	vst v33;
	v24 =	vor.u32 v24, v16  }
0xd5: {  	s28 =	sadd.s32 $0x2, s30;
	v27 =	vand.u32 $0x78, v37;
	v25 =	vor.u32 v25, v14;
	v42 =	vld.idx.msk [tilespmem:v36+s18+$0x0], $0xffff;
	v24 =	vor.u32 v5, v24  }
0xd6: {  	v28 =	vmov s28;
	v27 =	vor.u32 v27, v12;
	[tilespmem:s16+$0xFFFFFF30] =	vst v26;
	v26 =	vor.u32 v5, v25  }
0xd7: {  	v34 =	vor.u32 s28, v19;
	v25 =	vor.u32 v32, v9;
	v33 =	vld.idx.msk [tilespmem:v38+s18+$0x0], $0xffff;
	v38 =	vor.u32 v5, v27  }
.Ltmp0:
0xd8: {  	v27 =	vor.u32 v29, v9;
	v29 =	vand.u32 $0x78, v35;
	v35 =	vand.u32 $0x78, v30;
	(pc) =	sbr.rel @p1 .LBB2_3-.Ltmp0, $4  }
0xd9: {  	v23 =	vor.u32 v23, v20;
	v30 =	vor.u32 s21, v10;
	v27 =	vor.u32 v5, v27;
	[tilespmem:s16+$0xC0] =	vst v31  }
0xda: {  	v37 =	vand.u32 $0x78, v40;
	v32 =	vor.u32 v29, v14;
	[tilespmem:s16+$0xFFFFFFC0] =	vst v41;
	v31 =	vld.idx.msk [tilespmem:v24+s18+$0x0], $0xffff;
	v24 =	vand.u32 $0x78, v30  }
0xdb: {  	v36 =	vor.u32 v0, v23;
	v23 =	vand.u32 $0x5, v39;
	v29 =	vld.idx.msk [tilespmem:v26+s18+$0x0], $0xffff;
	[tilespmem:s16+$0x40] =	vst v42;
	v24 =	vor.u32 v24, v16  }
0xdc: {  	s0 =	sadd.s32 $0x3, s23;
	s30 =	sadd.s32 $0x4, s30;
	v37 =	vor.u32 v37, v23;
	v35 =	vor.u32 v35, v12;
	v30 =	vld.idx.msk [tilespmem:v38+s18+$0x0], $0xffff;
	v26 =	vor.u32 v6, v24  }
0xdd: {  	v24 =	vmov s0;
	v19 =	vor.u32 s0, v19  }
0xde: {  	v34 =	vand.u32 $0x78, v34;
	v37 =	vor.u32 v0, v37;
	v39 =	vor.u32 s0, v18  }
0xdf: {  	v40 =	vor.u32 s29, v18;
	v19 =	vand.u32 $0x78, v19;
	v24 =	vand.u32 $0x7, v24  }
0xe0: {  	v41 =	vor.u32 s28, v18;
	v38 =	vor.u32 v19, v24;
	v19 =	vand.u32 $0x6, v28  }
0xe1: {  	v51 =	vor.u32 s23, v18;
	v50 =	vor.u32 v0, v38;
	v34 =	vor.u32 v34, v19  }
0xe2: {  	v44 =	vor.u32 s0, v17;
	v45 =	vor.u32 s29, v17;
	v34 =	vor.u32 v0, v34  }
0xe3: {  	v46 =	vor.u32 s29, v15;
	[tilespmem:s16+$0xFFFFFF40] =	vst v33;
	v33 =	vor.u32 s29, v13;
	v18 =	vand.u32 $0x78, v51  }
0xe4: {  	v36 =	vld.idx.msk [tilespmem:v36+s18+$0x0], $0xffff;
	v47 =	vor.u32 s29, v10;
	v40 =	vand.u32 $0x78, v40;
	v18 =	vor.u32 v18, v20  }
0xe5: {  	v39 =	vand.u32 $0x78, v39;
	v40 =	vor.u32 v40, v23;
	v43 =	vor.u32 v1, v18;
	v37 =	vld.idx.msk [tilespmem:v37+s18+$0x0], $0xffff  }
0xe6: {  	v52 =	vand.u32 $0x78, v41;
	v39 =	vor.u32 v39, v24;
	v40 =	vor.u32 v1, v40;
	v42 =	vld.idx.msk [tilespmem:v50+s18+$0x0], $0xffff  }
0xe7: {  	v48 =	vor.u32 s29, v11;
	v39 =	vor.u32 v1, v39;
	v28 =	vor.u32 v52, v19;
	v34 =	vld.idx.msk [tilespmem:v34+s18+$0x0], $0xffff  }
0xe8: {  	s2 =	sadd.s32 $0x200, s16;
	v57 =	vor.u32 s28, v17;
	v60 =	vor.u32 s23, v17;
	v53 =	vor.u32 v1, v28  }
0xe9: {  	v32 =	vor.u32 v6, v32;
	v35 =	vor.u32 v6, v35;
	v17 =	vand.u32 $0x78, v60;
	[tilespmem:s2+$0xFFFFFF00] =	vst v36  }
0xea: {  	v25 =	vor.u32 v6, v25;
	v55 =	vand.u32 $0x78, v45;
	v17 =	vor.u32 v17, v20;
	v63 =	vld.idx.msk [tilespmem:v43+s18+$0x0], $0xffff;
	[tilespmem:s2+$0xFFFFFF80] =	vst v37  }
0xeb: {  	v54 =	vand.u32 $0x78, v44;
	v44 =	vor.u32 v55, v23;
	v17 =	vor.u32 v2, v17;
	v58 =	vld.idx.msk [tilespmem:v40+s18+$0x0], $0xffff;
	[tilespmem:s2+$0x80] =	vst v42  }
0xec: {  	v62 =	vor.u32 v2, v44;
	v42 =	vor.u32 v54, v24;
	v56 =	vld.idx.msk [tilespmem:v39+s18+$0x0], $0xffff;
	[tilespmem:s2+$0x0] =	vst v34;
	v39 =	vand.u32 $0x78, v57  }
0xed: {  	v22 =	vand.u32 $0x78, v22;
	v59 =	vor.u32 v2, v42;
	v61 =	vld.idx.msk [tilespmem:v53+s18+$0x0], $0xffff;
	v39 =	vor.u32 v39, v19  }
0xee: {  	v21 =	vand.u32 $0x78, v21;
	[tilespmem:s16+$0xD0] =	vst v31;
	v44 =	vor.u32 s23, v15;
	v39 =	vor.u32 v2, v39  }
0xef: {  	v49 =	vand.u32 $0x78, v46;
	v33 =	vand.u32 $0x78, v33;
	v37 =	vand.u32 $0x78, v44;
	[tilespmem:s2+$0xFFFFFF10] =	vst v63  }
0xf0: {  	v43 =	vor.u32 s0, v15;
	v50 =	vor.u32 s28, v15;
	v37 =	vor.u32 v37, v20;
	v17 =	vld.idx.msk [tilespmem:v17+s18+$0x0], $0xffff;
	[tilespmem:s2+$0xFFFFFF90] =	vst v58  }
0xf1: {  	v31 =	vand.u32 $0x78, v43;
	v40 =	vor.u32 v49, v23;
	v53 =	vor.u32 v3, v37;
	v51 =	vld.idx.msk [tilespmem:v62+s18+$0x0], $0xffff;
	[tilespmem:s2+$0x90] =	vst v56  }
0xf2: {  	v15 =	vand.u32 $0x78, v50;
	v31 =	vor.u32 v31, v24;
	v40 =	vor.u32 v3, v40;
	v45 =	vld.idx.msk [tilespmem:v59+s18+$0x0], $0xffff;
	[tilespmem:s2+$0x10] =	vst v61  }
0xf3: {  	v14 =	vor.u32 v22, v14;
	v15 =	vor.u32 v15, v19;
	v31 =	vor.u32 v3, v31;
	v39 =	vld.idx.msk [tilespmem:v39+s18+$0x0], $0xffff  }
0xf4: {  	v12 =	vor.u32 v21, v12;
	v55 =	vor.u32 s23, v13;
	[tilespmem:s16+$0x50] =	vst v30;
	v15 =	vor.u32 v3, v15  }
0xf5: {  	v27 =	vld.idx.msk [tilespmem:v27+s18+$0x0], $0xffff;
	v46 =	vor.u32 s28, v10;
	v33 =	vor.u32 v33, v23;
	v58 =	vand.u32 $0x78, v55;
	[tilespmem:s2+$0xFFFFFF20] =	vst v17  }
0xf6: {  	v38 =	vor.u32 s21, v8;
	v54 =	vor.u32 s0, v13;
	v60 =	vor.u32 v58, v20;
	v59 =	vld.idx.msk [tilespmem:v53+s18+$0x0], $0xffff;
	[tilespmem:s2+$0xFFFFFFA0] =	vst v51  }
0xf7: {  	v30 =	vand.u32 $0x78, v54;
	v56 =	vor.u32 s28, v13;
	v61 =	vor.u32 v4, v60;
	v36 =	vld.idx.msk [tilespmem:v40+s18+$0x0], $0xffff;
	[tilespmem:s2+$0xA0] =	vst v45  }
0xf8: {  	v57 =	vor.u32 v4, v33;
	v30 =	vor.u32 v30, v24;
	v13 =	vand.u32 $0x78, v56;
	v31 =	vld.idx.msk [tilespmem:v31+s18+$0x0], $0xffff;
	[tilespmem:s2+$0x20] =	vst v39  }
0xf9: {  	[tilespmem:s16+$0xFFFFFFD0] =	vst v29;
	v52 =	vand.u32 $0x78, v38;
	v30 =	vor.u32 v4, v30;
	v13 =	vor.u32 v13, v19;
	v15 =	vld.idx.msk [tilespmem:v15+s18+$0x0], $0xffff  }
0xfa: {  	v26 =	vld.idx.msk [tilespmem:v26+s18+$0x0], $0xffff;
	v16 =	vor.u32 v52, v16;
	[tilespmem:s16+$0xFFFFFF50] =	vst v27;
	v63 =	vor.u32 s23, v11;
	v13 =	vor.u32 v4, v13  }
0xfb: {  	v38 =	vand.u32 $0x78, v48;
	v32 =	vld.idx.msk [tilespmem:v32+s18+$0x0], $0xffff;
	v16 =	vor.u32 v7, v16;
	v40 =	vand.u32 $0x78, v63;
	[tilespmem:s2+$0xFFFFFF30] =	vst v59  }
0xfc: {  	v37 =	vor.u32 s28, v11;
	v62 =	vor.u32 s0, v11;
	v41 =	vor.u32 v40, v20;
	v22 =	vld.idx.msk [tilespmem:v61+s18+$0x0], $0xffff;
	[tilespmem:s2+$0xFFFFFFB0] =	vst v36  }
0xfd: {  	v29 =	vand.u32 $0x78, v62;
	v43 =	vor.u32 v5, v41;
	v39 =	vor.u32 v38, v23;
	v17 =	vld.idx.msk [tilespmem:v57+s18+$0x0], $0xffff;
	[tilespmem:s2+$0xB0] =	vst v31  }
0xfe: {  	v11 =	vand.u32 $0x78, v37;
	v29 =	vor.u32 v29, v24;
	v30 =	vld.idx.msk [tilespmem:v30+s18+$0x0], $0xffff;
	[tilespmem:s2+$0x30] =	vst v15;
	v15 =	vor.u32 v5, v39  }
0xff: {  	[tilespmem:s16+$0xE0] =	vst v26;
	v44 =	vor.u32 s0, v10;
	v11 =	vor.u32 v11, v19;
	v29 =	vor.u32 v5, v29;
	v13 =	vld.idx.msk [tilespmem:v13+s18+$0x0], $0xffff  }
0x100: {  	v25 =	vld.idx.msk [tilespmem:v25+s18+$0x0], $0xffff;
	[tilespmem:s16+$0xFFFFFFE0] =	vst v32;
	v26 =	vand.u32 $0x78, v44;
	v11 =	vor.u32 v5, v11;
	v45 =	vor.u32 s23, v10  }
0x101: {  	v14 =	vor.u32 v7, v14;
	v16 =	vld.idx.msk [tilespmem:v16+s18+$0x0], $0xffff;
	v26 =	vor.u32 v26, v24;
	v52 =	vand.u32 $0x78, v45;
	[tilespmem:s2+$0xFFFFFF40] =	vst v22  }
0x102: {  	v48 =	vand.u32 $0x78, v47;
	v51 =	vor.u32 v6, v26;
	v26 =	vor.u32 v52, v20;
	v21 =	vld.idx.msk [tilespmem:v43+s18+$0x0], $0xffff;
	[tilespmem:s2+$0xFFFFFFC0] =	vst v17  }
0x103: {  	v18 =	vor.u32 s29, v8;
	v50 =	vor.u32 v48, v23;
	v56 =	vor.u32 v6, v26;
	[tilespmem:s2+$0xC0] =	vst v30;
	v15 =	vld.idx.msk [tilespmem:v15+s18+$0x0], $0xffff  }
0x104: {  	v28 =	vor.u32 s25, v8;
	v53 =	vor.u32 v6, v50;
	v10 =	vand.u32 $0x78, v46;
	v49 =	vld.idx.msk [tilespmem:v29+s18+$0x0], $0xffff;
	[tilespmem:s2+$0x40] =	vst v13  }
0x105: {  	[tilespmem:s26+$0xFFFFFF60] =	vst v25;
	v54 =	vand.u32 $0x78, v28;
	v55 =	vor.u32 s0, v8;
	v10 =	vor.u32 v10, v19;
	v11 =	vld.idx.msk [tilespmem:v11+s18+$0x0], $0xffff  }
0x106: {  	v42 =	vld.idx.msk [tilespmem:v35+s18+$0x0], $0xffff;
	[tilespmem:s26+$0xF0] =	vst v16;
	v58 =	vor.u32 s28, v8;
	v8 =	vor.u32 s23, v8;
	v10 =	vor.u32 v6, v10  }
0x107: {  	v12 =	vor.u32 v7, v12;
	v14 =	vld.idx.msk [tilespmem:v14+s18+$0x0], $0xffff;
	v9 =	vor.u32 v54, v9;
	v8 =	vand.u32 $0x78, v8;
	[tilespmem:s2+$0xFFFFFF50] =	vst v21  }
0x108: {  	v18 =	vand.u32 $0x78, v18;
	v9 =	vor.u32 v7, v9;
	v8 =	vor.u32 v8, v20;
	v16 =	vld.idx.msk [tilespmem:v56+s18+$0x0], $0xffff;
	[tilespmem:s2+$0xFFFFFFD0] =	vst v15  }
0x109: {  	v60 =	vor.u32 v18, v23;
	v8 =	vor.u32 v7, v8;
	v57 =	vand.u32 $0x78, v55;
	[tilespmem:s2+$0xD0] =	vst v49;
	v61 =	vld.idx.msk [tilespmem:v53+s18+$0x0], $0xffff  }
0x10a: {  	v62 =	vand.u32 $0x78, v58;
	v59 =	vor.u32 v57, v24;
	v17 =	vor.u32 v7, v60;
	v13 =	vld.idx.msk [tilespmem:v51+s18+$0x0], $0xffff;
	[tilespmem:s2+$0x50] =	vst v11  }
0x10b: {  	[tilespmem:s16+$0x60] =	vst v42;
	v15 =	vor.u32 v7, v59;
	v11 =	vor.u32 v62, v19;
	v10 =	vld.idx.msk [tilespmem:v10+s18+$0x0], $0xffff  }
0x10c: {  	[tilespmem:s26+$0xFFFFFFF0] =	vst v14;
	v12 =	vld.idx.msk [tilespmem:v12+s18+$0x0], $0xffff;
	v11 =	vor.u32 v7, v11  }
0x10d: {  	v9 =	vld.idx.msk [tilespmem:v9+s18+$0x0], $0xffff;
	[tilespmem:s2+$0xFFFFFF60] =	vst v16  }
0x10e: {  	v8 =	vld.idx.msk [tilespmem:v8+s18+$0x0], $0xffff;
	[tilespmem:s2+$0xFFFFFFE0] =	vst v61  }
0x10f: {  	[tilespmem:s2+$0xE0] =	vst v13;
	v63 =	vld.idx.msk [tilespmem:v17+s18+$0x0], $0xffff  }
0x110: {  	v13 =	vld.idx.msk [tilespmem:v15+s18+$0x0], $0xffff;
	[tilespmem:s2+$0x60] =	vst v10  }
0x111: {  	[tilespmem:s26+$0x70] =	vst v12;
	v10 =	vld.idx.msk [tilespmem:v11+s18+$0x0], $0xffff  }
0x112: {  	s29 =	sadd.s32 s5, s17;
	[tilespmem:s26+$0xFFFFFF70] =	vst v9  }
0x113: {  	s30 =	sshll.u32 s29, $0xA;
	s0 =	sshll.u32 s29, $0x7;
	[tilespmem:s2+$0xFFFFFF70] =	vst v8  }
0x114: {  	s0 =	sand.u32 $0xE00, s0;
	s16 =	sand.u32 $0xFFF8000, s30;
	[tilespmem:s2+$0xFFFFFFF0] =	vst v63  }
0x115: {  	s0 =	sor.u32 s0, s16;
	s16 =	rddreg [dreg:$0x2];
	[tilespmem:s2+$0xF0] =	vst v13  }
0x116: {  	s21 =	simm.s32 $0x16600;
	[tilespmem:s2+$0x70] =	vst v10;
	s2 =	sadd.s32 s16, s0  }
0x117: {  	[hbm4b:s2+s4] =	stream.linear.scatter [tilespmem:s21], [sflag:$0x5], $0x400, $0x38;
	[tilespmem:$0x1A600] =	vst v63  }
0x118: {  	s25 =	simm.s32 $0x16A00;
	s23 =	sadd.s32 s0, s7  }
0x119: {  	[hbm4b:s23+s4] =	stream.linear.scatter [tilespmem:s25], [sflag:$0x5], $0x400, $0x38;
	[tilespmem:$0x1A600] =	vst v63  }
0x11a: {  	s28 =	simm.s32 $0x16E00;
	s26 =	sadd.s32 s0, s8  }
0x11b: {  	[hbm4b:s26+s4] =	stream.linear.scatter [tilespmem:s28], [sflag:$0x5], $0x400, $0x38;
	[tilespmem:$0x1A600] =	vst v63  }
0x11c: {  	s30 =	simm.s32 $0x17200;
	s29 =	sadd.s32 s0, s9  }
0x11d: {  	[hbm4b:s29+s4] =	stream.linear.scatter [tilespmem:s30], [sflag:$0x5], $0x400, $0x38;
	[tilespmem:$0x1A600] =	vst v63  }
0x11e: {  	s21 =	sadd.s32 s0, s10;
	s23 =	simm.s32 $0x17600  }
0x11f: {  	[hbm4b:s21+s4] =	stream.linear.scatter [tilespmem:s23], [sflag:$0x5], $0x400, $0x38;
	[tilespmem:$0x1A600] =	vst v63  }
0x120: {  	p1 =	sne.s32 s1, $0x31;
	s25 =	sadd.s32 s0, s11;
	s26 =	simm.s32 $0x17A00  }
0x121: {  	[hbm4b:s25+s4] =	stream.linear.scatter [tilespmem:s26], [sflag:$0x5], $0x400, $0x38;
	[tilespmem:$0x1A600] =	vst v63  }
.Ltmp1:
0x122: {  	_ = 	snop;
	(pc) =	sbr.rel @p1 .LBB2_6-.Ltmp1, $4  }
0x123: {  	s28 =	sadd.s32 s0, s12;
	s29 =	simm.s32 $0x17E00  }
0x124: {  	[hbm4b:s28+s4] =	stream.linear.scatter [tilespmem:s29], [sflag:$0x5], $0x400, $0x38;
	[tilespmem:$0x1A600] =	vst v63  }
0x125: {  	s0 =	sadd.s32 s0, s13;
	s30 =	simm.s32 $0x18200  }
0x126: {  	[hbm4b:s0+s4] =	stream.linear.scatter [tilespmem:s30], [sflag:$0x5], $0x400, $0x38;
	[tilespmem:$0x1A600] =	vst v63  }
.Ltmp2:
0x127: {  	(pc) =	sbr.rel .LBB2_7-.Ltmp2, $4  }
0x128: {  	s0 =	simm.s32 $0x2  }
0x129: {  	_ =	swait.ge [sflag:s0], $0x4000  }
0x12a: {  	[sflag:s0] =	ssyncset.done $0x0  }
0x12b: {  	[sflag:s0] =	ssyncadd.s32 $0xFFFFC000  }
.LBB2_6:
0x12c: {  	v8 =	vld [tilespmem:s15+$0x200];
	_ =	sdelay $0x4  }
0x12d: {  	v8 =	vshrl.u32 v8, $0x1  }
0x12e: {  	[tilespmem:$0x6400] =	vst v8  }
0x12f: {  	v8 =	vld [tilespmem:s15+$0x210];
	_ =	sdelay $0x4  }
0x130: {  	v8 =	vshrl.u32 v8, $0x1  }
0x131: {  	[tilespmem:$0x6410] =	vst v8  }
0x132: {  	v8 =	vld [tilespmem:s15+$0x220];
	_ =	sdelay $0x4  }
0x133: {  	v8 =	vshrl.u32 v8, $0x1  }
0x134: {  	[tilespmem:$0x6420] =	vst v8  }
0x135: {  	v8 =	vld [tilespmem:s15+$0x230];
	_ =	sdelay $0x4  }
0x136: {  	v8 =	vshrl.u32 v8, $0x1  }
0x137: {  	[tilespmem:$0x6430] =	vst v8  }
0x138: {  	v8 =	vld [tilespmem:s15+$0x240];
	_ =	sdelay $0x4  }
0x139: {  	v8 =	vshrl.u32 v8, $0x1  }
0x13a: {  	[tilespmem:$0x6440] =	vst v8  }
0x13b: {  	v8 =	vld [tilespmem:s15+$0x250];
	_ =	sdelay $0x4  }
0x13c: {  	v8 =	vshrl.u32 v8, $0x1  }
0x13d: {  	[tilespmem:$0x6450] =	vst v8  }
0x13e: {  	v8 =	vld [tilespmem:s15+$0x260];
	_ =	sdelay $0x4  }
0x13f: {  	v8 =	vshrl.u32 v8, $0x1  }
0x140: {  	[tilespmem:$0x6460] =	vst v8  }
0x141: {  	v8 =	vld [tilespmem:s15+$0x270];
	_ =	sdelay $0x4  }
0x142: {  	s0 =	simm.s32 $0x80;
	v8 =	vshrl.u32 v8, $0x1  }
.Ltmp3:
0x143: {  	s2 =	simm.s32 $0x6400;
	s30 =	simm.s32 $0x2;
	[tilespmem:$0x6470] =	vst v8;
	(pc) =	sbr.rel @p0 .LBB2_8-.Ltmp3, $4  }
0x144: {  	[tilespmem:s18], [sflag:$0x1] =	stream.indirect.gather [hbm4b:s3+s0], $0x80, s2, s0, $0xb8;
	[tilespmem:$0x1A600] =	vst v63  }
0x145: {  	_ =	swait.ge [sflag:s30], $0x4000  }
0x146: {  	[sflag:s30] =	ssyncset.done $0x0  }
0x147: {  	[sflag:s30] =	ssyncadd.s32 $0xFFFFC000  }
.LBB2_7:
0x148: {  	_ =	swait.ge [sflag:s6], $0x400  }
0x149: {  	[sflag:s6] =	ssyncset.done $0x0  }
0x14a: {  	[sflag:s6] =	ssyncadd.s32 $0xFFFFFC00  }
0x14b: {  	_ =	swait.ge [sflag:s6], $0x400  }
0x14c: {  	[sflag:s6] =	ssyncset.done $0x0  }
0x14d: {  	[sflag:s6] =	ssyncadd.s32 $0xFFFFFC00  }
0x14e: {  	_ =	swait.ge [sflag:s6], $0x400  }
0x14f: {  	[sflag:s6] =	ssyncset.done $0x0  }
0x150: {  	[sflag:s6] =	ssyncadd.s32 $0xFFFFFC00  }
0x151: {  	_ =	swait.ge [sflag:s6], $0x400  }
0x152: {  	[sflag:s6] =	ssyncset.done $0x0  }
0x153: {  	[sflag:s6] =	ssyncadd.s32 $0xFFFFFC00  }
0x154: {  	_ =	swait.ge [sflag:s6], $0x400  }
0x155: {  	[sflag:s6] =	ssyncset.done $0x0  }
0x156: {  	[sflag:s6] =	ssyncadd.s32 $0xFFFFFC00  }
0x157: {  	_ =	swait.ge [sflag:s6], $0x400  }
0x158: {  	[sflag:s6] =	ssyncset.done $0x0  }
0x159: {  	[sflag:s6] =	ssyncadd.s32 $0xFFFFFC00  }
0x15a: {  	_ =	swait.ge [sflag:s6], $0x400  }
0x15b: {  	[sflag:s6] =	ssyncset.done $0x0  }
0x15c: {  	[sflag:s6] =	ssyncadd.s32 $0xFFFFFC00  }
0x15d: {  	_ =	swait.ge [sflag:s6], $0x400  }
0x15e: {  	[sflag:s6] =	ssyncset.done $0x0  }
0x15f: {  	[sflag:s6] =	ssyncadd.s32 $0xFFFFFC00  }
.LBB2_8:
0x160: {  	s23 =	sor.u32 $0x1, s17  }
0x161: {  	s0 =	sshll.u32 s23, $0x7  }
0x162: {  	s0 =	sand.u32 $0x3FFFFF80, s0  }
0x163: {  	v8 =	vld [tilespmem:s0+$0x0]  }
0x164: {  	v9 =	vld [tilespmem:s0+$0x10]  }
0x165: {  	v10 =	vld [tilespmem:s0+$0x20]  }
0x166: {  	v11 =	vld [tilespmem:s0+$0x30]  }
0x167: {  	v12 =	vld [tilespmem:s0+$0x40]  }
0x168: {  	v13 =	vld [tilespmem:s0+$0x50]  }
0x169: {  	v17 =	vld [tilespmem:s0+$0x60]  }
0x16a: {  	v18 =	vld [tilespmem:s0+$0x70]  }
0x16b: {  	s2 =	simm.s32 $0x2  }
0x16c: {  	v20 =	vmov s2;
	v19 =	vshll.u32 v8, $0x6  }
0x16d: {  	v16 =	vshll.u32 v9, $0x6;
	v15 =	vshll.u32 v10, $0x6;
	v14 =	vshll.u32 v11, $0x6  }
0x16e: {  	s16 =	simm.s32 $0x0;
	v12 =	vshll.u32 v12, $0x6;
	v11 =	vshll.u32 v13, $0x6;
	v10 =	vshll.u32 v17, $0x6  }
0x16f: {  	s25 =	simm.s32 $0x1;
	s30 =	simm.s32 $0x3;
	v8 =	vshll.u32 v18, $0x6;
	v13 =	vmov s16;
	v9 =	vor.u32 s16, v19  }
0x170: {  	v18 =	vor.u32 s25, v19;
	v21 =	vor.u32 s2, v19;
	v24 =	vor.u32 s30, v19  }
0x171: {  	v17 =	vand.u32 $0x78, v9;
	v9 =	vand.u32 $0x4, v13;
	v13 =	vmov s25  }
0x172: {  	v23 =	vand.u32 $0x78, v18;
	v18 =	vmov s30;
	v22 =	vor.u32 v17, v9  }
0x173: {  	v17 =	vand.u32 $0x5, v13;
	v13 =	vand.u32 $0x78, v24;
	v18 =	vand.u32 $0x7, v18  }
0x174: {  	v25 =	vor.u32 s25, v16;
	v21 =	vand.u32 $0x78, v21;
	v24 =	vor.u32 v13, v18  }
0x175: {  	v23 =	vor.u32 v23, v17;
	v13 =	vand.u32 $0x6, v20;
	v20 =	vor.u32 v0, v24  }
0x176: {  	v26 =	vor.u32 s2, v16;
	v23 =	vor.u32 v0, v23;
	v21 =	vor.u32 v21, v13  }
0x177: {  	v27 =	vor.u32 s16, v16;
	v28 =	vor.u32 s30, v15;
	v21 =	vor.u32 v0, v21  }
0x178: {  	v29 =	vor.u32 s25, v15;
	v30 =	vor.u32 s2, v15;
	v24 =	vor.u32 s30, v16  }
0x179: {  	v32 =	vor.u32 s16, v12;
	v22 =	vor.u32 v0, v22;
	v24 =	vand.u32 $0x78, v24  }
0x17a: {  	v33 =	vor.u32 s16, v14;
	v25 =	vand.u32 $0x78, v25;
	v24 =	vor.u32 v24, v18;
	v20 =	vld.idx.msk [tilespmem:v20+s20+$0x0], $0xffff  }
0x17b: {  	v26 =	vand.u32 $0x78, v26;
	v25 =	vor.u32 v25, v17;
	v24 =	vor.u32 v1, v24;
	v23 =	vld.idx.msk [tilespmem:v23+s20+$0x0], $0xffff  }
0x17c: {  	v34 =	vor.u32 s25, v14;
	v26 =	vor.u32 v26, v13;
	v25 =	vor.u32 v1, v25;
	v21 =	vld.idx.msk [tilespmem:v21+s20+$0x0], $0xffff  }
0x17d: {  	v52 =	vor.u32 s2, v14;
	v27 =	vand.u32 $0x78, v27;
	v26 =	vor.u32 v1, v26  }
0x17e: {  	s28 =	simm.s32 $0x18700;
	v36 =	vor.u32 s30, v12;
	v37 =	vor.u32 s25, v10;
	v27 =	vor.u32 v27, v9;
	v22 =	vld.idx.msk [tilespmem:v22+s20+$0x0], $0xffff  }
0x17f: {  	v57 =	vor.u32 s25, v11;
	v28 =	vand.u32 $0x78, v28;
	v27 =	vor.u32 v1, v27;
	[tilespmem:s28+$0x80] =	vst v20  }
0x180: {  	v29 =	vand.u32 $0x78, v29;
	v30 =	vand.u32 $0x78, v30;
	v28 =	vor.u32 v28, v18;
	[tilespmem:s28+$0xFFFFFF80] =	vst v23;
	v23 =	vld.idx.msk [tilespmem:v24+s20+$0x0], $0xffff  }
0x181: {  	v29 =	vor.u32 v29, v17;
	v20 =	vor.u32 v2, v28;
	v28 =	vor.u32 s16, v15;
	v25 =	vld.idx.msk [tilespmem:v25+s20+$0x0], $0xffff;
	[tilespmem:s28+$0x0] =	vst v21  }
0x182: {  	v30 =	vor.u32 v30, v13;
	v24 =	vor.u32 v2, v29;
	v28 =	vand.u32 $0x78, v28;
	v26 =	vld.idx.msk [tilespmem:v26+s20+$0x0], $0xffff  }
0x183: {  	v38 =	vor.u32 s2, v11;
	[tilespmem:s28+$0xFFFFFF00] =	vst v22;
	v29 =	vor.u32 v2, v30;
	v21 =	vor.u32 v28, v9  }
0x184: {  	s29 =	simm.s32 $0x5;
	v39 =	vor.u32 s30, v11;
	v27 =	vld.idx.msk [tilespmem:v27+s20+$0x0], $0xffff;
	v31 =	vor.u32 v2, v21;
	v21 =	vor.u32 s30, v14  }
0x185: {  	v58 =	vor.u32 s29, v19;
	v36 =	vand.u32 $0x78, v36;
	v21 =	vand.u32 $0x78, v21;
	[tilespmem:s28+$0x90] =	vst v23  }
0x186: {  	v32 =	vand.u32 $0x78, v32;
	v22 =	vand.u32 $0x78, v34;
	v21 =	vor.u32 v21, v18;
	[tilespmem:s28+$0xFFFFFF90] =	vst v25;
	v20 =	vld.idx.msk [tilespmem:v20+s20+$0x0], $0xffff  }
0x187: {  	v22 =	vor.u32 v22, v17;
	v23 =	vand.u32 $0x78, v52;
	v53 =	vor.u32 v3, v21;
	v24 =	vld.idx.msk [tilespmem:v24+s20+$0x0], $0xffff;
	[tilespmem:s28+$0x10] =	vst v26  }
0x188: {  	v60 =	vand.u32 $0x78, v38;
	v22 =	vor.u32 v3, v22;
	v21 =	vor.u32 v23, v13;
	v29 =	vld.idx.msk [tilespmem:v29+s20+$0x0], $0xffff  }
0x189: {  	v36 =	vor.u32 v36, v18;
	[tilespmem:s28+$0xFFFFFF10] =	vst v27;
	v23 =	vand.u32 $0x78, v33;
	v54 =	vor.u32 v3, v21  }
0x18a: {  	v55 =	vor.u32 v4, v36;
	v30 =	vor.u32 s16, v10;
	v35 =	vor.u32 v23, v9;
	v31 =	vld.idx.msk [tilespmem:v31+s20+$0x0], $0xffff  }
0x18b: {  	v28 =	vor.u32 s16, v11;
	v27 =	vor.u32 s25, v12;
	v35 =	vor.u32 v3, v35;
	[tilespmem:s28+$0xA0] =	vst v20  }
0x18c: {  	v30 =	vand.u32 $0x78, v30;
	v20 =	vand.u32 $0x78, v27;
	v27 =	vor.u32 s2, v12;
	[tilespmem:s28+$0xFFFFFFA0] =	vst v24;
	v24 =	vld.idx.msk [tilespmem:v53+s20+$0x0], $0xffff  }
0x18d: {  	v28 =	vand.u32 $0x78, v28;
	v20 =	vor.u32 v20, v17;
	v27 =	vand.u32 $0x78, v27;
	v22 =	vld.idx.msk [tilespmem:v22+s20+$0x0], $0xffff;
	[tilespmem:s28+$0x20] =	vst v29  }
0x18e: {  	s26 =	simm.s32 $0x4;
	v28 =	vor.u32 v28, v9;
	v29 =	vor.u32 v4, v20;
	v20 =	vor.u32 v27, v13;
	v33 =	vld.idx.msk [tilespmem:v54+s20+$0x0], $0xffff  }
0x18f: {  	v25 =	vmov s26;
	v26 =	vor.u32 s26, v19;
	[tilespmem:s28+$0xFFFFFF20] =	vst v31;
	v56 =	vor.u32 v4, v20  }
0x190: {  	v23 =	vor.u32 s25, v8;
	v21 =	vor.u32 s2, v8;
	v35 =	vld.idx.msk [tilespmem:v35+s20+$0x0], $0xffff;
	v20 =	vor.u32 v32, v9  }
0x191: {  	v31 =	vor.u32 v4, v20;
	v20 =	vand.u32 $0x4, v25;
	v25 =	vand.u32 $0x78, v39;
	[tilespmem:s28+$0xB0] =	vst v24  }
0x192: {  	v26 =	vand.u32 $0x78, v26;
	v32 =	vand.u32 $0x78, v57;
	v25 =	vor.u32 v25, v18;
	[tilespmem:s28+$0xFFFFFFB0] =	vst v22;
	v22 =	vld.idx.msk [tilespmem:v55+s20+$0x0], $0xffff  }
0x193: {  	v27 =	vor.u32 s2, v10;
	v32 =	vor.u32 v32, v17;
	v61 =	vor.u32 v5, v25;
	v59 =	vld.idx.msk [tilespmem:v29+s20+$0x0], $0xffff;
	[tilespmem:s28+$0x30] =	vst v33  }
0x194: {  	v62 =	vand.u32 $0x78, v27;
	v40 =	vor.u32 v5, v32;
	v33 =	vor.u32 v60, v13;
	v36 =	vld.idx.msk [tilespmem:v56+s20+$0x0], $0xffff  }
0x195: {  	s21 =	simm.s32 $0x6;
	v27 =	vor.u32 v5, v28;
	v28 =	vand.u32 $0x78, v58;
	[tilespmem:s28+$0xFFFFFF30] =	vst v35;
	v41 =	vor.u32 v5, v33  }
0x196: {  	v32 =	vor.u32 s21, v19;
	v26 =	vor.u32 v26, v20;
	v24 =	vmov s29;
	v31 =	vld.idx.msk [tilespmem:v31+s20+$0x0], $0xffff  }
0x197: {  	v25 =	vor.u32 v30, v9;
	v30 =	vand.u32 $0x78, v37;
	[tilespmem:s28+$0xC0] =	vst v22;
	v22 =	vor.u32 s30, v10  }
0x198: {  	v34 =	vor.u32 v0, v26;
	v37 =	vor.u32 v62, v13;
	[tilespmem:s28+$0xFFFFFFC0] =	vst v59;
	v33 =	vld.idx.msk [tilespmem:v61+s20+$0x0], $0xffff;
	v63 =	vand.u32 $0x78, v22  }
0x199: {  	v35 =	vor.u32 v30, v17;
	v22 =	vand.u32 $0x5, v24;
	v30 =	vld.idx.msk [tilespmem:v40+s20+$0x0], $0xffff;
	[tilespmem:s28+$0x40] =	vst v36;
	v24 =	vor.u32 v63, v18  }
0x19a: {  	s0 =	simm.s32 $0x8;
	s25 =	simm.s32 $0x18700;
	s2 =	simm.s32 $0x7;
	v29 =	vmov s21;
	v36 =	vor.u32 v28, v22;
	v28 =	vld.idx.msk [tilespmem:v41+s20+$0x0], $0xffff;
	v26 =	vor.u32 v6, v24  }
.LBB2_9:
0x19b: {  	p0 =	slt.u32 s0, $0x3C;
	v24 =	vmov s2;
	v38 =	vor.u32 s2, v19;
	[tilespmem:s28+$0xFFFFFF40] =	vst v31;
	v31 =	vor.u32 v6, v35  }
0x19c: {  	v37 =	vor.u32 v6, v37;
	v35 =	vand.u32 $0x78, v38;
	v24 =	vand.u32 $0x7, v24;
	v27 =	vld.idx.msk [tilespmem:v27+s20+$0x0], $0xffff  }
0x19d: {  	v36 =	vor.u32 v0, v36;
	v32 =	vand.u32 $0x78, v32;
	v35 =	vor.u32 v35, v24  }
0x19e: {  	v29 =	vand.u32 $0x6, v29;
	v34 =	vld.idx.msk [tilespmem:v34+s20+$0x0], $0xffff;
	v35 =	vor.u32 v0, v35;
	[tilespmem:s28+$0xD0] =	vst v33;
	v33 =	vor.u32 s30, v8;
	s30 =	smov.u32 s2  }
0x19f: {  	v25 =	vor.u32 v6, v25;
	v32 =	vor.u32 v32, v29;
	[tilespmem:s28+$0xFFFFFFD0] =	vst v30;
	v26 =	vld.idx.msk [tilespmem:v26+s20+$0x0], $0xffff;
	v30 =	vand.u32 $0x78, v33  }
0x1a0: {  	v23 =	vand.u32 $0x78, v23;
	v32 =	vor.u32 v0, v32;
	v31 =	vld.idx.msk [tilespmem:v31+s20+$0x0], $0xffff;
	[tilespmem:s28+$0x50] =	vst v28;
	v30 =	vor.u32 v30, v18  }
0x1a1: {  	v21 =	vand.u32 $0x78, v21;
	v38 =	vor.u32 v23, v17;
	v18 =	vmovc v24;
	v23 =	vld.idx.msk [tilespmem:v37+s20+$0x0], $0xffff;
	v28 =	vor.u32 v7, v30  }
0x1a2: {  	v30 =	vor.u32 s30, v16;
	v24 =	vld.idx.msk [tilespmem:v36+s20+$0x0], $0xffff;
	[tilespmem:s28+$0xFFFFFF50] =	vst v27;
	v27 =	vor.u32 v7, v38;
	v36 =	vor.u32 v21, v13  }
0x1a3: {  	v17 =	vmovc v22;
	v21 =	vor.u32 s29, v16;
	v30 =	vand.u32 $0x78, v30;
	v13 =	vmovc v29;
	v33 =	vld.idx.msk [tilespmem:v35+s20+$0x0], $0xffff;
	v35 =	vor.u32 v7, v36  }
0x1a4: {  	v22 =	vor.u32 s21, v16;
	v21 =	vand.u32 $0x78, v21;
	v29 =	vor.u32 v30, v18;
	v25 =	vld.idx.msk [tilespmem:v25+s20+$0x0], $0xffff  }
0x1a5: {  	v22 =	vand.u32 $0x78, v22;
	v21 =	vor.u32 v21, v17;
	v29 =	vor.u32 v1, v29;
	v30 =	vld.idx.msk [tilespmem:v32+s20+$0x0], $0xffff;
	[tilespmem:s28+$0xE0] =	vst v26  }
0x1a6: {  	v22 =	vor.u32 v22, v13;
	v26 =	vor.u32 s26, v16;
	v21 =	vor.u32 v1, v21;
	[tilespmem:s28+$0xFFFFFFE0] =	vst v31;
	v28 =	vld.idx.msk [tilespmem:v28+s20+$0x0], $0xffff  }
0x1a7: {  	v22 =	vor.u32 v1, v22;
	v26 =	vand.u32 $0x78, v26;
	v31 =	vor.u32 s16, v8;
	s16 =	smov.u32 s26;
	s26 =	smov.u32 s0;
	v27 =	vld.idx.msk [tilespmem:v27+s20+$0x0], $0xffff;
	[tilespmem:s28+$0x60] =	vst v23  }
0x1a8: {  	v23 =	vor.u32 v26, v20;
	v26 =	vand.u32 $0x78, v31;
	s28 =	sadd.s32 $0x200, s28;
	v31 =	vld.idx.msk [tilespmem:v35+s20+$0x0], $0xffff  }
0x1a9: {  	v32 =	vor.u32 s30, v15;
	v23 =	vor.u32 v1, v23;
	v26 =	vor.u32 v26, v9;
	v9 =	vmovc v20;
	[tilespmem:s28+$0x80] =	vst v33  }
0x1aa: {  	v20 =	vor.u32 s29, v15;
	v26 =	vor.u32 v7, v26;
	[tilespmem:s28+$0xFFFFFF80] =	vst v24;
	v24 =	vld.idx.msk [tilespmem:v29+s20+$0x0], $0xffff;
	v29 =	vand.u32 $0x78, v32  }
0x1ab: {  	v20 =	vand.u32 $0x78, v20;
	v21 =	vld.idx.msk [tilespmem:v21+s20+$0x0], $0xffff;
	[tilespmem:s28+$0x0] =	vst v30;
	v30 =	vor.u32 s21, v15;
	v29 =	vor.u32 v29, v18  }
0x1ac: {  	v20 =	vor.u32 v20, v17;
	v22 =	vld.idx.msk [tilespmem:v22+s20+$0x0], $0xffff;
	v30 =	vand.u32 $0x78, v30;
	v29 =	vor.u32 v2, v29;
	[tilespmem:s25+$0xF0] =	vst v28  }
0x1ad: {  	v20 =	vor.u32 v2, v20;
	v28 =	vor.u32 s16, v15;
	[tilespmem:s28+$0xFFFFFF00] =	vst v34;
	v30 =	vor.u32 v30, v13  }
0x1ae: {  	v28 =	vand.u32 $0x78, v28;
	v23 =	vld.idx.msk [tilespmem:v23+s20+$0x0], $0xffff;
	v30 =	vor.u32 v2, v30;
	[tilespmem:s25+$0xFFFFFF60] =	vst v25  }
0x1af: {  	v32 =	vor.u32 s16, v10;
	v25 =	vor.u32 v28, v9;
	v28 =	vor.u32 s16, v11;
	v26 =	vld.idx.msk [tilespmem:v26+s20+$0x0], $0xffff;
	[tilespmem:s25+$0xFFFFFFF0] =	vst v27  }
0x1b0: {  	v25 =	vor.u32 v2, v25;
	v27 =	vor.u32 s16, v12;
	[tilespmem:s28+$0x90] =	vst v24;
	v24 =	vor.u32 s30, v14  }
0x1b1: {  	v33 =	vor.u32 s16, v14;
	[tilespmem:s28+$0xFFFFFF90] =	vst v21;
	v21 =	vor.u32 s29, v14;
	v29 =	vld.idx.msk [tilespmem:v29+s20+$0x0], $0xffff;
	v24 =	vand.u32 $0x78, v24  }
0x1b2: {  	v20 =	vld.idx.msk [tilespmem:v20+s20+$0x0], $0xffff;
	v21 =	vand.u32 $0x78, v21;
	[tilespmem:s28+$0x10] =	vst v22;
	v22 =	vor.u32 s21, v14;
	v24 =	vor.u32 v24, v18  }
0x1b3: {  	v21 =	vor.u32 v21, v17;
	v30 =	vld.idx.msk [tilespmem:v30+s20+$0x0], $0xffff;
	v22 =	vand.u32 $0x78, v22;
	v24 =	vor.u32 v3, v24;
	[tilespmem:s25+$0x70] =	vst v31  }
0x1b4: {  	v31 =	vmov s0;
	[tilespmem:s28+$0xFFFFFF10] =	vst v23;
	v34 =	vor.u32 v3, v21;
	v21 =	vor.u32 v22, v13  }
0x1b5: {  	v22 =	vor.u32 s0, v19;
	v23 =	vand.u32 $0x78, v33;
	v25 =	vld.idx.msk [tilespmem:v25+s20+$0x0], $0xffff;
	v33 =	vor.u32 v3, v21;
	[tilespmem:s25+$0xFFFFFF70] =	vst v26;
	s25 =	smov.u32 s28  }
0x1b6: {  	v26 =	vor.u32 v23, v9;
	v23 =	vor.u32 s29, v8;
	v21 =	vor.u32 s21, v8  }
0x1b7: {  	v35 =	vand.u32 $0x78, v32;
	v26 =	vor.u32 v3, v26;
	[tilespmem:s28+$0xA0] =	vst v29;
	v29 =	vor.u32 s30, v12  }
0x1b8: {  	v36 =	vor.u32 s29, v10;
	[tilespmem:s28+$0xFFFFFFA0] =	vst v20;
	v20 =	vor.u32 s29, v12;
	v24 =	vld.idx.msk [tilespmem:v24+s20+$0x0], $0xffff;
	v29 =	vand.u32 $0x78, v29  }
0x1b9: {  	v32 =	vld.idx.msk [tilespmem:v34+s20+$0x0], $0xffff;
	v20 =	vand.u32 $0x78, v20;
	[tilespmem:s28+$0x20] =	vst v30;
	v30 =	vor.u32 s21, v12;
	v29 =	vor.u32 v29, v18  }
0x1ba: {  	v20 =	vor.u32 v20, v17;
	v33 =	vld.idx.msk [tilespmem:v33+s20+$0x0], $0xffff;
	v30 =	vand.u32 $0x78, v30;
	v29 =	vor.u32 v4, v29  }
0x1bb: {  	[tilespmem:s28+$0xFFFFFF20] =	vst v25;
	v25 =	vor.u32 v4, v20;
	v20 =	vor.u32 v30, v13;
	v30 =	vor.u32 s21, v10  }
0x1bc: {  	v28 =	vand.u32 $0x78, v28;
	v27 =	vand.u32 $0x78, v27;
	v26 =	vld.idx.msk [tilespmem:v26+s20+$0x0], $0xffff;
	v34 =	vor.u32 v4, v20  }
0x1bd: {  	v37 =	vor.u32 s21, v11;
	v20 =	vor.u32 v27, v9;
	v27 =	vor.u32 s29, v11  }
0x1be: {  	v22 =	vand.u32 $0x78, v22;
	s29 =	sadd.s32 $0x1, s0;
	v38 =	vor.u32 v4, v20;
	[tilespmem:s28+$0xB0] =	vst v24;
	v24 =	vor.u32 s30, v11  }
0x1bf: {  	v20 =	vand.u32 $0x4, v31;
	v39 =	vmov s29;
	[tilespmem:s28+$0xFFFFFFB0] =	vst v32;
	v40 =	vld.idx.msk [tilespmem:v29+s20+$0x0], $0xffff;
	v24 =	vand.u32 $0x78, v24  }
0x1c0: {  	v41 =	vor.u32 s29, v19;
	v42 =	vld.idx.msk [tilespmem:v25+s20+$0x0], $0xffff;
	v25 =	vand.u32 $0x78, v27;
	[tilespmem:s28+$0x30] =	vst v33;
	v24 =	vor.u32 v24, v18  }
0x1c1: {  	s21 =	sadd.s32 $0x2, s0;
	v27 =	vand.u32 $0x78, v37;
	v25 =	vor.u32 v25, v17;
	v43 =	vld.idx.msk [tilespmem:v34+s20+$0x0], $0xffff;
	v24 =	vor.u32 v5, v24  }
0x1c2: {  	v29 =	vmov s21;
	v27 =	vor.u32 v27, v13;
	[tilespmem:s28+$0xFFFFFF30] =	vst v26;
	v26 =	vor.u32 v5, v25  }
0x1c3: {  	v32 =	vor.u32 s21, v19;
	v25 =	vor.u32 v35, v9;
	v37 =	vor.u32 v5, v27;
	v31 =	vld.idx.msk [tilespmem:v38+s20+$0x0], $0xffff  }
.Ltmp4:
0x1c4: {  	v27 =	vor.u32 v28, v9;
	v28 =	vand.u32 $0x78, v36;
	v38 =	vand.u32 $0x78, v30;
	(pc) =	sbr.rel @p0 .LBB2_9-.Ltmp4, $4  }
0x1c5: {  	v22 =	vor.u32 v22, v20;
	v27 =	vor.u32 v5, v27;
	v30 =	vor.u32 s30, v10;
	[tilespmem:s28+$0xC0] =	vst v40  }
0x1c6: {  	v36 =	vand.u32 $0x78, v41;
	v35 =	vor.u32 v28, v17;
	[tilespmem:s28+$0xFFFFFFC0] =	vst v42;
	v33 =	vld.idx.msk [tilespmem:v24+s20+$0x0], $0xffff;
	v24 =	vand.u32 $0x78, v30  }
0x1c7: {  	v34 =	vor.u32 v0, v22;
	v22 =	vand.u32 $0x5, v39;
	v30 =	vld.idx.msk [tilespmem:v26+s20+$0x0], $0xffff;
	[tilespmem:s28+$0x40] =	vst v43;
	v24 =	vor.u32 v24, v18  }
0x1c8: {  	s2 =	sadd.s32 $0x3, s26;
	s0 =	sadd.s32 $0x4, s0;
	v36 =	vor.u32 v36, v22;
	v28 =	vld.idx.msk [tilespmem:v37+s20+$0x0], $0xffff;
	v37 =	vor.u32 v38, v13;
	v26 =	vor.u32 v6, v24  }
0x1c9: {  	v24 =	vmov s2;
	v19 =	vor.u32 s2, v19  }
0x1ca: {  	v19 =	vand.u32 $0x78, v19;
	v24 =	vand.u32 $0x7, v24  }
0x1cb: {  	v38 =	vor.u32 v19, v24  }
0x1cc: {  	v32 =	vand.u32 $0x78, v32;
	v19 =	vand.u32 $0x6, v29;
	v29 =	vor.u32 v0, v38  }
0x1cd: {  	v35 =	vor.u32 v6, v35;
	v36 =	vor.u32 v0, v36;
	v32 =	vor.u32 v32, v19  }
0x1ce: {  	v37 =	vor.u32 v6, v37;
	v58 =	vor.u32 s30, v8;
	v32 =	vor.u32 v0, v32  }
0x1cf: {  	v25 =	vor.u32 v6, v25;
	v39 =	vor.u32 s2, v16;
	v40 =	vor.u32 s29, v16  }
0x1d0: {  	v41 =	vor.u32 s21, v16;
	v16 =	vor.u32 s26, v16;
	v39 =	vand.u32 $0x78, v39  }
0x1d1: {  	v61 =	vor.u32 s29, v15;
	v40 =	vand.u32 $0x78, v40;
	v39 =	vor.u32 v39, v24;
	v29 =	vld.idx.msk [tilespmem:v29+s20+$0x0], $0xffff  }
0x1d2: {  	[tilespmem:s28+$0xFFFFFF40] =	vst v31;
	v59 =	vand.u32 $0x78, v41;
	v40 =	vor.u32 v40, v22;
	v39 =	vor.u32 v1, v39;
	v31 =	vld.idx.msk [tilespmem:v36+s20+$0x0], $0xffff  }
0x1d3: {  	v16 =	vand.u32 $0x78, v16;
	v60 =	vor.u32 v1, v40;
	v36 =	vor.u32 v59, v19;
	v32 =	vld.idx.msk [tilespmem:v32+s20+$0x0], $0xffff  }
0x1d4: {  	v34 =	vld.idx.msk [tilespmem:v34+s20+$0x0], $0xffff;
	v23 =	vand.u32 $0x78, v23;
	[tilespmem:s28+$0xD0] =	vst v33;
	v16 =	vor.u32 v16, v20;
	v36 =	vor.u32 v1, v36  }
0x1d5: {  	s0 =	sadd.s32 $0x200, s28;
	v62 =	vor.u32 s21, v15;
	[tilespmem:s28+$0xFFFFFFD0] =	vst v30;
	v16 =	vor.u32 v1, v16;
	v30 =	vor.u32 s2, v15  }
0x1d6: {  	v21 =	vand.u32 $0x78, v21;
	v63 =	vand.u32 $0x78, v62;
	[tilespmem:s0+$0x80] =	vst v29;
	v29 =	vand.u32 $0x78, v30  }
0x1d7: {  	v17 =	vor.u32 v23, v17;
	[tilespmem:s0+$0xFFFFFF80] =	vst v31;
	v30 =	vand.u32 $0x78, v61;
	v31 =	vld.idx.msk [tilespmem:v39+s20+$0x0], $0xffff;
	v29 =	vor.u32 v29, v24  }
0x1d8: {  	v15 =	vor.u32 s26, v15;
	v33 =	vld.idx.msk [tilespmem:v60+s20+$0x0], $0xffff;
	v30 =	vor.u32 v30, v22;
	[tilespmem:s0+$0x0] =	vst v32;
	v29 =	vor.u32 v2, v29  }
0x1d9: {  	v15 =	vand.u32 $0x78, v15;
	[tilespmem:s0+$0xFFFFFF00] =	vst v34;
	v32 =	vor.u32 v63, v19;
	v36 =	vld.idx.msk [tilespmem:v36+s20+$0x0], $0xffff;
	v30 =	vor.u32 v2, v30  }
0x1da: {  	[tilespmem:s28+$0x50] =	vst v28;
	v28 =	vor.u32 s2, v14;
	v15 =	vor.u32 v15, v20;
	v16 =	vld.idx.msk [tilespmem:v16+s20+$0x0], $0xffff;
	v23 =	vor.u32 v2, v32  }
0x1db: {  	v13 =	vor.u32 v21, v13;
	v28 =	vand.u32 $0x78, v28;
	v15 =	vor.u32 v2, v15  }
0x1dc: {  	v27 =	vld.idx.msk [tilespmem:v27+s20+$0x0], $0xffff;
	v17 =	vor.u32 v7, v17;
	v28 =	vor.u32 v28, v24;
	v39 =	vor.u32 s29, v14;
	[tilespmem:s0+$0x90] =	vst v31  }
0x1dd: {  	v32 =	vand.u32 $0x78, v39;
	[tilespmem:s0+$0xFFFFFF90] =	vst v33;
	v31 =	vor.u32 s26, v14;
	v14 =	vor.u32 s21, v14;
	v29 =	vld.idx.msk [tilespmem:v29+s20+$0x0], $0xffff  }
0x1de: {  	v28 =	vor.u32 v3, v28;
	v32 =	vor.u32 v32, v22;
	v30 =	vld.idx.msk [tilespmem:v30+s20+$0x0], $0xffff;
	[tilespmem:s0+$0x10] =	vst v36;
	v14 =	vand.u32 $0x78, v14  }
0x1df: {  	[tilespmem:s0+$0xFFFFFF10] =	vst v16;
	v16 =	vor.u32 v3, v32;
	v31 =	vand.u32 $0x78, v31;
	v23 =	vld.idx.msk [tilespmem:v23+s20+$0x0], $0xffff;
	v14 =	vor.u32 v14, v19  }
0x1e0: {  	v13 =	vor.u32 v7, v13;
	v15 =	vld.idx.msk [tilespmem:v15+s20+$0x0], $0xffff;
	v31 =	vor.u32 v31, v20;
	v14 =	vor.u32 v3, v14  }
0x1e1: {  	v38 =	vand.u32 $0x78, v58;
	v26 =	vld.idx.msk [tilespmem:v26+s20+$0x0], $0xffff;
	[tilespmem:s28+$0xFFFFFF50] =	vst v27;
	v27 =	vor.u32 v3, v31;
	v31 =	vor.u32 s2, v12  }
0x1e2: {  	v40 =	vor.u32 s26, v12;
	v31 =	vand.u32 $0x78, v31;
	[tilespmem:s0+$0xA0] =	vst v29;
	v29 =	vor.u32 s29, v12  }
0x1e3: {  	[tilespmem:s0+$0xFFFFFFA0] =	vst v30;
	v12 =	vor.u32 s21, v12;
	v30 =	vor.u32 v31, v24;
	v28 =	vld.idx.msk [tilespmem:v28+s20+$0x0], $0xffff;
	v29 =	vand.u32 $0x78, v29  }
0x1e4: {  	v16 =	vld.idx.msk [tilespmem:v16+s20+$0x0], $0xffff;
	[tilespmem:s0+$0x20] =	vst v23;
	v12 =	vand.u32 $0x78, v12;
	v23 =	vor.u32 v29, v22;
	v29 =	vor.u32 v4, v30  }
0x1e5: {  	[tilespmem:s0+$0xFFFFFF20] =	vst v15;
	v14 =	vld.idx.msk [tilespmem:v14+s20+$0x0], $0xffff;
	v12 =	vor.u32 v12, v19;
	v15 =	vor.u32 v4, v23;
	v23 =	vand.u32 $0x78, v40  }
0x1e6: {  	[tilespmem:s28+$0xE0] =	vst v26;
	v26 =	vor.u32 s2, v11;
	v21 =	vld.idx.msk [tilespmem:v27+s20+$0x0], $0xffff;
	v12 =	vor.u32 v4, v12;
	v23 =	vor.u32 v23, v20  }
0x1e7: {  	v18 =	vor.u32 v38, v18;
	v26 =	vand.u32 $0x78, v26;
	v27 =	vld.idx.msk [tilespmem:v35+s20+$0x0], $0xffff;
	v23 =	vor.u32 v4, v23  }
0x1e8: {  	v41 =	vor.u32 s29, v11;
	v18 =	vor.u32 v7, v18;
	v26 =	vor.u32 v26, v24;
	v30 =	vld.idx.msk [tilespmem:v37+s20+$0x0], $0xffff;
	[tilespmem:s0+$0xB0] =	vst v28  }
0x1e9: {  	v31 =	vor.u32 s26, v11;
	v11 =	vor.u32 s21, v11;
	[tilespmem:s0+$0xFFFFFFB0] =	vst v16;
	v28 =	vand.u32 $0x78, v41;
	v16 =	vld.idx.msk [tilespmem:v29+s20+$0x0], $0xffff  }
0x1ea: {  	v26 =	vor.u32 v5, v26;
	v11 =	vand.u32 $0x78, v11;
	[tilespmem:s0+$0x30] =	vst v14;
	v14 =	vor.u32 v28, v22;
	v15 =	vld.idx.msk [tilespmem:v15+s20+$0x0], $0xffff  }
0x1eb: {  	v11 =	vor.u32 v11, v19;
	v28 =	vand.u32 $0x78, v31;
	[tilespmem:s0+$0xFFFFFF30] =	vst v21;
	v12 =	vld.idx.msk [tilespmem:v12+s20+$0x0], $0xffff;
	v14 =	vor.u32 v5, v14  }
0x1ec: {  	v11 =	vor.u32 v5, v11;
	[tilespmem:s28+$0xFFFFFFE0] =	vst v27;
	v21 =	vor.u32 s16, v8;
	v27 =	vor.u32 v28, v20;
	v23 =	vld.idx.msk [tilespmem:v23+s20+$0x0], $0xffff  }
0x1ed: {  	[tilespmem:s28+$0x60] =	vst v30;
	v29 =	vor.u32 s26, v10;
	v28 =	vor.u32 s2, v10;
	v27 =	vor.u32 v5, v27  }
0x1ee: {  	v18 =	vld.idx.msk [tilespmem:v18+s20+$0x0], $0xffff;
	v30 =	vor.u32 s29, v10;
	v21 =	vand.u32 $0x78, v21;
	[tilespmem:s0+$0xC0] =	vst v16;
	v16 =	vand.u32 $0x78, v28  }
0x1ef: {  	v10 =	vor.u32 s21, v10;
	v28 =	vand.u32 $0x78, v30;
	[tilespmem:s0+$0xFFFFFFC0] =	vst v15;
	v15 =	vld.idx.msk [tilespmem:v26+s20+$0x0], $0xffff;
	v16 =	vor.u32 v16, v24  }
0x1f0: {  	v10 =	vand.u32 $0x78, v10;
	v26 =	vor.u32 v28, v22;
	[tilespmem:s0+$0x40] =	vst v12;
	v14 =	vld.idx.msk [tilespmem:v14+s20+$0x0], $0xffff;
	v12 =	vor.u32 v6, v16  }
0x1f1: {  	v10 =	vor.u32 v10, v19;
	v16 =	vand.u32 $0x78, v29;
	v11 =	vld.idx.msk [tilespmem:v11+s20+$0x0], $0xffff;
	[tilespmem:s0+$0xFFFFFF40] =	vst v23;
	v23 =	vor.u32 v6, v26  }
0x1f2: {  	v9 =	vor.u32 v21, v9;
	v10 =	vor.u32 v6, v10;
	v16 =	vor.u32 v16, v20;
	v21 =	vld.idx.msk [tilespmem:v27+s20+$0x0], $0xffff  }
0x1f3: {  	v25 =	vld.idx.msk [tilespmem:v25+s20+$0x0], $0xffff;
	[tilespmem:s25+$0xF0] =	vst v18;
	v18 =	vor.u32 s29, v8;
	v26 =	vor.u32 s2, v8;
	v16 =	vor.u32 v6, v16  }
0x1f4: {  	v18 =	vand.u32 $0x78, v18;
	v17 =	vld.idx.msk [tilespmem:v17+s20+$0x0], $0xffff;
	v9 =	vor.u32 v7, v9;
	[tilespmem:s0+$0xD0] =	vst v15;
	v15 =	vand.u32 $0x78, v26  }
0x1f5: {  	v26 =	vor.u32 s21, v8;
	v8 =	vor.u32 s26, v8;
	[tilespmem:s0+$0xFFFFFFD0] =	vst v14;
	v12 =	vld.idx.msk [tilespmem:v12+s20+$0x0], $0xffff;
	v14 =	vor.u32 v15, v24  }
0x1f6: {  	v15 =	vor.u32 v18, v22;
	[tilespmem:s0+$0x50] =	vst v11;
	v11 =	vand.u32 $0x78, v26;
	v18 =	vld.idx.msk [tilespmem:v23+s20+$0x0], $0xffff;
	v14 =	vor.u32 v7, v14  }
0x1f7: {  	v8 =	vand.u32 $0x78, v8;
	v10 =	vld.idx.msk [tilespmem:v10+s20+$0x0], $0xffff;
	v15 =	vor.u32 v7, v15;
	v11 =	vor.u32 v11, v19;
	[tilespmem:s0+$0xFFFFFF50] =	vst v21  }
0x1f8: {  	[tilespmem:s25+$0xFFFFFF60] =	vst v25;
	v8 =	vor.u32 v8, v20;
	v11 =	vor.u32 v7, v11;
	v16 =	vld.idx.msk [tilespmem:v16+s20+$0x0], $0xffff  }
0x1f9: {  	v13 =	vld.idx.msk [tilespmem:v13+s20+$0x0], $0xffff;
	[tilespmem:s25+$0xFFFFFFF0] =	vst v17;
	v8 =	vor.u32 v7, v8  }
0x1fa: {  	v9 =	vld.idx.msk [tilespmem:v9+s20+$0x0], $0xffff;
	[tilespmem:s0+$0xE0] =	vst v12  }
0x1fb: {  	[tilespmem:s0+$0xFFFFFFE0] =	vst v18;
	v12 =	vld.idx.msk [tilespmem:v14+s20+$0x0], $0xffff  }
0x1fc: {  	[tilespmem:s0+$0x60] =	vst v10;
	v14 =	vld.idx.msk [tilespmem:v15+s20+$0x0], $0xffff  }
0x1fd: {  	v10 =	vld.idx.msk [tilespmem:v11+s20+$0x0], $0xffff;
	[tilespmem:s0+$0xFFFFFF60] =	vst v16  }
0x1fe: {  	[tilespmem:s25+$0x70] =	vst v13;
	v8 =	vld.idx.msk [tilespmem:v8+s20+$0x0], $0xffff  }
0x1ff: {  	[tilespmem:s25+$0xFFFFFF70] =	vst v9;
	s25 =	sadd.s32 s5, s23  }
0x200: {  	s26 =	sshll.u32 s25, $0xA;
	s2 =	sshll.u32 s25, $0x7;
	[tilespmem:s0+$0xF0] =	vst v12  }
0x201: {  	s16 =	sand.u32 $0xFFF8000, s26;
	s2 =	sand.u32 $0xE80, s2;
	[tilespmem:s0+$0xFFFFFFF0] =	vst v14  }
0x202: {  	s21 =	rddreg [dreg:$0x2];
	s2 =	sor.u32 s2, s16;
	[tilespmem:s0+$0x70] =	vst v10  }
0x203: {  	s23 =	simm.s32 $0x18600;
	[tilespmem:s0+$0xFFFFFF70] =	vst v8;
	s0 =	sadd.s32 s21, s2  }
0x204: {  	[hbm4b:s0+s4] =	stream.linear.scatter [tilespmem:s23], [sflag:$0x6], $0x400, $0x38;
	[tilespmem:$0x1A600] =	vst v63  }
0x205: {  	s26 =	simm.s32 $0x18A00;
	s25 =	sadd.s32 s2, s7  }
0x206: {  	[hbm4b:s25+s4] =	stream.linear.scatter [tilespmem:s26], [sflag:$0x6], $0x400, $0x38;
	[tilespmem:$0x1A600] =	vst v63  }
0x207: {  	s21 =	sadd.s32 s2, s8;
	s23 =	simm.s32 $0x18E00  }
0x208: {  	[hbm4b:s21+s4] =	stream.linear.scatter [tilespmem:s23], [sflag:$0x6], $0x400, $0x38;
	[tilespmem:$0x1A600] =	vst v63  }
0x209: {  	s25 =	sadd.s32 s2, s9;
	s26 =	simm.s32 $0x19200  }
0x20a: {  	[hbm4b:s25+s4] =	stream.linear.scatter [tilespmem:s26], [sflag:$0x6], $0x400, $0x38;
	[tilespmem:$0x1A600] =	vst v63  }
0x20b: {  	s21 =	sadd.s32 s2, s10;
	s23 =	simm.s32 $0x19600  }
0x20c: {  	[hbm4b:s21+s4] =	stream.linear.scatter [tilespmem:s23], [sflag:$0x6], $0x400, $0x38;
	[tilespmem:$0x1A600] =	vst v63  }
0x20d: {  	s25 =	sadd.s32 s2, s11;
	s26 =	simm.s32 $0x19A00  }
0x20e: {  	[hbm4b:s25+s4] =	stream.linear.scatter [tilespmem:s26], [sflag:$0x6], $0x400, $0x38;
	[tilespmem:$0x1A600] =	vst v63  }
0x20f: {  	s21 =	sadd.s32 s2, s12;
	s23 =	simm.s32 $0x19E00  }
0x210: {  	[hbm4b:s21+s4] =	stream.linear.scatter [tilespmem:s23], [sflag:$0x6], $0x400, $0x38;
	[tilespmem:$0x1A600] =	vst v63  }
0x211: {  	p0 =	seq.s32 s1, $0x31;
	s25 =	sadd.s32 s2, s13;
	s26 =	simm.s32 $0x1A200  }
0x212: {  	[hbm4b:s25+s4] =	stream.linear.scatter [tilespmem:s26], [sflag:$0x6], $0x400, $0x38;
	[tilespmem:$0x1A600] =	vst v63  }
0x213: {  	v8 =	vld @!p0 [tilespmem:s15+$0x280];
	_ =	sdelay $0x4  }
0x214: {  	v8 =	vshrl.u32 @!p0 v8, $0x1  }
0x215: {  	[tilespmem:$0x6480] =	vst @!p0 v8  }
0x216: {  	v8 =	vld @!p0 [tilespmem:s15+$0x290];
	_ =	sdelay $0x4  }
0x217: {  	v8 =	vshrl.u32 @!p0 v8, $0x1  }
0x218: {  	[tilespmem:$0x6490] =	vst @!p0 v8  }
0x219: {  	v8 =	vld @!p0 [tilespmem:s15+$0x2A0];
	_ =	sdelay $0x4  }
0x21a: {  	v8 =	vshrl.u32 @!p0 v8, $0x1  }
0x21b: {  	[tilespmem:$0x64A0] =	vst @!p0 v8  }
0x21c: {  	v8 =	vld @!p0 [tilespmem:s15+$0x2B0];
	_ =	sdelay $0x4  }
0x21d: {  	v8 =	vshrl.u32 @!p0 v8, $0x1  }
0x21e: {  	[tilespmem:$0x64B0] =	vst @!p0 v8  }
0x21f: {  	v8 =	vld @!p0 [tilespmem:s15+$0x2C0];
	_ =	sdelay $0x4  }
0x220: {  	v8 =	vshrl.u32 @!p0 v8, $0x1  }
0x221: {  	[tilespmem:$0x64C0] =	vst @!p0 v8  }
0x222: {  	v8 =	vld @!p0 [tilespmem:s15+$0x2D0];
	_ =	sdelay $0x4  }
0x223: {  	v8 =	vshrl.u32 @!p0 v8, $0x1  }
0x224: {  	[tilespmem:$0x64D0] =	vst @!p0 v8  }
0x225: {  	v8 =	vld @!p0 [tilespmem:s15+$0x2E0];
	_ =	sdelay $0x4  }
0x226: {  	v8 =	vshrl.u32 @!p0 v8, $0x1  }
0x227: {  	[tilespmem:$0x64E0] =	vst @!p0 v8  }
0x228: {  	v8 =	vld @!p0 [tilespmem:s15+$0x2F0];
	_ =	sdelay $0x4  }
0x229: {  	v8 =	vshrl.u32 @!p0 v8, $0x1  }
0x22a: {  	s16 =	simm.s32 @!p0 $0xA600;
	s0 =	simm.s32 @!p0 $0x80;
	s2 =	simm.s32 @!p0 $0x6480;
	[tilespmem:$0x64F0] =	vst @!p0 v8  }
0x22b: {  	[tilespmem:s16], [sflag:$0x2] =	stream.indirect.gather @!p0 [hbm4b:s3+s0], $0x80, s2, s0, $0xb8;
	[tilespmem:$0x1A600] =	vst v63  }
0x22c: {  	s30 =	smov.u32 s3;
	s3 =	simm.s32 $0x3  }
0x22d: {  	_ =	swait.ge [sflag:s3], $0x4000  }
0x22e: {  	[sflag:s3] =	ssyncset.done $0x0  }
0x22f: {  	[sflag:s3] =	ssyncadd.s32 $0xFFFFC000  }
0x230: {  	_ =	swait.ge [sflag:s31], $0x400  }
0x231: {  	[sflag:s31] =	ssyncset.done $0x0  }
0x232: {  	[sflag:s31] =	ssyncadd.s32 $0xFFFFFC00  }
0x233: {  	_ =	swait.ge [sflag:s31], $0x400  }
0x234: {  	[sflag:s31] =	ssyncset.done $0x0  }
0x235: {  	[sflag:s31] =	ssyncadd.s32 $0xFFFFFC00  }
0x236: {  	_ =	swait.ge [sflag:s31], $0x400  }
0x237: {  	[sflag:s31] =	ssyncset.done $0x0  }
0x238: {  	[sflag:s31] =	ssyncadd.s32 $0xFFFFFC00  }
0x239: {  	_ =	swait.ge [sflag:s31], $0x400  }
0x23a: {  	[sflag:s31] =	ssyncset.done $0x0  }
0x23b: {  	[sflag:s31] =	ssyncadd.s32 $0xFFFFFC00  }
0x23c: {  	_ =	swait.ge [sflag:s31], $0x400  }
0x23d: {  	[sflag:s31] =	ssyncset.done $0x0  }
0x23e: {  	[sflag:s31] =	ssyncadd.s32 $0xFFFFFC00  }
0x23f: {  	_ =	swait.ge [sflag:s31], $0x400  }
0x240: {  	[sflag:s31] =	ssyncset.done $0x0  }
0x241: {  	[sflag:s31] =	ssyncadd.s32 $0xFFFFFC00  }
0x242: {  	_ =	swait.ge [sflag:s31], $0x400  }
0x243: {  	[sflag:s31] =	ssyncset.done $0x0  }
0x244: {  	[sflag:s31] =	ssyncadd.s32 $0xFFFFFC00  }
0x245: {  	s17 =	sor.u32 $0x2, s17;
	_ =	swait.ge [sflag:s31], $0x400  }
0x246: {  	s16 =	sshll.u32 s17, $0x7;
	[sflag:s31] =	ssyncset.done $0x0  }
0x247: {  	s0 =	sand.u32 $0x3FFFFF80, s16;
	[sflag:s31] =	ssyncadd.s32 $0xFFFFFC00  }
0x248: {  	v8 =	vld [tilespmem:s0+$0x0]  }
0x249: {  	v9 =	vld [tilespmem:s0+$0x10]  }
0x24a: {  	v10 =	vld [tilespmem:s0+$0x20]  }
0x24b: {  	v11 =	vld [tilespmem:s0+$0x30]  }
0x24c: {  	v12 =	vld [tilespmem:s0+$0x40]  }
0x24d: {  	v13 =	vld [tilespmem:s0+$0x50]  }
0x24e: {  	v17 =	vld [tilespmem:s0+$0x60]  }
0x24f: {  	v18 =	vld [tilespmem:s0+$0x70]  }
0x250: {  	s25 =	simm.s32 $0x2  }
0x251: {  	v20 =	vmov s25;
	v19 =	vshll.u32 v8, $0x6  }
0x252: {  	v16 =	vshll.u32 v9, $0x6;
	v15 =	vshll.u32 v10, $0x6;
	v14 =	vshll.u32 v11, $0x6  }
0x253: {  	s16 =	simm.s32 $0x0;
	v12 =	vshll.u32 v12, $0x6;
	v11 =	vshll.u32 v13, $0x6;
	v10 =	vshll.u32 v17, $0x6  }
0x254: {  	s29 =	simm.s32 $0x3;
	s21 =	simm.s32 $0x1;
	v8 =	vshll.u32 v18, $0x6;
	v13 =	vmov s16;
	v9 =	vor.u32 s16, v19  }
0x255: {  	v18 =	vor.u32 s21, v19;
	v21 =	vor.u32 s25, v19;
	v24 =	vor.u32 s29, v19  }
0x256: {  	v17 =	vand.u32 $0x78, v9;
	v9 =	vand.u32 $0x4, v13;
	v13 =	vmov s21  }
0x257: {  	v23 =	vand.u32 $0x78, v18;
	v18 =	vmov s29;
	v22 =	vor.u32 v17, v9  }
0x258: {  	v17 =	vand.u32 $0x5, v13;
	v13 =	vand.u32 $0x78, v24;
	v18 =	vand.u32 $0x7, v18  }
0x259: {  	v25 =	vor.u32 s21, v16;
	v21 =	vand.u32 $0x78, v21;
	v24 =	vor.u32 v13, v18  }
0x25a: {  	v23 =	vor.u32 v23, v17;
	v13 =	vand.u32 $0x6, v20;
	v20 =	vor.u32 v0, v24  }
0x25b: {  	v26 =	vor.u32 s25, v16;
	v23 =	vor.u32 v0, v23;
	v21 =	vor.u32 v21, v13  }
0x25c: {  	v27 =	vor.u32 s16, v16;
	v28 =	vor.u32 s29, v15;
	v21 =	vor.u32 v0, v21  }
0x25d: {  	v29 =	vor.u32 s21, v15;
	v30 =	vor.u32 s25, v15;
	v24 =	vor.u32 s29, v16  }
0x25e: {  	v42 =	vor.u32 s16, v12;
	v22 =	vor.u32 v0, v22;
	v24 =	vand.u32 $0x78, v24  }
0x25f: {  	v43 =	vor.u32 s16, v14;
	v25 =	vand.u32 $0x78, v25;
	v24 =	vor.u32 v24, v18;
	v20 =	vld.idx.msk [tilespmem:v20+s22+$0x0], $0xffff  }
0x260: {  	v26 =	vand.u32 $0x78, v26;
	v25 =	vor.u32 v25, v17;
	v24 =	vor.u32 v1, v24;
	v23 =	vld.idx.msk [tilespmem:v23+s22+$0x0], $0xffff  }
0x261: {  	v44 =	vor.u32 s21, v14;
	v26 =	vor.u32 v26, v13;
	v25 =	vor.u32 v1, v25;
	v21 =	vld.idx.msk [tilespmem:v21+s22+$0x0], $0xffff  }
0x262: {  	v45 =	vor.u32 s25, v14;
	v27 =	vand.u32 $0x78, v27;
	v26 =	vor.u32 v1, v26  }
0x263: {  	s26 =	simm.s32 $0x16700;
	v49 =	vor.u32 s29, v12;
	v50 =	vor.u32 s21, v10;
	v27 =	vor.u32 v27, v9;
	v22 =	vld.idx.msk [tilespmem:v22+s22+$0x0], $0xffff  }
0x264: {  	v53 =	vor.u32 s21, v11;
	v28 =	vand.u32 $0x78, v28;
	v27 =	vor.u32 v1, v27;
	[tilespmem:s26+$0x80] =	vst v20  }
0x265: {  	v29 =	vand.u32 $0x78, v29;
	v30 =	vand.u32 $0x78, v30;
	v28 =	vor.u32 v28, v18;
	[tilespmem:s26+$0xFFFFFF80] =	vst v23;
	v23 =	vld.idx.msk [tilespmem:v24+s22+$0x0], $0xffff  }
0x266: {  	v29 =	vor.u32 v29, v17;
	v20 =	vor.u32 v2, v28;
	v28 =	vor.u32 s16, v15;
	v25 =	vld.idx.msk [tilespmem:v25+s22+$0x0], $0xffff;
	[tilespmem:s26+$0x0] =	vst v21  }
0x267: {  	v30 =	vor.u32 v30, v13;
	v24 =	vor.u32 v2, v29;
	v28 =	vand.u32 $0x78, v28;
	v26 =	vld.idx.msk [tilespmem:v26+s22+$0x0], $0xffff  }
0x268: {  	v54 =	vor.u32 s25, v11;
	[tilespmem:s26+$0xFFFFFF00] =	vst v22;
	v29 =	vor.u32 v2, v30;
	v21 =	vor.u32 v28, v9  }
0x269: {  	s28 =	simm.s32 $0x5;
	v55 =	vor.u32 s29, v11;
	v27 =	vld.idx.msk [tilespmem:v27+s22+$0x0], $0xffff;
	v31 =	vor.u32 v2, v21;
	v21 =	vor.u32 s29, v14  }
0x26a: {  	v56 =	vor.u32 s28, v19;
	v36 =	vand.u32 $0x78, v49;
	v21 =	vand.u32 $0x78, v21;
	[tilespmem:s26+$0x90] =	vst v23  }
0x26b: {  	v32 =	vand.u32 $0x78, v42;
	v22 =	vand.u32 $0x78, v44;
	v21 =	vor.u32 v21, v18;
	[tilespmem:s26+$0xFFFFFF90] =	vst v25;
	v20 =	vld.idx.msk [tilespmem:v20+s22+$0x0], $0xffff  }
0x26c: {  	v22 =	vor.u32 v22, v17;
	v23 =	vand.u32 $0x78, v45;
	v46 =	vor.u32 v3, v21;
	v24 =	vld.idx.msk [tilespmem:v24+s22+$0x0], $0xffff;
	[tilespmem:s26+$0x10] =	vst v26  }
0x26d: {  	v58 =	vand.u32 $0x78, v54;
	v22 =	vor.u32 v3, v22;
	v21 =	vor.u32 v23, v13;
	v29 =	vld.idx.msk [tilespmem:v29+s22+$0x0], $0xffff  }
0x26e: {  	v36 =	vor.u32 v36, v18;
	[tilespmem:s26+$0xFFFFFF10] =	vst v27;
	v23 =	vand.u32 $0x78, v43;
	v47 =	vor.u32 v3, v21  }
0x26f: {  	v51 =	vor.u32 v4, v36;
	v30 =	vor.u32 s16, v10;
	v48 =	vor.u32 v23, v9;
	v31 =	vld.idx.msk [tilespmem:v31+s22+$0x0], $0xffff  }
0x270: {  	v28 =	vor.u32 s16, v11;
	v27 =	vor.u32 s21, v12;
	v35 =	vor.u32 v3, v48;
	[tilespmem:s26+$0xA0] =	vst v20  }
0x271: {  	v30 =	vand.u32 $0x78, v30;
	v20 =	vand.u32 $0x78, v27;
	v27 =	vor.u32 s25, v12;
	[tilespmem:s26+$0xFFFFFFA0] =	vst v24;
	v24 =	vld.idx.msk [tilespmem:v46+s22+$0x0], $0xffff  }
0x272: {  	v28 =	vand.u32 $0x78, v28;
	v20 =	vor.u32 v20, v17;
	v27 =	vand.u32 $0x78, v27;
	v22 =	vld.idx.msk [tilespmem:v22+s22+$0x0], $0xffff;
	[tilespmem:s26+$0x20] =	vst v29  }
0x273: {  	s23 =	simm.s32 $0x4;
	v28 =	vor.u32 v28, v9;
	v29 =	vor.u32 v4, v20;
	v20 =	vor.u32 v27, v13;
	v33 =	vld.idx.msk [tilespmem:v47+s22+$0x0], $0xffff  }
0x274: {  	v25 =	vmov s23;
	v26 =	vor.u32 s23, v19;
	[tilespmem:s26+$0xFFFFFF20] =	vst v31;
	v52 =	vor.u32 v4, v20  }
0x275: {  	v23 =	vor.u32 s21, v8;
	v21 =	vor.u32 s25, v8;
	v35 =	vld.idx.msk [tilespmem:v35+s22+$0x0], $0xffff;
	v20 =	vor.u32 v32, v9  }
0x276: {  	v31 =	vor.u32 v4, v20;
	v20 =	vand.u32 $0x4, v25;
	v25 =	vand.u32 $0x78, v55;
	[tilespmem:s26+$0xB0] =	vst v24  }
0x277: {  	v26 =	vand.u32 $0x78, v26;
	v32 =	vand.u32 $0x78, v53;
	v25 =	vor.u32 v25, v18;
	[tilespmem:s26+$0xFFFFFFB0] =	vst v22;
	v22 =	vld.idx.msk [tilespmem:v51+s22+$0x0], $0xffff  }
0x278: {  	v27 =	vor.u32 s25, v10;
	v32 =	vor.u32 v32, v17;
	v59 =	vor.u32 v5, v25;
	v57 =	vld.idx.msk [tilespmem:v29+s22+$0x0], $0xffff;
	[tilespmem:s26+$0x30] =	vst v33  }
0x279: {  	v62 =	vand.u32 $0x78, v27;
	v60 =	vor.u32 v5, v32;
	v33 =	vor.u32 v58, v13;
	v36 =	vld.idx.msk [tilespmem:v52+s22+$0x0], $0xffff  }
0x27a: {  	s21 =	simm.s32 $0x6;
	v27 =	vor.u32 v5, v28;
	v28 =	vand.u32 $0x78, v56;
	[tilespmem:s26+$0xFFFFFF30] =	vst v35;
	v61 =	vor.u32 v5, v33  }
0x27b: {  	v37 =	vor.u32 v62, v13;
	v32 =	vor.u32 s21, v19;
	v26 =	vor.u32 v26, v20;
	v31 =	vld.idx.msk [tilespmem:v31+s22+$0x0], $0xffff  }
0x27c: {  	v24 =	vmov s28;
	v25 =	vor.u32 v30, v9;
	[tilespmem:s26+$0xC0] =	vst v22;
	v22 =	vor.u32 s29, v10  }
0x27d: {  	v30 =	vand.u32 $0x78, v50;
	v34 =	vor.u32 v0, v26;
	[tilespmem:s26+$0xFFFFFFC0] =	vst v57;
	v33 =	vld.idx.msk [tilespmem:v59+s22+$0x0], $0xffff;
	v63 =	vand.u32 $0x78, v22  }
0x27e: {  	v35 =	vor.u32 v30, v17;
	v22 =	vand.u32 $0x5, v24;
	v30 =	vld.idx.msk [tilespmem:v60+s22+$0x0], $0xffff;
	[tilespmem:s26+$0x40] =	vst v36;
	v24 =	vor.u32 v63, v18  }
0x27f: {  	s2 =	simm.s32 $0x7;
	s0 =	simm.s32 $0x8;
	s25 =	simm.s32 $0x16700;
	v29 =	vmov s21;
	v36 =	vor.u32 v28, v22;
	v28 =	vld.idx.msk [tilespmem:v61+s22+$0x0], $0xffff;
	v26 =	vor.u32 v6, v24  }
.LBB2_11:
0x280: {  	p1 =	slt.u32 s0, $0x3C;
	v24 =	vmov s2;
	v38 =	vor.u32 s2, v19;
	[tilespmem:s26+$0xFFFFFF40] =	vst v31;
	v31 =	vor.u32 v6, v35  }
0x281: {  	v37 =	vor.u32 v6, v37;
	v35 =	vand.u32 $0x78, v38;
	v24 =	vand.u32 $0x7, v24;
	v27 =	vld.idx.msk [tilespmem:v27+s22+$0x0], $0xffff  }
0x282: {  	v36 =	vor.u32 v0, v36;
	v32 =	vand.u32 $0x78, v32;
	v35 =	vor.u32 v35, v24  }
0x283: {  	v29 =	vand.u32 $0x6, v29;
	v34 =	vld.idx.msk [tilespmem:v34+s22+$0x0], $0xffff;
	v35 =	vor.u32 v0, v35;
	[tilespmem:s26+$0xD0] =	vst v33;
	v33 =	vor.u32 s29, v8;
	s29 =	smov.u32 s2  }
0x284: {  	v25 =	vor.u32 v6, v25;
	v32 =	vor.u32 v32, v29;
	[tilespmem:s26+$0xFFFFFFD0] =	vst v30;
	v26 =	vld.idx.msk [tilespmem:v26+s22+$0x0], $0xffff;
	v30 =	vand.u32 $0x78, v33  }
0x285: {  	v23 =	vand.u32 $0x78, v23;
	v32 =	vor.u32 v0, v32;
	v31 =	vld.idx.msk [tilespmem:v31+s22+$0x0], $0xffff;
	[tilespmem:s26+$0x50] =	vst v28;
	v30 =	vor.u32 v30, v18  }
0x286: {  	v21 =	vand.u32 $0x78, v21;
	v38 =	vor.u32 v23, v17;
	v18 =	vmovc v24;
	v23 =	vld.idx.msk [tilespmem:v37+s22+$0x0], $0xffff;
	v28 =	vor.u32 v7, v30  }
0x287: {  	v30 =	vor.u32 s29, v16;
	v24 =	vld.idx.msk [tilespmem:v36+s22+$0x0], $0xffff;
	[tilespmem:s26+$0xFFFFFF50] =	vst v27;
	v27 =	vor.u32 v7, v38;
	v36 =	vor.u32 v21, v13  }
0x288: {  	v17 =	vmovc v22;
	v21 =	vor.u32 s28, v16;
	v30 =	vand.u32 $0x78, v30;
	v13 =	vmovc v29;
	v33 =	vld.idx.msk [tilespmem:v35+s22+$0x0], $0xffff;
	v35 =	vor.u32 v7, v36  }
0x289: {  	v22 =	vor.u32 s21, v16;
	v21 =	vand.u32 $0x78, v21;
	v29 =	vor.u32 v30, v18;
	v25 =	vld.idx.msk [tilespmem:v25+s22+$0x0], $0xffff  }
0x28a: {  	v22 =	vand.u32 $0x78, v22;
	v21 =	vor.u32 v21, v17;
	v29 =	vor.u32 v1, v29;
	v30 =	vld.idx.msk [tilespmem:v32+s22+$0x0], $0xffff;
	[tilespmem:s26+$0xE0] =	vst v26  }
0x28b: {  	v22 =	vor.u32 v22, v13;
	v26 =	vor.u32 s23, v16;
	v21 =	vor.u32 v1, v21;
	[tilespmem:s26+$0xFFFFFFE0] =	vst v31;
	v28 =	vld.idx.msk [tilespmem:v28+s22+$0x0], $0xffff  }
0x28c: {  	v22 =	vor.u32 v1, v22;
	v26 =	vand.u32 $0x78, v26;
	v31 =	vor.u32 s16, v8;
	s16 =	smov.u32 s23;
	s23 =	smov.u32 s0;
	v27 =	vld.idx.msk [tilespmem:v27+s22+$0x0], $0xffff;
	[tilespmem:s26+$0x60] =	vst v23  }
0x28d: {  	v23 =	vor.u32 v26, v20;
	v26 =	vand.u32 $0x78, v31;
	s26 =	sadd.s32 $0x200, s26;
	v31 =	vld.idx.msk [tilespmem:v35+s22+$0x0], $0xffff  }
0x28e: {  	v32 =	vor.u32 s29, v15;
	v23 =	vor.u32 v1, v23;
	v26 =	vor.u32 v26, v9;
	v9 =	vmovc v20;
	[tilespmem:s26+$0x80] =	vst v33  }
0x28f: {  	v20 =	vor.u32 s28, v15;
	v26 =	vor.u32 v7, v26;
	[tilespmem:s26+$0xFFFFFF80] =	vst v24;
	v24 =	vld.idx.msk [tilespmem:v29+s22+$0x0], $0xffff;
	v29 =	vand.u32 $0x78, v32  }
0x290: {  	v20 =	vand.u32 $0x78, v20;
	v21 =	vld.idx.msk [tilespmem:v21+s22+$0x0], $0xffff;
	[tilespmem:s26+$0x0] =	vst v30;
	v30 =	vor.u32 s21, v15;
	v29 =	vor.u32 v29, v18  }
0x291: {  	v20 =	vor.u32 v20, v17;
	v22 =	vld.idx.msk [tilespmem:v22+s22+$0x0], $0xffff;
	v30 =	vand.u32 $0x78, v30;
	v29 =	vor.u32 v2, v29;
	[tilespmem:s25+$0xF0] =	vst v28  }
0x292: {  	v20 =	vor.u32 v2, v20;
	v28 =	vor.u32 s16, v15;
	[tilespmem:s26+$0xFFFFFF00] =	vst v34;
	v30 =	vor.u32 v30, v13  }
0x293: {  	v28 =	vand.u32 $0x78, v28;
	v23 =	vld.idx.msk [tilespmem:v23+s22+$0x0], $0xffff;
	v30 =	vor.u32 v2, v30;
	[tilespmem:s25+$0xFFFFFF60] =	vst v25  }
0x294: {  	v32 =	vor.u32 s16, v10;
	v25 =	vor.u32 v28, v9;
	v28 =	vor.u32 s16, v11;
	v26 =	vld.idx.msk [tilespmem:v26+s22+$0x0], $0xffff;
	[tilespmem:s25+$0xFFFFFFF0] =	vst v27  }
0x295: {  	v25 =	vor.u32 v2, v25;
	v27 =	vor.u32 s16, v12;
	[tilespmem:s26+$0x90] =	vst v24;
	v24 =	vor.u32 s29, v14  }
0x296: {  	v33 =	vor.u32 s16, v14;
	[tilespmem:s26+$0xFFFFFF90] =	vst v21;
	v21 =	vor.u32 s28, v14;
	v29 =	vld.idx.msk [tilespmem:v29+s22+$0x0], $0xffff;
	v24 =	vand.u32 $0x78, v24  }
0x297: {  	v20 =	vld.idx.msk [tilespmem:v20+s22+$0x0], $0xffff;
	v21 =	vand.u32 $0x78, v21;
	[tilespmem:s26+$0x10] =	vst v22;
	v22 =	vor.u32 s21, v14;
	v24 =	vor.u32 v24, v18  }
0x298: {  	v21 =	vor.u32 v21, v17;
	v30 =	vld.idx.msk [tilespmem:v30+s22+$0x0], $0xffff;
	v22 =	vand.u32 $0x78, v22;
	v24 =	vor.u32 v3, v24;
	[tilespmem:s25+$0x70] =	vst v31  }
0x299: {  	v31 =	vmov s0;
	[tilespmem:s26+$0xFFFFFF10] =	vst v23;
	v34 =	vor.u32 v3, v21;
	v21 =	vor.u32 v22, v13  }
0x29a: {  	v22 =	vor.u32 s0, v19;
	v23 =	vand.u32 $0x78, v33;
	v25 =	vld.idx.msk [tilespmem:v25+s22+$0x0], $0xffff;
	v33 =	vor.u32 v3, v21;
	[tilespmem:s25+$0xFFFFFF70] =	vst v26;
	s25 =	smov.u32 s26  }
0x29b: {  	v26 =	vor.u32 v23, v9;
	v23 =	vor.u32 s28, v8;
	v21 =	vor.u32 s21, v8  }
0x29c: {  	v35 =	vand.u32 $0x78, v32;
	v26 =	vor.u32 v3, v26;
	[tilespmem:s26+$0xA0] =	vst v29;
	v29 =	vor.u32 s29, v12  }
0x29d: {  	v36 =	vor.u32 s28, v10;
	[tilespmem:s26+$0xFFFFFFA0] =	vst v20;
	v20 =	vor.u32 s28, v12;
	v24 =	vld.idx.msk [tilespmem:v24+s22+$0x0], $0xffff;
	v29 =	vand.u32 $0x78, v29  }
0x29e: {  	v32 =	vld.idx.msk [tilespmem:v34+s22+$0x0], $0xffff;
	v20 =	vand.u32 $0x78, v20;
	[tilespmem:s26+$0x20] =	vst v30;
	v30 =	vor.u32 s21, v12;
	v29 =	vor.u32 v29, v18  }
0x29f: {  	v20 =	vor.u32 v20, v17;
	v33 =	vld.idx.msk [tilespmem:v33+s22+$0x0], $0xffff;
	v30 =	vand.u32 $0x78, v30;
	v29 =	vor.u32 v4, v29  }
0x2a0: {  	[tilespmem:s26+$0xFFFFFF20] =	vst v25;
	v25 =	vor.u32 v4, v20;
	v20 =	vor.u32 v30, v13;
	v30 =	vor.u32 s21, v10  }
0x2a1: {  	v28 =	vand.u32 $0x78, v28;
	v27 =	vand.u32 $0x78, v27;
	v26 =	vld.idx.msk [tilespmem:v26+s22+$0x0], $0xffff;
	v34 =	vor.u32 v4, v20  }
0x2a2: {  	v37 =	vor.u32 s21, v11;
	v20 =	vor.u32 v27, v9;
	v27 =	vor.u32 s28, v11  }
0x2a3: {  	v22 =	vand.u32 $0x78, v22;
	s28 =	sadd.s32 $0x1, s0;
	v38 =	vor.u32 v4, v20;
	[tilespmem:s26+$0xB0] =	vst v24;
	v24 =	vor.u32 s29, v11  }
0x2a4: {  	v20 =	vand.u32 $0x4, v31;
	v39 =	vmov s28;
	[tilespmem:s26+$0xFFFFFFB0] =	vst v32;
	v40 =	vld.idx.msk [tilespmem:v29+s22+$0x0], $0xffff;
	v24 =	vand.u32 $0x78, v24  }
0x2a5: {  	v41 =	vor.u32 s28, v19;
	v42 =	vld.idx.msk [tilespmem:v25+s22+$0x0], $0xffff;
	v25 =	vand.u32 $0x78, v27;
	[tilespmem:s26+$0x30] =	vst v33;
	v24 =	vor.u32 v24, v18  }
0x2a6: {  	s21 =	sadd.s32 $0x2, s0;
	v27 =	vand.u32 $0x78, v37;
	v25 =	vor.u32 v25, v17;
	v43 =	vld.idx.msk [tilespmem:v34+s22+$0x0], $0xffff;
	v24 =	vor.u32 v5, v24  }
0x2a7: {  	v29 =	vmov s21;
	v27 =	vor.u32 v27, v13;
	[tilespmem:s26+$0xFFFFFF30] =	vst v26;
	v26 =	vor.u32 v5, v25  }
0x2a8: {  	v32 =	vor.u32 s21, v19;
	v25 =	vor.u32 v35, v9;
	v37 =	vor.u32 v5, v27;
	v31 =	vld.idx.msk [tilespmem:v38+s22+$0x0], $0xffff  }
.Ltmp5:
0x2a9: {  	v27 =	vor.u32 v28, v9;
	v28 =	vand.u32 $0x78, v36;
	v38 =	vand.u32 $0x78, v30;
	(pc) =	sbr.rel @p1 .LBB2_11-.Ltmp5, $4  }
0x2aa: {  	v22 =	vor.u32 v22, v20;
	v27 =	vor.u32 v5, v27;
	v30 =	vor.u32 s29, v10;
	[tilespmem:s26+$0xC0] =	vst v40  }
0x2ab: {  	v36 =	vand.u32 $0x78, v41;
	v35 =	vor.u32 v28, v17;
	[tilespmem:s26+$0xFFFFFFC0] =	vst v42;
	v33 =	vld.idx.msk [tilespmem:v24+s22+$0x0], $0xffff;
	v24 =	vand.u32 $0x78, v30  }
0x2ac: {  	v34 =	vor.u32 v0, v22;
	v22 =	vand.u32 $0x5, v39;
	v30 =	vld.idx.msk [tilespmem:v26+s22+$0x0], $0xffff;
	[tilespmem:s26+$0x40] =	vst v43;
	v24 =	vor.u32 v24, v18  }
0x2ad: {  	s2 =	sadd.s32 $0x3, s23;
	s0 =	sadd.s32 $0x4, s0;
	v36 =	vor.u32 v36, v22;
	v28 =	vld.idx.msk [tilespmem:v37+s22+$0x0], $0xffff;
	v37 =	vor.u32 v38, v13;
	v26 =	vor.u32 v6, v24  }
0x2ae: {  	v24 =	vmov s2;
	v19 =	vor.u32 s2, v19  }
0x2af: {  	v19 =	vand.u32 $0x78, v19;
	v24 =	vand.u32 $0x7, v24  }
0x2b0: {  	v38 =	vor.u32 v19, v24  }
0x2b1: {  	v32 =	vand.u32 $0x78, v32;
	v19 =	vand.u32 $0x6, v29;
	v29 =	vor.u32 v0, v38  }
0x2b2: {  	v35 =	vor.u32 v6, v35;
	v36 =	vor.u32 v0, v36;
	v32 =	vor.u32 v32, v19  }
0x2b3: {  	v37 =	vor.u32 v6, v37;
	v60 =	vor.u32 s29, v8;
	v32 =	vor.u32 v0, v32  }
0x2b4: {  	v25 =	vor.u32 v6, v25;
	v39 =	vor.u32 s2, v16;
	v40 =	vor.u32 s28, v16  }
0x2b5: {  	v41 =	vor.u32 s21, v16;
	v16 =	vor.u32 s23, v16;
	v39 =	vand.u32 $0x78, v39  }
0x2b6: {  	v63 =	vor.u32 s28, v15;
	v40 =	vand.u32 $0x78, v40;
	v39 =	vor.u32 v39, v24;
	v29 =	vld.idx.msk [tilespmem:v29+s22+$0x0], $0xffff  }
0x2b7: {  	[tilespmem:s26+$0xFFFFFF40] =	vst v31;
	v61 =	vand.u32 $0x78, v41;
	v40 =	vor.u32 v40, v22;
	v39 =	vor.u32 v1, v39;
	v31 =	vld.idx.msk [tilespmem:v36+s22+$0x0], $0xffff  }
0x2b8: {  	v16 =	vand.u32 $0x78, v16;
	v62 =	vor.u32 v1, v40;
	v36 =	vor.u32 v61, v19;
	v32 =	vld.idx.msk [tilespmem:v32+s22+$0x0], $0xffff  }
0x2b9: {  	v34 =	vld.idx.msk [tilespmem:v34+s22+$0x0], $0xffff;
	v23 =	vand.u32 $0x78, v23;
	[tilespmem:s26+$0xD0] =	vst v33;
	v16 =	vor.u32 v16, v20;
	v36 =	vor.u32 v1, v36  }
0x2ba: {  	s0 =	sadd.s32 $0x200, s26;
	v21 =	vand.u32 $0x78, v21;
	[tilespmem:s26+$0xFFFFFFD0] =	vst v30;
	v16 =	vor.u32 v1, v16;
	v30 =	vor.u32 s2, v15  }
0x2bb: {  	v17 =	vor.u32 v23, v17;
	v40 =	vor.u32 s21, v15;
	[tilespmem:s0+$0x80] =	vst v29;
	v29 =	vand.u32 $0x78, v30  }
0x2bc: {  	v15 =	vor.u32 s23, v15;
	[tilespmem:s0+$0xFFFFFF80] =	vst v31;
	v30 =	vand.u32 $0x78, v63;
	v31 =	vld.idx.msk [tilespmem:v39+s22+$0x0], $0xffff;
	v29 =	vor.u32 v29, v24  }
0x2bd: {  	v41 =	vand.u32 $0x78, v40;
	v33 =	vld.idx.msk [tilespmem:v62+s22+$0x0], $0xffff;
	v30 =	vor.u32 v30, v22;
	[tilespmem:s0+$0x0] =	vst v32;
	v29 =	vor.u32 v2, v29  }
0x2be: {  	v15 =	vand.u32 $0x78, v15;
	[tilespmem:s0+$0xFFFFFF00] =	vst v34;
	v32 =	vor.u32 v41, v19;
	v36 =	vld.idx.msk [tilespmem:v36+s22+$0x0], $0xffff;
	v30 =	vor.u32 v2, v30  }
0x2bf: {  	[tilespmem:s26+$0x50] =	vst v28;
	v28 =	vor.u32 s2, v14;
	v15 =	vor.u32 v15, v20;
	v16 =	vld.idx.msk [tilespmem:v16+s22+$0x0], $0xffff;
	v23 =	vor.u32 v2, v32  }
0x2c0: {  	v42 =	vor.u32 s28, v14;
	v28 =	vand.u32 $0x78, v28;
	v15 =	vor.u32 v2, v15  }
0x2c1: {  	v43 =	vor.u32 s23, v12;
	v27 =	vld.idx.msk [tilespmem:v27+s22+$0x0], $0xffff;
	v13 =	vor.u32 v21, v13;
	v28 =	vor.u32 v28, v24;
	[tilespmem:s0+$0x90] =	vst v31  }
0x2c2: {  	v32 =	vand.u32 $0x78, v42;
	[tilespmem:s0+$0xFFFFFF90] =	vst v33;
	v31 =	vor.u32 s23, v14;
	v14 =	vor.u32 s21, v14;
	v29 =	vld.idx.msk [tilespmem:v29+s22+$0x0], $0xffff  }
0x2c3: {  	v28 =	vor.u32 v3, v28;
	v32 =	vor.u32 v32, v22;
	v30 =	vld.idx.msk [tilespmem:v30+s22+$0x0], $0xffff;
	[tilespmem:s0+$0x10] =	vst v36;
	v14 =	vand.u32 $0x78, v14  }
0x2c4: {  	[tilespmem:s0+$0xFFFFFF10] =	vst v16;
	v16 =	vor.u32 v3, v32;
	v31 =	vand.u32 $0x78, v31;
	v23 =	vld.idx.msk [tilespmem:v23+s22+$0x0], $0xffff;
	v14 =	vor.u32 v14, v19  }
0x2c5: {  	v17 =	vor.u32 v7, v17;
	v15 =	vld.idx.msk [tilespmem:v15+s22+$0x0], $0xffff;
	v31 =	vor.u32 v31, v20;
	v14 =	vor.u32 v3, v14  }
0x2c6: {  	v13 =	vor.u32 v7, v13;
	v26 =	vld.idx.msk [tilespmem:v26+s22+$0x0], $0xffff;
	[tilespmem:s26+$0xFFFFFF50] =	vst v27;
	v27 =	vor.u32 v3, v31;
	v31 =	vor.u32 s2, v12  }
0x2c7: {  	v38 =	vand.u32 $0x78, v60;
	v31 =	vand.u32 $0x78, v31;
	[tilespmem:s0+$0xA0] =	vst v29;
	v29 =	vor.u32 s28, v12  }
0x2c8: {  	[tilespmem:s0+$0xFFFFFFA0] =	vst v30;
	v12 =	vor.u32 s21, v12;
	v30 =	vor.u32 v31, v24;
	v28 =	vld.idx.msk [tilespmem:v28+s22+$0x0], $0xffff;
	v29 =	vand.u32 $0x78, v29  }
0x2c9: {  	v16 =	vld.idx.msk [tilespmem:v16+s22+$0x0], $0xffff;
	[tilespmem:s0+$0x20] =	vst v23;
	v12 =	vand.u32 $0x78, v12;
	v23 =	vor.u32 v29, v22;
	v29 =	vor.u32 v4, v30  }
0x2ca: {  	[tilespmem:s0+$0xFFFFFF20] =	vst v15;
	v14 =	vld.idx.msk [tilespmem:v14+s22+$0x0], $0xffff;
	v12 =	vor.u32 v12, v19;
	v15 =	vor.u32 v4, v23;
	v23 =	vand.u32 $0x78, v43  }
0x2cb: {  	[tilespmem:s26+$0xE0] =	vst v26;
	v26 =	vor.u32 s2, v11;
	v21 =	vld.idx.msk [tilespmem:v27+s22+$0x0], $0xffff;
	v12 =	vor.u32 v4, v12;
	v23 =	vor.u32 v23, v20  }
0x2cc: {  	v18 =	vor.u32 v38, v18;
	v26 =	vand.u32 $0x78, v26;
	v27 =	vld.idx.msk [tilespmem:v35+s22+$0x0], $0xffff;
	v23 =	vor.u32 v4, v23  }
0x2cd: {  	v44 =	vor.u32 s28, v11;
	v18 =	vor.u32 v7, v18;
	v26 =	vor.u32 v26, v24;
	v30 =	vld.idx.msk [tilespmem:v37+s22+$0x0], $0xffff;
	[tilespmem:s0+$0xB0] =	vst v28  }
0x2ce: {  	v31 =	vor.u32 s23, v11;
	v11 =	vor.u32 s21, v11;
	[tilespmem:s0+$0xFFFFFFB0] =	vst v16;
	v28 =	vand.u32 $0x78, v44;
	v16 =	vld.idx.msk [tilespmem:v29+s22+$0x0], $0xffff  }
0x2cf: {  	v26 =	vor.u32 v5, v26;
	v11 =	vand.u32 $0x78, v11;
	[tilespmem:s0+$0x30] =	vst v14;
	v14 =	vor.u32 v28, v22;
	v15 =	vld.idx.msk [tilespmem:v15+s22+$0x0], $0xffff  }
0x2d0: {  	v11 =	vor.u32 v11, v19;
	v28 =	vand.u32 $0x78, v31;
	[tilespmem:s0+$0xFFFFFF30] =	vst v21;
	v12 =	vld.idx.msk [tilespmem:v12+s22+$0x0], $0xffff;
	v14 =	vor.u32 v5, v14  }
0x2d1: {  	v11 =	vor.u32 v5, v11;
	v21 =	vor.u32 s16, v8;
	[tilespmem:s26+$0xFFFFFFE0] =	vst v27;
	v27 =	vor.u32 v28, v20;
	v23 =	vld.idx.msk [tilespmem:v23+s22+$0x0], $0xffff  }
0x2d2: {  	[tilespmem:s26+$0x60] =	vst v30;
	v29 =	vor.u32 s23, v10;
	v28 =	vor.u32 s2, v10;
	v27 =	vor.u32 v5, v27  }
0x2d3: {  	v18 =	vld.idx.msk [tilespmem:v18+s22+$0x0], $0xffff;
	v30 =	vor.u32 s28, v10;
	v21 =	vand.u32 $0x78, v21;
	[tilespmem:s0+$0xC0] =	vst v16;
	v16 =	vand.u32 $0x78, v28  }
0x2d4: {  	v10 =	vor.u32 s21, v10;
	v28 =	vand.u32 $0x78, v30;
	[tilespmem:s0+$0xFFFFFFC0] =	vst v15;
	v15 =	vld.idx.msk [tilespmem:v26+s22+$0x0], $0xffff;
	v16 =	vor.u32 v16, v24  }
0x2d5: {  	v10 =	vand.u32 $0x78, v10;
	v26 =	vor.u32 v28, v22;
	[tilespmem:s0+$0x40] =	vst v12;
	v14 =	vld.idx.msk [tilespmem:v14+s22+$0x0], $0xffff;
	v12 =	vor.u32 v6, v16  }
0x2d6: {  	v10 =	vor.u32 v10, v19;
	v16 =	vand.u32 $0x78, v29;
	v11 =	vld.idx.msk [tilespmem:v11+s22+$0x0], $0xffff;
	[tilespmem:s0+$0xFFFFFF40] =	vst v23;
	v23 =	vor.u32 v6, v26  }
0x2d7: {  	v9 =	vor.u32 v21, v9;
	v10 =	vor.u32 v6, v10;
	v16 =	vor.u32 v16, v20;
	v21 =	vld.idx.msk [tilespmem:v27+s22+$0x0], $0xffff  }
0x2d8: {  	v25 =	vld.idx.msk [tilespmem:v25+s22+$0x0], $0xffff;
	[tilespmem:s25+$0xF0] =	vst v18;
	v18 =	vor.u32 s28, v8;
	v26 =	vor.u32 s2, v8;
	v16 =	vor.u32 v6, v16  }
0x2d9: {  	v18 =	vand.u32 $0x78, v18;
	v17 =	vld.idx.msk [tilespmem:v17+s22+$0x0], $0xffff;
	v9 =	vor.u32 v7, v9;
	[tilespmem:s0+$0xD0] =	vst v15;
	v15 =	vand.u32 $0x78, v26  }
0x2da: {  	v26 =	vor.u32 s21, v8;
	v8 =	vor.u32 s23, v8;
	[tilespmem:s0+$0xFFFFFFD0] =	vst v14;
	v12 =	vld.idx.msk [tilespmem:v12+s22+$0x0], $0xffff;
	v14 =	vor.u32 v15, v24  }
0x2db: {  	v15 =	vor.u32 v18, v22;
	[tilespmem:s0+$0x50] =	vst v11;
	v11 =	vand.u32 $0x78, v26;
	v18 =	vld.idx.msk [tilespmem:v23+s22+$0x0], $0xffff;
	v14 =	vor.u32 v7, v14  }
0x2dc: {  	v8 =	vand.u32 $0x78, v8;
	v10 =	vld.idx.msk [tilespmem:v10+s22+$0x0], $0xffff;
	v15 =	vor.u32 v7, v15;
	v11 =	vor.u32 v11, v19;
	[tilespmem:s0+$0xFFFFFF50] =	vst v21  }
0x2dd: {  	[tilespmem:s25+$0xFFFFFF60] =	vst v25;
	v8 =	vor.u32 v8, v20;
	v11 =	vor.u32 v7, v11;
	v16 =	vld.idx.msk [tilespmem:v16+s22+$0x0], $0xffff  }
0x2de: {  	v13 =	vld.idx.msk [tilespmem:v13+s22+$0x0], $0xffff;
	[tilespmem:s25+$0xFFFFFFF0] =	vst v17;
	v8 =	vor.u32 v7, v8  }
0x2df: {  	v9 =	vld.idx.msk [tilespmem:v9+s22+$0x0], $0xffff;
	[tilespmem:s0+$0xE0] =	vst v12  }
0x2e0: {  	[tilespmem:s0+$0xFFFFFFE0] =	vst v18;
	v12 =	vld.idx.msk [tilespmem:v14+s22+$0x0], $0xffff  }
0x2e1: {  	[tilespmem:s0+$0x60] =	vst v10;
	v14 =	vld.idx.msk [tilespmem:v15+s22+$0x0], $0xffff  }
0x2e2: {  	v10 =	vld.idx.msk [tilespmem:v11+s22+$0x0], $0xffff;
	[tilespmem:s0+$0xFFFFFF60] =	vst v16  }
0x2e3: {  	[tilespmem:s25+$0x70] =	vst v13;
	v8 =	vld.idx.msk [tilespmem:v8+s22+$0x0], $0xffff  }
0x2e4: {  	s28 =	sadd.s32 s5, s17;
	[tilespmem:s25+$0xFFFFFF70] =	vst v9  }
0x2e5: {  	s29 =	sshll.u32 s28, $0xA;
	s2 =	sshll.u32 s28, $0x7;
	[tilespmem:s0+$0xF0] =	vst v12  }
0x2e6: {  	s16 =	sand.u32 $0xFFF8000, s29;
	s2 =	sand.u32 $0xF00, s2;
	[tilespmem:s0+$0xFFFFFFF0] =	vst v14  }
0x2e7: {  	s3 =	rddreg [dreg:$0x2];
	s2 =	sor.u32 s2, s16;
	[tilespmem:s0+$0x70] =	vst v10  }
0x2e8: {  	[tilespmem:s0+$0xFFFFFF70] =	vst v8;
	s0 =	sadd.s32 s3, s2;
	s3 =	simm.s32 $0x16600  }
0x2e9: {  	[hbm4b:s0+s4] =	stream.linear.scatter [tilespmem:s3], [sflag:$0x5], $0x400, $0x38;
	[tilespmem:$0x1A600] =	vst v63  }
0x2ea: {  	s17 =	simm.s32 $0x16A00;
	s16 =	sadd.s32 s2, s7  }
0x2eb: {  	[hbm4b:s16+s4] =	stream.linear.scatter [tilespmem:s17], [sflag:$0x5], $0x400, $0x38;
	[tilespmem:$0x1A600] =	vst v63  }
0x2ec: {  	s21 =	sadd.s32 s2, s8;
	s23 =	simm.s32 $0x16E00  }
0x2ed: {  	[hbm4b:s21+s4] =	stream.linear.scatter [tilespmem:s23], [sflag:$0x5], $0x400, $0x38;
	[tilespmem:$0x1A600] =	vst v63  }
0x2ee: {  	s26 =	simm.s32 $0x17200;
	s25 =	sadd.s32 s2, s9  }
0x2ef: {  	[hbm4b:s25+s4] =	stream.linear.scatter [tilespmem:s26], [sflag:$0x5], $0x400, $0x38;
	[tilespmem:$0x1A600] =	vst v63  }
0x2f0: {  	s29 =	simm.s32 $0x17600;
	s28 =	sadd.s32 s2, s10  }
0x2f1: {  	[hbm4b:s28+s4] =	stream.linear.scatter [tilespmem:s29], [sflag:$0x5], $0x400, $0x38;
	[tilespmem:$0x1A600] =	vst v63  }
0x2f2: {  	s3 =	sadd.s32 s2, s11;
	s16 =	simm.s32 $0x17A00  }
0x2f3: {  	[hbm4b:s3+s4] =	stream.linear.scatter [tilespmem:s16], [sflag:$0x5], $0x400, $0x38;
	[tilespmem:$0x1A600] =	vst v63  }
0x2f4: {  	s17 =	sadd.s32 s2, s12;
	s21 =	simm.s32 $0x17E00  }
0x2f5: {  	[hbm4b:s17+s4] =	stream.linear.scatter [tilespmem:s21], [sflag:$0x5], $0x400, $0x38;
	[tilespmem:$0x1A600] =	vst v63  }
0x2f6: {  	s23 =	sadd.s32 s2, s13;
	s25 =	simm.s32 $0x18200  }
0x2f7: {  	[hbm4b:s23+s4] =	stream.linear.scatter [tilespmem:s25], [sflag:$0x5], $0x400, $0x38;
	[tilespmem:$0x1A600] =	vst v63  }
0x2f8: {  	v8 =	vld @!p0 [tilespmem:s15+$0x300];
	_ =	sdelay $0x4  }
0x2f9: {  	v8 =	vshrl.u32 @!p0 v8, $0x1  }
0x2fa: {  	[tilespmem:$0x6500] =	vst @!p0 v8  }
0x2fb: {  	v8 =	vld @!p0 [tilespmem:s15+$0x310];
	_ =	sdelay $0x4  }
0x2fc: {  	v8 =	vshrl.u32 @!p0 v8, $0x1  }
0x2fd: {  	[tilespmem:$0x6510] =	vst @!p0 v8  }
0x2fe: {  	v8 =	vld @!p0 [tilespmem:s15+$0x320];
	_ =	sdelay $0x4  }
0x2ff: {  	v8 =	vshrl.u32 @!p0 v8, $0x1  }
0x300: {  	[tilespmem:$0x6520] =	vst @!p0 v8  }
0x301: {  	v8 =	vld @!p0 [tilespmem:s15+$0x330];
	_ =	sdelay $0x4  }
0x302: {  	v8 =	vshrl.u32 @!p0 v8, $0x1  }
0x303: {  	[tilespmem:$0x6530] =	vst @!p0 v8  }
0x304: {  	v8 =	vld @!p0 [tilespmem:s15+$0x340];
	_ =	sdelay $0x4  }
0x305: {  	v8 =	vshrl.u32 @!p0 v8, $0x1  }
0x306: {  	[tilespmem:$0x6540] =	vst @!p0 v8  }
0x307: {  	v8 =	vld @!p0 [tilespmem:s15+$0x350];
	_ =	sdelay $0x4  }
0x308: {  	v8 =	vshrl.u32 @!p0 v8, $0x1  }
0x309: {  	[tilespmem:$0x6550] =	vst @!p0 v8  }
0x30a: {  	v8 =	vld @!p0 [tilespmem:s15+$0x360];
	_ =	sdelay $0x4  }
0x30b: {  	v8 =	vshrl.u32 @!p0 v8, $0x1  }
0x30c: {  	[tilespmem:$0x6560] =	vst @!p0 v8  }
0x30d: {  	v8 =	vld @!p0 [tilespmem:s15+$0x370];
	_ =	sdelay $0x4  }
0x30e: {  	s0 =	simm.s32 @!p0 $0x80;
	v8 =	vshrl.u32 @!p0 v8, $0x1  }
0x30f: {  	s2 =	simm.s32 @!p0 $0x6500;
	s26 =	simm.s32 $0x4;
	s15 =	simm.s32 @!p0 $0xE600;
	[tilespmem:$0x6570] =	vst @!p0 v8  }
0x310: {  	[tilespmem:s15], [sflag:$0x3] =	stream.indirect.gather @!p0 [hbm4b:s30+s0], $0x80, s2, s0, $0xb8;
	[tilespmem:$0x1A600] =	vst v63  }
0x311: {  	_ =	swait.ge [sflag:s26], $0x4000  }
0x312: {  	[sflag:s26] =	ssyncset.done $0x0  }
0x313: {  	[sflag:s26] =	ssyncadd.s32 $0xFFFFC000  }
0x314: {  	_ =	swait.ge [sflag:s6], $0x400  }
0x315: {  	[sflag:s6] =	ssyncset.done $0x0  }
0x316: {  	[sflag:s6] =	ssyncadd.s32 $0xFFFFFC00  }
0x317: {  	_ =	swait.ge [sflag:s6], $0x400  }
0x318: {  	[sflag:s6] =	ssyncset.done $0x0  }
0x319: {  	[sflag:s6] =	ssyncadd.s32 $0xFFFFFC00  }
0x31a: {  	_ =	swait.ge [sflag:s6], $0x400  }
0x31b: {  	[sflag:s6] =	ssyncset.done $0x0  }
0x31c: {  	[sflag:s6] =	ssyncadd.s32 $0xFFFFFC00  }
0x31d: {  	_ =	swait.ge [sflag:s6], $0x400  }
0x31e: {  	[sflag:s6] =	ssyncset.done $0x0  }
0x31f: {  	[sflag:s6] =	ssyncadd.s32 $0xFFFFFC00  }
0x320: {  	_ =	swait.ge [sflag:s6], $0x400  }
0x321: {  	[sflag:s6] =	ssyncset.done $0x0  }
0x322: {  	[sflag:s6] =	ssyncadd.s32 $0xFFFFFC00  }
0x323: {  	_ =	swait.ge [sflag:s6], $0x400  }
0x324: {  	[sflag:s6] =	ssyncset.done $0x0  }
0x325: {  	[sflag:s6] =	ssyncadd.s32 $0xFFFFFC00  }
0x326: {  	_ =	swait.ge [sflag:s6], $0x400  }
0x327: {  	[sflag:s6] =	ssyncset.done $0x0  }
0x328: {  	[sflag:s6] =	ssyncadd.s32 $0xFFFFFC00  }
0x329: {  	_ =	swait.ge [sflag:s6], $0x400  }
0x32a: {  	[sflag:s6] =	ssyncset.done $0x0  }
0x32b: {  	[sflag:s6] =	ssyncadd.s32 $0xFFFFFC00  }
0x32c: {  	v8 =	vld [tilespmem:s14+$0x0]  }
0x32d: {  	v9 =	vld [tilespmem:s14+$0x10]  }
0x32e: {  	v10 =	vld [tilespmem:s14+$0x20]  }
0x32f: {  	v11 =	vld [tilespmem:s14+$0x30]  }
0x330: {  	v12 =	vld [tilespmem:s14+$0x40]  }
0x331: {  	v13 =	vld [tilespmem:s14+$0x50]  }
0x332: {  	v15 =	vld [tilespmem:s14+$0x60]  }
0x333: {  	v20 =	vld [tilespmem:s14+$0x70]  }
0x334: {  	s23 =	simm.s32 $0x6  }
0x335: {  	v34 =	vmov s23;
	v19 =	vshll.u32 v8, $0x6  }
0x336: {  	v18 =	vshll.u32 v9, $0x6;
	v17 =	vshll.u32 v10, $0x6;
	v16 =	vshll.u32 v11, $0x6  }
0x337: {  	s17 =	simm.s32 $0x0;
	v14 =	vshll.u32 v12, $0x6;
	v12 =	vshll.u32 v13, $0x6;
	v11 =	vshll.u32 v15, $0x6  }
0x338: {  	s28 =	simm.s32 $0x1;
	s29 =	simm.s32 $0x2;
	s21 =	simm.s32 $0x3;
	v10 =	vshll.u32 v20, $0x6;
	v9 =	vmov s17;
	v8 =	vor.u32 s17, v19  }
0x339: {  	v15 =	vor.u32 s28, v19;
	v21 =	vor.u32 s29, v19;
	v24 =	vor.u32 s21, v19  }
0x33a: {  	v13 =	vand.u32 $0x78, v8;
	v8 =	vand.u32 $0x4, v9;
	v9 =	vmov s28  }
0x33b: {  	v23 =	vand.u32 $0x78, v15;
	v15 =	vmov s21;
	v22 =	vor.u32 v13, v8  }
0x33c: {  	v13 =	vand.u32 $0x5, v9;
	v9 =	vand.u32 $0x78, v24;
	v15 =	vand.u32 $0x7, v15  }
0x33d: {  	v20 =	vmov s29;
	v21 =	vand.u32 $0x78, v21;
	v24 =	vor.u32 v9, v15  }
0x33e: {  	v23 =	vor.u32 v23, v13;
	v9 =	vand.u32 $0x6, v20;
	v20 =	vor.u32 v0, v24  }
0x33f: {  	v25 =	vor.u32 s28, v18;
	v23 =	vor.u32 v0, v23;
	v21 =	vor.u32 v21, v9  }
0x340: {  	v26 =	vor.u32 s29, v18;
	v27 =	vor.u32 s17, v18;
	v21 =	vor.u32 v0, v21  }
0x341: {  	v28 =	vor.u32 s21, v17;
	v29 =	vor.u32 s28, v17;
	v24 =	vor.u32 s21, v18  }
0x342: {  	v30 =	vor.u32 s29, v17;
	v22 =	vor.u32 v0, v22;
	v24 =	vand.u32 $0x78, v24  }
0x343: {  	v45 =	vor.u32 s17, v14;
	v25 =	vand.u32 $0x78, v25;
	v24 =	vor.u32 v24, v15;
	v20 =	vld.idx.msk [tilespmem:v20+s24+$0x0], $0xffff  }
0x344: {  	v26 =	vand.u32 $0x78, v26;
	v25 =	vor.u32 v25, v13;
	v24 =	vor.u32 v1, v24;
	v23 =	vld.idx.msk [tilespmem:v23+s24+$0x0], $0xffff  }
0x345: {  	v46 =	vor.u32 s17, v16;
	v26 =	vor.u32 v26, v9;
	v25 =	vor.u32 v1, v25;
	v21 =	vld.idx.msk [tilespmem:v21+s24+$0x0], $0xffff  }
0x346: {  	v47 =	vor.u32 s28, v16;
	v27 =	vand.u32 $0x78, v27;
	v26 =	vor.u32 v1, v26  }
0x347: {  	s14 =	simm.s32 $0x18700;
	v48 =	vor.u32 s29, v16;
	v51 =	vor.u32 s21, v14;
	v27 =	vor.u32 v27, v8;
	v22 =	vld.idx.msk [tilespmem:v22+s24+$0x0], $0xffff  }
0x348: {  	v52 =	vor.u32 s28, v11;
	v28 =	vand.u32 $0x78, v28;
	v27 =	vor.u32 v1, v27;
	[tilespmem:s14+$0x80] =	vst v20  }
0x349: {  	v29 =	vand.u32 $0x78, v29;
	v30 =	vand.u32 $0x78, v30;
	v28 =	vor.u32 v28, v15;
	[tilespmem:s14+$0xFFFFFF80] =	vst v23;
	v23 =	vld.idx.msk [tilespmem:v24+s24+$0x0], $0xffff  }
0x34a: {  	v29 =	vor.u32 v29, v13;
	v20 =	vor.u32 v2, v28;
	v28 =	vor.u32 s17, v17;
	v25 =	vld.idx.msk [tilespmem:v25+s24+$0x0], $0xffff;
	[tilespmem:s14+$0x0] =	vst v21  }
0x34b: {  	v30 =	vor.u32 v30, v9;
	v24 =	vor.u32 v2, v29;
	v28 =	vand.u32 $0x78, v28;
	v26 =	vld.idx.msk [tilespmem:v26+s24+$0x0], $0xffff  }
0x34c: {  	v55 =	vor.u32 s28, v12;
	[tilespmem:s14+$0xFFFFFF00] =	vst v22;
	v29 =	vor.u32 v2, v30;
	v21 =	vor.u32 v28, v8  }
0x34d: {  	s25 =	simm.s32 $0x5;
	v56 =	vor.u32 s29, v12;
	v27 =	vld.idx.msk [tilespmem:v27+s24+$0x0], $0xffff;
	v31 =	vor.u32 v2, v21;
	v21 =	vor.u32 s21, v16  }
0x34e: {  	v58 =	vor.u32 s25, v19;
	v22 =	vand.u32 $0x78, v47;
	v21 =	vand.u32 $0x78, v21;
	[tilespmem:s14+$0x90] =	vst v23  }
0x34f: {  	v22 =	vor.u32 v22, v13;
	v21 =	vor.u32 v21, v15;
	v23 =	vand.u32 $0x78, v48;
	[tilespmem:s14+$0xFFFFFF90] =	vst v25;
	v20 =	vld.idx.msk [tilespmem:v20+s24+$0x0], $0xffff  }
0x350: {  	v36 =	vand.u32 $0x78, v51;
	v49 =	vor.u32 v3, v21;
	v21 =	vor.u32 v23, v9;
	v23 =	vld.idx.msk [tilespmem:v24+s24+$0x0], $0xffff;
	[tilespmem:s14+$0x10] =	vst v26  }
0x351: {  	v32 =	vand.u32 $0x78, v45;
	v61 =	vand.u32 $0x78, v52;
	v50 =	vor.u32 v3, v22;
	v29 =	vld.idx.msk [tilespmem:v29+s24+$0x0], $0xffff  }
0x352: {  	v36 =	vor.u32 v36, v15;
	v22 =	vand.u32 $0x78, v46;
	[tilespmem:s14+$0xFFFFFF10] =	vst v27;
	v26 =	vor.u32 v3, v21  }
0x353: {  	v63 =	vand.u32 $0x78, v58;
	v53 =	vor.u32 v4, v36;
	v33 =	vor.u32 v22, v8;
	v31 =	vld.idx.msk [tilespmem:v31+s24+$0x0], $0xffff  }
0x354: {  	v30 =	vor.u32 s17, v11;
	v33 =	vor.u32 v3, v33;
	v27 =	vor.u32 s28, v14;
	[tilespmem:s14+$0xA0] =	vst v20  }
0x355: {  	v28 =	vor.u32 s17, v12;
	v20 =	vand.u32 $0x78, v27;
	v27 =	vor.u32 s29, v14;
	[tilespmem:s14+$0xFFFFFFA0] =	vst v23;
	v23 =	vld.idx.msk [tilespmem:v49+s24+$0x0], $0xffff  }
0x356: {  	v22 =	vor.u32 s28, v10;
	v20 =	vor.u32 v20, v13;
	v27 =	vand.u32 $0x78, v27;
	v35 =	vld.idx.msk [tilespmem:v50+s24+$0x0], $0xffff;
	[tilespmem:s14+$0x20] =	vst v29  }
0x357: {  	s15 =	simm.s32 $0x4;
	v30 =	vand.u32 $0x78, v30;
	v29 =	vor.u32 v4, v20;
	v20 =	vor.u32 v27, v9;
	v26 =	vld.idx.msk [tilespmem:v26+s24+$0x0], $0xffff  }
0x358: {  	v28 =	vand.u32 $0x78, v28;
	v24 =	vor.u32 s15, v19;
	[tilespmem:s14+$0xFFFFFF20] =	vst v31;
	v54 =	vor.u32 v4, v20  }
0x359: {  	v31 =	vand.u32 $0x78, v24;
	v24 =	vor.u32 s21, v12;
	v33 =	vld.idx.msk [tilespmem:v33+s24+$0x0], $0xffff;
	v20 =	vor.u32 v32, v8  }
0x35a: {  	v25 =	vmov s15;
	v24 =	vand.u32 $0x78, v24;
	v57 =	vor.u32 v4, v20;
	[tilespmem:s14+$0xB0] =	vst v23  }
0x35b: {  	v32 =	vand.u32 $0x78, v55;
	v24 =	vor.u32 v24, v15;
	v20 =	vand.u32 $0x4, v25;
	[tilespmem:s14+$0xFFFFFFB0] =	vst v35;
	v25 =	vld.idx.msk [tilespmem:v53+s24+$0x0], $0xffff  }
0x35c: {  	v60 =	vor.u32 v5, v24;
	v59 =	vld.idx.msk [tilespmem:v29+s24+$0x0], $0xffff;
	[tilespmem:s14+$0x30] =	vst v26;
	v26 =	vor.u32 v32, v13;
	v29 =	vand.u32 $0x78, v56  }
0x35d: {  	v28 =	vor.u32 v28, v8;
	v42 =	vld.idx.msk [tilespmem:v54+s24+$0x0], $0xffff;
	v26 =	vor.u32 v5, v26;
	v29 =	vor.u32 v29, v9  }
0x35e: {  	v27 =	vor.u32 s29, v11;
	v24 =	vor.u32 v30, v8;
	[tilespmem:s14+$0xFFFFFF30] =	vst v33;
	v30 =	vor.u32 v5, v29  }
0x35f: {  	v21 =	vor.u32 s29, v10;
	v27 =	vand.u32 $0x78, v27;
	v62 =	vor.u32 v31, v20;
	v32 =	vld.idx.msk [tilespmem:v57+s24+$0x0], $0xffff  }
0x360: {  	v23 =	vmov s25;
	v29 =	vor.u32 v5, v28;
	[tilespmem:s14+$0xC0] =	vst v25;
	v25 =	vor.u32 s21, v11  }
0x361: {  	v35 =	vor.u32 s23, v19;
	v36 =	vor.u32 v0, v62;
	[tilespmem:s14+$0xFFFFFFC0] =	vst v59;
	v31 =	vld.idx.msk [tilespmem:v60+s24+$0x0], $0xffff;
	v25 =	vand.u32 $0x78, v25  }
0x362: {  	v33 =	vor.u32 v61, v13;
	v23 =	vand.u32 $0x5, v23;
	v28 =	vld.idx.msk [tilespmem:v26+s24+$0x0], $0xffff;
	[tilespmem:s14+$0x40] =	vst v42;
	v25 =	vor.u32 v25, v15  }
0x363: {  	s16 =	simm.s32 $0x18700;
	s2 =	simm.s32 $0x7;
	s0 =	simm.s32 $0x8;
	v37 =	vor.u32 v63, v23;
	v26 =	vld.idx.msk [tilespmem:v30+s24+$0x0], $0xffff;
	v30 =	vor.u32 v27, v9;
	v27 =	vor.u32 v6, v25  }
.LBB2_13:
0x364: {  	p0 =	slt.u32 s0, $0x3C;
	v25 =	vmov s2;
	v38 =	vor.u32 s2, v19;
	[tilespmem:s14+$0xFFFFFF40] =	vst v32;
	v32 =	vor.u32 v6, v33  }
0x365: {  	v30 =	vor.u32 v6, v30;
	v33 =	vand.u32 $0x78, v38;
	v25 =	vand.u32 $0x7, v25;
	v29 =	vld.idx.msk [tilespmem:v29+s24+$0x0], $0xffff  }
0x366: {  	v37 =	vor.u32 v0, v37;
	v35 =	vand.u32 $0x78, v35;
	v33 =	vor.u32 v33, v25  }
0x367: {  	v34 =	vand.u32 $0x6, v34;
	v36 =	vld.idx.msk [tilespmem:v36+s24+$0x0], $0xffff;
	v33 =	vor.u32 v0, v33;
	[tilespmem:s14+$0xD0] =	vst v31;
	v31 =	vor.u32 s21, v10;
	s21 =	smov.u32 s2  }
0x368: {  	v24 =	vor.u32 v6, v24;
	v35 =	vor.u32 v35, v34;
	[tilespmem:s14+$0xFFFFFFD0] =	vst v28;
	v27 =	vld.idx.msk [tilespmem:v27+s24+$0x0], $0xffff;
	v28 =	vand.u32 $0x78, v31  }
0x369: {  	v22 =	vand.u32 $0x78, v22;
	v31 =	vor.u32 v0, v35;
	v32 =	vld.idx.msk [tilespmem:v32+s24+$0x0], $0xffff;
	[tilespmem:s14+$0x50] =	vst v26;
	v28 =	vor.u32 v28, v15  }
0x36a: {  	v21 =	vand.u32 $0x78, v21;
	v38 =	vor.u32 v22, v13;
	v15 =	vmovc v25;
	v22 =	vld.idx.msk [tilespmem:v30+s24+$0x0], $0xffff;
	v26 =	vor.u32 v7, v28  }
0x36b: {  	v35 =	vor.u32 v21, v9;
	v28 =	vor.u32 s21, v18;
	v25 =	vld.idx.msk [tilespmem:v37+s24+$0x0], $0xffff;
	[tilespmem:s14+$0xFFFFFF50] =	vst v29;
	v29 =	vor.u32 v7, v38  }
0x36c: {  	v13 =	vmovc v23;
	v21 =	vor.u32 s25, v18;
	v9 =	vmovc v34;
	v28 =	vand.u32 $0x78, v28;
	v30 =	vld.idx.msk [tilespmem:v33+s24+$0x0], $0xffff;
	v33 =	vor.u32 v7, v35  }
0x36d: {  	v23 =	vor.u32 s23, v18;
	v21 =	vand.u32 $0x78, v21;
	v28 =	vor.u32 v28, v15;
	v24 =	vld.idx.msk [tilespmem:v24+s24+$0x0], $0xffff  }
0x36e: {  	v23 =	vand.u32 $0x78, v23;
	v21 =	vor.u32 v21, v13;
	v28 =	vor.u32 v1, v28;
	v31 =	vld.idx.msk [tilespmem:v31+s24+$0x0], $0xffff;
	[tilespmem:s14+$0xE0] =	vst v27  }
0x36f: {  	v23 =	vor.u32 v23, v9;
	v21 =	vor.u32 v1, v21;
	v27 =	vor.u32 s15, v18;
	[tilespmem:s14+$0xFFFFFFE0] =	vst v32;
	v26 =	vld.idx.msk [tilespmem:v26+s24+$0x0], $0xffff  }
0x370: {  	v23 =	vor.u32 v1, v23;
	v27 =	vand.u32 $0x78, v27;
	v32 =	vor.u32 s17, v10;
	s17 =	smov.u32 s15;
	s15 =	smov.u32 s0;
	v29 =	vld.idx.msk [tilespmem:v29+s24+$0x0], $0xffff;
	[tilespmem:s14+$0x60] =	vst v22  }
0x371: {  	v22 =	vor.u32 v27, v20;
	v27 =	vand.u32 $0x78, v32;
	s14 =	sadd.s32 $0x200, s14;
	v32 =	vld.idx.msk [tilespmem:v33+s24+$0x0], $0xffff  }
0x372: {  	v22 =	vor.u32 v1, v22;
	v27 =	vor.u32 v27, v8;
	v8 =	vmovc v20;
	[tilespmem:s14+$0x80] =	vst v30;
	v30 =	vor.u32 s21, v17  }
0x373: {  	v20 =	vor.u32 s25, v17;
	v27 =	vor.u32 v7, v27;
	[tilespmem:s14+$0xFFFFFF80] =	vst v25;
	v25 =	vld.idx.msk [tilespmem:v28+s24+$0x0], $0xffff;
	v28 =	vand.u32 $0x78, v30  }
0x374: {  	v20 =	vand.u32 $0x78, v20;
	v30 =	vor.u32 s23, v17;
	v21 =	vld.idx.msk [tilespmem:v21+s24+$0x0], $0xffff;
	[tilespmem:s14+$0x0] =	vst v31;
	v28 =	vor.u32 v28, v15  }
0x375: {  	v20 =	vor.u32 v20, v13;
	v30 =	vand.u32 $0x78, v30;
	v23 =	vld.idx.msk [tilespmem:v23+s24+$0x0], $0xffff;
	v28 =	vor.u32 v2, v28;
	[tilespmem:s16+$0xF0] =	vst v26  }
0x376: {  	v20 =	vor.u32 v2, v20;
	v26 =	vor.u32 s17, v17;
	v30 =	vor.u32 v30, v9;
	[tilespmem:s14+$0xFFFFFF00] =	vst v36  }
0x377: {  	v26 =	vand.u32 $0x78, v26;
	v30 =	vor.u32 v2, v30;
	v22 =	vld.idx.msk [tilespmem:v22+s24+$0x0], $0xffff;
	[tilespmem:s16+$0xFFFFFF60] =	vst v24  }
0x378: {  	v31 =	vor.u32 s17, v11;
	v24 =	vor.u32 v26, v8;
	v26 =	vor.u32 s17, v12;
	v27 =	vld.idx.msk [tilespmem:v27+s24+$0x0], $0xffff;
	[tilespmem:s16+$0xFFFFFFF0] =	vst v29  }
0x379: {  	v24 =	vor.u32 v2, v24;
	v29 =	vor.u32 s17, v14;
	[tilespmem:s14+$0x90] =	vst v25;
	v25 =	vor.u32 s21, v16  }
0x37a: {  	v33 =	vor.u32 s17, v16;
	[tilespmem:s14+$0xFFFFFF90] =	vst v21;
	v21 =	vor.u32 s25, v16;
	v28 =	vld.idx.msk [tilespmem:v28+s24+$0x0], $0xffff;
	v25 =	vand.u32 $0x78, v25  }
0x37b: {  	v20 =	vld.idx.msk [tilespmem:v20+s24+$0x0], $0xffff;
	v21 =	vand.u32 $0x78, v21;
	[tilespmem:s14+$0x10] =	vst v23;
	v23 =	vor.u32 s23, v16;
	v25 =	vor.u32 v25, v15  }
0x37c: {  	v21 =	vor.u32 v21, v13;
	v30 =	vld.idx.msk [tilespmem:v30+s24+$0x0], $0xffff;
	v23 =	vand.u32 $0x78, v23;
	v25 =	vor.u32 v3, v25;
	[tilespmem:s16+$0x70] =	vst v32  }
0x37d: {  	v32 =	vmov s0;
	[tilespmem:s14+$0xFFFFFF10] =	vst v22;
	v34 =	vor.u32 v3, v21;
	v21 =	vor.u32 v23, v9  }
0x37e: {  	v23 =	vor.u32 s0, v19;
	v22 =	vand.u32 $0x78, v33;
	v24 =	vld.idx.msk [tilespmem:v24+s24+$0x0], $0xffff;
	v33 =	vor.u32 v3, v21;
	[tilespmem:s16+$0xFFFFFF70] =	vst v27;
	s16 =	smov.u32 s14  }
0x37f: {  	v27 =	vor.u32 v22, v8;
	v22 =	vor.u32 s25, v10;
	v21 =	vor.u32 s23, v10  }
0x380: {  	v31 =	vand.u32 $0x78, v31;
	v27 =	vor.u32 v3, v27;
	[tilespmem:s14+$0xA0] =	vst v28;
	v28 =	vor.u32 s21, v14  }
0x381: {  	v36 =	vor.u32 s25, v11;
	[tilespmem:s14+$0xFFFFFFA0] =	vst v20;
	v20 =	vor.u32 s25, v14;
	v25 =	vld.idx.msk [tilespmem:v25+s24+$0x0], $0xffff;
	v28 =	vand.u32 $0x78, v28  }
0x382: {  	v34 =	vld.idx.msk [tilespmem:v34+s24+$0x0], $0xffff;
	v20 =	vand.u32 $0x78, v20;
	[tilespmem:s14+$0x20] =	vst v30;
	v30 =	vor.u32 s23, v14;
	v28 =	vor.u32 v28, v15  }
0x383: {  	v20 =	vor.u32 v20, v13;
	v33 =	vld.idx.msk [tilespmem:v33+s24+$0x0], $0xffff;
	v30 =	vand.u32 $0x78, v30;
	v28 =	vor.u32 v4, v28  }
0x384: {  	[tilespmem:s14+$0xFFFFFF20] =	vst v24;
	v24 =	vor.u32 v4, v20;
	v20 =	vor.u32 v30, v9;
	v30 =	vor.u32 s23, v11  }
0x385: {  	v26 =	vand.u32 $0x78, v26;
	v29 =	vand.u32 $0x78, v29;
	v27 =	vld.idx.msk [tilespmem:v27+s24+$0x0], $0xffff;
	v35 =	vor.u32 v4, v20  }
0x386: {  	v37 =	vor.u32 s23, v12;
	v20 =	vor.u32 v29, v8;
	v29 =	vor.u32 s25, v12  }
0x387: {  	v23 =	vand.u32 $0x78, v23;
	s25 =	sadd.s32 $0x1, s0;
	v38 =	vor.u32 v4, v20;
	[tilespmem:s14+$0xB0] =	vst v25;
	v25 =	vor.u32 s21, v12  }
0x388: {  	v20 =	vand.u32 $0x4, v32;
	v39 =	vmov s25;
	[tilespmem:s14+$0xFFFFFFB0] =	vst v34;
	v28 =	vld.idx.msk [tilespmem:v28+s24+$0x0], $0xffff;
	v25 =	vand.u32 $0x78, v25  }
0x389: {  	v40 =	vor.u32 s25, v19;
	v41 =	vld.idx.msk [tilespmem:v24+s24+$0x0], $0xffff;
	v24 =	vand.u32 $0x78, v29;
	[tilespmem:s14+$0x30] =	vst v33;
	v25 =	vor.u32 v25, v15  }
0x38a: {  	s23 =	sadd.s32 $0x2, s0;
	v29 =	vand.u32 $0x78, v37;
	v24 =	vor.u32 v24, v13;
	v42 =	vld.idx.msk [tilespmem:v35+s24+$0x0], $0xffff;
	v25 =	vor.u32 v5, v25  }
0x38b: {  	v34 =	vmov s23;
	v29 =	vor.u32 v29, v9;
	[tilespmem:s14+$0xFFFFFF30] =	vst v27;
	v27 =	vor.u32 v5, v24  }
0x38c: {  	v35 =	vor.u32 s23, v19;
	v24 =	vor.u32 v31, v8;
	v32 =	vld.idx.msk [tilespmem:v38+s24+$0x0], $0xffff;
	v38 =	vor.u32 v5, v29  }
.Ltmp6:
0x38d: {  	v26 =	vor.u32 v26, v8;
	v30 =	vand.u32 $0x78, v30;
	v31 =	vand.u32 $0x78, v36;
	(pc) =	sbr.rel @p0 .LBB2_13-.Ltmp6, $4  }
0x38e: {  	v23 =	vor.u32 v23, v20;
	v29 =	vor.u32 v5, v26;
	v26 =	vor.u32 s21, v11;
	[tilespmem:s14+$0xC0] =	vst v28  }
0x38f: {  	v37 =	vand.u32 $0x78, v40;
	v33 =	vor.u32 v31, v13;
	[tilespmem:s14+$0xFFFFFFC0] =	vst v41;
	v31 =	vld.idx.msk [tilespmem:v25+s24+$0x0], $0xffff;
	v25 =	vand.u32 $0x78, v26  }
0x390: {  	v36 =	vor.u32 v0, v23;
	v23 =	vand.u32 $0x5, v39;
	v28 =	vld.idx.msk [tilespmem:v27+s24+$0x0], $0xffff;
	[tilespmem:s14+$0x40] =	vst v42;
	v25 =	vor.u32 v25, v15  }
0x391: {  	s2 =	sadd.s32 $0x3, s15;
	s0 =	sadd.s32 $0x4, s0;
	v30 =	vor.u32 v30, v9;
	v37 =	vor.u32 v37, v23;
	v26 =	vld.idx.msk [tilespmem:v38+s24+$0x0], $0xffff;
	v27 =	vor.u32 v6, v25  }
0x392: {  	v25 =	vmov s2;
	v19 =	vor.u32 s2, v19  }
0x393: {  	v37 =	vor.u32 v0, v37;
	v19 =	vand.u32 $0x78, v19;
	v25 =	vand.u32 $0x7, v25  }
0x394: {  	v35 =	vand.u32 $0x78, v35;
	v39 =	vor.u32 s2, v18;
	v19 =	vor.u32 v19, v25  }
0x395: {  	v40 =	vor.u32 s25, v18;
	v38 =	vor.u32 v0, v19;
	v19 =	vand.u32 $0x6, v34  }
0x396: {  	v41 =	vor.u32 s23, v18;
	v59 =	vor.u32 s15, v18;
	v35 =	vor.u32 v35, v19  }
0x397: {  	v18 =	vor.u32 s17, v10;
	v43 =	vor.u32 s2, v17;
	v35 =	vor.u32 v0, v35  }
0x398: {  	v44 =	vor.u32 s25, v17;
	v61 =	vor.u32 s23, v17;
	v40 =	vand.u32 $0x78, v40  }
0x399: {  	v48 =	vor.u32 s15, v17;
	v39 =	vand.u32 $0x78, v39;
	v40 =	vor.u32 v40, v23;
	v37 =	vld.idx.msk [tilespmem:v37+s24+$0x0], $0xffff  }
0x39a: {  	v42 =	vand.u32 $0x78, v59;
	v39 =	vor.u32 v39, v25;
	v40 =	vor.u32 v1, v40;
	v38 =	vld.idx.msk [tilespmem:v38+s24+$0x0], $0xffff  }
0x39b: {  	v36 =	vld.idx.msk [tilespmem:v36+s24+$0x0], $0xffff;
	v41 =	vand.u32 $0x78, v41;
	v42 =	vor.u32 v42, v20;
	v39 =	vor.u32 v1, v39  }
0x39c: {  	v45 =	vor.u32 s25, v16;
	v42 =	vor.u32 v1, v42;
	v41 =	vor.u32 v41, v19;
	v35 =	vld.idx.msk [tilespmem:v35+s24+$0x0], $0xffff  }
0x39d: {  	s0 =	sadd.s32 $0x200, s14;
	v17 =	vor.u32 s25, v10;
	v47 =	vor.u32 s25, v12;
	v41 =	vor.u32 v1, v41  }
0x39e: {  	v51 =	vor.u32 s2, v16;
	v52 =	vor.u32 s15, v16;
	v60 =	vand.u32 $0x78, v44;
	[tilespmem:s0+$0xFFFFFF80] =	vst v37  }
0x39f: {  	v55 =	vor.u32 s23, v16;
	v43 =	vand.u32 $0x78, v43;
	v40 =	vld.idx.msk [tilespmem:v40+s24+$0x0], $0xffff;
	[tilespmem:s0+$0x80] =	vst v38;
	v38 =	vor.u32 v60, v23  }
0x3a0: {  	v50 =	vand.u32 $0x78, v48;
	v43 =	vor.u32 v43, v25;
	[tilespmem:s0+$0xFFFFFF00] =	vst v36;
	v62 =	vld.idx.msk [tilespmem:v39+s24+$0x0], $0xffff;
	v38 =	vor.u32 v2, v38  }
0x3a1: {  	v63 =	vand.u32 $0x78, v61;
	v43 =	vor.u32 v2, v43;
	v42 =	vld.idx.msk [tilespmem:v42+s24+$0x0], $0xffff;
	v39 =	vor.u32 v50, v20;
	[tilespmem:s0+$0x0] =	vst v35  }
0x3a2: {  	v33 =	vor.u32 v6, v33;
	v49 =	vor.u32 v63, v19;
	v39 =	vor.u32 v2, v39;
	v41 =	vld.idx.msk [tilespmem:v41+s24+$0x0], $0xffff  }
0x3a3: {  	[tilespmem:s14+$0xFFFFFF40] =	vst v32;
	v22 =	vand.u32 $0x78, v22;
	v24 =	vor.u32 v6, v24;
	v36 =	vor.u32 v2, v49  }
0x3a4: {  	v21 =	vand.u32 $0x78, v21;
	v44 =	vand.u32 $0x78, v51;
	v54 =	vand.u32 $0x78, v45;
	[tilespmem:s0+$0xFFFFFF90] =	vst v40  }
0x3a5: {  	v16 =	vand.u32 $0x78, v55;
	v13 =	vor.u32 v22, v13;
	v57 =	vor.u32 v54, v23;
	[tilespmem:s0+$0x90] =	vst v62;
	v56 =	vld.idx.msk [tilespmem:v38+s24+$0x0], $0xffff  }
0x3a6: {  	v44 =	vor.u32 v44, v25;
	v37 =	vand.u32 $0x78, v52;
	[tilespmem:s0+$0xFFFFFF10] =	vst v42;
	v38 =	vor.u32 v3, v57;
	v53 =	vld.idx.msk [tilespmem:v43+s24+$0x0], $0xffff  }
0x3a7: {  	v59 =	vor.u32 s23, v14;
	v58 =	vor.u32 v3, v44;
	v37 =	vor.u32 v37, v20;
	v60 =	vld.idx.msk [tilespmem:v39+s24+$0x0], $0xffff;
	[tilespmem:s0+$0x10] =	vst v41  }
0x3a8: {  	v61 =	vor.u32 s2, v14;
	[tilespmem:s14+$0xD0] =	vst v31;
	v16 =	vor.u32 v16, v19;
	v37 =	vor.u32 v3, v37;
	v36 =	vld.idx.msk [tilespmem:v36+s24+$0x0], $0xffff  }
0x3a9: {  	v29 =	vld.idx.msk [tilespmem:v29+s24+$0x0], $0xffff;
	v9 =	vor.u32 v21, v9;
	[tilespmem:s14+$0xFFFFFFD0] =	vst v28;
	v16 =	vor.u32 v3, v16;
	v35 =	vor.u32 s25, v14  }
0x3aa: {  	v27 =	vld.idx.msk [tilespmem:v27+s24+$0x0], $0xffff;
	v50 =	vand.u32 $0x78, v59;
	v59 =	vor.u32 v6, v30;
	v35 =	vand.u32 $0x78, v35;
	[tilespmem:s0+$0xFFFFFFA0] =	vst v56  }
0x3ab: {  	v63 =	vor.u32 s15, v14;
	v35 =	vor.u32 v35, v23;
	v39 =	vand.u32 $0x78, v61;
	[tilespmem:s0+$0xA0] =	vst v53;
	v48 =	vld.idx.msk [tilespmem:v38+s24+$0x0], $0xffff  }
0x3ac: {  	v14 =	vand.u32 $0x78, v63;
	v49 =	vor.u32 v39, v25;
	[tilespmem:s0+$0xFFFFFF20] =	vst v60;
	v53 =	vor.u32 v4, v35;
	v43 =	vld.idx.msk [tilespmem:v58+s24+$0x0], $0xffff  }
0x3ad: {  	v34 =	vor.u32 s21, v10;
	v14 =	vor.u32 v14, v20;
	v51 =	vor.u32 v4, v49;
	v55 =	vld.idx.msk [tilespmem:v37+s24+$0x0], $0xffff;
	[tilespmem:s0+$0x20] =	vst v36  }
0x3ae: {  	[tilespmem:s14+$0x50] =	vst v26;
	v52 =	vor.u32 v50, v19;
	v14 =	vor.u32 v4, v14;
	v62 =	vand.u32 $0x78, v34;
	v16 =	vld.idx.msk [tilespmem:v16+s24+$0x0], $0xffff  }
0x3af: {  	v45 =	vor.u32 s23, v12;
	[tilespmem:s14+$0xFFFFFF50] =	vst v29;
	v54 =	vor.u32 v4, v52;
	v29 =	vld.idx.msk [tilespmem:v59+s24+$0x0], $0xffff;
	v15 =	vor.u32 v62, v15  }
0x3b0: {  	v62 =	vor.u32 s15, v12;
	v56 =	vor.u32 s2, v12;
	v60 =	vld.idx.msk [tilespmem:v33+s24+$0x0], $0xffff;
	v36 =	vand.u32 $0x78, v47;
	[tilespmem:s0+$0xFFFFFFB0] =	vst v48  }
0x3b1: {  	v15 =	vor.u32 v7, v15;
	v61 =	vand.u32 $0x78, v56;
	v40 =	vor.u32 v36, v23;
	[tilespmem:s0+$0xB0] =	vst v43;
	v37 =	vld.idx.msk [tilespmem:v53+s24+$0x0], $0xffff  }
0x3b2: {  	v12 =	vand.u32 $0x78, v62;
	v32 =	vor.u32 v61, v25;
	v31 =	vor.u32 v5, v40;
	[tilespmem:s0+$0xFFFFFF30] =	vst v55;
	v63 =	vld.idx.msk [tilespmem:v51+s24+$0x0], $0xffff  }
0x3b3: {  	v42 =	vand.u32 $0x78, v45;
	v12 =	vor.u32 v12, v20;
	v32 =	vor.u32 v5, v32;
	v14 =	vld.idx.msk [tilespmem:v14+s24+$0x0], $0xffff;
	[tilespmem:s0+$0x30] =	vst v16  }
0x3b4: {  	v46 =	vor.u32 s25, v11;
	[tilespmem:s14+$0xE0] =	vst v27;
	v33 =	vor.u32 v42, v19;
	v12 =	vor.u32 v5, v12;
	v43 =	vld.idx.msk [tilespmem:v54+s24+$0x0], $0xffff  }
0x3b5: {  	v13 =	vor.u32 v7, v13;
	v9 =	vor.u32 v7, v9;
	[tilespmem:s14+$0x60] =	vst v29;
	v47 =	vor.u32 v5, v33  }
0x3b6: {  	v44 =	vor.u32 s23, v11;
	v50 =	vand.u32 $0x78, v46;
	v57 =	vor.u32 s2, v11;
	v15 =	vld.idx.msk [tilespmem:v15+s24+$0x0], $0xffff;
	[tilespmem:s0+$0xFFFFFFC0] =	vst v37  }
0x3b7: {  	v45 =	vor.u32 s15, v11;
	v28 =	vor.u32 v50, v23;
	v49 =	vand.u32 $0x78, v57;
	[tilespmem:s0+$0xC0] =	vst v63;
	v31 =	vld.idx.msk [tilespmem:v31+s24+$0x0], $0xffff  }
0x3b8: {  	v11 =	vand.u32 $0x78, v45;
	v22 =	vor.u32 v49, v25;
	v54 =	vor.u32 v6, v28;
	[tilespmem:s0+$0xFFFFFF40] =	vst v14;
	v51 =	vld.idx.msk [tilespmem:v32+s24+$0x0], $0xffff  }
0x3b9: {  	v52 =	vand.u32 $0x78, v44;
	v11 =	vor.u32 v11, v20;
	v22 =	vor.u32 v6, v22;
	v12 =	vld.idx.msk [tilespmem:v12+s24+$0x0], $0xffff;
	[tilespmem:s0+$0x40] =	vst v43  }
0x3ba: {  	v18 =	vand.u32 $0x78, v18;
	v11 =	vor.u32 v6, v11;
	[tilespmem:s14+$0xFFFFFFE0] =	vst v60;
	v53 =	vor.u32 v52, v19;
	v26 =	vld.idx.msk [tilespmem:v47+s24+$0x0], $0xffff  }
0x3bb: {  	v17 =	vand.u32 $0x78, v17;
	v8 =	vor.u32 v18, v8;
	v9 =	vld.idx.msk [tilespmem:v9+s24+$0x0], $0xffff;
	[tilespmem:s16+$0xF0] =	vst v15;
	v27 =	vor.u32 v6, v53  }
0x3bc: {  	v17 =	vor.u32 v17, v23;
	v8 =	vor.u32 v7, v8;
	v58 =	vor.u32 s2, v10;
	v55 =	vld.idx.msk [tilespmem:v24+s24+$0x0], $0xffff;
	[tilespmem:s0+$0xFFFFFFD0] =	vst v31  }
0x3bd: {  	v59 =	vor.u32 v7, v17;
	v56 =	vand.u32 $0x78, v58;
	v48 =	vor.u32 s15, v10;
	[tilespmem:s0+$0xD0] =	vst v51;
	v14 =	vld.idx.msk [tilespmem:v54+s24+$0x0], $0xffff  }
0x3be: {  	v41 =	vor.u32 s23, v10;
	v15 =	vor.u32 v56, v25;
	v10 =	vand.u32 $0x78, v48;
	[tilespmem:s0+$0xFFFFFF50] =	vst v12;
	v16 =	vld.idx.msk [tilespmem:v22+s24+$0x0], $0xffff  }
0x3bf: {  	v57 =	vand.u32 $0x78, v41;
	v15 =	vor.u32 v7, v15;
	v10 =	vor.u32 v10, v20;
	v11 =	vld.idx.msk [tilespmem:v11+s24+$0x0], $0xffff;
	[tilespmem:s0+$0x50] =	vst v26  }
0x3c0: {  	v60 =	vor.u32 v57, v19;
	[tilespmem:s16+$0x70] =	vst v9;
	v10 =	vor.u32 v7, v10;
	v58 =	vld.idx.msk [tilespmem:v27+s24+$0x0], $0xffff  }
0x3c1: {  	v13 =	vld.idx.msk [tilespmem:v13+s24+$0x0], $0xffff;
	v17 =	vor.u32 v7, v60;
	[tilespmem:s16+$0xFFFFFF60] =	vst v55  }
0x3c2: {  	v8 =	vld.idx.msk [tilespmem:v8+s24+$0x0], $0xffff;
	[tilespmem:s0+$0xFFFFFFE0] =	vst v14  }
0x3c3: {  	[tilespmem:s0+$0xE0] =	vst v16;
	v12 =	vld.idx.msk [tilespmem:v59+s24+$0x0], $0xffff  }
0x3c4: {  	[tilespmem:s0+$0xFFFFFF60] =	vst v11;
	v61 =	vld.idx.msk [tilespmem:v15+s24+$0x0], $0xffff  }
0x3c5: {  	v63 =	vld.idx.msk [tilespmem:v10+s24+$0x0], $0xffff;
	[tilespmem:s0+$0x60] =	vst v58  }
0x3c6: {  	[tilespmem:s16+$0xFFFFFFF0] =	vst v13;
	v62 =	vld.idx.msk [tilespmem:v17+s24+$0x0], $0xffff  }
0x3c7: {  	s23 =	sadd.s32 s5, s19;
	[tilespmem:s16+$0xFFFFFF70] =	vst v8  }
0x3c8: {  	s25 =	sshll.u32 s23, $0xA;
	s2 =	sshll.u32 s23, $0x7;
	[tilespmem:s0+$0xFFFFFFF0] =	vst v12  }
0x3c9: {  	s2 =	sand.u32 $0xF80, s2;
	s14 =	sand.u32 $0xFFF8000, s25;
	[tilespmem:s0+$0xF0] =	vst v61  }
0x3ca: {  	s26 =	rddreg [dreg:$0x2];
	s2 =	sor.u32 s2, s14;
	[tilespmem:s0+$0xFFFFFF70] =	vst v63  }
0x3cb: {  	s3 =	simm.s32 $0x18600;
	[tilespmem:s0+$0x70] =	vst v62;
	s0 =	sadd.s32 s26, s2  }
0x3cc: {  	[hbm4b:s0+s4] =	stream.linear.scatter [tilespmem:s3], [sflag:$0x6], $0x400, $0x38;
	[tilespmem:$0x1A600] =	vst v63  }
0x3cd: {  	s29 =	simm.s32 $0x18A00;
	s28 =	sadd.s32 s2, s7  }
0x3ce: {  	[hbm4b:s28+s4] =	stream.linear.scatter [tilespmem:s29], [sflag:$0x6], $0x400, $0x38;
	[tilespmem:$0x1A600] =	vst v63  }
0x3cf: {  	s14 =	simm.s32 $0x18E00;
	s3 =	sadd.s32 s2, s8  }
0x3d0: {  	[hbm4b:s3+s4] =	stream.linear.scatter [tilespmem:s14], [sflag:$0x6], $0x400, $0x38;
	[tilespmem:$0x1A600] =	vst v63  }
0x3d1: {  	s15 =	sadd.s32 s2, s9;
	s16 =	simm.s32 $0x19200  }
0x3d2: {  	[hbm4b:s15+s4] =	stream.linear.scatter [tilespmem:s16], [sflag:$0x6], $0x400, $0x38;
	[tilespmem:$0x1A600] =	vst v63  }
0x3d3: {  	s1 =	sadd.s32 $0x1, s1;
	s19 =	simm.s32 $0x19600;
	s17 =	sadd.s32 s2, s10  }
0x3d4: {  	[hbm4b:s17+s4] =	stream.linear.scatter [tilespmem:s19], [sflag:$0x6], $0x400, $0x38;
	[tilespmem:$0x1A600] =	vst v63  }
0x3d5: {  	p0 =	sne.s32 s1, $0x32;
	s23 =	simm.s32 $0x19A00;
	s21 =	sadd.s32 s2, s11  }
0x3d6: {  	[hbm4b:s21+s4] =	stream.linear.scatter [tilespmem:s23], [sflag:$0x6], $0x400, $0x38;
	[tilespmem:$0x1A600] =	vst v63  }
.Ltmp7:
0x3d7: {  	_ = 	snop;
	(pc) =	sbr.rel @p0 .LBB2_2-.Ltmp7, $4  }
0x3d8: {  	s25 =	sadd.s32 s2, s12;
	s26 =	simm.s32 $0x19E00  }
0x3d9: {  	[hbm4b:s25+s4] =	stream.linear.scatter [tilespmem:s26], [sflag:$0x6], $0x400, $0x38;
	[tilespmem:$0x1A600] =	vst v63  }
0x3da: {  	s28 =	sadd.s32 s2, s13;
	s29 =	simm.s32 $0x1A200  }
0x3db: {  	[hbm4b:s28+s4] =	stream.linear.scatter [tilespmem:s29], [sflag:$0x6], $0x400, $0x38;
	[tilespmem:$0x1A600] =	vst v63  }
0x3dc: {  	_ =	swait.ge [sflag:s31], $0x400  }
0x3dd: {  	[sflag:s31] =	ssyncset.done $0x0  }
0x3de: {  	[sflag:s31] =	ssyncadd.s32 $0xFFFFFC00  }
0x3df: {  	_ =	swait.ge [sflag:s31], $0x400  }
0x3e0: {  	[sflag:s31] =	ssyncset.done $0x0  }
0x3e1: {  	[sflag:s31] =	ssyncadd.s32 $0xFFFFFC00  }
0x3e2: {  	_ =	swait.ge [sflag:s31], $0x400  }
0x3e3: {  	[sflag:s31] =	ssyncset.done $0x0  }
0x3e4: {  	[sflag:s31] =	ssyncadd.s32 $0xFFFFFC00  }
0x3e5: {  	_ =	swait.ge [sflag:s31], $0x400  }
0x3e6: {  	[sflag:s31] =	ssyncset.done $0x0  }
0x3e7: {  	[sflag:s31] =	ssyncadd.s32 $0xFFFFFC00  }
0x3e8: {  	_ =	swait.ge [sflag:s31], $0x400  }
0x3e9: {  	[sflag:s31] =	ssyncset.done $0x0  }
0x3ea: {  	[sflag:s31] =	ssyncadd.s32 $0xFFFFFC00  }
0x3eb: {  	_ =	swait.ge [sflag:s31], $0x400  }
0x3ec: {  	[sflag:s31] =	ssyncset.done $0x0  }
0x3ed: {  	[sflag:s31] =	ssyncadd.s32 $0xFFFFFC00  }
0x3ee: {  	_ =	swait.ge [sflag:s31], $0x400  }
0x3ef: {  	[sflag:s31] =	ssyncset.done $0x0  }
0x3f0: {  	[sflag:s31] =	ssyncadd.s32 $0xFFFFFC00  }
0x3f1: {  	_ =	swait.ge [sflag:s31], $0x400  }
0x3f2: {  	[sflag:s31] =	ssyncset.done $0x0  }
0x3f3: {  	[sflag:s31] =	ssyncadd.s32 $0xFFFFFC00  }
0x3f4: {  	_ =	swait.ge [sflag:s6], $0x400  }
0x3f5: {  	[sflag:s6] =	ssyncset.done $0x0  }
0x3f6: {  	[sflag:s6] =	ssyncadd.s32 $0xFFFFFC00  }
0x3f7: {  	_ =	swait.ge [sflag:s6], $0x400  }
0x3f8: {  	[sflag:s6] =	ssyncset.done $0x0  }
0x3f9: {  	[sflag:s6] =	ssyncadd.s32 $0xFFFFFC00  }
0x3fa: {  	_ =	swait.ge [sflag:s6], $0x400  }
0x3fb: {  	[sflag:s6] =	ssyncset.done $0x0  }
0x3fc: {  	[sflag:s6] =	ssyncadd.s32 $0xFFFFFC00  }
0x3fd: {  	_ =	swait.ge [sflag:s6], $0x400  }
0x3fe: {  	[sflag:s6] =	ssyncset.done $0x0  }
0x3ff: {  	[sflag:s6] =	ssyncadd.s32 $0xFFFFFC00  }
0x400: {  	_ =	swait.ge [sflag:s6], $0x400  }
0x401: {  	[sflag:s6] =	ssyncset.done $0x0  }
0x402: {  	[sflag:s6] =	ssyncadd.s32 $0xFFFFFC00  }
0x403: {  	_ =	swait.ge [sflag:s6], $0x400  }
0x404: {  	[sflag:s6] =	ssyncset.done $0x0  }
0x405: {  	[sflag:s6] =	ssyncadd.s32 $0xFFFFFC00  }
0x406: {  	_ =	swait.ge [sflag:s6], $0x400  }
0x407: {  	[sflag:s6] =	ssyncset.done $0x0  }
0x408: {  	[sflag:s6] =	ssyncadd.s32 $0xFFFFFC00  }
0x409: {  	_ =	swait.ge [sflag:s6], $0x400  }
0x40a: {  	s1 =	rddreg [dreg:$0x6]  }
0x40b: {  	s0 =	rddreg [dreg:$0x5];
	s1 =	sadd.s32 $0x1, s1  }
0x40c: {  	p0 =	sne.s32 s1, s0  }
.Ltmp8:
0x40d: {  	_ = 	snop;
	(pc) =	sbr.rel @p0 .LBB2_1-.Ltmp8, $3  }
0x40e: {  	_ =	sdelay $0x1  }
0x40f: {  	[sflag:s6] =	ssyncset.done $0x0  }
0x410: {  	[sflag:s6] =	ssyncadd.s32 $0xFFFFFC00  }
0x411: {  	_ =	sfence.sel $0x180000  }
0x412: {  	[bflag:$0x0] =	sbarrier.arrive $0xFFFF  }
0x413: {  	_ =	strace $0x90000047  }
0x414: {  	s0 =	stileid.u32;
	[bflag:$0x2] =	sbarrier.arrive $0xFFFF  }
0x415: {  	p0 =	sne.s32 s0, $0x0;
	s0 =	rddreg [dreg:$0x3]  }
0x416: {  	s0 =	sadd.s32 @!p0 $0x100000, s0  }
0x417: {  	[sflag:s0] =	ssyncadd.tile.s32 @!p0 $0x1;
	_ =	shalt  }
.Lfunc_end2:
_tile_overlayer_lowered:
.L_overlay_start_2:
0x418: {  	(tag) =	ssettag $0x2  }
0x419: {  	s0 =	rddreg [dreg:$0x0];
	s2 =	stileid.u32  }
0x41a: {  	s1 =	rddreg [dreg:$0x1];
	p0 =	sne.s32 s2, $0x0  }
0x41b: {  	s3 =	rddreg [dreg:$0x2];
	[bflag:$0x3] =	sbarrier.arrive $0xFFFF;
	s2 =	simm.s32 @!p0 $0x1C07  }
0x41c: {  	[timem:s3], [sflag:s2] =	dma.local @!p0 [hbm:s0], s1  }
0x41d: {  	s0 =	simm.s32 @!p0 $0x7  }
0x41e: {  	_ =	swait.ge @!p0 [sflag:s0], s1  }
0x41f: {  	s1 =	ssub.s32 @!p0 $0x0, s1;
	[sflag:s0] =	ssyncset.done @!p0 $0x0  }
0x420: {  	[sflag:s0] =	ssyncadd.s32 @!p0 s1  }
0x421: {  	[bflag:$0x3] =	sbarrier.arrive $0xFFFF  }
0x422: {  	_ =	shalt  }

</sc_bundles>
